<compile_context>
chip_gen: v7x
topology: tpu7x:2x2x1
jax: 0.10.2.dev20260603
libtpu: 0.0.44.dev20260713+nightly
codegen_flags: <defaults>
</compile_context>

<pallas_src>
import functools

import jax
import jax.numpy as jnp
from jax.experimental import pallas as pl
from jax.experimental.pallas import tpu as pltpu
from jax.experimental.pallas import tpu_sc as plsc

BB, DD, HH, KK = 8192, 1024, 256, 8
TILE = 256
NT = BB // TILE
TILEC = 1024
NTC = BB // TILEC
SPLIT = 4
SUBD = DD // SPLIT
NROWS = BB * SPLIT


def _classify_body(x_ref, wc_ref, bc_ref, a_ref, rank_ref, cnt_ref):
    x_t = x_ref[...]
    logits = jnp.dot(x_t, wc_ref[...], preferred_element_type=jnp.float32)
    logits = logits + bc_ref[...]
    m = jnp.max(logits, axis=1, keepdims=True)
    lane = jax.lax.broadcasted_iota(jnp.int32, (TILEC, KK), 1)
    amax = jnp.min(jnp.where(logits == m, lane, KK), axis=1, keepdims=True)
    onehot = (lane == amax).astype(jnp.float32)
    ri = jax.lax.broadcasted_iota(jnp.int32, (TILEC, TILEC), 0)
    ci = jax.lax.broadcasted_iota(jnp.int32, (TILEC, TILEC), 1)
    lbd = ((ci < ri) & (ci // TILE == ri // TILE)).astype(jnp.float32)
    ranks = jax.lax.dot(lbd, onehot)
    csum = jnp.sum(onehot.reshape(TILEC // TILE, TILE, KK), axis=1)
    cr = jax.lax.broadcasted_iota(jnp.int32, (TILEC // TILE,) * 2, 0)
    cc = jax.lax.broadcasted_iota(jnp.int32, (TILEC // TILE,) * 2, 1)
    lt4 = (cc < cr).astype(jnp.float32)
    cbase = jax.lax.dot(lt4, csum)
    base_tok = jnp.broadcast_to(cbase[:, None, :],
                                (TILEC // TILE, TILE, KK)).reshape(TILEC, KK)
    rank_tok = jnp.sum((ranks + base_tok) * onehot, axis=1, keepdims=True)
    a_ref[...] = amax
    rank_ref[...] = rank_tok
    cnt_ref[...] = jnp.sum(onehot, axis=0, keepdims=True)[None]


def _classify(x, wc, bc):
    return pl.pallas_call(
        _classify_body,
        grid=(NTC,),
        in_specs=[
            pl.BlockSpec((TILEC, DD), lambda t: (t, 0)),
            pl.BlockSpec((DD, KK), lambda t: (0, 0)),
            pl.BlockSpec((1, KK), lambda t: (0, 0)),
        ],
        out_specs=[
            pl.BlockSpec((TILEC, 1), lambda t: (t, 0)),
            pl.BlockSpec((TILEC, 1), lambda t: (t, 0)),
            pl.BlockSpec((1, 1, KK), lambda t: (t, 0, 0)),
        ],
        out_shape=[
            jax.ShapeDtypeStruct((BB, 1), jnp.int32),
            jax.ShapeDtypeStruct((BB, 1), jnp.float32),
            jax.ShapeDtypeStruct((NTC, 1, KK), jnp.float32),
        ],
    )(x, wc, bc)


def _destiny_body(a_ref, rank_ref, cnt_ref, dest4_ref, offs_ref):
    cnts = cnt_ref[:, 0, :]
    ri = jax.lax.broadcasted_iota(jnp.int32, (NTC, NTC), 0)
    ci = jax.lax.broadcasted_iota(jnp.int32, (NTC, NTC), 1)
    ltri = (ci < ri).astype(jnp.float32)
    carry = jax.lax.dot(ltri, cnts,
                        precision=jax.lax.Precision.HIGHEST)
    tot = jnp.sum(cnts, axis=0, keepdims=True)
    er = jax.lax.broadcasted_iota(jnp.int32, (KK, KK), 0)
    ec = jax.lax.broadcasted_iota(jnp.int32, (KK, KK), 1)
    xtri = (er < ec).astype(jnp.float32)
    offs = jax.lax.dot(tot, xtri,
                       precision=jax.lax.Precision.HIGHEST)
    v = offs[None] + carry[:, None, :]
    vtok = jnp.broadcast_to(v, (NTC, TILEC, KK)).reshape(BB, KK)
    a_t = a_ref[...]
    lane = jax.lax.broadcasted_iota(jnp.int32, (BB, KK), 1)
    onehot = (lane == a_t).astype(jnp.float32)
    base = jnp.sum(onehot * vtok, axis=1, keepdims=True)
    dest = (base + rank_ref[...]).astype(jnp.int32)
    sub = jax.lax.broadcasted_iota(jnp.int32, (BB, SPLIT), 1)
    dest4_ref[...] = dest + sub * BB
    offs_ref[...] = offs.astype(jnp.int32)


def _destiny(a, rank, cnt):
    return pl.pallas_call(
        _destiny_body,
        in_specs=[
            pl.BlockSpec((BB, 1), lambda: (0, 0)),
            pl.BlockSpec((BB, 1), lambda: (0, 0)),
            pl.BlockSpec((NTC, 1, KK), lambda: (0, 0, 0)),
        ],
        out_specs=[
            pl.BlockSpec((BB, SPLIT), lambda: (0, 0)),
            pl.BlockSpec((1, KK), lambda: (0, 0)),
        ],
        out_shape=[
            jax.ShapeDtypeStruct((BB, SPLIT), jnp.int32),
            jax.ShapeDtypeStruct((1, KK), jnp.int32),
        ],
    )(a, rank, cnt)


_SC_WIN = 128
_NW = BB // _SC_WIN
SUBI = DD // 2 // SPLIT


def _sc_scatter(x, dest_row):
    mesh = plsc.VectorSubcoreMesh(core_axis_name="core",
                                  subcore_axis_name="subcore")

    @functools.partial(
        pl.kernel,
        out_type=jax.ShapeDtypeStruct((NROWS, SUBD), jnp.float32),
        mesh=mesh)
    def run(x_hbm, i_hbm, o_hbm):
        def body(x_vmem, i_vmem):
            pltpu.sync_copy(x_vmem, o_hbm.at[i_vmem.at[0]])

        pltpu.emit_pipeline(
            body,
            grid=(SPLIT, _NW),
            in_specs=[
                pl.BlockSpec((_SC_WIN, SUBD), lambda c, w: (w, c)),
                pl.BlockSpec((1, _SC_WIN), lambda c, w: (0, c * _NW + w)),
            ],
            out_specs=[],
            core_axis_name=("core", "subcore"),
            dimension_semantics=(pltpu.PARALLEL, pltpu.PARALLEL),
        )(x_hbm, i_hbm)

    return run(x, dest_row)


def _sc_gather(r0, r1, r2, r3, dest_plain):
    mesh = plsc.VectorSubcoreMesh(core_axis_name="core",
                                  subcore_axis_name="subcore")

    @functools.partial(
        pl.kernel,
        out_type=jax.ShapeDtypeStruct((BB, DD), jnp.float32),
        mesh=mesh)
    def run(r0_hbm, r1_hbm, r2_hbm, r3_hbm, i_hbm, o_hbm):
        for cplane, r_hbm in enumerate((r0_hbm, r1_hbm, r2_hbm, r3_hbm)):
            def body(i_vmem, o_vmem, r_hbm=r_hbm):
                pltpu.sync_copy(r_hbm.at[i_vmem.at[0]], o_vmem)

            pltpu.emit_pipeline(
                body,
                grid=(_NW,),
                in_specs=[pl.BlockSpec((1, _SC_WIN), lambda w: (0, w))],
                out_specs=[pl.BlockSpec((_SC_WIN, SUBD),
                                        lambda w, cplane=cplane: (w, cplane))],
                core_axis_name=("core", "subcore"),
                dimension_semantics=(pltpu.PARALLEL,),
            )(i_hbm, o_hbm)

    return run(r0, r1, r2, r3, dest_plain)


ATILE = 512
NTA = BB // ATILE
def _ae_body(offs_ref, x0_ref, x1_ref, x2_ref, x3_ref,
             w1_ref, b1_ref, w2_ref, b2_ref,
             r0_ref, r1_ref, r2_ref, r3_ref):
    t = pl.program_id(0)
    row0 = t * ATILE
    rows = jax.lax.broadcasted_iota(jnp.int32, (ATILE, 1), 0)
    x_cat = jnp.concatenate(
        [x0_ref[...], x1_ref[...], x2_ref[...], x3_ref[...]],
        axis=1)
    r_refs = (r0_ref, r1_ref, r2_ref, r3_ref)
    for e in range(KK):
        s = jnp.clip(offs_ref[e] - row0, 0, ATILE)
        en = jnp.clip(offs_ref[e + 1] - row0, 0, ATILE)

        @pl.when(en > s)
        def _():
            h = jnp.dot(x_cat, w1_ref[e], preferred_element_type=jnp.float32)
            h = jax.nn.relu(h + b1_ref[e][None, :])
            r = jnp.dot(h, w2_ref[e], preferred_element_type=jnp.float32)
            r = r + b2_ref[e][None, :]
            mask = (rows >= s) & (rows < en)
            for cp in range(SPLIT):
                r_refs[cp][...] = jnp.where(
                    mask, r[:, cp * SUBD:(cp + 1) * SUBD], r_refs[cp][...])


def _grouped_ae(offs9, xs4, w1, b1, w2, b2):
    grid_spec = pltpu.PrefetchScalarGridSpec(
        num_scalar_prefetch=1,
        grid=(NTA,),
        in_specs=[
            pl.BlockSpec((ATILE, SUBD), lambda t, offs: (0 * NTA + t, 0)),
            pl.BlockSpec((ATILE, SUBD), lambda t, offs: (1 * NTA + t, 0)),
            pl.BlockSpec((ATILE, SUBD), lambda t, offs: (2 * NTA + t, 0)),
            pl.BlockSpec((ATILE, SUBD), lambda t, offs: (3 * NTA + t, 0)),
            pl.BlockSpec((KK, DD, HH), lambda t, offs: (0, 0, 0)),
            pl.BlockSpec((KK, HH), lambda t, offs: (0, 0)),
            pl.BlockSpec((KK, HH, DD), lambda t, offs: (0, 0, 0)),
            pl.BlockSpec((KK, DD), lambda t, offs: (0, 0)),
        ],
        out_specs=[
            pl.BlockSpec((ATILE, SUBD), lambda t, offs: (t, 0)),
            pl.BlockSpec((ATILE, SUBD), lambda t, offs: (t, 0)),
            pl.BlockSpec((ATILE, SUBD), lambda t, offs: (t, 0)),
            pl.BlockSpec((ATILE, SUBD), lambda t, offs: (t, 0)),
        ],
    )
    return pl.pallas_call(
        _ae_body,
        grid_spec=grid_spec,
        out_shape=[jax.ShapeDtypeStruct((BB, SUBD), jnp.float32)] * SPLIT,
    )(offs9, xs4, xs4, xs4, xs4, w1, b1, w2, b2)


def kernel(x, W1, b1, W2, b2, Wc, bc):
    a, rank, cnt = _classify(x, Wc, bc.reshape(1, KK))
    dest4, offs = _destiny(a, rank, cnt)
    offs9 = jnp.concatenate(
        [offs.reshape(KK), jnp.array([BB], jnp.int32)])
    dest_row = dest4.T.reshape(1, NROWS)
    dest_plain = dest4[:, 0].reshape(1, BB)
    xs4 = _sc_scatter(x, dest_row)
    r0, r1, r2, r3 = _grouped_ae(offs9, xs4, W1, b1, W2, b2)
    x_out = _sc_gather(r0, r1, r2, r3, dest_plain)
    return (x_out, a.reshape(BB))

# --- scband reference (transcript-rebuilt; emitter-appended) ---
"""Pipeline reference for scband-discon-ae-v1-66185446032105 (READ-ONLY COPY).

The authoritative reference and input builder live on the scoring server;
editing this copy changes nothing except your own understanding.
"""

import jax, jax.numpy as jnp
import numpy as np

B, D, H, K = 8192, 1024, 256, 8

def setup_inputs(seed: int = 0) -> dict:
    key = jax.random.key(seed)
    ks = jax.random.split(key, 6)
    x  = jax.random.normal(ks[0], (B, D), dtype=jnp.float32)
    # Per-expert autoencoder params: Linear(D->H), ReLU, Linear(H->D)
    W1 = jax.random.normal(ks[1], (K, D, H), dtype=jnp.float32) * (1.0 / np.sqrt(D))
    b1 = jnp.zeros((K, H), dtype=jnp.float32)
    W2 = jax.random.normal(ks[2], (K, H, D), dtype=jnp.float32) * (1.0 / np.sqrt(H))
    b2 = jnp.zeros((K, D), dtype=jnp.float32)
    # Classifier Linear(D->K)
    Wc = jax.random.normal(ks[3], (D, K), dtype=jnp.float32) * (1.0 / np.sqrt(D))
    bc = jnp.zeros((K,), dtype=jnp.float32)
    return {"x": x, "W1": W1, "b1": b1, "W2": W2, "b2": b2, "Wc": Wc, "bc": bc}

def reference(x, W1, b1, W2, b2, Wc, bc):
    # classifier -> argmax assignment (torch.max over dim=1 returns indices)
    cls_logit = x @ Wc + bc                       # [B, K]
    assignment = jnp.argmax(cls_logit, axis=1)    # [B]
    # Route: x_out[i] = AE_{assignment[i]}(x[i]).
    # Equivalent dense formulation of the per-expert masked_scatter_ loop:
    h = jax.nn.relu(jnp.einsum('bd,kdh->kbh', x, W1) + b1[:, None, :])   # [K, B, H]
    recon = jnp.einsum('kbh,khd->kbd', h, W2) + b2[:, None, :]           # [K, B, D]
    mask = (assignment[None, :] == jnp.arange(K)[:, None]).astype(x.dtype)  # [K, B]
    x_out = jnp.sum(mask[:, :, None] * recon, axis=0)                    # [B, D]
    return (x_out, assignment)

if __name__ == "__main__":
    import jax
    _d = setup_inputs()
    print(jax.jit(kernel)(*tuple(_d.values())))

</pallas_src>

<mosaic_0001>
#map = affine_map<(d0, d1) -> (0, 0)>
module attributes {stable_mosaic.version = 14 : i64} {
  func.func @run(%arg0: i32, %arg1: i32, %arg2: memref<8192x256xf32, #tpu.memory_space<hbm>>, %arg3: memref<8192x256xf32, #tpu.memory_space<hbm>>, %arg4: memref<8192x256xf32, #tpu.memory_space<hbm>>, %arg5: memref<8192x256xf32, #tpu.memory_space<hbm>>, %arg6: memref<1x8192xi32, #tpu.memory_space<hbm>>, %arg7: memref<8192x1024xf32, #tpu.memory_space<hbm>>) attributes {dimension_semantics = [#tpu.dimension_semantics<core_parallel>, #tpu.dimension_semantics<subcore_parallel>], iteration_bounds = array<i64: 2, 16>, scalar_prefetch = 0 : i64, scratch_operands = 0 : i64, tpu.core_type = #tpu.core_type<sc_vector_subcore>, window_params = [{transform_indices = #map}, {transform_indices = #map}, {transform_indices = #map}, {transform_indices = #map}, {transform_indices = #map}, {transform_indices = #map}]} {
    %mul3A = arith.constant 1 : i32
    %mul3A_0 = arith.muli %arg1, %mul3A : i32
    %add3A = arith.constant 0 : i32
    %add3A_1 = arith.addi %add3A, %mul3A_0 : i32
    %mul3A_2 = arith.constant 16 : i32
    %mul3A_3 = arith.muli %arg0, %mul3A_2 : i32
    %add3A_4 = arith.addi %add3A_1, %mul3A_3 : i32
    %mul3A_5 = arith.constant 2 : i32
    %mul3A_6 = arith.muli %add3A_4, %mul3A_5 : i32
    "tpu.region"() ({
      %run_scoped3A = memref.alloca() : memref<2x1x128xi32, #tpu.memory_space<vmem>>
      %run_scoped3A_34 = tpu.sem_alloc : memref<2x!tpu.dma_semaphore, #tpu.memory_space<semaphore_mem>>
      %run_scoped3A_35 = memref.alloca() : memref<2x128x256xf32, #tpu.memory_space<vmem>>
      %run_scoped3A_36 = tpu.sem_alloc : memref<2x!tpu.dma_semaphore, #tpu.memory_space<semaphore_mem>>
      %add3A_37 = arith.constant 0 : i32
      %add3A_38 = arith.addi %add3A_37, %mul3A_6 : i32
      %select_n3A = arith.constant true
      %select_n3A_39 = arith.constant 0 : i32
      %select_n3A_40 = arith.constant -1 : i32
      %select_n3A_41 = arith.select %select_n3A, %select_n3A_40, %select_n3A_39 : i32
      %eq3A = arith.constant -1 : i32
      %eq3A_42 = arith.cmpi eq, %select_n3A_41, %eq3A : i32
      %select_n3A_43 = arith.constant 1 : i32
      %select_n3A_44 = arith.select %eq3A_42, %select_n3A_43, %select_n3A_41 : i32
      %add3A_45 = arith.addi %select_n3A_44, %mul3A_6 : i32
      %select_n3A_46 = arith.constant true
      %select_n3A_47 = arith.constant 0 : i32
      %select_n3A_48 = arith.constant 1 : i32
      %select_n3A_49 = arith.select %select_n3A_46, %select_n3A_48, %select_n3A_47 : i32
      %eq3A_50 = arith.constant 2 : i32
      %eq3A_51 = arith.cmpi eq, %select_n3A_49, %eq3A_50 : i32
      %select_n3A_52 = arith.constant 0 : i32
      %select_n3A_53 = arith.select %eq3A_51, %select_n3A_52, %select_n3A_49 : i32
      %add3A_54 = arith.addi %select_n3A_53, %mul3A_6 : i32
      %add3A_55 = arith.constant 1 : i32
      %add3A_56 = arith.addi %select_n3A_53, %add3A_55 : i32
      %select_n3A_57 = arith.constant true
      %select_n3A_58 = arith.select %select_n3A_57, %add3A_56, %select_n3A_53 : i32
      %eq3A_59 = arith.constant 2 : i32
      %eq3A_60 = arith.cmpi eq, %select_n3A_58, %eq3A_59 : i32
      %select_n3A_61 = arith.constant 0 : i32
      %select_n3A_62 = arith.select %eq3A_60, %select_n3A_61, %select_n3A_58 : i32
      %add3A_63 = arith.addi %select_n3A_62, %mul3A_6 : i32
      "tpu.trace_start"() <{level = 10 : i32, message = "ep_initialize_0"}> : () -> ()
      %rem3A = arith.constant 0 : i32
      %rem3A_64 = arith.constant 2 : i32
      %rem3A_65 = arith.remui %rem3A, %rem3A_64 : i32
      %mul3A_66 = arith.constant 128 : i32
      %mul3A_67 = arith.muli %mul3A_66, %add3A_38 : i32
      %dma_start3A = arith.constant 0 : i32
      %dma_start3A_68 = arith.constant 0 : i32
      %dma_start3A_69 = tpu.memref_slice %run_scoped3A[%rem3A_65, %dma_start3A, %dma_start3A_68] : memref<2x1x128xi32, #tpu.memory_space<vmem>> -> memref<1x1x128xi32, #tpu.memory_space<vmem>>
      %dma_start3A_70 = tpu.memref_squeeze %dma_start3A_69 : memref<1x1x128xi32, #tpu.memory_space<vmem>> -> memref<1x128xi32, #tpu.memory_space<vmem>>
      %dma_start3A_71 = arith.constant 0 : i32
      %dma_start3A_72 = tpu.memref_slice %arg6[%dma_start3A_71, %mul3A_67] : memref<1x8192xi32, #tpu.memory_space<hbm>> -> memref<1x128xi32, #tpu.memory_space<hbm>>
      %dma_start3A_73 = tpu.memref_slice %run_scoped3A_34[%rem3A_65] : memref<2x!tpu.dma_semaphore, #tpu.memory_space<semaphore_mem>> -> memref<1x!tpu.dma_semaphore, #tpu.memory_space<semaphore_mem>>
      %dma_start3A_74 = tpu.memref_squeeze %dma_start3A_73 : memref<1x!tpu.dma_semaphore, #tpu.memory_space<semaphore_mem>> -> memref<!tpu.dma_semaphore, #tpu.memory_space<semaphore_mem>>
      %dma_start3A_75 = arith.constant 0 : i32
      %dma_start3A_76 = arith.constant 0 : i32
      %dma_start3A_77 = tpu.memref_slice %run_scoped3A[%rem3A_65, %dma_start3A_75, %dma_start3A_76] : memref<2x1x128xi32, #tpu.memory_space<vmem>> -> memref<1x1x128xi32, #tpu.memory_space<vmem>>
      %dma_start3A_78 = tpu.memref_squeeze %dma_start3A_77 : memref<1x1x128xi32, #tpu.memory_space<vmem>> -> memref<1x128xi32, #tpu.memory_space<vmem>>
      %dma_start3A_79 = arith.constant 0 : i32
      %dma_start3A_80 = tpu.memref_slice %arg6[%dma_start3A_79, %mul3A_67] : memref<1x8192xi32, #tpu.memory_space<hbm>> -> memref<1x128xi32, #tpu.memory_space<hbm>>
      tpu.enqueue_dma source(%dma_start3A_80 : memref<1x128xi32, #tpu.memory_space<hbm>>) target(%dma_start3A_78 : memref<1x128xi32, #tpu.memory_space<vmem>>) target_semaphore(%dma_start3A_74 : memref<!tpu.dma_semaphore, #tpu.memory_space<semaphore_mem>>)
      %add3A_81 = arith.constant 0 : i32
      %add3A_82 = arith.constant 1 : i32
      %add3A_83 = arith.addi %add3A_81, %add3A_82 : i32
      %select_n3A_84 = arith.constant true
      %select_n3A_85 = arith.constant 0 : i32
      %select_n3A_86 = arith.select %select_n3A_84, %add3A_83, %select_n3A_85 : i32
      "tpu.trace_stop"() : () -> ()
      %scan3A = arith.constant 0 : i32
      %scan3A_87 = arith.constant 0 : i32
      %scan3A_88 = arith.constant 0 : i32
      %scan3A_89 = arith.constant 0 : i32
      %scan3A_90 = arith.constant 0 : i32
      %scan3A_91 = arith.constant 2 : i32
      %scan3A_92 = arith.addi %scan3A_90, %scan3A_91 : i32
      %scan3A_93 = arith.constant 1 : i32
      %scan3A_94:5 = scf.for %scan3A_148 = %scan3A_90 to %scan3A_92 step %scan3A_93 iter_args(%scan3A_149 = %select_n3A_86, %scan3A_150 = %scan3A, %scan3A_151 = %scan3A_87, %scan3A_152 = %scan3A_88, %scan3A_153 = %scan3A_89) -> (i32, i32, i32, i32, i32)  : i32 {
        %eq3A_154 = arith.constant 0 : i32
        %eq3A_155 = arith.cmpi eq, %scan3A_148, %eq3A_154 : i32
        %eq3A_156 = arith.constant 1 : i32
        %eq3A_157 = arith.cmpi eq, %scan3A_148, %eq3A_156 : i32
        %add3A_158 = arith.addi %scan3A_153, %mul3A_6 : i32
        %sub3A_159 = arith.constant 1 : i32
        %sub3A_160 = arith.subi %scan3A_153, %sub3A_159 : i32
        %select_n3A_161 = arith.constant true
        %select_n3A_162 = arith.select %select_n3A_161, %sub3A_160, %scan3A_153 : i32
        %eq3A_163 = arith.constant -1 : i32
        %eq3A_164 = arith.cmpi eq, %select_n3A_162, %eq3A_163 : i32
        %select_n3A_165 = arith.constant 1 : i32
        %select_n3A_166 = arith.select %eq3A_164, %select_n3A_165, %select_n3A_162 : i32
        %add3A_167 = arith.addi %select_n3A_166, %mul3A_6 : i32
        %add3A_168 = arith.constant 1 : i32
        %add3A_169 = arith.addi %scan3A_153, %add3A_168 : i32
        %select_n3A_170 = arith.constant true
        %select_n3A_171 = arith.select %select_n3A_170, %add3A_169, %scan3A_153 : i32
        %eq3A_172 = arith.constant 2 : i32
        %eq3A_173 = arith.cmpi eq, %select_n3A_171, %eq3A_172 : i32
        %select_n3A_174 = arith.constant 0 : i32
        %select_n3A_175 = arith.select %eq3A_173, %select_n3A_174, %select_n3A_171 : i32
        %add3A_176 = arith.addi %select_n3A_175, %mul3A_6 : i32
        %add3A_177 = arith.constant 1 : i32
        %add3A_178 = arith.addi %select_n3A_175, %add3A_177 : i32
        %select_n3A_179 = arith.constant true
        %select_n3A_180 = arith.select %select_n3A_179, %add3A_178, %select_n3A_175 : i32
        %eq3A_181 = arith.constant 2 : i32
        %eq3A_182 = arith.cmpi eq, %select_n3A_180, %eq3A_181 : i32
        %select_n3A_183 = arith.constant 0 : i32
        %select_n3A_184 = arith.select %eq3A_182, %select_n3A_183, %select_n3A_180 : i32
        %add3A_185 = arith.addi %select_n3A_184, %mul3A_6 : i32
        %ne3A = arith.cmpi ne, %add3A_158, %add3A_176 : i32
        %or3A = arith.constant false
        %or3A_186 = arith.ori %or3A, %ne3A : i1
        %ge3A = arith.constant 1 : i32
        %ge3A_187 = arith.cmpi sge, %scan3A_148, %ge3A : i32
        %not3A = arith.constant true
        %not3A_188 = arith.xori %ge3A_187, %not3A : i1
        %and3A = arith.andi %or3A_186, %not3A_188 : i1
        %convert_element_type3A = arith.extui %and3A : i1 to i32
        %cond3A = arith.constant 0 : i32
        %cond3A_189 = arith.cmpi ne, %convert_element_type3A, %cond3A : i32
        scf.if %cond3A_189 {
          "tpu.trace_start"() <{level = 10 : i32, message = "ep_copy_in"}> : () -> ()
          %rem3A_291 = arith.constant 2 : i32
          %rem3A_292 = arith.remui %scan3A_149, %rem3A_291 : i32
          %mul3A_293 = arith.constant 128 : i32
          %mul3A_294 = arith.muli %mul3A_293, %add3A_176 : i32
          %dma_start3A_295 = arith.constant 0 : i32
          %dma_start3A_296 = arith.constant 0 : i32
          %dma_start3A_297 = tpu.memref_slice %run_scoped3A[%rem3A_292, %dma_start3A_295, %dma_start3A_296] : memref<2x1x128xi32, #tpu.memory_space<vmem>> -> memref<1x1x128xi32, #tpu.memory_space<vmem>>
          %dma_start3A_298 = tpu.memref_squeeze %dma_start3A_297 : memref<1x1x128xi32, #tpu.memory_space<vmem>> -> memref<1x128xi32, #tpu.memory_space<vmem>>
          %dma_start3A_299 = arith.constant 0 : i32
          %dma_start3A_300 = tpu.memref_slice %arg6[%dma_start3A_299, %mul3A_294] : memref<1x8192xi32, #tpu.memory_space<hbm>> -> memref<1x128xi32, #tpu.memory_space<hbm>>
          %dma_start3A_301 = tpu.memref_slice %run_scoped3A_34[%rem3A_292] : memref<2x!tpu.dma_semaphore, #tpu.memory_space<semaphore_mem>> -> memref<1x!tpu.dma_semaphore, #tpu.memory_space<semaphore_mem>>
          %dma_start3A_302 = tpu.memref_squeeze %dma_start3A_301 : memref<1x!tpu.dma_semaphore, #tpu.memory_space<semaphore_mem>> -> memref<!tpu.dma_semaphore, #tpu.memory_space<semaphore_mem>>
          %dma_start3A_303 = arith.constant 0 : i32
          %dma_start3A_304 = arith.constant 0 : i32
          %dma_start3A_305 = tpu.memref_slice %run_scoped3A[%rem3A_292, %dma_start3A_303, %dma_start3A_304] : memref<2x1x128xi32, #tpu.memory_space<vmem>> -> memref<1x1x128xi32, #tpu.memory_space<vmem>>
          %dma_start3A_306 = tpu.memref_squeeze %dma_start3A_305 : memref<1x1x128xi32, #tpu.memory_space<vmem>> -> memref<1x128xi32, #tpu.memory_space<vmem>>
          %dma_start3A_307 = arith.constant 0 : i32
          %dma_start3A_308 = tpu.memref_slice %arg6[%dma_start3A_307, %mul3A_294] : memref<1x8192xi32, #tpu.memory_space<hbm>> -> memref<1x128xi32, #tpu.memory_space<hbm>>
          tpu.enqueue_dma source(%dma_start3A_308 : memref<1x128xi32, #tpu.memory_space<hbm>>) target(%dma_start3A_306 : memref<1x128xi32, #tpu.memory_space<vmem>>) target_semaphore(%dma_start3A_302 : memref<!tpu.dma_semaphore, #tpu.memory_space<semaphore_mem>>)
          "tpu.trace_stop"() : () -> ()
        } else {
        }
        %and3A_190 = arith.constant true
        %and3A_191 = arith.andi %and3A, %and3A_190 : i1
        %add3A_192 = arith.constant 1 : i32
        %add3A_193 = arith.addi %scan3A_149, %add3A_192 : i32
        %select_n3A_194 = arith.select %and3A_191, %add3A_193, %scan3A_149 : i32
        %ne3A_195 = arith.cmpi ne, %add3A_158, %add3A_176 : i32
        %or3A_196 = arith.constant false
        %or3A_197 = arith.ori %or3A_196, %ne3A_195 : i1
        %or3A_198 = arith.constant false
        %or3A_199 = arith.ori %or3A_197, %or3A_198 : i1
        %ge3A_200 = arith.constant 1 : i32
        %ge3A_201 = arith.cmpi sge, %scan3A_148, %ge3A_200 : i32
        %not3A_202 = arith.constant true
        %not3A_203 = arith.xori %ge3A_201, %not3A_202 : i1
        %and3A_204 = arith.andi %or3A_199, %not3A_203 : i1
        %ne3A_205 = arith.cmpi ne, %add3A_158, %add3A_167 : i32
        %or3A_206 = arith.constant false
        %or3A_207 = arith.ori %or3A_206, %ne3A_205 : i1
        %or3A_208 = arith.ori %or3A_207, %eq3A_155 : i1
        %convert_element_type3A_209 = arith.extui %or3A_208 : i1 to i32
        %cond3A_210 = arith.constant 0 : i32
        %cond3A_211 = arith.cmpi ne, %convert_element_type3A_209, %cond3A_210 : i32
        scf.if %cond3A_211 {
          "tpu.trace_start"() <{level = 10 : i32, message = "ep_wait_in"}> : () -> ()
          %mul3A_291 = arith.constant 128 : i32
          %mul3A_292 = arith.muli %mul3A_291, %add3A_158 : i32
          %rem3A_293 = arith.constant 2 : i32
          %rem3A_294 = arith.remui %scan3A_150, %rem3A_293 : i32
          %dma_wait3A_295 = arith.constant 0 : i32
          %dma_wait3A_296 = arith.constant 0 : i32
          %dma_wait3A_297 = tpu.memref_slice %run_scoped3A[%rem3A_294, %dma_wait3A_295, %dma_wait3A_296] : memref<2x1x128xi32, #tpu.memory_space<vmem>> -> memref<1x1x128xi32, #tpu.memory_space<vmem>>
          %dma_wait3A_298 = tpu.memref_squeeze %dma_wait3A_297 : memref<1x1x128xi32, #tpu.memory_space<vmem>> -> memref<1x128xi32, #tpu.memory_space<vmem>>
          %dma_wait3A_299 = arith.constant 0 : i32
          %dma_wait3A_300 = tpu.memref_slice %arg6[%dma_wait3A_299, %mul3A_292] : memref<1x8192xi32, #tpu.memory_space<hbm>> -> memref<1x128xi32, #tpu.memory_space<hbm>>
          %dma_wait3A_301 = tpu.memref_slice %run_scoped3A_34[%rem3A_294] : memref<2x!tpu.dma_semaphore, #tpu.memory_space<semaphore_mem>> -> memref<1x!tpu.dma_semaphore, #tpu.memory_space<semaphore_mem>>
          %dma_wait3A_302 = tpu.memref_squeeze %dma_wait3A_301 : memref<1x!tpu.dma_semaphore, #tpu.memory_space<semaphore_mem>> -> memref<!tpu.dma_semaphore, #tpu.memory_space<semaphore_mem>>
          %dma_wait3A_303 = arith.constant 0 : i32
          %dma_wait3A_304 = arith.constant 0 : i32
          %dma_wait3A_305 = tpu.memref_slice %run_scoped3A[%rem3A_294, %dma_wait3A_303, %dma_wait3A_304] : memref<2x1x128xi32, #tpu.memory_space<vmem>> -> memref<1x1x128xi32, #tpu.memory_space<vmem>>
          %dma_wait3A_306 = tpu.memref_squeeze %dma_wait3A_305 : memref<1x1x128xi32, #tpu.memory_space<vmem>> -> memref<1x128xi32, #tpu.memory_space<vmem>>
          %dma_wait3A_307 = arith.constant 0 : i32
          %dma_wait3A_308 = tpu.memref_slice %arg6[%dma_wait3A_307, %mul3A_292] : memref<1x8192xi32, #tpu.memory_space<hbm>> -> memref<1x128xi32, #tpu.memory_space<hbm>>
          tpu.wait_dma2 semaphore(%dma_wait3A_302 : memref<!tpu.dma_semaphore, #tpu.memory_space<semaphore_mem>>) src(%dma_wait3A_308 : memref<1x128xi32, #tpu.memory_space<hbm>>) dst(%dma_wait3A_306 : memref<1x128xi32, #tpu.memory_space<vmem>>)
          "tpu.trace_stop"() : () -> ()
        } else {
        }
        %ne3A_212 = arith.cmpi ne, %add3A_158, %add3A_167 : i32
        %or3A_213 = arith.constant false
        %or3A_214 = arith.ori %or3A_213, %ne3A_212 : i1
        %or3A_215 = arith.constant false
        %or3A_216 = arith.ori %or3A_214, %or3A_215 : i1
        %or3A_217 = arith.ori %or3A_216, %eq3A_155 : i1
        %convert_element_type3A_218 = arith.extui %or3A_217 : i1 to i32
        %cond3A_219 = arith.constant 0 : i32
        %cond3A_220 = arith.cmpi ne, %convert_element_type3A_218, %cond3A_219 : i32
        scf.if %cond3A_220 {
        } else {
        }
        %rem3A_221 = arith.constant 2 : i32
        %rem3A_222 = arith.remui %scan3A_150, %rem3A_221 : i32
        %rem3A_223 = arith.constant 2 : i32
        %rem3A_224 = arith.remui %scan3A_151, %rem3A_223 : i32
        %run_scoped3A_225 = arith.constant 0 : i32
        "tpu.trace_start"() <{level = 10 : i32, message = "ep_run_kernel"}> : () -> ()
        "tpu.region"() ({
          %run_scoped3A_291 = tpu.sem_alloc : memref<!tpu.dma_semaphore, #tpu.memory_space<semaphore_mem>>
          %dma_start3A_292 = arith.constant 0 : i32
          %dma_start3A_293 = arith.constant 0 : i32
          %dma_start3A_294 = tpu.memref_slice %run_scoped3A_35[%rem3A_224, %dma_start3A_292, %dma_start3A_293] : memref<2x128x256xf32, #tpu.memory_space<vmem>> -> memref<1x128x256xf32, #tpu.memory_space<vmem>>
          %dma_start3A_295 = tpu.memref_squeeze %dma_start3A_294 : memref<1x128x256xf32, #tpu.memory_space<vmem>> -> memref<128x256xf32, #tpu.memory_space<vmem>>
          %dma_start3A_296 = arith.constant 0 : i32
          %dma_start3A_297 = arith.constant 0 : i32
          %dma_start3A_298 = tpu.memref_slice %run_scoped3A[%rem3A_222, %dma_start3A_296, %dma_start3A_297] : memref<2x1x128xi32, #tpu.memory_space<vmem>> -> memref<1x1x128xi32, #tpu.memory_space<vmem>>
          %dma_start3A_299 = tpu.memref_squeeze %dma_start3A_298 : memref<1x1x128xi32, #tpu.memory_space<vmem>> -> memref<1x128xi32, #tpu.memory_space<vmem>>
          %dma_start3A_300 = arith.constant 0 : i32
          %dma_start3A_301 = tpu.memref_slice %dma_start3A_299[%run_scoped3A_225, %dma_start3A_300] : memref<1x128xi32, #tpu.memory_space<vmem>> -> memref<1x128xi32, #tpu.memory_space<vmem>>
          %dma_start3A_302 = tpu.memref_squeeze %dma_start3A_301 : memref<1x128xi32, #tpu.memory_space<vmem>> -> memref<128xi32, #tpu.memory_space<vmem>>
          %dma_start3A_303 = arith.constant 0 : i32
          %dma_start3A_304 = arith.constant 0 : i32
          %dma_start3A_305 = tpu.memref_slice %arg2[%dma_start3A_303, %dma_start3A_304] : memref<8192x256xf32, #tpu.memory_space<hbm>> -> memref<8192x256xf32, #tpu.memory_space<hbm>>
          tpu.enqueue_indirect_dma source(%dma_start3A_305 : memref<8192x256xf32, #tpu.memory_space<hbm>>) target(%dma_start3A_295 : memref<128x256xf32, #tpu.memory_space<vmem>>) offsets(%dma_start3A_302 : memref<128xi32, #tpu.memory_space<vmem>>) semaphore(%run_scoped3A_291 : memref<!tpu.dma_semaphore, #tpu.memory_space<semaphore_mem>>)
          %dma_wait3A_306 = arith.constant 0 : i32
          %dma_wait3A_307 = arith.constant 0 : i32
          %dma_wait3A_308 = tpu.memref_slice %run_scoped3A_35[%rem3A_224, %dma_wait3A_306, %dma_wait3A_307] : memref<2x128x256xf32, #tpu.memory_space<vmem>> -> memref<1x128x256xf32, #tpu.memory_space<vmem>>
          %dma_wait3A_309 = tpu.memref_squeeze %dma_wait3A_308 : memref<1x128x256xf32, #tpu.memory_space<vmem>> -> memref<128x256xf32, #tpu.memory_space<vmem>>
          %dma_wait3A_310 = arith.constant 0 : i32
          %dma_wait3A_311 = arith.constant 0 : i32
          %dma_wait3A_312 = tpu.memref_slice %run_scoped3A[%rem3A_222, %dma_wait3A_310, %dma_wait3A_311] : memref<2x1x128xi32, #tpu.memory_space<vmem>> -> memref<1x1x128xi32, #tpu.memory_space<vmem>>
          %dma_wait3A_313 = tpu.memref_squeeze %dma_wait3A_312 : memref<1x1x128xi32, #tpu.memory_space<vmem>> -> memref<1x128xi32, #tpu.memory_space<vmem>>
          %dma_wait3A_314 = arith.constant 0 : i32
          %dma_wait3A_315 = tpu.memref_slice %dma_wait3A_313[%run_scoped3A_225, %dma_wait3A_314] : memref<1x128xi32, #tpu.memory_space<vmem>> -> memref<1x128xi32, #tpu.memory_space<vmem>>
          %dma_wait3A_316 = tpu.memref_squeeze %dma_wait3A_315 : memref<1x128xi32, #tpu.memory_space<vmem>> -> memref<128xi32, #tpu.memory_space<vmem>>
          %dma_wait3A_317 = arith.constant 0 : i32
          %dma_wait3A_318 = arith.constant 0 : i32
          %dma_wait3A_319 = tpu.memref_slice %arg2[%dma_wait3A_317, %dma_wait3A_318] : memref<8192x256xf32, #tpu.memory_space<hbm>> -> memref<8192x256xf32, #tpu.memory_space<hbm>>
          tpu.wait_indirect_dma semaphore(%run_scoped3A_291 : memref<!tpu.dma_semaphore, #tpu.memory_space<semaphore_mem>>) src(%dma_wait3A_319 : memref<8192x256xf32, #tpu.memory_space<hbm>>) dst(%dma_wait3A_309 : memref<128x256xf32, #tpu.memory_space<vmem>>)
          tpu.yield
        }) : () -> ()
        "tpu.trace_stop"() : () -> ()
        %ne3A_226 = arith.cmpi ne, %add3A_158, %add3A_176 : i32
        %or3A_227 = arith.constant false
        %or3A_228 = arith.ori %or3A_227, %ne3A_226 : i1
        %or3A_229 = arith.ori %or3A_228, %eq3A_157 : i1
        %convert_element_type3A_230 = arith.extui %or3A_229 : i1 to i32
        %cond3A_231 = arith.constant 0 : i32
        %cond3A_232 = arith.cmpi ne, %convert_element_type3A_230, %cond3A_231 : i32
        scf.if %cond3A_232 {
        } else {
        }
        %and3A_233 = arith.constant false
        %and3A_234 = arith.andi %or3A_229, %and3A_233 : i1
        %ne3A_235 = arith.cmpi ne, %add3A_158, %add3A_176 : i32
        %or3A_236 = arith.constant false
        %or3A_237 = arith.ori %or3A_236, %ne3A_235 : i1
        %or3A_238 = arith.constant false
        %or3A_239 = arith.ori %or3A_237, %or3A_238 : i1
        %or3A_240 = arith.ori %or3A_239, %eq3A_157 : i1
        %convert_element_type3A_241 = arith.extui %or3A_240 : i1 to i32
        %cond3A_242 = arith.constant 0 : i32
        %cond3A_243 = arith.cmpi ne, %convert_element_type3A_241, %cond3A_242 : i32
        scf.if %cond3A_243 {
          "tpu.trace_start"() <{level = 10 : i32, message = "ep_copy_out"}> : () -> ()
          %rem3A_291 = arith.constant 2 : i32
          %rem3A_292 = arith.remui %scan3A_151, %rem3A_291 : i32
          %mul3A_293 = arith.constant 128 : i32
          %mul3A_294 = arith.muli %mul3A_293, %add3A_158 : i32
          %dma_start3A_295 = arith.constant 0 : i32
          %dma_start3A_296 = arith.constant 0 : i32
          %dma_start3A_297 = tpu.memref_slice %run_scoped3A_35[%rem3A_292, %dma_start3A_295, %dma_start3A_296] : memref<2x128x256xf32, #tpu.memory_space<vmem>> -> memref<1x128x256xf32, #tpu.memory_space<vmem>>
          %dma_start3A_298 = tpu.memref_squeeze %dma_start3A_297 : memref<1x128x256xf32, #tpu.memory_space<vmem>> -> memref<128x256xf32, #tpu.memory_space<vmem>>
          %dma_start3A_299 = arith.constant 0 : i32
          %dma_start3A_300 = tpu.memref_slice %arg7[%mul3A_294, %dma_start3A_299] : memref<8192x1024xf32, #tpu.memory_space<hbm>> -> memref<128x256xf32, #tpu.memory_space<hbm>>
          %dma_start3A_301 = tpu.memref_slice %run_scoped3A_36[%rem3A_292] : memref<2x!tpu.dma_semaphore, #tpu.memory_space<semaphore_mem>> -> memref<1x!tpu.dma_semaphore, #tpu.memory_space<semaphore_mem>>
          %dma_start3A_302 = tpu.memref_squeeze %dma_start3A_301 : memref<1x!tpu.dma_semaphore, #tpu.memory_space<semaphore_mem>> -> memref<!tpu.dma_semaphore, #tpu.memory_space<semaphore_mem>>
          %dma_start3A_303 = arith.constant 0 : i32
          %dma_start3A_304 = tpu.memref_slice %arg7[%mul3A_294, %dma_start3A_303] : memref<8192x1024xf32, #tpu.memory_space<hbm>> -> memref<128x256xf32, #tpu.memory_space<hbm>>
          %dma_start3A_305 = arith.constant 0 : i32
          %dma_start3A_306 = arith.constant 0 : i32
          %dma_start3A_307 = tpu.memref_slice %run_scoped3A_35[%rem3A_292, %dma_start3A_305, %dma_start3A_306] : memref<2x128x256xf32, #tpu.memory_space<vmem>> -> memref<1x128x256xf32, #tpu.memory_space<vmem>>
          %dma_start3A_308 = tpu.memref_squeeze %dma_start3A_307 : memref<1x128x256xf32, #tpu.memory_space<vmem>> -> memref<128x256xf32, #tpu.memory_space<vmem>>
          tpu.enqueue_dma source(%dma_start3A_308 : memref<128x256xf32, #tpu.memory_space<vmem>>) target(%dma_start3A_304 : memref<128x256xf32, #tpu.memory_space<hbm>>) target_semaphore(%dma_start3A_302 : memref<!tpu.dma_semaphore, #tpu.memory_space<semaphore_mem>>)
          "tpu.trace_stop"() : () -> ()
        } else {
        }
        %and3A_244 = arith.constant true
        %and3A_245 = arith.andi %or3A_240, %and3A_244 : i1
        %add3A_246 = arith.constant 1 : i32
        %add3A_247 = arith.addi %scan3A_151, %add3A_246 : i32
        %select_n3A_248 = arith.select %and3A_245, %add3A_247, %scan3A_151 : i32
        %ne3A_249 = arith.cmpi ne, %add3A_158, %add3A_167 : i32
        %or3A_250 = arith.constant false
        %or3A_251 = arith.ori %or3A_250, %ne3A_249 : i1
        %not3A_252 = arith.constant true
        %not3A_253 = arith.xori %eq3A_155, %not3A_252 : i1
        %and3A_254 = arith.andi %or3A_251, %not3A_253 : i1
        %convert_element_type3A_255 = arith.extui %and3A_254 : i1 to i32
        %cond3A_256 = arith.constant 0 : i32
        %cond3A_257 = arith.cmpi ne, %convert_element_type3A_255, %cond3A_256 : i32
        scf.if %cond3A_257 {
        } else {
        }
        %and3A_258 = arith.constant false
        %and3A_259 = arith.andi %and3A_254, %and3A_258 : i1
        %ne3A_260 = arith.cmpi ne, %add3A_158, %add3A_167 : i32
        %or3A_261 = arith.constant false
        %or3A_262 = arith.ori %or3A_261, %ne3A_260 : i1
        %or3A_263 = arith.constant false
        %or3A_264 = arith.ori %or3A_262, %or3A_263 : i1
        %not3A_265 = arith.constant true
        %not3A_266 = arith.xori %eq3A_155, %not3A_265 : i1
        %and3A_267 = arith.andi %or3A_264, %not3A_266 : i1
        %convert_element_type3A_268 = arith.extui %and3A_267 : i1 to i32
        %cond3A_269 = arith.constant 0 : i32
        %cond3A_270 = arith.cmpi ne, %convert_element_type3A_268, %cond3A_269 : i32
        scf.if %cond3A_270 {
          "tpu.trace_start"() <{level = 10 : i32, message = "ep_wait_out"}> : () -> ()
          %rem3A_291 = arith.constant 2 : i32
          %rem3A_292 = arith.remui %scan3A_152, %rem3A_291 : i32
          %mul3A_293 = arith.constant 128 : i32
          %mul3A_294 = arith.muli %mul3A_293, %add3A_167 : i32
          %dma_wait3A_295 = arith.constant 0 : i32
          %dma_wait3A_296 = arith.constant 0 : i32
          %dma_wait3A_297 = tpu.memref_slice %run_scoped3A_35[%rem3A_292, %dma_wait3A_295, %dma_wait3A_296] : memref<2x128x256xf32, #tpu.memory_space<vmem>> -> memref<1x128x256xf32, #tpu.memory_space<vmem>>
          %dma_wait3A_298 = tpu.memref_squeeze %dma_wait3A_297 : memref<1x128x256xf32, #tpu.memory_space<vmem>> -> memref<128x256xf32, #tpu.memory_space<vmem>>
          %dma_wait3A_299 = arith.constant 0 : i32
          %dma_wait3A_300 = tpu.memref_slice %arg7[%mul3A_294, %dma_wait3A_299] : memref<8192x1024xf32, #tpu.memory_space<hbm>> -> memref<128x256xf32, #tpu.memory_space<hbm>>
          %dma_wait3A_301 = tpu.memref_slice %run_scoped3A_36[%rem3A_292] : memref<2x!tpu.dma_semaphore, #tpu.memory_space<semaphore_mem>> -> memref<1x!tpu.dma_semaphore, #tpu.memory_space<semaphore_mem>>
          %dma_wait3A_302 = tpu.memref_squeeze %dma_wait3A_301 : memref<1x!tpu.dma_semaphore, #tpu.memory_space<semaphore_mem>> -> memref<!tpu.dma_semaphore, #tpu.memory_space<semaphore_mem>>
          %dma_wait3A_303 = arith.constant 0 : i32
          %dma_wait3A_304 = tpu.memref_slice %arg7[%mul3A_294, %dma_wait3A_303] : memref<8192x1024xf32, #tpu.memory_space<hbm>> -> memref<128x256xf32, #tpu.memory_space<hbm>>
          %dma_wait3A_305 = arith.constant 0 : i32
          %dma_wait3A_306 = arith.constant 0 : i32
          %dma_wait3A_307 = tpu.memref_slice %run_scoped3A_35[%rem3A_292, %dma_wait3A_305, %dma_wait3A_306] : memref<2x128x256xf32, #tpu.memory_space<vmem>> -> memref<1x128x256xf32, #tpu.memory_space<vmem>>
          %dma_wait3A_308 = tpu.memref_squeeze %dma_wait3A_307 : memref<1x128x256xf32, #tpu.memory_space<vmem>> -> memref<128x256xf32, #tpu.memory_space<vmem>>
          tpu.wait_dma2 semaphore(%dma_wait3A_302 : memref<!tpu.dma_semaphore, #tpu.memory_space<semaphore_mem>>) src(%dma_wait3A_308 : memref<128x256xf32, #tpu.memory_space<vmem>>) dst(%dma_wait3A_304 : memref<128x256xf32, #tpu.memory_space<hbm>>)
          "tpu.trace_stop"() : () -> ()
        } else {
        }
        %and3A_271 = arith.constant true
        %and3A_272 = arith.andi %and3A_267, %and3A_271 : i1
        %add3A_273 = arith.constant 1 : i32
        %add3A_274 = arith.addi %scan3A_152, %add3A_273 : i32
        %select_n3A_275 = arith.select %and3A_272, %add3A_274, %scan3A_152 : i32
        %ne3A_276 = arith.cmpi ne, %add3A_158, %add3A_176 : i32
        %or3A_277 = arith.constant false
        %or3A_278 = arith.ori %or3A_277, %ne3A_276 : i1
        %or3A_279 = arith.ori %or3A_278, %eq3A_157 : i1
        %add3A_280 = arith.constant 1 : i32
        %add3A_281 = arith.addi %scan3A_150, %add3A_280 : i32
        %select_n3A_282 = arith.select %or3A_279, %add3A_281, %scan3A_150 : i32
        %add3A_283 = arith.constant 1 : i32
        %add3A_284 = arith.addi %scan3A_153, %add3A_283 : i32
        %select_n3A_285 = arith.constant true
        %select_n3A_286 = arith.select %select_n3A_285, %add3A_284, %scan3A_153 : i32
        %eq3A_287 = arith.constant 2 : i32
        %eq3A_288 = arith.cmpi eq, %select_n3A_286, %eq3A_287 : i32
        %select_n3A_289 = arith.constant 0 : i32
        %select_n3A_290 = arith.select %eq3A_288, %select_n3A_289, %select_n3A_286 : i32
        scf.yield %select_n3A_194, %select_n3A_282, %select_n3A_248, %select_n3A_275, %select_n3A_290 : i32, i32, i32, i32, i32
      }
      %scan3A_95 = arith.constant 2 : i32
      %sub3A = arith.constant 1 : i32
      %sub3A_96 = arith.subi %scan3A_94#4, %sub3A : i32
      %select_n3A_97 = arith.constant true
      %select_n3A_98 = arith.select %select_n3A_97, %sub3A_96, %scan3A_94#4 : i32
      %eq3A_99 = arith.constant -1 : i32
      %eq3A_100 = arith.cmpi eq, %select_n3A_98, %eq3A_99 : i32
      %select_n3A_101 = arith.constant 1 : i32
      %select_n3A_102 = arith.select %eq3A_100, %select_n3A_101, %select_n3A_98 : i32
      %add3A_103 = arith.addi %select_n3A_102, %mul3A_6 : i32
      %sub3A_104 = arith.constant 1 : i32
      %sub3A_105 = arith.subi %select_n3A_102, %sub3A_104 : i32
      %select_n3A_106 = arith.constant true
      %select_n3A_107 = arith.select %select_n3A_106, %sub3A_105, %select_n3A_102 : i32
      %eq3A_108 = arith.constant -1 : i32
      %eq3A_109 = arith.cmpi eq, %select_n3A_107, %eq3A_108 : i32
      %select_n3A_110 = arith.constant 1 : i32
      %select_n3A_111 = arith.select %eq3A_109, %select_n3A_110, %select_n3A_107 : i32
      %add3A_112 = arith.addi %select_n3A_111, %mul3A_6 : i32
      %add3A_113 = arith.constant 1 : i32
      %add3A_114 = arith.addi %select_n3A_102, %add3A_113 : i32
      %select_n3A_115 = arith.constant true
      %select_n3A_116 = arith.select %select_n3A_115, %add3A_114, %select_n3A_102 : i32
      %eq3A_117 = arith.constant 2 : i32
      %eq3A_118 = arith.cmpi eq, %select_n3A_116, %eq3A_117 : i32
      %select_n3A_119 = arith.constant 0 : i32
      %select_n3A_120 = arith.select %eq3A_118, %select_n3A_119, %select_n3A_116 : i32
      %add3A_121 = arith.addi %select_n3A_120, %mul3A_6 : i32
      %add3A_122 = arith.constant 1 : i32
      %add3A_123 = arith.addi %select_n3A_120, %add3A_122 : i32
      %select_n3A_124 = arith.constant true
      %select_n3A_125 = arith.select %select_n3A_124, %add3A_123, %select_n3A_120 : i32
      %eq3A_126 = arith.constant 2 : i32
      %eq3A_127 = arith.cmpi eq, %select_n3A_125, %eq3A_126 : i32
      %select_n3A_128 = arith.constant 0 : i32
      %select_n3A_129 = arith.select %eq3A_127, %select_n3A_128, %select_n3A_125 : i32
      %add3A_130 = arith.addi %select_n3A_129, %mul3A_6 : i32
      "tpu.trace_start"() <{level = 10 : i32, message = "ep_finalize"}> : () -> ()
      %rem3A_131 = arith.constant 2 : i32
      %rem3A_132 = arith.remui %scan3A_94#3, %rem3A_131 : i32
      %mul3A_133 = arith.constant 128 : i32
      %mul3A_134 = arith.muli %mul3A_133, %add3A_103 : i32
      %dma_wait3A = arith.constant 0 : i32
      %dma_wait3A_135 = arith.constant 0 : i32
      %dma_wait3A_136 = tpu.memref_slice %run_scoped3A_35[%rem3A_132, %dma_wait3A, %dma_wait3A_135] : memref<2x128x256xf32, #tpu.memory_space<vmem>> -> memref<1x128x256xf32, #tpu.memory_space<vmem>>
      %dma_wait3A_137 = tpu.memref_squeeze %dma_wait3A_136 : memref<1x128x256xf32, #tpu.memory_space<vmem>> -> memref<128x256xf32, #tpu.memory_space<vmem>>
      %dma_wait3A_138 = arith.constant 0 : i32
      %dma_wait3A_139 = tpu.memref_slice %arg7[%mul3A_134, %dma_wait3A_138] : memref<8192x1024xf32, #tpu.memory_space<hbm>> -> memref<128x256xf32, #tpu.memory_space<hbm>>
      %dma_wait3A_140 = tpu.memref_slice %run_scoped3A_36[%rem3A_132] : memref<2x!tpu.dma_semaphore, #tpu.memory_space<semaphore_mem>> -> memref<1x!tpu.dma_semaphore, #tpu.memory_space<semaphore_mem>>
      %dma_wait3A_141 = tpu.memref_squeeze %dma_wait3A_140 : memref<1x!tpu.dma_semaphore, #tpu.memory_space<semaphore_mem>> -> memref<!tpu.dma_semaphore, #tpu.memory_space<semaphore_mem>>
      %dma_wait3A_142 = arith.constant 0 : i32
      %dma_wait3A_143 = tpu.memref_slice %arg7[%mul3A_134, %dma_wait3A_142] : memref<8192x1024xf32, #tpu.memory_space<hbm>> -> memref<128x256xf32, #tpu.memory_space<hbm>>
      %dma_wait3A_144 = arith.constant 0 : i32
      %dma_wait3A_145 = arith.constant 0 : i32
      %dma_wait3A_146 = tpu.memref_slice %run_scoped3A_35[%rem3A_132, %dma_wait3A_144, %dma_wait3A_145] : memref<2x128x256xf32, #tpu.memory_space<vmem>> -> memref<1x128x256xf32, #tpu.memory_space<vmem>>
      %dma_wait3A_147 = tpu.memref_squeeze %dma_wait3A_146 : memref<1x128x256xf32, #tpu.memory_space<vmem>> -> memref<128x256xf32, #tpu.memory_space<vmem>>
      tpu.wait_dma2 semaphore(%dma_wait3A_141 : memref<!tpu.dma_semaphore, #tpu.memory_space<semaphore_mem>>) src(%dma_wait3A_147 : memref<128x256xf32, #tpu.memory_space<vmem>>) dst(%dma_wait3A_143 : memref<128x256xf32, #tpu.memory_space<hbm>>)
      "tpu.trace_stop"() : () -> ()
      tpu.yield
    }) : () -> ()
    %mul3A_7 = arith.constant 1 : i32
    %mul3A_8 = arith.muli %arg1, %mul3A_7 : i32
    %add3A_9 = arith.constant 0 : i32
    %add3A_10 = arith.addi %add3A_9, %mul3A_8 : i32
    %mul3A_11 = arith.constant 16 : i32
    %mul3A_12 = arith.muli %arg0, %mul3A_11 : i32
    %add3A_13 = arith.addi %add3A_10, %mul3A_12 : i32
    %mul3A_14 = arith.constant 2 : i32
    %mul3A_15 = arith.muli %add3A_13, %mul3A_14 : i32
    "tpu.region"() ({
      %run_scoped3A = memref.alloca() : memref<2x1x128xi32, #tpu.memory_space<vmem>>
      %run_scoped3A_34 = tpu.sem_alloc : memref<2x!tpu.dma_semaphore, #tpu.memory_space<semaphore_mem>>
      %run_scoped3A_35 = memref.alloca() : memref<2x128x256xf32, #tpu.memory_space<vmem>>
      %run_scoped3A_36 = tpu.sem_alloc : memref<2x!tpu.dma_semaphore, #tpu.memory_space<semaphore_mem>>
      %add3A_37 = arith.constant 0 : i32
      %add3A_38 = arith.addi %add3A_37, %mul3A_15 : i32
      %select_n3A = arith.constant true
      %select_n3A_39 = arith.constant 0 : i32
      %select_n3A_40 = arith.constant -1 : i32
      %select_n3A_41 = arith.select %select_n3A, %select_n3A_40, %select_n3A_39 : i32
      %eq3A = arith.constant -1 : i32
      %eq3A_42 = arith.cmpi eq, %select_n3A_41, %eq3A : i32
      %select_n3A_43 = arith.constant 1 : i32
      %select_n3A_44 = arith.select %eq3A_42, %select_n3A_43, %select_n3A_41 : i32
      %add3A_45 = arith.addi %select_n3A_44, %mul3A_15 : i32
      %select_n3A_46 = arith.constant true
      %select_n3A_47 = arith.constant 0 : i32
      %select_n3A_48 = arith.constant 1 : i32
      %select_n3A_49 = arith.select %select_n3A_46, %select_n3A_48, %select_n3A_47 : i32
      %eq3A_50 = arith.constant 2 : i32
      %eq3A_51 = arith.cmpi eq, %select_n3A_49, %eq3A_50 : i32
      %select_n3A_52 = arith.constant 0 : i32
      %select_n3A_53 = arith.select %eq3A_51, %select_n3A_52, %select_n3A_49 : i32
      %add3A_54 = arith.addi %select_n3A_53, %mul3A_15 : i32
      %add3A_55 = arith.constant 1 : i32
      %add3A_56 = arith.addi %select_n3A_53, %add3A_55 : i32
      %select_n3A_57 = arith.constant true
      %select_n3A_58 = arith.select %select_n3A_57, %add3A_56, %select_n3A_53 : i32
      %eq3A_59 = arith.constant 2 : i32
      %eq3A_60 = arith.cmpi eq, %select_n3A_58, %eq3A_59 : i32
      %select_n3A_61 = arith.constant 0 : i32
      %select_n3A_62 = arith.select %eq3A_60, %select_n3A_61, %select_n3A_58 : i32
      %add3A_63 = arith.addi %select_n3A_62, %mul3A_15 : i32
      "tpu.trace_start"() <{level = 10 : i32, message = "ep_initialize_0"}> : () -> ()
      %rem3A = arith.constant 0 : i32
      %rem3A_64 = arith.constant 2 : i32
      %rem3A_65 = arith.remui %rem3A, %rem3A_64 : i32
      %mul3A_66 = arith.constant 128 : i32
      %mul3A_67 = arith.muli %mul3A_66, %add3A_38 : i32
      %dma_start3A = arith.constant 0 : i32
      %dma_start3A_68 = arith.constant 0 : i32
      %dma_start3A_69 = tpu.memref_slice %run_scoped3A[%rem3A_65, %dma_start3A, %dma_start3A_68] : memref<2x1x128xi32, #tpu.memory_space<vmem>> -> memref<1x1x128xi32, #tpu.memory_space<vmem>>
      %dma_start3A_70 = tpu.memref_squeeze %dma_start3A_69 : memref<1x1x128xi32, #tpu.memory_space<vmem>> -> memref<1x128xi32, #tpu.memory_space<vmem>>
      %dma_start3A_71 = arith.constant 0 : i32
      %dma_start3A_72 = tpu.memref_slice %arg6[%dma_start3A_71, %mul3A_67] : memref<1x8192xi32, #tpu.memory_space<hbm>> -> memref<1x128xi32, #tpu.memory_space<hbm>>
      %dma_start3A_73 = tpu.memref_slice %run_scoped3A_34[%rem3A_65] : memref<2x!tpu.dma_semaphore, #tpu.memory_space<semaphore_mem>> -> memref<1x!tpu.dma_semaphore, #tpu.memory_space<semaphore_mem>>
      %dma_start3A_74 = tpu.memref_squeeze %dma_start3A_73 : memref<1x!tpu.dma_semaphore, #tpu.memory_space<semaphore_mem>> -> memref<!tpu.dma_semaphore, #tpu.memory_space<semaphore_mem>>
      %dma_start3A_75 = arith.constant 0 : i32
      %dma_start3A_76 = arith.constant 0 : i32
      %dma_start3A_77 = tpu.memref_slice %run_scoped3A[%rem3A_65, %dma_start3A_75, %dma_start3A_76] : memref<2x1x128xi32, #tpu.memory_space<vmem>> -> memref<1x1x128xi32, #tpu.memory_space<vmem>>
      %dma_start3A_78 = tpu.memref_squeeze %dma_start3A_77 : memref<1x1x128xi32, #tpu.memory_space<vmem>> -> memref<1x128xi32, #tpu.memory_space<vmem>>
      %dma_start3A_79 = arith.constant 0 : i32
      %dma_start3A_80 = tpu.memref_slice %arg6[%dma_start3A_79, %mul3A_67] : memref<1x8192xi32, #tpu.memory_space<hbm>> -> memref<1x128xi32, #tpu.memory_space<hbm>>
      tpu.enqueue_dma source(%dma_start3A_80 : memref<1x128xi32, #tpu.memory_space<hbm>>) target(%dma_start3A_78 : memref<1x128xi32, #tpu.memory_space<vmem>>) target_semaphore(%dma_start3A_74 : memref<!tpu.dma_semaphore, #tpu.memory_space<semaphore_mem>>)
      %add3A_81 = arith.constant 0 : i32
      %add3A_82 = arith.constant 1 : i32
      %add3A_83 = arith.addi %add3A_81, %add3A_82 : i32
      %select_n3A_84 = arith.constant true
      %select_n3A_85 = arith.constant 0 : i32
      %select_n3A_86 = arith.select %select_n3A_84, %add3A_83, %select_n3A_85 : i32
      "tpu.trace_stop"() : () -> ()
      %scan3A = arith.constant 0 : i32
      %scan3A_87 = arith.constant 0 : i32
      %scan3A_88 = arith.constant 0 : i32
      %scan3A_89 = arith.constant 0 : i32
      %scan3A_90 = arith.constant 0 : i32
      %scan3A_91 = arith.constant 2 : i32
      %scan3A_92 = arith.addi %scan3A_90, %scan3A_91 : i32
      %scan3A_93 = arith.constant 1 : i32
      %scan3A_94:5 = scf.for %scan3A_148 = %scan3A_90 to %scan3A_92 step %scan3A_93 iter_args(%scan3A_149 = %select_n3A_86, %scan3A_150 = %scan3A, %scan3A_151 = %scan3A_87, %scan3A_152 = %scan3A_88, %scan3A_153 = %scan3A_89) -> (i32, i32, i32, i32, i32)  : i32 {
        %eq3A_154 = arith.constant 0 : i32
        %eq3A_155 = arith.cmpi eq, %scan3A_148, %eq3A_154 : i32
        %eq3A_156 = arith.constant 1 : i32
        %eq3A_157 = arith.cmpi eq, %scan3A_148, %eq3A_156 : i32
        %add3A_158 = arith.addi %scan3A_153, %mul3A_15 : i32
        %sub3A_159 = arith.constant 1 : i32
        %sub3A_160 = arith.subi %scan3A_153, %sub3A_159 : i32
        %select_n3A_161 = arith.constant true
        %select_n3A_162 = arith.select %select_n3A_161, %sub3A_160, %scan3A_153 : i32
        %eq3A_163 = arith.constant -1 : i32
        %eq3A_164 = arith.cmpi eq, %select_n3A_162, %eq3A_163 : i32
        %select_n3A_165 = arith.constant 1 : i32
        %select_n3A_166 = arith.select %eq3A_164, %select_n3A_165, %select_n3A_162 : i32
        %add3A_167 = arith.addi %select_n3A_166, %mul3A_15 : i32
        %add3A_168 = arith.constant 1 : i32
        %add3A_169 = arith.addi %scan3A_153, %add3A_168 : i32
        %select_n3A_170 = arith.constant true
        %select_n3A_171 = arith.select %select_n3A_170, %add3A_169, %scan3A_153 : i32
        %eq3A_172 = arith.constant 2 : i32
        %eq3A_173 = arith.cmpi eq, %select_n3A_171, %eq3A_172 : i32
        %select_n3A_174 = arith.constant 0 : i32
        %select_n3A_175 = arith.select %eq3A_173, %select_n3A_174, %select_n3A_171 : i32
        %add3A_176 = arith.addi %select_n3A_175, %mul3A_15 : i32
        %add3A_177 = arith.constant 1 : i32
        %add3A_178 = arith.addi %select_n3A_175, %add3A_177 : i32
        %select_n3A_179 = arith.constant true
        %select_n3A_180 = arith.select %select_n3A_179, %add3A_178, %select_n3A_175 : i32
        %eq3A_181 = arith.constant 2 : i32
        %eq3A_182 = arith.cmpi eq, %select_n3A_180, %eq3A_181 : i32
        %select_n3A_183 = arith.constant 0 : i32
        %select_n3A_184 = arith.select %eq3A_182, %select_n3A_183, %select_n3A_180 : i32
        %add3A_185 = arith.addi %select_n3A_184, %mul3A_15 : i32
        %ne3A = arith.cmpi ne, %add3A_158, %add3A_176 : i32
        %or3A = arith.constant false
        %or3A_186 = arith.ori %or3A, %ne3A : i1
        %ge3A = arith.constant 1 : i32
        %ge3A_187 = arith.cmpi sge, %scan3A_148, %ge3A : i32
        %not3A = arith.constant true
        %not3A_188 = arith.xori %ge3A_187, %not3A : i1
        %and3A = arith.andi %or3A_186, %not3A_188 : i1
        %convert_element_type3A = arith.extui %and3A : i1 to i32
        %cond3A = arith.constant 0 : i32
        %cond3A_189 = arith.cmpi ne, %convert_element_type3A, %cond3A : i32
        scf.if %cond3A_189 {
          "tpu.trace_start"() <{level = 10 : i32, message = "ep_copy_in"}> : () -> ()
          %rem3A_291 = arith.constant 2 : i32
          %rem3A_292 = arith.remui %scan3A_149, %rem3A_291 : i32
          %mul3A_293 = arith.constant 128 : i32
          %mul3A_294 = arith.muli %mul3A_293, %add3A_176 : i32
          %dma_start3A_295 = arith.constant 0 : i32
          %dma_start3A_296 = arith.constant 0 : i32
          %dma_start3A_297 = tpu.memref_slice %run_scoped3A[%rem3A_292, %dma_start3A_295, %dma_start3A_296] : memref<2x1x128xi32, #tpu.memory_space<vmem>> -> memref<1x1x128xi32, #tpu.memory_space<vmem>>
          %dma_start3A_298 = tpu.memref_squeeze %dma_start3A_297 : memref<1x1x128xi32, #tpu.memory_space<vmem>> -> memref<1x128xi32, #tpu.memory_space<vmem>>
          %dma_start3A_299 = arith.constant 0 : i32
          %dma_start3A_300 = tpu.memref_slice %arg6[%dma_start3A_299, %mul3A_294] : memref<1x8192xi32, #tpu.memory_space<hbm>> -> memref<1x128xi32, #tpu.memory_space<hbm>>
          %dma_start3A_301 = tpu.memref_slice %run_scoped3A_34[%rem3A_292] : memref<2x!tpu.dma_semaphore, #tpu.memory_space<semaphore_mem>> -> memref<1x!tpu.dma_semaphore, #tpu.memory_space<semaphore_mem>>
          %dma_start3A_302 = tpu.memref_squeeze %dma_start3A_301 : memref<1x!tpu.dma_semaphore, #tpu.memory_space<semaphore_mem>> -> memref<!tpu.dma_semaphore, #tpu.memory_space<semaphore_mem>>
          %dma_start3A_303 = arith.constant 0 : i32
          %dma_start3A_304 = arith.constant 0 : i32
          %dma_start3A_305 = tpu.memref_slice %run_scoped3A[%rem3A_292, %dma_start3A_303, %dma_start3A_304] : memref<2x1x128xi32, #tpu.memory_space<vmem>> -> memref<1x1x128xi32, #tpu.memory_space<vmem>>
          %dma_start3A_306 = tpu.memref_squeeze %dma_start3A_305 : memref<1x1x128xi32, #tpu.memory_space<vmem>> -> memref<1x128xi32, #tpu.memory_space<vmem>>
          %dma_start3A_307 = arith.constant 0 : i32
          %dma_start3A_308 = tpu.memref_slice %arg6[%dma_start3A_307, %mul3A_294] : memref<1x8192xi32, #tpu.memory_space<hbm>> -> memref<1x128xi32, #tpu.memory_space<hbm>>
          tpu.enqueue_dma source(%dma_start3A_308 : memref<1x128xi32, #tpu.memory_space<hbm>>) target(%dma_start3A_306 : memref<1x128xi32, #tpu.memory_space<vmem>>) target_semaphore(%dma_start3A_302 : memref<!tpu.dma_semaphore, #tpu.memory_space<semaphore_mem>>)
          "tpu.trace_stop"() : () -> ()
        } else {
        }
        %and3A_190 = arith.constant true
        %and3A_191 = arith.andi %and3A, %and3A_190 : i1
        %add3A_192 = arith.constant 1 : i32
        %add3A_193 = arith.addi %scan3A_149, %add3A_192 : i32
        %select_n3A_194 = arith.select %and3A_191, %add3A_193, %scan3A_149 : i32
        %ne3A_195 = arith.cmpi ne, %add3A_158, %add3A_176 : i32
        %or3A_196 = arith.constant false
        %or3A_197 = arith.ori %or3A_196, %ne3A_195 : i1
        %or3A_198 = arith.constant false
        %or3A_199 = arith.ori %or3A_197, %or3A_198 : i1
        %ge3A_200 = arith.constant 1 : i32
        %ge3A_201 = arith.cmpi sge, %scan3A_148, %ge3A_200 : i32
        %not3A_202 = arith.constant true
        %not3A_203 = arith.xori %ge3A_201, %not3A_202 : i1
        %and3A_204 = arith.andi %or3A_199, %not3A_203 : i1
        %ne3A_205 = arith.cmpi ne, %add3A_158, %add3A_167 : i32
        %or3A_206 = arith.constant false
        %or3A_207 = arith.ori %or3A_206, %ne3A_205 : i1
        %or3A_208 = arith.ori %or3A_207, %eq3A_155 : i1
        %convert_element_type3A_209 = arith.extui %or3A_208 : i1 to i32
        %cond3A_210 = arith.constant 0 : i32
        %cond3A_211 = arith.cmpi ne, %convert_element_type3A_209, %cond3A_210 : i32
        scf.if %cond3A_211 {
          "tpu.trace_start"() <{level = 10 : i32, message = "ep_wait_in"}> : () -> ()
          %mul3A_291 = arith.constant 128 : i32
          %mul3A_292 = arith.muli %mul3A_291, %add3A_158 : i32
          %rem3A_293 = arith.constant 2 : i32
          %rem3A_294 = arith.remui %scan3A_150, %rem3A_293 : i32
          %dma_wait3A_295 = arith.constant 0 : i32
          %dma_wait3A_296 = arith.constant 0 : i32
          %dma_wait3A_297 = tpu.memref_slice %run_scoped3A[%rem3A_294, %dma_wait3A_295, %dma_wait3A_296] : memref<2x1x128xi32, #tpu.memory_space<vmem>> -> memref<1x1x128xi32, #tpu.memory_space<vmem>>
          %dma_wait3A_298 = tpu.memref_squeeze %dma_wait3A_297 : memref<1x1x128xi32, #tpu.memory_space<vmem>> -> memref<1x128xi32, #tpu.memory_space<vmem>>
          %dma_wait3A_299 = arith.constant 0 : i32
          %dma_wait3A_300 = tpu.memref_slice %arg6[%dma_wait3A_299, %mul3A_292] : memref<1x8192xi32, #tpu.memory_space<hbm>> -> memref<1x128xi32, #tpu.memory_space<hbm>>
          %dma_wait3A_301 = tpu.memref_slice %run_scoped3A_34[%rem3A_294] : memref<2x!tpu.dma_semaphore, #tpu.memory_space<semaphore_mem>> -> memref<1x!tpu.dma_semaphore, #tpu.memory_space<semaphore_mem>>
          %dma_wait3A_302 = tpu.memref_squeeze %dma_wait3A_301 : memref<1x!tpu.dma_semaphore, #tpu.memory_space<semaphore_mem>> -> memref<!tpu.dma_semaphore, #tpu.memory_space<semaphore_mem>>
          %dma_wait3A_303 = arith.constant 0 : i32
          %dma_wait3A_304 = arith.constant 0 : i32
          %dma_wait3A_305 = tpu.memref_slice %run_scoped3A[%rem3A_294, %dma_wait3A_303, %dma_wait3A_304] : memref<2x1x128xi32, #tpu.memory_space<vmem>> -> memref<1x1x128xi32, #tpu.memory_space<vmem>>
          %dma_wait3A_306 = tpu.memref_squeeze %dma_wait3A_305 : memref<1x1x128xi32, #tpu.memory_space<vmem>> -> memref<1x128xi32, #tpu.memory_space<vmem>>
          %dma_wait3A_307 = arith.constant 0 : i32
          %dma_wait3A_308 = tpu.memref_slice %arg6[%dma_wait3A_307, %mul3A_292] : memref<1x8192xi32, #tpu.memory_space<hbm>> -> memref<1x128xi32, #tpu.memory_space<hbm>>
          tpu.wait_dma2 semaphore(%dma_wait3A_302 : memref<!tpu.dma_semaphore, #tpu.memory_space<semaphore_mem>>) src(%dma_wait3A_308 : memref<1x128xi32, #tpu.memory_space<hbm>>) dst(%dma_wait3A_306 : memref<1x128xi32, #tpu.memory_space<vmem>>)
          "tpu.trace_stop"() : () -> ()
        } else {
        }
        %ne3A_212 = arith.cmpi ne, %add3A_158, %add3A_167 : i32
        %or3A_213 = arith.constant false
        %or3A_214 = arith.ori %or3A_213, %ne3A_212 : i1
        %or3A_215 = arith.constant false
        %or3A_216 = arith.ori %or3A_214, %or3A_215 : i1
        %or3A_217 = arith.ori %or3A_216, %eq3A_155 : i1
        %convert_element_type3A_218 = arith.extui %or3A_217 : i1 to i32
        %cond3A_219 = arith.constant 0 : i32
        %cond3A_220 = arith.cmpi ne, %convert_element_type3A_218, %cond3A_219 : i32
        scf.if %cond3A_220 {
        } else {
        }
        %rem3A_221 = arith.constant 2 : i32
        %rem3A_222 = arith.remui %scan3A_150, %rem3A_221 : i32
        %rem3A_223 = arith.constant 2 : i32
        %rem3A_224 = arith.remui %scan3A_151, %rem3A_223 : i32
        %run_scoped3A_225 = arith.constant 0 : i32
        "tpu.trace_start"() <{level = 10 : i32, message = "ep_run_kernel"}> : () -> ()
        "tpu.region"() ({
          %run_scoped3A_291 = tpu.sem_alloc : memref<!tpu.dma_semaphore, #tpu.memory_space<semaphore_mem>>
          %dma_start3A_292 = arith.constant 0 : i32
          %dma_start3A_293 = arith.constant 0 : i32
          %dma_start3A_294 = tpu.memref_slice %run_scoped3A_35[%rem3A_224, %dma_start3A_292, %dma_start3A_293] : memref<2x128x256xf32, #tpu.memory_space<vmem>> -> memref<1x128x256xf32, #tpu.memory_space<vmem>>
          %dma_start3A_295 = tpu.memref_squeeze %dma_start3A_294 : memref<1x128x256xf32, #tpu.memory_space<vmem>> -> memref<128x256xf32, #tpu.memory_space<vmem>>
          %dma_start3A_296 = arith.constant 0 : i32
          %dma_start3A_297 = arith.constant 0 : i32
          %dma_start3A_298 = tpu.memref_slice %run_scoped3A[%rem3A_222, %dma_start3A_296, %dma_start3A_297] : memref<2x1x128xi32, #tpu.memory_space<vmem>> -> memref<1x1x128xi32, #tpu.memory_space<vmem>>
          %dma_start3A_299 = tpu.memref_squeeze %dma_start3A_298 : memref<1x1x128xi32, #tpu.memory_space<vmem>> -> memref<1x128xi32, #tpu.memory_space<vmem>>
          %dma_start3A_300 = arith.constant 0 : i32
          %dma_start3A_301 = tpu.memref_slice %dma_start3A_299[%run_scoped3A_225, %dma_start3A_300] : memref<1x128xi32, #tpu.memory_space<vmem>> -> memref<1x128xi32, #tpu.memory_space<vmem>>
          %dma_start3A_302 = tpu.memref_squeeze %dma_start3A_301 : memref<1x128xi32, #tpu.memory_space<vmem>> -> memref<128xi32, #tpu.memory_space<vmem>>
          %dma_start3A_303 = arith.constant 0 : i32
          %dma_start3A_304 = arith.constant 0 : i32
          %dma_start3A_305 = tpu.memref_slice %arg3[%dma_start3A_303, %dma_start3A_304] : memref<8192x256xf32, #tpu.memory_space<hbm>> -> memref<8192x256xf32, #tpu.memory_space<hbm>>
          tpu.enqueue_indirect_dma source(%dma_start3A_305 : memref<8192x256xf32, #tpu.memory_space<hbm>>) target(%dma_start3A_295 : memref<128x256xf32, #tpu.memory_space<vmem>>) offsets(%dma_start3A_302 : memref<128xi32, #tpu.memory_space<vmem>>) semaphore(%run_scoped3A_291 : memref<!tpu.dma_semaphore, #tpu.memory_space<semaphore_mem>>)
          %dma_wait3A_306 = arith.constant 0 : i32
          %dma_wait3A_307 = arith.constant 0 : i32
          %dma_wait3A_308 = tpu.memref_slice %run_scoped3A_35[%rem3A_224, %dma_wait3A_306, %dma_wait3A_307] : memref<2x128x256xf32, #tpu.memory_space<vmem>> -> memref<1x128x256xf32, #tpu.memory_space<vmem>>
          %dma_wait3A_309 = tpu.memref_squeeze %dma_wait3A_308 : memref<1x128x256xf32, #tpu.memory_space<vmem>> -> memref<128x256xf32, #tpu.memory_space<vmem>>
          %dma_wait3A_310 = arith.constant 0 : i32
          %dma_wait3A_311 = arith.constant 0 : i32
          %dma_wait3A_312 = tpu.memref_slice %run_scoped3A[%rem3A_222, %dma_wait3A_310, %dma_wait3A_311] : memref<2x1x128xi32, #tpu.memory_space<vmem>> -> memref<1x1x128xi32, #tpu.memory_space<vmem>>
          %dma_wait3A_313 = tpu.memref_squeeze %dma_wait3A_312 : memref<1x1x128xi32, #tpu.memory_space<vmem>> -> memref<1x128xi32, #tpu.memory_space<vmem>>
          %dma_wait3A_314 = arith.constant 0 : i32
          %dma_wait3A_315 = tpu.memref_slice %dma_wait3A_313[%run_scoped3A_225, %dma_wait3A_314] : memref<1x128xi32, #tpu.memory_space<vmem>> -> memref<1x128xi32, #tpu.memory_space<vmem>>
          %dma_wait3A_316 = tpu.memref_squeeze %dma_wait3A_315 : memref<1x128xi32, #tpu.memory_space<vmem>> -> memref<128xi32, #tpu.memory_space<vmem>>
          %dma_wait3A_317 = arith.constant 0 : i32
          %dma_wait3A_318 = arith.constant 0 : i32
          %dma_wait3A_319 = tpu.memref_slice %arg3[%dma_wait3A_317, %dma_wait3A_318] : memref<8192x256xf32, #tpu.memory_space<hbm>> -> memref<8192x256xf32, #tpu.memory_space<hbm>>
          tpu.wait_indirect_dma semaphore(%run_scoped3A_291 : memref<!tpu.dma_semaphore, #tpu.memory_space<semaphore_mem>>) src(%dma_wait3A_319 : memref<8192x256xf32, #tpu.memory_space<hbm>>) dst(%dma_wait3A_309 : memref<128x256xf32, #tpu.memory_space<vmem>>)
          tpu.yield
        }) : () -> ()
        "tpu.trace_stop"() : () -> ()
        %ne3A_226 = arith.cmpi ne, %add3A_158, %add3A_176 : i32
        %or3A_227 = arith.constant false
        %or3A_228 = arith.ori %or3A_227, %ne3A_226 : i1
        %or3A_229 = arith.ori %or3A_228, %eq3A_157 : i1
        %convert_element_type3A_230 = arith.extui %or3A_229 : i1 to i32
        %cond3A_231 = arith.constant 0 : i32
        %cond3A_232 = arith.cmpi ne, %convert_element_type3A_230, %cond3A_231 : i32
        scf.if %cond3A_232 {
        } else {
        }
        %and3A_233 = arith.constant false
        %and3A_234 = arith.andi %or3A_229, %and3A_233 : i1
        %ne3A_235 = arith.cmpi ne, %add3A_158, %add3A_176 : i32
        %or3A_236 = arith.constant false
        %or3A_237 = arith.ori %or3A_236, %ne3A_235 : i1
        %or3A_238 = arith.constant false
        %or3A_239 = arith.ori %or3A_237, %or3A_238 : i1
        %or3A_240 = arith.ori %or3A_239, %eq3A_157 : i1
        %convert_element_type3A_241 = arith.extui %or3A_240 : i1 to i32
        %cond3A_242 = arith.constant 0 : i32
        %cond3A_243 = arith.cmpi ne, %convert_element_type3A_241, %cond3A_242 : i32
        scf.if %cond3A_243 {
          "tpu.trace_start"() <{level = 10 : i32, message = "ep_copy_out"}> : () -> ()
          %rem3A_291 = arith.constant 2 : i32
          %rem3A_292 = arith.remui %scan3A_151, %rem3A_291 : i32
          %mul3A_293 = arith.constant 128 : i32
          %mul3A_294 = arith.muli %mul3A_293, %add3A_158 : i32
          %dma_start3A_295 = arith.constant 0 : i32
          %dma_start3A_296 = arith.constant 0 : i32
          %dma_start3A_297 = tpu.memref_slice %run_scoped3A_35[%rem3A_292, %dma_start3A_295, %dma_start3A_296] : memref<2x128x256xf32, #tpu.memory_space<vmem>> -> memref<1x128x256xf32, #tpu.memory_space<vmem>>
          %dma_start3A_298 = tpu.memref_squeeze %dma_start3A_297 : memref<1x128x256xf32, #tpu.memory_space<vmem>> -> memref<128x256xf32, #tpu.memory_space<vmem>>
          %dma_start3A_299 = arith.constant 256 : i32
          %dma_start3A_300 = tpu.memref_slice %arg7[%mul3A_294, %dma_start3A_299] : memref<8192x1024xf32, #tpu.memory_space<hbm>> -> memref<128x256xf32, #tpu.memory_space<hbm>>
          %dma_start3A_301 = tpu.memref_slice %run_scoped3A_36[%rem3A_292] : memref<2x!tpu.dma_semaphore, #tpu.memory_space<semaphore_mem>> -> memref<1x!tpu.dma_semaphore, #tpu.memory_space<semaphore_mem>>
          %dma_start3A_302 = tpu.memref_squeeze %dma_start3A_301 : memref<1x!tpu.dma_semaphore, #tpu.memory_space<semaphore_mem>> -> memref<!tpu.dma_semaphore, #tpu.memory_space<semaphore_mem>>
          %dma_start3A_303 = arith.constant 256 : i32
          %dma_start3A_304 = tpu.memref_slice %arg7[%mul3A_294, %dma_start3A_303] : memref<8192x1024xf32, #tpu.memory_space<hbm>> -> memref<128x256xf32, #tpu.memory_space<hbm>>
          %dma_start3A_305 = arith.constant 0 : i32
          %dma_start3A_306 = arith.constant 0 : i32
          %dma_start3A_307 = tpu.memref_slice %run_scoped3A_35[%rem3A_292, %dma_start3A_305, %dma_start3A_306] : memref<2x128x256xf32, #tpu.memory_space<vmem>> -> memref<1x128x256xf32, #tpu.memory_space<vmem>>
          %dma_start3A_308 = tpu.memref_squeeze %dma_start3A_307 : memref<1x128x256xf32, #tpu.memory_space<vmem>> -> memref<128x256xf32, #tpu.memory_space<vmem>>
          tpu.enqueue_dma source(%dma_start3A_308 : memref<128x256xf32, #tpu.memory_space<vmem>>) target(%dma_start3A_304 : memref<128x256xf32, #tpu.memory_space<hbm>>) target_semaphore(%dma_start3A_302 : memref<!tpu.dma_semaphore, #tpu.memory_space<semaphore_mem>>)
          "tpu.trace_stop"() : () -> ()
        } else {
        }
        %and3A_244 = arith.constant true
        %and3A_245 = arith.andi %or3A_240, %and3A_244 : i1
        %add3A_246 = arith.constant 1 : i32
        %add3A_247 = arith.addi %scan3A_151, %add3A_246 : i32
        %select_n3A_248 = arith.select %and3A_245, %add3A_247, %scan3A_151 : i32
        %ne3A_249 = arith.cmpi ne, %add3A_158, %add3A_167 : i32
        %or3A_250 = arith.constant false
        %or3A_251 = arith.ori %or3A_250, %ne3A_249 : i1
        %not3A_252 = arith.constant true
        %not3A_253 = arith.xori %eq3A_155, %not3A_252 : i1
        %and3A_254 = arith.andi %or3A_251, %not3A_253 : i1
        %convert_element_type3A_255 = arith.extui %and3A_254 : i1 to i32
        %cond3A_256 = arith.constant 0 : i32
        %cond3A_257 = arith.cmpi ne, %convert_element_type3A_255, %cond3A_256 : i32
        scf.if %cond3A_257 {
        } else {
        }
        %and3A_258 = arith.constant false
        %and3A_259 = arith.andi %and3A_254, %and3A_258 : i1
        %ne3A_260 = arith.cmpi ne, %add3A_158, %add3A_167 : i32
        %or3A_261 = arith.constant false
        %or3A_262 = arith.ori %or3A_261, %ne3A_260 : i1
        %or3A_263 = arith.constant false
        %or3A_264 = arith.ori %or3A_262, %or3A_263 : i1
        %not3A_265 = arith.constant true
        %not3A_266 = arith.xori %eq3A_155, %not3A_265 : i1
        %and3A_267 = arith.andi %or3A_264, %not3A_266 : i1
        %convert_element_type3A_268 = arith.extui %and3A_267 : i1 to i32
        %cond3A_269 = arith.constant 0 : i32
        %cond3A_270 = arith.cmpi ne, %convert_element_type3A_268, %cond3A_269 : i32
        scf.if %cond3A_270 {
          "tpu.trace_start"() <{level = 10 : i32, message = "ep_wait_out"}> : () -> ()
          %rem3A_291 = arith.constant 2 : i32
          %rem3A_292 = arith.remui %scan3A_152, %rem3A_291 : i32
          %mul3A_293 = arith.constant 128 : i32
          %mul3A_294 = arith.muli %mul3A_293, %add3A_167 : i32
          %dma_wait3A_295 = arith.constant 0 : i32
          %dma_wait3A_296 = arith.constant 0 : i32
          %dma_wait3A_297 = tpu.memref_slice %run_scoped3A_35[%rem3A_292, %dma_wait3A_295, %dma_wait3A_296] : memref<2x128x256xf32, #tpu.memory_space<vmem>> -> memref<1x128x256xf32, #tpu.memory_space<vmem>>
          %dma_wait3A_298 = tpu.memref_squeeze %dma_wait3A_297 : memref<1x128x256xf32, #tpu.memory_space<vmem>> -> memref<128x256xf32, #tpu.memory_space<vmem>>
          %dma_wait3A_299 = arith.constant 256 : i32
          %dma_wait3A_300 = tpu.memref_slice %arg7[%mul3A_294, %dma_wait3A_299] : memref<8192x1024xf32, #tpu.memory_space<hbm>> -> memref<128x256xf32, #tpu.memory_space<hbm>>
          %dma_wait3A_301 = tpu.memref_slice %run_scoped3A_36[%rem3A_292] : memref<2x!tpu.dma_semaphore, #tpu.memory_space<semaphore_mem>> -> memref<1x!tpu.dma_semaphore, #tpu.memory_space<semaphore_mem>>
          %dma_wait3A_302 = tpu.memref_squeeze %dma_wait3A_301 : memref<1x!tpu.dma_semaphore, #tpu.memory_space<semaphore_mem>> -> memref<!tpu.dma_semaphore, #tpu.memory_space<semaphore_mem>>
          %dma_wait3A_303 = arith.constant 256 : i32
          %dma_wait3A_304 = tpu.memref_slice %arg7[%mul3A_294, %dma_wait3A_303] : memref<8192x1024xf32, #tpu.memory_space<hbm>> -> memref<128x256xf32, #tpu.memory_space<hbm>>
          %dma_wait3A_305 = arith.constant 0 : i32
          %dma_wait3A_306 = arith.constant 0 : i32
          %dma_wait3A_307 = tpu.memref_slice %run_scoped3A_35[%rem3A_292, %dma_wait3A_305, %dma_wait3A_306] : memref<2x128x256xf32, #tpu.memory_space<vmem>> -> memref<1x128x256xf32, #tpu.memory_space<vmem>>
          %dma_wait3A_308 = tpu.memref_squeeze %dma_wait3A_307 : memref<1x128x256xf32, #tpu.memory_space<vmem>> -> memref<128x256xf32, #tpu.memory_space<vmem>>
          tpu.wait_dma2 semaphore(%dma_wait3A_302 : memref<!tpu.dma_semaphore, #tpu.memory_space<semaphore_mem>>) src(%dma_wait3A_308 : memref<128x256xf32, #tpu.memory_space<vmem>>) dst(%dma_wait3A_304 : memref<128x256xf32, #tpu.memory_space<hbm>>)
          "tpu.trace_stop"() : () -> ()
        } else {
        }
        %and3A_271 = arith.constant true
        %and3A_272 = arith.andi %and3A_267, %and3A_271 : i1
        %add3A_273 = arith.constant 1 : i32
        %add3A_274 = arith.addi %scan3A_152, %add3A_273 : i32
        %select_n3A_275 = arith.select %and3A_272, %add3A_274, %scan3A_152 : i32
        %ne3A_276 = arith.cmpi ne, %add3A_158, %add3A_176 : i32
        %or3A_277 = arith.constant false
        %or3A_278 = arith.ori %or3A_277, %ne3A_276 : i1
        %or3A_279 = arith.ori %or3A_278, %eq3A_157 : i1
        %add3A_280 = arith.constant 1 : i32
        %add3A_281 = arith.addi %scan3A_150, %add3A_280 : i32
        %select_n3A_282 = arith.select %or3A_279, %add3A_281, %scan3A_150 : i32
        %add3A_283 = arith.constant 1 : i32
        %add3A_284 = arith.addi %scan3A_153, %add3A_283 : i32
        %select_n3A_285 = arith.constant true
        %select_n3A_286 = arith.select %select_n3A_285, %add3A_284, %scan3A_153 : i32
        %eq3A_287 = arith.constant 2 : i32
        %eq3A_288 = arith.cmpi eq, %select_n3A_286, %eq3A_287 : i32
        %select_n3A_289 = arith.constant 0 : i32
        %select_n3A_290 = arith.select %eq3A_288, %select_n3A_289, %select_n3A_286 : i32
        scf.yield %select_n3A_194, %select_n3A_282, %select_n3A_248, %select_n3A_275, %select_n3A_290 : i32, i32, i32, i32, i32
      }
      %scan3A_95 = arith.constant 2 : i32
      %sub3A = arith.constant 1 : i32
      %sub3A_96 = arith.subi %scan3A_94#4, %sub3A : i32
      %select_n3A_97 = arith.constant true
      %select_n3A_98 = arith.select %select_n3A_97, %sub3A_96, %scan3A_94#4 : i32
      %eq3A_99 = arith.constant -1 : i32
      %eq3A_100 = arith.cmpi eq, %select_n3A_98, %eq3A_99 : i32
      %select_n3A_101 = arith.constant 1 : i32
      %select_n3A_102 = arith.select %eq3A_100, %select_n3A_101, %select_n3A_98 : i32
      %add3A_103 = arith.addi %select_n3A_102, %mul3A_15 : i32
      %sub3A_104 = arith.constant 1 : i32
      %sub3A_105 = arith.subi %select_n3A_102, %sub3A_104 : i32
      %select_n3A_106 = arith.constant true
      %select_n3A_107 = arith.select %select_n3A_106, %sub3A_105, %select_n3A_102 : i32
      %eq3A_108 = arith.constant -1 : i32
      %eq3A_109 = arith.cmpi eq, %select_n3A_107, %eq3A_108 : i32
      %select_n3A_110 = arith.constant 1 : i32
      %select_n3A_111 = arith.select %eq3A_109, %select_n3A_110, %select_n3A_107 : i32
      %add3A_112 = arith.addi %select_n3A_111, %mul3A_15 : i32
      %add3A_113 = arith.constant 1 : i32
      %add3A_114 = arith.addi %select_n3A_102, %add3A_113 : i32
      %select_n3A_115 = arith.constant true
      %select_n3A_116 = arith.select %select_n3A_115, %add3A_114, %select_n3A_102 : i32
      %eq3A_117 = arith.constant 2 : i32
      %eq3A_118 = arith.cmpi eq, %select_n3A_116, %eq3A_117 : i32
      %select_n3A_119 = arith.constant 0 : i32
      %select_n3A_120 = arith.select %eq3A_118, %select_n3A_119, %select_n3A_116 : i32
      %add3A_121 = arith.addi %select_n3A_120, %mul3A_15 : i32
      %add3A_122 = arith.constant 1 : i32
      %add3A_123 = arith.addi %select_n3A_120, %add3A_122 : i32
      %select_n3A_124 = arith.constant true
      %select_n3A_125 = arith.select %select_n3A_124, %add3A_123, %select_n3A_120 : i32
      %eq3A_126 = arith.constant 2 : i32
      %eq3A_127 = arith.cmpi eq, %select_n3A_125, %eq3A_126 : i32
      %select_n3A_128 = arith.constant 0 : i32
      %select_n3A_129 = arith.select %eq3A_127, %select_n3A_128, %select_n3A_125 : i32
      %add3A_130 = arith.addi %select_n3A_129, %mul3A_15 : i32
      "tpu.trace_start"() <{level = 10 : i32, message = "ep_finalize"}> : () -> ()
      %rem3A_131 = arith.constant 2 : i32
      %rem3A_132 = arith.remui %scan3A_94#3, %rem3A_131 : i32
      %mul3A_133 = arith.constant 128 : i32
      %mul3A_134 = arith.muli %mul3A_133, %add3A_103 : i32
      %dma_wait3A = arith.constant 0 : i32
      %dma_wait3A_135 = arith.constant 0 : i32
      %dma_wait3A_136 = tpu.memref_slice %run_scoped3A_35[%rem3A_132, %dma_wait3A, %dma_wait3A_135] : memref<2x128x256xf32, #tpu.memory_space<vmem>> -> memref<1x128x256xf32, #tpu.memory_space<vmem>>
      %dma_wait3A_137 = tpu.memref_squeeze %dma_wait3A_136 : memref<1x128x256xf32, #tpu.memory_space<vmem>> -> memref<128x256xf32, #tpu.memory_space<vmem>>
      %dma_wait3A_138 = arith.constant 256 : i32
      %dma_wait3A_139 = tpu.memref_slice %arg7[%mul3A_134, %dma_wait3A_138] : memref<8192x1024xf32, #tpu.memory_space<hbm>> -> memref<128x256xf32, #tpu.memory_space<hbm>>
      %dma_wait3A_140 = tpu.memref_slice %run_scoped3A_36[%rem3A_132] : memref<2x!tpu.dma_semaphore, #tpu.memory_space<semaphore_mem>> -> memref<1x!tpu.dma_semaphore, #tpu.memory_space<semaphore_mem>>
      %dma_wait3A_141 = tpu.memref_squeeze %dma_wait3A_140 : memref<1x!tpu.dma_semaphore, #tpu.memory_space<semaphore_mem>> -> memref<!tpu.dma_semaphore, #tpu.memory_space<semaphore_mem>>
      %dma_wait3A_142 = arith.constant 256 : i32
      %dma_wait3A_143 = tpu.memref_slice %arg7[%mul3A_134, %dma_wait3A_142] : memref<8192x1024xf32, #tpu.memory_space<hbm>> -> memref<128x256xf32, #tpu.memory_space<hbm>>
      %dma_wait3A_144 = arith.constant 0 : i32
      %dma_wait3A_145 = arith.constant 0 : i32
      %dma_wait3A_146 = tpu.memref_slice %run_scoped3A_35[%rem3A_132, %dma_wait3A_144, %dma_wait3A_145] : memref<2x128x256xf32, #tpu.memory_space<vmem>> -> memref<1x128x256xf32, #tpu.memory_space<vmem>>
      %dma_wait3A_147 = tpu.memref_squeeze %dma_wait3A_146 : memref<1x128x256xf32, #tpu.memory_space<vmem>> -> memref<128x256xf32, #tpu.memory_space<vmem>>
      tpu.wait_dma2 semaphore(%dma_wait3A_141 : memref<!tpu.dma_semaphore, #tpu.memory_space<semaphore_mem>>) src(%dma_wait3A_147 : memref<128x256xf32, #tpu.memory_space<vmem>>) dst(%dma_wait3A_143 : memref<128x256xf32, #tpu.memory_space<hbm>>)
      "tpu.trace_stop"() : () -> ()
      tpu.yield
    }) : () -> ()
    %mul3A_16 = arith.constant 1 : i32
    %mul3A_17 = arith.muli %arg1, %mul3A_16 : i32
    %add3A_18 = arith.constant 0 : i32
    %add3A_19 = arith.addi %add3A_18, %mul3A_17 : i32
    %mul3A_20 = arith.constant 16 : i32
    %mul3A_21 = arith.muli %arg0, %mul3A_20 : i32
    %add3A_22 = arith.addi %add3A_19, %mul3A_21 : i32
    %mul3A_23 = arith.constant 2 : i32
    %mul3A_24 = arith.muli %add3A_22, %mul3A_23 : i32
    "tpu.region"() ({
      %run_scoped3A = memref.alloca() : memref<2x1x128xi32, #tpu.memory_space<vmem>>
      %run_scoped3A_34 = tpu.sem_alloc : memref<2x!tpu.dma_semaphore, #tpu.memory_space<semaphore_mem>>
      %run_scoped3A_35 = memref.alloca() : memref<2x128x256xf32, #tpu.memory_space<vmem>>
      %run_scoped3A_36 = tpu.sem_alloc : memref<2x!tpu.dma_semaphore, #tpu.memory_space<semaphore_mem>>
      %add3A_37 = arith.constant 0 : i32
      %add3A_38 = arith.addi %add3A_37, %mul3A_24 : i32
      %select_n3A = arith.constant true
      %select_n3A_39 = arith.constant 0 : i32
      %select_n3A_40 = arith.constant -1 : i32
      %select_n3A_41 = arith.select %select_n3A, %select_n3A_40, %select_n3A_39 : i32
      %eq3A = arith.constant -1 : i32
      %eq3A_42 = arith.cmpi eq, %select_n3A_41, %eq3A : i32
      %select_n3A_43 = arith.constant 1 : i32
      %select_n3A_44 = arith.select %eq3A_42, %select_n3A_43, %select_n3A_41 : i32
      %add3A_45 = arith.addi %select_n3A_44, %mul3A_24 : i32
      %select_n3A_46 = arith.constant true
      %select_n3A_47 = arith.constant 0 : i32
      %select_n3A_48 = arith.constant 1 : i32
      %select_n3A_49 = arith.select %select_n3A_46, %select_n3A_48, %select_n3A_47 : i32
      %eq3A_50 = arith.constant 2 : i32
      %eq3A_51 = arith.cmpi eq, %select_n3A_49, %eq3A_50 : i32
      %select_n3A_52 = arith.constant 0 : i32
      %select_n3A_53 = arith.select %eq3A_51, %select_n3A_52, %select_n3A_49 : i32
      %add3A_54 = arith.addi %select_n3A_53, %mul3A_24 : i32
      %add3A_55 = arith.constant 1 : i32
      %add3A_56 = arith.addi %select_n3A_53, %add3A_55 : i32
      %select_n3A_57 = arith.constant true
      %select_n3A_58 = arith.select %select_n3A_57, %add3A_56, %select_n3A_53 : i32
      %eq3A_59 = arith.constant 2 : i32
      %eq3A_60 = arith.cmpi eq, %select_n3A_58, %eq3A_59 : i32
      %select_n3A_61 = arith.constant 0 : i32
      %select_n3A_62 = arith.select %eq3A_60, %select_n3A_61, %select_n3A_58 : i32
      %add3A_63 = arith.addi %select_n3A_62, %mul3A_24 : i32
      "tpu.trace_start"() <{level = 10 : i32, message = "ep_initialize_0"}> : () -> ()
      %rem3A = arith.constant 0 : i32
      %rem3A_64 = arith.constant 2 : i32
      %rem3A_65 = arith.remui %rem3A, %rem3A_64 : i32
      %mul3A_66 = arith.constant 128 : i32
      %mul3A_67 = arith.muli %mul3A_66, %add3A_38 : i32
      %dma_start3A = arith.constant 0 : i32
      %dma_start3A_68 = arith.constant 0 : i32
      %dma_start3A_69 = tpu.memref_slice %run_scoped3A[%rem3A_65, %dma_start3A, %dma_start3A_68] : memref<2x1x128xi32, #tpu.memory_space<vmem>> -> memref<1x1x128xi32, #tpu.memory_space<vmem>>
      %dma_start3A_70 = tpu.memref_squeeze %dma_start3A_69 : memref<1x1x128xi32, #tpu.memory_space<vmem>> -> memref<1x128xi32, #tpu.memory_space<vmem>>
      %dma_start3A_71 = arith.constant 0 : i32
      %dma_start3A_72 = tpu.memref_slice %arg6[%dma_start3A_71, %mul3A_67] : memref<1x8192xi32, #tpu.memory_space<hbm>> -> memref<1x128xi32, #tpu.memory_space<hbm>>
      %dma_start3A_73 = tpu.memref_slice %run_scoped3A_34[%rem3A_65] : memref<2x!tpu.dma_semaphore, #tpu.memory_space<semaphore_mem>> -> memref<1x!tpu.dma_semaphore, #tpu.memory_space<semaphore_mem>>
      %dma_start3A_74 = tpu.memref_squeeze %dma_start3A_73 : memref<1x!tpu.dma_semaphore, #tpu.memory_space<semaphore_mem>> -> memref<!tpu.dma_semaphore, #tpu.memory_space<semaphore_mem>>
      %dma_start3A_75 = arith.constant 0 : i32
      %dma_start3A_76 = arith.constant 0 : i32
      %dma_start3A_77 = tpu.memref_slice %run_scoped3A[%rem3A_65, %dma_start3A_75, %dma_start3A_76] : memref<2x1x128xi32, #tpu.memory_space<vmem>> -> memref<1x1x128xi32, #tpu.memory_space<vmem>>
      %dma_start3A_78 = tpu.memref_squeeze %dma_start3A_77 : memref<1x1x128xi32, #tpu.memory_space<vmem>> -> memref<1x128xi32, #tpu.memory_space<vmem>>
      %dma_start3A_79 = arith.constant 0 : i32
      %dma_start3A_80 = tpu.memref_slice %arg6[%dma_start3A_79, %mul3A_67] : memref<1x8192xi32, #tpu.memory_space<hbm>> -> memref<1x128xi32, #tpu.memory_space<hbm>>
      tpu.enqueue_dma source(%dma_start3A_80 : memref<1x128xi32, #tpu.memory_space<hbm>>) target(%dma_start3A_78 : memref<1x128xi32, #tpu.memory_space<vmem>>) target_semaphore(%dma_start3A_74 : memref<!tpu.dma_semaphore, #tpu.memory_space<semaphore_mem>>)
      %add3A_81 = arith.constant 0 : i32
      %add3A_82 = arith.constant 1 : i32
      %add3A_83 = arith.addi %add3A_81, %add3A_82 : i32
      %select_n3A_84 = arith.constant true
      %select_n3A_85 = arith.constant 0 : i32
      %select_n3A_86 = arith.select %select_n3A_84, %add3A_83, %select_n3A_85 : i32
      "tpu.trace_stop"() : () -> ()
      %scan3A = arith.constant 0 : i32
      %scan3A_87 = arith.constant 0 : i32
      %scan3A_88 = arith.constant 0 : i32
      %scan3A_89 = arith.constant 0 : i32
      %scan3A_90 = arith.constant 0 : i32
      %scan3A_91 = arith.constant 2 : i32
      %scan3A_92 = arith.addi %scan3A_90, %scan3A_91 : i32
      %scan3A_93 = arith.constant 1 : i32
      %scan3A_94:5 = scf.for %scan3A_148 = %scan3A_90 to %scan3A_92 step %scan3A_93 iter_args(%scan3A_149 = %select_n3A_86, %scan3A_150 = %scan3A, %scan3A_151 = %scan3A_87, %scan3A_152 = %scan3A_88, %scan3A_153 = %scan3A_89) -> (i32, i32, i32, i32, i32)  : i32 {
        %eq3A_154 = arith.constant 0 : i32
        %eq3A_155 = arith.cmpi eq, %scan3A_148, %eq3A_154 : i32
        %eq3A_156 = arith.constant 1 : i32
        %eq3A_157 = arith.cmpi eq, %scan3A_148, %eq3A_156 : i32
        %add3A_158 = arith.addi %scan3A_153, %mul3A_24 : i32
        %sub3A_159 = arith.constant 1 : i32
        %sub3A_160 = arith.subi %scan3A_153, %sub3A_159 : i32
        %select_n3A_161 = arith.constant true
        %select_n3A_162 = arith.select %select_n3A_161, %sub3A_160, %scan3A_153 : i32
        %eq3A_163 = arith.constant -1 : i32
        %eq3A_164 = arith.cmpi eq, %select_n3A_162, %eq3A_163 : i32
        %select_n3A_165 = arith.constant 1 : i32
        %select_n3A_166 = arith.select %eq3A_164, %select_n3A_165, %select_n3A_162 : i32
        %add3A_167 = arith.addi %select_n3A_166, %mul3A_24 : i32
        %add3A_168 = arith.constant 1 : i32
        %add3A_169 = arith.addi %scan3A_153, %add3A_168 : i32
        %select_n3A_170 = arith.constant true
        %select_n3A_171 = arith.select %select_n3A_170, %add3A_169, %scan3A_153 : i32
        %eq3A_172 = arith.constant 2 : i32
        %eq3A_173 = arith.cmpi eq, %select_n3A_171, %eq3A_172 : i32
        %select_n3A_174 = arith.constant 0 : i32
        %select_n3A_175 = arith.select %eq3A_173, %select_n3A_174, %select_n3A_171 : i32
        %add3A_176 = arith.addi %select_n3A_175, %mul3A_24 : i32
        %add3A_177 = arith.constant 1 : i32
        %add3A_178 = arith.addi %select_n3A_175, %add3A_177 : i32
        %select_n3A_179 = arith.constant true
        %select_n3A_180 = arith.select %select_n3A_179, %add3A_178, %select_n3A_175 : i32
        %eq3A_181 = arith.constant 2 : i32
        %eq3A_182 = arith.cmpi eq, %select_n3A_180, %eq3A_181 : i32
        %select_n3A_183 = arith.constant 0 : i32
        %select_n3A_184 = arith.select %eq3A_182, %select_n3A_183, %select_n3A_180 : i32
        %add3A_185 = arith.addi %select_n3A_184, %mul3A_24 : i32
        %ne3A = arith.cmpi ne, %add3A_158, %add3A_176 : i32
        %or3A = arith.constant false
        %or3A_186 = arith.ori %or3A, %ne3A : i1
        %ge3A = arith.constant 1 : i32
        %ge3A_187 = arith.cmpi sge, %scan3A_148, %ge3A : i32
        %not3A = arith.constant true
        %not3A_188 = arith.xori %ge3A_187, %not3A : i1
        %and3A = arith.andi %or3A_186, %not3A_188 : i1
        %convert_element_type3A = arith.extui %and3A : i1 to i32
        %cond3A = arith.constant 0 : i32
        %cond3A_189 = arith.cmpi ne, %convert_element_type3A, %cond3A : i32
        scf.if %cond3A_189 {
          "tpu.trace_start"() <{level = 10 : i32, message = "ep_copy_in"}> : () -> ()
          %rem3A_291 = arith.constant 2 : i32
          %rem3A_292 = arith.remui %scan3A_149, %rem3A_291 : i32
          %mul3A_293 = arith.constant 128 : i32
          %mul3A_294 = arith.muli %mul3A_293, %add3A_176 : i32
          %dma_start3A_295 = arith.constant 0 : i32
          %dma_start3A_296 = arith.constant 0 : i32
          %dma_start3A_297 = tpu.memref_slice %run_scoped3A[%rem3A_292, %dma_start3A_295, %dma_start3A_296] : memref<2x1x128xi32, #tpu.memory_space<vmem>> -> memref<1x1x128xi32, #tpu.memory_space<vmem>>
          %dma_start3A_298 = tpu.memref_squeeze %dma_start3A_297 : memref<1x1x128xi32, #tpu.memory_space<vmem>> -> memref<1x128xi32, #tpu.memory_space<vmem>>
          %dma_start3A_299 = arith.constant 0 : i32
          %dma_start3A_300 = tpu.memref_slice %arg6[%dma_start3A_299, %mul3A_294] : memref<1x8192xi32, #tpu.memory_space<hbm>> -> memref<1x128xi32, #tpu.memory_space<hbm>>
          %dma_start3A_301 = tpu.memref_slice %run_scoped3A_34[%rem3A_292] : memref<2x!tpu.dma_semaphore, #tpu.memory_space<semaphore_mem>> -> memref<1x!tpu.dma_semaphore, #tpu.memory_space<semaphore_mem>>
          %dma_start3A_302 = tpu.memref_squeeze %dma_start3A_301 : memref<1x!tpu.dma_semaphore, #tpu.memory_space<semaphore_mem>> -> memref<!tpu.dma_semaphore, #tpu.memory_space<semaphore_mem>>
          %dma_start3A_303 = arith.constant 0 : i32
          %dma_start3A_304 = arith.constant 0 : i32
          %dma_start3A_305 = tpu.memref_slice %run_scoped3A[%rem3A_292, %dma_start3A_303, %dma_start3A_304] : memref<2x1x128xi32, #tpu.memory_space<vmem>> -> memref<1x1x128xi32, #tpu.memory_space<vmem>>
          %dma_start3A_306 = tpu.memref_squeeze %dma_start3A_305 : memref<1x1x128xi32, #tpu.memory_space<vmem>> -> memref<1x128xi32, #tpu.memory_space<vmem>>
          %dma_start3A_307 = arith.constant 0 : i32
          %dma_start3A_308 = tpu.memref_slice %arg6[%dma_start3A_307, %mul3A_294] : memref<1x8192xi32, #tpu.memory_space<hbm>> -> memref<1x128xi32, #tpu.memory_space<hbm>>
          tpu.enqueue_dma source(%dma_start3A_308 : memref<1x128xi32, #tpu.memory_space<hbm>>) target(%dma_start3A_306 : memref<1x128xi32, #tpu.memory_space<vmem>>) target_semaphore(%dma_start3A_302 : memref<!tpu.dma_semaphore, #tpu.memory_space<semaphore_mem>>)
          "tpu.trace_stop"() : () -> ()
        } else {
        }
        %and3A_190 = arith.constant true
        %and3A_191 = arith.andi %and3A, %and3A_190 : i1
        %add3A_192 = arith.constant 1 : i32
        %add3A_193 = arith.addi %scan3A_149, %add3A_192 : i32
        %select_n3A_194 = arith.select %and3A_191, %add3A_193, %scan3A_149 : i32
        %ne3A_195 = arith.cmpi ne, %add3A_158, %add3A_176 : i32
        %or3A_196 = arith.constant false
        %or3A_197 = arith.ori %or3A_196, %ne3A_195 : i1
        %or3A_198 = arith.constant false
        %or3A_199 = arith.ori %or3A_197, %or3A_198 : i1
        %ge3A_200 = arith.constant 1 : i32
        %ge3A_201 = arith.cmpi sge, %scan3A_148, %ge3A_200 : i32
        %not3A_202 = arith.constant true
        %not3A_203 = arith.xori %ge3A_201, %not3A_202 : i1
        %and3A_204 = arith.andi %or3A_199, %not3A_203 : i1
        %ne3A_205 = arith.cmpi ne, %add3A_158, %add3A_167 : i32
        %or3A_206 = arith.constant false
        %or3A_207 = arith.ori %or3A_206, %ne3A_205 : i1
        %or3A_208 = arith.ori %or3A_207, %eq3A_155 : i1
        %convert_element_type3A_209 = arith.extui %or3A_208 : i1 to i32
        %cond3A_210 = arith.constant 0 : i32
        %cond3A_211 = arith.cmpi ne, %convert_element_type3A_209, %cond3A_210 : i32
        scf.if %cond3A_211 {
          "tpu.trace_start"() <{level = 10 : i32, message = "ep_wait_in"}> : () -> ()
          %mul3A_291 = arith.constant 128 : i32
          %mul3A_292 = arith.muli %mul3A_291, %add3A_158 : i32
          %rem3A_293 = arith.constant 2 : i32
          %rem3A_294 = arith.remui %scan3A_150, %rem3A_293 : i32
          %dma_wait3A_295 = arith.constant 0 : i32
          %dma_wait3A_296 = arith.constant 0 : i32
          %dma_wait3A_297 = tpu.memref_slice %run_scoped3A[%rem3A_294, %dma_wait3A_295, %dma_wait3A_296] : memref<2x1x128xi32, #tpu.memory_space<vmem>> -> memref<1x1x128xi32, #tpu.memory_space<vmem>>
          %dma_wait3A_298 = tpu.memref_squeeze %dma_wait3A_297 : memref<1x1x128xi32, #tpu.memory_space<vmem>> -> memref<1x128xi32, #tpu.memory_space<vmem>>
          %dma_wait3A_299 = arith.constant 0 : i32
          %dma_wait3A_300 = tpu.memref_slice %arg6[%dma_wait3A_299, %mul3A_292] : memref<1x8192xi32, #tpu.memory_space<hbm>> -> memref<1x128xi32, #tpu.memory_space<hbm>>
          %dma_wait3A_301 = tpu.memref_slice %run_scoped3A_34[%rem3A_294] : memref<2x!tpu.dma_semaphore, #tpu.memory_space<semaphore_mem>> -> memref<1x!tpu.dma_semaphore, #tpu.memory_space<semaphore_mem>>
          %dma_wait3A_302 = tpu.memref_squeeze %dma_wait3A_301 : memref<1x!tpu.dma_semaphore, #tpu.memory_space<semaphore_mem>> -> memref<!tpu.dma_semaphore, #tpu.memory_space<semaphore_mem>>
          %dma_wait3A_303 = arith.constant 0 : i32
          %dma_wait3A_304 = arith.constant 0 : i32
          %dma_wait3A_305 = tpu.memref_slice %run_scoped3A[%rem3A_294, %dma_wait3A_303, %dma_wait3A_304] : memref<2x1x128xi32, #tpu.memory_space<vmem>> -> memref<1x1x128xi32, #tpu.memory_space<vmem>>
          %dma_wait3A_306 = tpu.memref_squeeze %dma_wait3A_305 : memref<1x1x128xi32, #tpu.memory_space<vmem>> -> memref<1x128xi32, #tpu.memory_space<vmem>>
          %dma_wait3A_307 = arith.constant 0 : i32
          %dma_wait3A_308 = tpu.memref_slice %arg6[%dma_wait3A_307, %mul3A_292] : memref<1x8192xi32, #tpu.memory_space<hbm>> -> memref<1x128xi32, #tpu.memory_space<hbm>>
          tpu.wait_dma2 semaphore(%dma_wait3A_302 : memref<!tpu.dma_semaphore, #tpu.memory_space<semaphore_mem>>) src(%dma_wait3A_308 : memref<1x128xi32, #tpu.memory_space<hbm>>) dst(%dma_wait3A_306 : memref<1x128xi32, #tpu.memory_space<vmem>>)
          "tpu.trace_stop"() : () -> ()
        } else {
        }
        %ne3A_212 = arith.cmpi ne, %add3A_158, %add3A_167 : i32
        %or3A_213 = arith.constant false
        %or3A_214 = arith.ori %or3A_213, %ne3A_212 : i1
        %or3A_215 = arith.constant false
        %or3A_216 = arith.ori %or3A_214, %or3A_215 : i1
        %or3A_217 = arith.ori %or3A_216, %eq3A_155 : i1
        %convert_element_type3A_218 = arith.extui %or3A_217 : i1 to i32
        %cond3A_219 = arith.constant 0 : i32
        %cond3A_220 = arith.cmpi ne, %convert_element_type3A_218, %cond3A_219 : i32
        scf.if %cond3A_220 {
        } else {
        }
        %rem3A_221 = arith.constant 2 : i32
        %rem3A_222 = arith.remui %scan3A_150, %rem3A_221 : i32
        %rem3A_223 = arith.constant 2 : i32
        %rem3A_224 = arith.remui %scan3A_151, %rem3A_223 : i32
        %run_scoped3A_225 = arith.constant 0 : i32
        "tpu.trace_start"() <{level = 10 : i32, message = "ep_run_kernel"}> : () -> ()
        "tpu.region"() ({
          %run_scoped3A_291 = tpu.sem_alloc : memref<!tpu.dma_semaphore, #tpu.memory_space<semaphore_mem>>
          %dma_start3A_292 = arith.constant 0 : i32
          %dma_start3A_293 = arith.constant 0 : i32
          %dma_start3A_294 = tpu.memref_slice %run_scoped3A_35[%rem3A_224, %dma_start3A_292, %dma_start3A_293] : memref<2x128x256xf32, #tpu.memory_space<vmem>> -> memref<1x128x256xf32, #tpu.memory_space<vmem>>
          %dma_start3A_295 = tpu.memref_squeeze %dma_start3A_294 : memref<1x128x256xf32, #tpu.memory_space<vmem>> -> memref<128x256xf32, #tpu.memory_space<vmem>>
          %dma_start3A_296 = arith.constant 0 : i32
          %dma_start3A_297 = arith.constant 0 : i32
          %dma_start3A_298 = tpu.memref_slice %run_scoped3A[%rem3A_222, %dma_start3A_296, %dma_start3A_297] : memref<2x1x128xi32, #tpu.memory_space<vmem>> -> memref<1x1x128xi32, #tpu.memory_space<vmem>>
          %dma_start3A_299 = tpu.memref_squeeze %dma_start3A_298 : memref<1x1x128xi32, #tpu.memory_space<vmem>> -> memref<1x128xi32, #tpu.memory_space<vmem>>
          %dma_start3A_300 = arith.constant 0 : i32
          %dma_start3A_301 = tpu.memref_slice %dma_start3A_299[%run_scoped3A_225, %dma_start3A_300] : memref<1x128xi32, #tpu.memory_space<vmem>> -> memref<1x128xi32, #tpu.memory_space<vmem>>
          %dma_start3A_302 = tpu.memref_squeeze %dma_start3A_301 : memref<1x128xi32, #tpu.memory_space<vmem>> -> memref<128xi32, #tpu.memory_space<vmem>>
          %dma_start3A_303 = arith.constant 0 : i32
          %dma_start3A_304 = arith.constant 0 : i32
          %dma_start3A_305 = tpu.memref_slice %arg4[%dma_start3A_303, %dma_start3A_304] : memref<8192x256xf32, #tpu.memory_space<hbm>> -> memref<8192x256xf32, #tpu.memory_space<hbm>>
          tpu.enqueue_indirect_dma source(%dma_start3A_305 : memref<8192x256xf32, #tpu.memory_space<hbm>>) target(%dma_start3A_295 : memref<128x256xf32, #tpu.memory_space<vmem>>) offsets(%dma_start3A_302 : memref<128xi32, #tpu.memory_space<vmem>>) semaphore(%run_scoped3A_291 : memref<!tpu.dma_semaphore, #tpu.memory_space<semaphore_mem>>)
          %dma_wait3A_306 = arith.constant 0 : i32
          %dma_wait3A_307 = arith.constant 0 : i32
          %dma_wait3A_308 = tpu.memref_slice %run_scoped3A_35[%rem3A_224, %dma_wait3A_306, %dma_wait3A_307] : memref<2x128x256xf32, #tpu.memory_space<vmem>> -> memref<1x128x256xf32, #tpu.memory_space<vmem>>
          %dma_wait3A_309 = tpu.memref_squeeze %dma_wait3A_308 : memref<1x128x256xf32, #tpu.memory_space<vmem>> -> memref<128x256xf32, #tpu.memory_space<vmem>>
          %dma_wait3A_310 = arith.constant 0 : i32
          %dma_wait3A_311 = arith.constant 0 : i32
          %dma_wait3A_312 = tpu.memref_slice %run_scoped3A[%rem3A_222, %dma_wait3A_310, %dma_wait3A_311] : memref<2x1x128xi32, #tpu.memory_space<vmem>> -> memref<1x1x128xi32, #tpu.memory_space<vmem>>
          %dma_wait3A_313 = tpu.memref_squeeze %dma_wait3A_312 : memref<1x1x128xi32, #tpu.memory_space<vmem>> -> memref<1x128xi32, #tpu.memory_space<vmem>>
          %dma_wait3A_314 = arith.constant 0 : i32
          %dma_wait3A_315 = tpu.memref_slice %dma_wait3A_313[%run_scoped3A_225, %dma_wait3A_314] : memref<1x128xi32, #tpu.memory_space<vmem>> -> memref<1x128xi32, #tpu.memory_space<vmem>>
          %dma_wait3A_316 = tpu.memref_squeeze %dma_wait3A_315 : memref<1x128xi32, #tpu.memory_space<vmem>> -> memref<128xi32, #tpu.memory_space<vmem>>
          %dma_wait3A_317 = arith.constant 0 : i32
          %dma_wait3A_318 = arith.constant 0 : i32
          %dma_wait3A_319 = tpu.memref_slice %arg4[%dma_wait3A_317, %dma_wait3A_318] : memref<8192x256xf32, #tpu.memory_space<hbm>> -> memref<8192x256xf32, #tpu.memory_space<hbm>>
          tpu.wait_indirect_dma semaphore(%run_scoped3A_291 : memref<!tpu.dma_semaphore, #tpu.memory_space<semaphore_mem>>) src(%dma_wait3A_319 : memref<8192x256xf32, #tpu.memory_space<hbm>>) dst(%dma_wait3A_309 : memref<128x256xf32, #tpu.memory_space<vmem>>)
          tpu.yield
        }) : () -> ()
        "tpu.trace_stop"() : () -> ()
        %ne3A_226 = arith.cmpi ne, %add3A_158, %add3A_176 : i32
        %or3A_227 = arith.constant false
        %or3A_228 = arith.ori %or3A_227, %ne3A_226 : i1
        %or3A_229 = arith.ori %or3A_228, %eq3A_157 : i1
        %convert_element_type3A_230 = arith.extui %or3A_229 : i1 to i32
        %cond3A_231 = arith.constant 0 : i32
        %cond3A_232 = arith.cmpi ne, %convert_element_type3A_230, %cond3A_231 : i32
        scf.if %cond3A_232 {
        } else {
        }
        %and3A_233 = arith.constant false
        %and3A_234 = arith.andi %or3A_229, %and3A_233 : i1
        %ne3A_235 = arith.cmpi ne, %add3A_158, %add3A_176 : i32
        %or3A_236 = arith.constant false
        %or3A_237 = arith.ori %or3A_236, %ne3A_235 : i1
        %or3A_238 = arith.constant false
        %or3A_239 = arith.ori %or3A_237, %or3A_238 : i1
        %or3A_240 = arith.ori %or3A_239, %eq3A_157 : i1
        %convert_element_type3A_241 = arith.extui %or3A_240 : i1 to i32
        %cond3A_242 = arith.constant 0 : i32
        %cond3A_243 = arith.cmpi ne, %convert_element_type3A_241, %cond3A_242 : i32
        scf.if %cond3A_243 {
          "tpu.trace_start"() <{level = 10 : i32, message = "ep_copy_out"}> : () -> ()
          %rem3A_291 = arith.constant 2 : i32
          %rem3A_292 = arith.remui %scan3A_151, %rem3A_291 : i32
          %mul3A_293 = arith.constant 128 : i32
          %mul3A_294 = arith.muli %mul3A_293, %add3A_158 : i32
          %dma_start3A_295 = arith.constant 0 : i32
          %dma_start3A_296 = arith.constant 0 : i32
          %dma_start3A_297 = tpu.memref_slice %run_scoped3A_35[%rem3A_292, %dma_start3A_295, %dma_start3A_296] : memref<2x128x256xf32, #tpu.memory_space<vmem>> -> memref<1x128x256xf32, #tpu.memory_space<vmem>>
          %dma_start3A_298 = tpu.memref_squeeze %dma_start3A_297 : memref<1x128x256xf32, #tpu.memory_space<vmem>> -> memref<128x256xf32, #tpu.memory_space<vmem>>
          %dma_start3A_299 = arith.constant 512 : i32
          %dma_start3A_300 = tpu.memref_slice %arg7[%mul3A_294, %dma_start3A_299] : memref<8192x1024xf32, #tpu.memory_space<hbm>> -> memref<128x256xf32, #tpu.memory_space<hbm>>
          %dma_start3A_301 = tpu.memref_slice %run_scoped3A_36[%rem3A_292] : memref<2x!tpu.dma_semaphore, #tpu.memory_space<semaphore_mem>> -> memref<1x!tpu.dma_semaphore, #tpu.memory_space<semaphore_mem>>
          %dma_start3A_302 = tpu.memref_squeeze %dma_start3A_301 : memref<1x!tpu.dma_semaphore, #tpu.memory_space<semaphore_mem>> -> memref<!tpu.dma_semaphore, #tpu.memory_space<semaphore_mem>>
          %dma_start3A_303 = arith.constant 512 : i32
          %dma_start3A_304 = tpu.memref_slice %arg7[%mul3A_294, %dma_start3A_303] : memref<8192x1024xf32, #tpu.memory_space<hbm>> -> memref<128x256xf32, #tpu.memory_space<hbm>>
          %dma_start3A_305 = arith.constant 0 : i32
          %dma_start3A_306 = arith.constant 0 : i32
          %dma_start3A_307 = tpu.memref_slice %run_scoped3A_35[%rem3A_292, %dma_start3A_305, %dma_start3A_306] : memref<2x128x256xf32, #tpu.memory_space<vmem>> -> memref<1x128x256xf32, #tpu.memory_space<vmem>>
          %dma_start3A_308 = tpu.memref_squeeze %dma_start3A_307 : memref<1x128x256xf32, #tpu.memory_space<vmem>> -> memref<128x256xf32, #tpu.memory_space<vmem>>
          tpu.enqueue_dma source(%dma_start3A_308 : memref<128x256xf32, #tpu.memory_space<vmem>>) target(%dma_start3A_304 : memref<128x256xf32, #tpu.memory_space<hbm>>) target_semaphore(%dma_start3A_302 : memref<!tpu.dma_semaphore, #tpu.memory_space<semaphore_mem>>)
          "tpu.trace_stop"() : () -> ()
        } else {
        }
        %and3A_244 = arith.constant true
        %and3A_245 = arith.andi %or3A_240, %and3A_244 : i1
        %add3A_246 = arith.constant 1 : i32
        %add3A_247 = arith.addi %scan3A_151, %add3A_246 : i32
        %select_n3A_248 = arith.select %and3A_245, %add3A_247, %scan3A_151 : i32
        %ne3A_249 = arith.cmpi ne, %add3A_158, %add3A_167 : i32
        %or3A_250 = arith.constant false
        %or3A_251 = arith.ori %or3A_250, %ne3A_249 : i1
        %not3A_252 = arith.constant true
        %not3A_253 = arith.xori %eq3A_155, %not3A_252 : i1
        %and3A_254 = arith.andi %or3A_251, %not3A_253 : i1
        %convert_element_type3A_255 = arith.extui %and3A_254 : i1 to i32
        %cond3A_256 = arith.constant 0 : i32
        %cond3A_257 = arith.cmpi ne, %convert_element_type3A_255, %cond3A_256 : i32
        scf.if %cond3A_257 {
        } else {
        }
        %and3A_258 = arith.constant false
        %and3A_259 = arith.andi %and3A_254, %and3A_258 : i1
        %ne3A_260 = arith.cmpi ne, %add3A_158, %add3A_167 : i32
        %or3A_261 = arith.constant false
        %or3A_262 = arith.ori %or3A_261, %ne3A_260 : i1
        %or3A_263 = arith.constant false
        %or3A_264 = arith.ori %or3A_262, %or3A_263 : i1
        %not3A_265 = arith.constant true
        %not3A_266 = arith.xori %eq3A_155, %not3A_265 : i1
        %and3A_267 = arith.andi %or3A_264, %not3A_266 : i1
        %convert_element_type3A_268 = arith.extui %and3A_267 : i1 to i32
        %cond3A_269 = arith.constant 0 : i32
        %cond3A_270 = arith.cmpi ne, %convert_element_type3A_268, %cond3A_269 : i32
        scf.if %cond3A_270 {
          "tpu.trace_start"() <{level = 10 : i32, message = "ep_wait_out"}> : () -> ()
          %rem3A_291 = arith.constant 2 : i32
          %rem3A_292 = arith.remui %scan3A_152, %rem3A_291 : i32
          %mul3A_293 = arith.constant 128 : i32
          %mul3A_294 = arith.muli %mul3A_293, %add3A_167 : i32
          %dma_wait3A_295 = arith.constant 0 : i32
          %dma_wait3A_296 = arith.constant 0 : i32
          %dma_wait3A_297 = tpu.memref_slice %run_scoped3A_35[%rem3A_292, %dma_wait3A_295, %dma_wait3A_296] : memref<2x128x256xf32, #tpu.memory_space<vmem>> -> memref<1x128x256xf32, #tpu.memory_space<vmem>>
          %dma_wait3A_298 = tpu.memref_squeeze %dma_wait3A_297 : memref<1x128x256xf32, #tpu.memory_space<vmem>> -> memref<128x256xf32, #tpu.memory_space<vmem>>
          %dma_wait3A_299 = arith.constant 512 : i32
          %dma_wait3A_300 = tpu.memref_slice %arg7[%mul3A_294, %dma_wait3A_299] : memref<8192x1024xf32, #tpu.memory_space<hbm>> -> memref<128x256xf32, #tpu.memory_space<hbm>>
          %dma_wait3A_301 = tpu.memref_slice %run_scoped3A_36[%rem3A_292] : memref<2x!tpu.dma_semaphore, #tpu.memory_space<semaphore_mem>> -> memref<1x!tpu.dma_semaphore, #tpu.memory_space<semaphore_mem>>
          %dma_wait3A_302 = tpu.memref_squeeze %dma_wait3A_301 : memref<1x!tpu.dma_semaphore, #tpu.memory_space<semaphore_mem>> -> memref<!tpu.dma_semaphore, #tpu.memory_space<semaphore_mem>>
          %dma_wait3A_303 = arith.constant 512 : i32
          %dma_wait3A_304 = tpu.memref_slice %arg7[%mul3A_294, %dma_wait3A_303] : memref<8192x1024xf32, #tpu.memory_space<hbm>> -> memref<128x256xf32, #tpu.memory_space<hbm>>
          %dma_wait3A_305 = arith.constant 0 : i32
          %dma_wait3A_306 = arith.constant 0 : i32
          %dma_wait3A_307 = tpu.memref_slice %run_scoped3A_35[%rem3A_292, %dma_wait3A_305, %dma_wait3A_306] : memref<2x128x256xf32, #tpu.memory_space<vmem>> -> memref<1x128x256xf32, #tpu.memory_space<vmem>>
          %dma_wait3A_308 = tpu.memref_squeeze %dma_wait3A_307 : memref<1x128x256xf32, #tpu.memory_space<vmem>> -> memref<128x256xf32, #tpu.memory_space<vmem>>
          tpu.wait_dma2 semaphore(%dma_wait3A_302 : memref<!tpu.dma_semaphore, #tpu.memory_space<semaphore_mem>>) src(%dma_wait3A_308 : memref<128x256xf32, #tpu.memory_space<vmem>>) dst(%dma_wait3A_304 : memref<128x256xf32, #tpu.memory_space<hbm>>)
          "tpu.trace_stop"() : () -> ()
        } else {
        }
        %and3A_271 = arith.constant true
        %and3A_272 = arith.andi %and3A_267, %and3A_271 : i1
        %add3A_273 = arith.constant 1 : i32
        %add3A_274 = arith.addi %scan3A_152, %add3A_273 : i32
        %select_n3A_275 = arith.select %and3A_272, %add3A_274, %scan3A_152 : i32
        %ne3A_276 = arith.cmpi ne, %add3A_158, %add3A_176 : i32
        %or3A_277 = arith.constant false
        %or3A_278 = arith.ori %or3A_277, %ne3A_276 : i1
        %or3A_279 = arith.ori %or3A_278, %eq3A_157 : i1
        %add3A_280 = arith.constant 1 : i32
        %add3A_281 = arith.addi %scan3A_150, %add3A_280 : i32
        %select_n3A_282 = arith.select %or3A_279, %add3A_281, %scan3A_150 : i32
        %add3A_283 = arith.constant 1 : i32
        %add3A_284 = arith.addi %scan3A_153, %add3A_283 : i32
        %select_n3A_285 = arith.constant true
        %select_n3A_286 = arith.select %select_n3A_285, %add3A_284, %scan3A_153 : i32
        %eq3A_287 = arith.constant 2 : i32
        %eq3A_288 = arith.cmpi eq, %select_n3A_286, %eq3A_287 : i32
        %select_n3A_289 = arith.constant 0 : i32
        %select_n3A_290 = arith.select %eq3A_288, %select_n3A_289, %select_n3A_286 : i32
        scf.yield %select_n3A_194, %select_n3A_282, %select_n3A_248, %select_n3A_275, %select_n3A_290 : i32, i32, i32, i32, i32
      }
      %scan3A_95 = arith.constant 2 : i32
      %sub3A = arith.constant 1 : i32
      %sub3A_96 = arith.subi %scan3A_94#4, %sub3A : i32
      %select_n3A_97 = arith.constant true
      %select_n3A_98 = arith.select %select_n3A_97, %sub3A_96, %scan3A_94#4 : i32
      %eq3A_99 = arith.constant -1 : i32
      %eq3A_100 = arith.cmpi eq, %select_n3A_98, %eq3A_99 : i32
      %select_n3A_101 = arith.constant 1 : i32
      %select_n3A_102 = arith.select %eq3A_100, %select_n3A_101, %select_n3A_98 : i32
      %add3A_103 = arith.addi %select_n3A_102, %mul3A_24 : i32
      %sub3A_104 = arith.constant 1 : i32
      %sub3A_105 = arith.subi %select_n3A_102, %sub3A_104 : i32
      %select_n3A_106 = arith.constant true
      %select_n3A_107 = arith.select %select_n3A_106, %sub3A_105, %select_n3A_102 : i32
      %eq3A_108 = arith.constant -1 : i32
      %eq3A_109 = arith.cmpi eq, %select_n3A_107, %eq3A_108 : i32
      %select_n3A_110 = arith.constant 1 : i32
      %select_n3A_111 = arith.select %eq3A_109, %select_n3A_110, %select_n3A_107 : i32
      %add3A_112 = arith.addi %select_n3A_111, %mul3A_24 : i32
      %add3A_113 = arith.constant 1 : i32
      %add3A_114 = arith.addi %select_n3A_102, %add3A_113 : i32
      %select_n3A_115 = arith.constant true
      %select_n3A_116 = arith.select %select_n3A_115, %add3A_114, %select_n3A_102 : i32
      %eq3A_117 = arith.constant 2 : i32
      %eq3A_118 = arith.cmpi eq, %select_n3A_116, %eq3A_117 : i32
      %select_n3A_119 = arith.constant 0 : i32
      %select_n3A_120 = arith.select %eq3A_118, %select_n3A_119, %select_n3A_116 : i32
      %add3A_121 = arith.addi %select_n3A_120, %mul3A_24 : i32
      %add3A_122 = arith.constant 1 : i32
      %add3A_123 = arith.addi %select_n3A_120, %add3A_122 : i32
      %select_n3A_124 = arith.constant true
      %select_n3A_125 = arith.select %select_n3A_124, %add3A_123, %select_n3A_120 : i32
      %eq3A_126 = arith.constant 2 : i32
      %eq3A_127 = arith.cmpi eq, %select_n3A_125, %eq3A_126 : i32
      %select_n3A_128 = arith.constant 0 : i32
      %select_n3A_129 = arith.select %eq3A_127, %select_n3A_128, %select_n3A_125 : i32
      %add3A_130 = arith.addi %select_n3A_129, %mul3A_24 : i32
      "tpu.trace_start"() <{level = 10 : i32, message = "ep_finalize"}> : () -> ()
      %rem3A_131 = arith.constant 2 : i32
      %rem3A_132 = arith.remui %scan3A_94#3, %rem3A_131 : i32
      %mul3A_133 = arith.constant 128 : i32
      %mul3A_134 = arith.muli %mul3A_133, %add3A_103 : i32
      %dma_wait3A = arith.constant 0 : i32
      %dma_wait3A_135 = arith.constant 0 : i32
      %dma_wait3A_136 = tpu.memref_slice %run_scoped3A_35[%rem3A_132, %dma_wait3A, %dma_wait3A_135] : memref<2x128x256xf32, #tpu.memory_space<vmem>> -> memref<1x128x256xf32, #tpu.memory_space<vmem>>
      %dma_wait3A_137 = tpu.memref_squeeze %dma_wait3A_136 : memref<1x128x256xf32, #tpu.memory_space<vmem>> -> memref<128x256xf32, #tpu.memory_space<vmem>>
      %dma_wait3A_138 = arith.constant 512 : i32
      %dma_wait3A_139 = tpu.memref_slice %arg7[%mul3A_134, %dma_wait3A_138] : memref<8192x1024xf32, #tpu.memory_space<hbm>> -> memref<128x256xf32, #tpu.memory_space<hbm>>
      %dma_wait3A_140 = tpu.memref_slice %run_scoped3A_36[%rem3A_132] : memref<2x!tpu.dma_semaphore, #tpu.memory_space<semaphore_mem>> -> memref<1x!tpu.dma_semaphore, #tpu.memory_space<semaphore_mem>>
      %dma_wait3A_141 = tpu.memref_squeeze %dma_wait3A_140 : memref<1x!tpu.dma_semaphore, #tpu.memory_space<semaphore_mem>> -> memref<!tpu.dma_semaphore, #tpu.memory_space<semaphore_mem>>
      %dma_wait3A_142 = arith.constant 512 : i32
      %dma_wait3A_143 = tpu.memref_slice %arg7[%mul3A_134, %dma_wait3A_142] : memref<8192x1024xf32, #tpu.memory_space<hbm>> -> memref<128x256xf32, #tpu.memory_space<hbm>>
      %dma_wait3A_144 = arith.constant 0 : i32
      %dma_wait3A_145 = arith.constant 0 : i32
      %dma_wait3A_146 = tpu.memref_slice %run_scoped3A_35[%rem3A_132, %dma_wait3A_144, %dma_wait3A_145] : memref<2x128x256xf32, #tpu.memory_space<vmem>> -> memref<1x128x256xf32, #tpu.memory_space<vmem>>
      %dma_wait3A_147 = tpu.memref_squeeze %dma_wait3A_146 : memref<1x128x256xf32, #tpu.memory_space<vmem>> -> memref<128x256xf32, #tpu.memory_space<vmem>>
      tpu.wait_dma2 semaphore(%dma_wait3A_141 : memref<!tpu.dma_semaphore, #tpu.memory_space<semaphore_mem>>) src(%dma_wait3A_147 : memref<128x256xf32, #tpu.memory_space<vmem>>) dst(%dma_wait3A_143 : memref<128x256xf32, #tpu.memory_space<hbm>>)
      "tpu.trace_stop"() : () -> ()
      tpu.yield
    }) : () -> ()
    %mul3A_25 = arith.constant 1 : i32
    %mul3A_26 = arith.muli %arg1, %mul3A_25 : i32
    %add3A_27 = arith.constant 0 : i32
    %add3A_28 = arith.addi %add3A_27, %mul3A_26 : i32
    %mul3A_29 = arith.constant 16 : i32
    %mul3A_30 = arith.muli %arg0, %mul3A_29 : i32
    %add3A_31 = arith.addi %add3A_28, %mul3A_30 : i32
    %mul3A_32 = arith.constant 2 : i32
    %mul3A_33 = arith.muli %add3A_31, %mul3A_32 : i32
    "tpu.region"() ({
      %run_scoped3A = memref.alloca() : memref<2x1x128xi32, #tpu.memory_space<vmem>>
      %run_scoped3A_34 = tpu.sem_alloc : memref<2x!tpu.dma_semaphore, #tpu.memory_space<semaphore_mem>>
      %run_scoped3A_35 = memref.alloca() : memref<2x128x256xf32, #tpu.memory_space<vmem>>
      %run_scoped3A_36 = tpu.sem_alloc : memref<2x!tpu.dma_semaphore, #tpu.memory_space<semaphore_mem>>
      %add3A_37 = arith.constant 0 : i32
      %add3A_38 = arith.addi %add3A_37, %mul3A_33 : i32
      %select_n3A = arith.constant true
      %select_n3A_39 = arith.constant 0 : i32
      %select_n3A_40 = arith.constant -1 : i32
      %select_n3A_41 = arith.select %select_n3A, %select_n3A_40, %select_n3A_39 : i32
      %eq3A = arith.constant -1 : i32
      %eq3A_42 = arith.cmpi eq, %select_n3A_41, %eq3A : i32
      %select_n3A_43 = arith.constant 1 : i32
      %select_n3A_44 = arith.select %eq3A_42, %select_n3A_43, %select_n3A_41 : i32
      %add3A_45 = arith.addi %select_n3A_44, %mul3A_33 : i32
      %select_n3A_46 = arith.constant true
      %select_n3A_47 = arith.constant 0 : i32
      %select_n3A_48 = arith.constant 1 : i32
      %select_n3A_49 = arith.select %select_n3A_46, %select_n3A_48, %select_n3A_47 : i32
      %eq3A_50 = arith.constant 2 : i32
      %eq3A_51 = arith.cmpi eq, %select_n3A_49, %eq3A_50 : i32
      %select_n3A_52 = arith.constant 0 : i32
      %select_n3A_53 = arith.select %eq3A_51, %select_n3A_52, %select_n3A_49 : i32
      %add3A_54 = arith.addi %select_n3A_53, %mul3A_33 : i32
      %add3A_55 = arith.constant 1 : i32
      %add3A_56 = arith.addi %select_n3A_53, %add3A_55 : i32
      %select_n3A_57 = arith.constant true
      %select_n3A_58 = arith.select %select_n3A_57, %add3A_56, %select_n3A_53 : i32
      %eq3A_59 = arith.constant 2 : i32
      %eq3A_60 = arith.cmpi eq, %select_n3A_58, %eq3A_59 : i32
      %select_n3A_61 = arith.constant 0 : i32
      %select_n3A_62 = arith.select %eq3A_60, %select_n3A_61, %select_n3A_58 : i32
      %add3A_63 = arith.addi %select_n3A_62, %mul3A_33 : i32
      "tpu.trace_start"() <{level = 10 : i32, message = "ep_initialize_0"}> : () -> ()
      %rem3A = arith.constant 0 : i32
      %rem3A_64 = arith.constant 2 : i32
      %rem3A_65 = arith.remui %rem3A, %rem3A_64 : i32
      %mul3A_66 = arith.constant 128 : i32
      %mul3A_67 = arith.muli %mul3A_66, %add3A_38 : i32
      %dma_start3A = arith.constant 0 : i32
      %dma_start3A_68 = arith.constant 0 : i32
      %dma_start3A_69 = tpu.memref_slice %run_scoped3A[%rem3A_65, %dma_start3A, %dma_start3A_68] : memref<2x1x128xi32, #tpu.memory_space<vmem>> -> memref<1x1x128xi32, #tpu.memory_space<vmem>>
      %dma_start3A_70 = tpu.memref_squeeze %dma_start3A_69 : memref<1x1x128xi32, #tpu.memory_space<vmem>> -> memref<1x128xi32, #tpu.memory_space<vmem>>
      %dma_start3A_71 = arith.constant 0 : i32
      %dma_start3A_72 = tpu.memref_slice %arg6[%dma_start3A_71, %mul3A_67] : memref<1x8192xi32, #tpu.memory_space<hbm>> -> memref<1x128xi32, #tpu.memory_space<hbm>>
      %dma_start3A_73 = tpu.memref_slice %run_scoped3A_34[%rem3A_65] : memref<2x!tpu.dma_semaphore, #tpu.memory_space<semaphore_mem>> -> memref<1x!tpu.dma_semaphore, #tpu.memory_space<semaphore_mem>>
      %dma_start3A_74 = tpu.memref_squeeze %dma_start3A_73 : memref<1x!tpu.dma_semaphore, #tpu.memory_space<semaphore_mem>> -> memref<!tpu.dma_semaphore, #tpu.memory_space<semaphore_mem>>
      %dma_start3A_75 = arith.constant 0 : i32
      %dma_start3A_76 = arith.constant 0 : i32
      %dma_start3A_77 = tpu.memref_slice %run_scoped3A[%rem3A_65, %dma_start3A_75, %dma_start3A_76] : memref<2x1x128xi32, #tpu.memory_space<vmem>> -> memref<1x1x128xi32, #tpu.memory_space<vmem>>
      %dma_start3A_78 = tpu.memref_squeeze %dma_start3A_77 : memref<1x1x128xi32, #tpu.memory_space<vmem>> -> memref<1x128xi32, #tpu.memory_space<vmem>>
      %dma_start3A_79 = arith.constant 0 : i32
      %dma_start3A_80 = tpu.memref_slice %arg6[%dma_start3A_79, %mul3A_67] : memref<1x8192xi32, #tpu.memory_space<hbm>> -> memref<1x128xi32, #tpu.memory_space<hbm>>
      tpu.enqueue_dma source(%dma_start3A_80 : memref<1x128xi32, #tpu.memory_space<hbm>>) target(%dma_start3A_78 : memref<1x128xi32, #tpu.memory_space<vmem>>) target_semaphore(%dma_start3A_74 : memref<!tpu.dma_semaphore, #tpu.memory_space<semaphore_mem>>)
      %add3A_81 = arith.constant 0 : i32
      %add3A_82 = arith.constant 1 : i32
      %add3A_83 = arith.addi %add3A_81, %add3A_82 : i32
      %select_n3A_84 = arith.constant true
      %select_n3A_85 = arith.constant 0 : i32
      %select_n3A_86 = arith.select %select_n3A_84, %add3A_83, %select_n3A_85 : i32
      "tpu.trace_stop"() : () -> ()
      %scan3A = arith.constant 0 : i32
      %scan3A_87 = arith.constant 0 : i32
      %scan3A_88 = arith.constant 0 : i32
      %scan3A_89 = arith.constant 0 : i32
      %scan3A_90 = arith.constant 0 : i32
      %scan3A_91 = arith.constant 2 : i32
      %scan3A_92 = arith.addi %scan3A_90, %scan3A_91 : i32
      %scan3A_93 = arith.constant 1 : i32
      %scan3A_94:5 = scf.for %scan3A_148 = %scan3A_90 to %scan3A_92 step %scan3A_93 iter_args(%scan3A_149 = %select_n3A_86, %scan3A_150 = %scan3A, %scan3A_151 = %scan3A_87, %scan3A_152 = %scan3A_88, %scan3A_153 = %scan3A_89) -> (i32, i32, i32, i32, i32)  : i32 {
        %eq3A_154 = arith.constant 0 : i32
        %eq3A_155 = arith.cmpi eq, %scan3A_148, %eq3A_154 : i32
        %eq3A_156 = arith.constant 1 : i32
        %eq3A_157 = arith.cmpi eq, %scan3A_148, %eq3A_156 : i32
        %add3A_158 = arith.addi %scan3A_153, %mul3A_33 : i32
        %sub3A_159 = arith.constant 1 : i32
        %sub3A_160 = arith.subi %scan3A_153, %sub3A_159 : i32
        %select_n3A_161 = arith.constant true
        %select_n3A_162 = arith.select %select_n3A_161, %sub3A_160, %scan3A_153 : i32
        %eq3A_163 = arith.constant -1 : i32
        %eq3A_164 = arith.cmpi eq, %select_n3A_162, %eq3A_163 : i32
        %select_n3A_165 = arith.constant 1 : i32
        %select_n3A_166 = arith.select %eq3A_164, %select_n3A_165, %select_n3A_162 : i32
        %add3A_167 = arith.addi %select_n3A_166, %mul3A_33 : i32
        %add3A_168 = arith.constant 1 : i32
        %add3A_169 = arith.addi %scan3A_153, %add3A_168 : i32
        %select_n3A_170 = arith.constant true
        %select_n3A_171 = arith.select %select_n3A_170, %add3A_169, %scan3A_153 : i32
        %eq3A_172 = arith.constant 2 : i32
        %eq3A_173 = arith.cmpi eq, %select_n3A_171, %eq3A_172 : i32
        %select_n3A_174 = arith.constant 0 : i32
        %select_n3A_175 = arith.select %eq3A_173, %select_n3A_174, %select_n3A_171 : i32
        %add3A_176 = arith.addi %select_n3A_175, %mul3A_33 : i32
        %add3A_177 = arith.constant 1 : i32
        %add3A_178 = arith.addi %select_n3A_175, %add3A_177 : i32
        %select_n3A_179 = arith.constant true
        %select_n3A_180 = arith.select %select_n3A_179, %add3A_178, %select_n3A_175 : i32
        %eq3A_181 = arith.constant 2 : i32
        %eq3A_182 = arith.cmpi eq, %select_n3A_180, %eq3A_181 : i32
        %select_n3A_183 = arith.constant 0 : i32
        %select_n3A_184 = arith.select %eq3A_182, %select_n3A_183, %select_n3A_180 : i32
        %add3A_185 = arith.addi %select_n3A_184, %mul3A_33 : i32
        %ne3A = arith.cmpi ne, %add3A_158, %add3A_176 : i32
        %or3A = arith.constant false
        %or3A_186 = arith.ori %or3A, %ne3A : i1
        %ge3A = arith.constant 1 : i32
        %ge3A_187 = arith.cmpi sge, %scan3A_148, %ge3A : i32
        %not3A = arith.constant true
        %not3A_188 = arith.xori %ge3A_187, %not3A : i1
        %and3A = arith.andi %or3A_186, %not3A_188 : i1
        %convert_element_type3A = arith.extui %and3A : i1 to i32
        %cond3A = arith.constant 0 : i32
        %cond3A_189 = arith.cmpi ne, %convert_element_type3A, %cond3A : i32
        scf.if %cond3A_189 {
          "tpu.trace_start"() <{level = 10 : i32, message = "ep_copy_in"}> : () -> ()
          %rem3A_291 = arith.constant 2 : i32
          %rem3A_292 = arith.remui %scan3A_149, %rem3A_291 : i32
          %mul3A_293 = arith.constant 128 : i32
          %mul3A_294 = arith.muli %mul3A_293, %add3A_176 : i32
          %dma_start3A_295 = arith.constant 0 : i32
          %dma_start3A_296 = arith.constant 0 : i32
          %dma_start3A_297 = tpu.memref_slice %run_scoped3A[%rem3A_292, %dma_start3A_295, %dma_start3A_296] : memref<2x1x128xi32, #tpu.memory_space<vmem>> -> memref<1x1x128xi32, #tpu.memory_space<vmem>>
          %dma_start3A_298 = tpu.memref_squeeze %dma_start3A_297 : memref<1x1x128xi32, #tpu.memory_space<vmem>> -> memref<1x128xi32, #tpu.memory_space<vmem>>
          %dma_start3A_299 = arith.constant 0 : i32
          %dma_start3A_300 = tpu.memref_slice %arg6[%dma_start3A_299, %mul3A_294] : memref<1x8192xi32, #tpu.memory_space<hbm>> -> memref<1x128xi32, #tpu.memory_space<hbm>>
          %dma_start3A_301 = tpu.memref_slice %run_scoped3A_34[%rem3A_292] : memref<2x!tpu.dma_semaphore, #tpu.memory_space<semaphore_mem>> -> memref<1x!tpu.dma_semaphore, #tpu.memory_space<semaphore_mem>>
          %dma_start3A_302 = tpu.memref_squeeze %dma_start3A_301 : memref<1x!tpu.dma_semaphore, #tpu.memory_space<semaphore_mem>> -> memref<!tpu.dma_semaphore, #tpu.memory_space<semaphore_mem>>
          %dma_start3A_303 = arith.constant 0 : i32
          %dma_start3A_304 = arith.constant 0 : i32
          %dma_start3A_305 = tpu.memref_slice %run_scoped3A[%rem3A_292, %dma_start3A_303, %dma_start3A_304] : memref<2x1x128xi32, #tpu.memory_space<vmem>> -> memref<1x1x128xi32, #tpu.memory_space<vmem>>
          %dma_start3A_306 = tpu.memref_squeeze %dma_start3A_305 : memref<1x1x128xi32, #tpu.memory_space<vmem>> -> memref<1x128xi32, #tpu.memory_space<vmem>>
          %dma_start3A_307 = arith.constant 0 : i32
          %dma_start3A_308 = tpu.memref_slice %arg6[%dma_start3A_307, %mul3A_294] : memref<1x8192xi32, #tpu.memory_space<hbm>> -> memref<1x128xi32, #tpu.memory_space<hbm>>
          tpu.enqueue_dma source(%dma_start3A_308 : memref<1x128xi32, #tpu.memory_space<hbm>>) target(%dma_start3A_306 : memref<1x128xi32, #tpu.memory_space<vmem>>) target_semaphore(%dma_start3A_302 : memref<!tpu.dma_semaphore, #tpu.memory_space<semaphore_mem>>)
          "tpu.trace_stop"() : () -> ()
        } else {
        }
        %and3A_190 = arith.constant true
        %and3A_191 = arith.andi %and3A, %and3A_190 : i1
        %add3A_192 = arith.constant 1 : i32
        %add3A_193 = arith.addi %scan3A_149, %add3A_192 : i32
        %select_n3A_194 = arith.select %and3A_191, %add3A_193, %scan3A_149 : i32
        %ne3A_195 = arith.cmpi ne, %add3A_158, %add3A_176 : i32
        %or3A_196 = arith.constant false
        %or3A_197 = arith.ori %or3A_196, %ne3A_195 : i1
        %or3A_198 = arith.constant false
        %or3A_199 = arith.ori %or3A_197, %or3A_198 : i1
        %ge3A_200 = arith.constant 1 : i32
        %ge3A_201 = arith.cmpi sge, %scan3A_148, %ge3A_200 : i32
        %not3A_202 = arith.constant true
        %not3A_203 = arith.xori %ge3A_201, %not3A_202 : i1
        %and3A_204 = arith.andi %or3A_199, %not3A_203 : i1
        %ne3A_205 = arith.cmpi ne, %add3A_158, %add3A_167 : i32
        %or3A_206 = arith.constant false
        %or3A_207 = arith.ori %or3A_206, %ne3A_205 : i1
        %or3A_208 = arith.ori %or3A_207, %eq3A_155 : i1
        %convert_element_type3A_209 = arith.extui %or3A_208 : i1 to i32
        %cond3A_210 = arith.constant 0 : i32
        %cond3A_211 = arith.cmpi ne, %convert_element_type3A_209, %cond3A_210 : i32
        scf.if %cond3A_211 {
          "tpu.trace_start"() <{level = 10 : i32, message = "ep_wait_in"}> : () -> ()
          %mul3A_291 = arith.constant 128 : i32
          %mul3A_292 = arith.muli %mul3A_291, %add3A_158 : i32
          %rem3A_293 = arith.constant 2 : i32
          %rem3A_294 = arith.remui %scan3A_150, %rem3A_293 : i32
          %dma_wait3A_295 = arith.constant 0 : i32
          %dma_wait3A_296 = arith.constant 0 : i32
          %dma_wait3A_297 = tpu.memref_slice %run_scoped3A[%rem3A_294, %dma_wait3A_295, %dma_wait3A_296] : memref<2x1x128xi32, #tpu.memory_space<vmem>> -> memref<1x1x128xi32, #tpu.memory_space<vmem>>
          %dma_wait3A_298 = tpu.memref_squeeze %dma_wait3A_297 : memref<1x1x128xi32, #tpu.memory_space<vmem>> -> memref<1x128xi32, #tpu.memory_space<vmem>>
          %dma_wait3A_299 = arith.constant 0 : i32
          %dma_wait3A_300 = tpu.memref_slice %arg6[%dma_wait3A_299, %mul3A_292] : memref<1x8192xi32, #tpu.memory_space<hbm>> -> memref<1x128xi32, #tpu.memory_space<hbm>>
          %dma_wait3A_301 = tpu.memref_slice %run_scoped3A_34[%rem3A_294] : memref<2x!tpu.dma_semaphore, #tpu.memory_space<semaphore_mem>> -> memref<1x!tpu.dma_semaphore, #tpu.memory_space<semaphore_mem>>
          %dma_wait3A_302 = tpu.memref_squeeze %dma_wait3A_301 : memref<1x!tpu.dma_semaphore, #tpu.memory_space<semaphore_mem>> -> memref<!tpu.dma_semaphore, #tpu.memory_space<semaphore_mem>>
          %dma_wait3A_303 = arith.constant 0 : i32
          %dma_wait3A_304 = arith.constant 0 : i32
          %dma_wait3A_305 = tpu.memref_slice %run_scoped3A[%rem3A_294, %dma_wait3A_303, %dma_wait3A_304] : memref<2x1x128xi32, #tpu.memory_space<vmem>> -> memref<1x1x128xi32, #tpu.memory_space<vmem>>
          %dma_wait3A_306 = tpu.memref_squeeze %dma_wait3A_305 : memref<1x1x128xi32, #tpu.memory_space<vmem>> -> memref<1x128xi32, #tpu.memory_space<vmem>>
          %dma_wait3A_307 = arith.constant 0 : i32
          %dma_wait3A_308 = tpu.memref_slice %arg6[%dma_wait3A_307, %mul3A_292] : memref<1x8192xi32, #tpu.memory_space<hbm>> -> memref<1x128xi32, #tpu.memory_space<hbm>>
          tpu.wait_dma2 semaphore(%dma_wait3A_302 : memref<!tpu.dma_semaphore, #tpu.memory_space<semaphore_mem>>) src(%dma_wait3A_308 : memref<1x128xi32, #tpu.memory_space<hbm>>) dst(%dma_wait3A_306 : memref<1x128xi32, #tpu.memory_space<vmem>>)
          "tpu.trace_stop"() : () -> ()
        } else {
        }
        %ne3A_212 = arith.cmpi ne, %add3A_158, %add3A_167 : i32
        %or3A_213 = arith.constant false
        %or3A_214 = arith.ori %or3A_213, %ne3A_212 : i1
        %or3A_215 = arith.constant false
        %or3A_216 = arith.ori %or3A_214, %or3A_215 : i1
        %or3A_217 = arith.ori %or3A_216, %eq3A_155 : i1
        %convert_element_type3A_218 = arith.extui %or3A_217 : i1 to i32
        %cond3A_219 = arith.constant 0 : i32
        %cond3A_220 = arith.cmpi ne, %convert_element_type3A_218, %cond3A_219 : i32
        scf.if %cond3A_220 {
        } else {
        }
        %rem3A_221 = arith.constant 2 : i32
        %rem3A_222 = arith.remui %scan3A_150, %rem3A_221 : i32
        %rem3A_223 = arith.constant 2 : i32
        %rem3A_224 = arith.remui %scan3A_151, %rem3A_223 : i32
        %run_scoped3A_225 = arith.constant 0 : i32
        "tpu.trace_start"() <{level = 10 : i32, message = "ep_run_kernel"}> : () -> ()
        "tpu.region"() ({
          %run_scoped3A_291 = tpu.sem_alloc : memref<!tpu.dma_semaphore, #tpu.memory_space<semaphore_mem>>
          %dma_start3A_292 = arith.constant 0 : i32
          %dma_start3A_293 = arith.constant 0 : i32
          %dma_start3A_294 = tpu.memref_slice %run_scoped3A_35[%rem3A_224, %dma_start3A_292, %dma_start3A_293] : memref<2x128x256xf32, #tpu.memory_space<vmem>> -> memref<1x128x256xf32, #tpu.memory_space<vmem>>
          %dma_start3A_295 = tpu.memref_squeeze %dma_start3A_294 : memref<1x128x256xf32, #tpu.memory_space<vmem>> -> memref<128x256xf32, #tpu.memory_space<vmem>>
          %dma_start3A_296 = arith.constant 0 : i32
          %dma_start3A_297 = arith.constant 0 : i32
          %dma_start3A_298 = tpu.memref_slice %run_scoped3A[%rem3A_222, %dma_start3A_296, %dma_start3A_297] : memref<2x1x128xi32, #tpu.memory_space<vmem>> -> memref<1x1x128xi32, #tpu.memory_space<vmem>>
          %dma_start3A_299 = tpu.memref_squeeze %dma_start3A_298 : memref<1x1x128xi32, #tpu.memory_space<vmem>> -> memref<1x128xi32, #tpu.memory_space<vmem>>
          %dma_start3A_300 = arith.constant 0 : i32
          %dma_start3A_301 = tpu.memref_slice %dma_start3A_299[%run_scoped3A_225, %dma_start3A_300] : memref<1x128xi32, #tpu.memory_space<vmem>> -> memref<1x128xi32, #tpu.memory_space<vmem>>
          %dma_start3A_302 = tpu.memref_squeeze %dma_start3A_301 : memref<1x128xi32, #tpu.memory_space<vmem>> -> memref<128xi32, #tpu.memory_space<vmem>>
          %dma_start3A_303 = arith.constant 0 : i32
          %dma_start3A_304 = arith.constant 0 : i32
          %dma_start3A_305 = tpu.memref_slice %arg5[%dma_start3A_303, %dma_start3A_304] : memref<8192x256xf32, #tpu.memory_space<hbm>> -> memref<8192x256xf32, #tpu.memory_space<hbm>>
          tpu.enqueue_indirect_dma source(%dma_start3A_305 : memref<8192x256xf32, #tpu.memory_space<hbm>>) target(%dma_start3A_295 : memref<128x256xf32, #tpu.memory_space<vmem>>) offsets(%dma_start3A_302 : memref<128xi32, #tpu.memory_space<vmem>>) semaphore(%run_scoped3A_291 : memref<!tpu.dma_semaphore, #tpu.memory_space<semaphore_mem>>)
          %dma_wait3A_306 = arith.constant 0 : i32
          %dma_wait3A_307 = arith.constant 0 : i32
          %dma_wait3A_308 = tpu.memref_slice %run_scoped3A_35[%rem3A_224, %dma_wait3A_306, %dma_wait3A_307] : memref<2x128x256xf32, #tpu.memory_space<vmem>> -> memref<1x128x256xf32, #tpu.memory_space<vmem>>
          %dma_wait3A_309 = tpu.memref_squeeze %dma_wait3A_308 : memref<1x128x256xf32, #tpu.memory_space<vmem>> -> memref<128x256xf32, #tpu.memory_space<vmem>>
          %dma_wait3A_310 = arith.constant 0 : i32
          %dma_wait3A_311 = arith.constant 0 : i32
          %dma_wait3A_312 = tpu.memref_slice %run_scoped3A[%rem3A_222, %dma_wait3A_310, %dma_wait3A_311] : memref<2x1x128xi32, #tpu.memory_space<vmem>> -> memref<1x1x128xi32, #tpu.memory_space<vmem>>
          %dma_wait3A_313 = tpu.memref_squeeze %dma_wait3A_312 : memref<1x1x128xi32, #tpu.memory_space<vmem>> -> memref<1x128xi32, #tpu.memory_space<vmem>>
          %dma_wait3A_314 = arith.constant 0 : i32
          %dma_wait3A_315 = tpu.memref_slice %dma_wait3A_313[%run_scoped3A_225, %dma_wait3A_314] : memref<1x128xi32, #tpu.memory_space<vmem>> -> memref<1x128xi32, #tpu.memory_space<vmem>>
          %dma_wait3A_316 = tpu.memref_squeeze %dma_wait3A_315 : memref<1x128xi32, #tpu.memory_space<vmem>> -> memref<128xi32, #tpu.memory_space<vmem>>
          %dma_wait3A_317 = arith.constant 0 : i32
          %dma_wait3A_318 = arith.constant 0 : i32
          %dma_wait3A_319 = tpu.memref_slice %arg5[%dma_wait3A_317, %dma_wait3A_318] : memref<8192x256xf32, #tpu.memory_space<hbm>> -> memref<8192x256xf32, #tpu.memory_space<hbm>>
          tpu.wait_indirect_dma semaphore(%run_scoped3A_291 : memref<!tpu.dma_semaphore, #tpu.memory_space<semaphore_mem>>) src(%dma_wait3A_319 : memref<8192x256xf32, #tpu.memory_space<hbm>>) dst(%dma_wait3A_309 : memref<128x256xf32, #tpu.memory_space<vmem>>)
          tpu.yield
        }) : () -> ()
        "tpu.trace_stop"() : () -> ()
        %ne3A_226 = arith.cmpi ne, %add3A_158, %add3A_176 : i32
        %or3A_227 = arith.constant false
        %or3A_228 = arith.ori %or3A_227, %ne3A_226 : i1
        %or3A_229 = arith.ori %or3A_228, %eq3A_157 : i1
        %convert_element_type3A_230 = arith.extui %or3A_229 : i1 to i32
        %cond3A_231 = arith.constant 0 : i32
        %cond3A_232 = arith.cmpi ne, %convert_element_type3A_230, %cond3A_231 : i32
        scf.if %cond3A_232 {
        } else {
        }
        %and3A_233 = arith.constant false
        %and3A_234 = arith.andi %or3A_229, %and3A_233 : i1
        %ne3A_235 = arith.cmpi ne, %add3A_158, %add3A_176 : i32
        %or3A_236 = arith.constant false
        %or3A_237 = arith.ori %or3A_236, %ne3A_235 : i1
        %or3A_238 = arith.constant false
        %or3A_239 = arith.ori %or3A_237, %or3A_238 : i1
        %or3A_240 = arith.ori %or3A_239, %eq3A_157 : i1
        %convert_element_type3A_241 = arith.extui %or3A_240 : i1 to i32
        %cond3A_242 = arith.constant 0 : i32
        %cond3A_243 = arith.cmpi ne, %convert_element_type3A_241, %cond3A_242 : i32
        scf.if %cond3A_243 {
          "tpu.trace_start"() <{level = 10 : i32, message = "ep_copy_out"}> : () -> ()
          %rem3A_291 = arith.constant 2 : i32
          %rem3A_292 = arith.remui %scan3A_151, %rem3A_291 : i32
          %mul3A_293 = arith.constant 128 : i32
          %mul3A_294 = arith.muli %mul3A_293, %add3A_158 : i32
          %dma_start3A_295 = arith.constant 0 : i32
          %dma_start3A_296 = arith.constant 0 : i32
          %dma_start3A_297 = tpu.memref_slice %run_scoped3A_35[%rem3A_292, %dma_start3A_295, %dma_start3A_296] : memref<2x128x256xf32, #tpu.memory_space<vmem>> -> memref<1x128x256xf32, #tpu.memory_space<vmem>>
          %dma_start3A_298 = tpu.memref_squeeze %dma_start3A_297 : memref<1x128x256xf32, #tpu.memory_space<vmem>> -> memref<128x256xf32, #tpu.memory_space<vmem>>
          %dma_start3A_299 = arith.constant 768 : i32
          %dma_start3A_300 = tpu.memref_slice %arg7[%mul3A_294, %dma_start3A_299] : memref<8192x1024xf32, #tpu.memory_space<hbm>> -> memref<128x256xf32, #tpu.memory_space<hbm>>
          %dma_start3A_301 = tpu.memref_slice %run_scoped3A_36[%rem3A_292] : memref<2x!tpu.dma_semaphore, #tpu.memory_space<semaphore_mem>> -> memref<1x!tpu.dma_semaphore, #tpu.memory_space<semaphore_mem>>
          %dma_start3A_302 = tpu.memref_squeeze %dma_start3A_301 : memref<1x!tpu.dma_semaphore, #tpu.memory_space<semaphore_mem>> -> memref<!tpu.dma_semaphore, #tpu.memory_space<semaphore_mem>>
          %dma_start3A_303 = arith.constant 768 : i32
          %dma_start3A_304 = tpu.memref_slice %arg7[%mul3A_294, %dma_start3A_303] : memref<8192x1024xf32, #tpu.memory_space<hbm>> -> memref<128x256xf32, #tpu.memory_space<hbm>>
          %dma_start3A_305 = arith.constant 0 : i32
          %dma_start3A_306 = arith.constant 0 : i32
          %dma_start3A_307 = tpu.memref_slice %run_scoped3A_35[%rem3A_292, %dma_start3A_305, %dma_start3A_306] : memref<2x128x256xf32, #tpu.memory_space<vmem>> -> memref<1x128x256xf32, #tpu.memory_space<vmem>>
          %dma_start3A_308 = tpu.memref_squeeze %dma_start3A_307 : memref<1x128x256xf32, #tpu.memory_space<vmem>> -> memref<128x256xf32, #tpu.memory_space<vmem>>
          tpu.enqueue_dma source(%dma_start3A_308 : memref<128x256xf32, #tpu.memory_space<vmem>>) target(%dma_start3A_304 : memref<128x256xf32, #tpu.memory_space<hbm>>) target_semaphore(%dma_start3A_302 : memref<!tpu.dma_semaphore, #tpu.memory_space<semaphore_mem>>)
          "tpu.trace_stop"() : () -> ()
        } else {
        }
        %and3A_244 = arith.constant true
        %and3A_245 = arith.andi %or3A_240, %and3A_244 : i1
        %add3A_246 = arith.constant 1 : i32
        %add3A_247 = arith.addi %scan3A_151, %add3A_246 : i32
        %select_n3A_248 = arith.select %and3A_245, %add3A_247, %scan3A_151 : i32
        %ne3A_249 = arith.cmpi ne, %add3A_158, %add3A_167 : i32
        %or3A_250 = arith.constant false
        %or3A_251 = arith.ori %or3A_250, %ne3A_249 : i1
        %not3A_252 = arith.constant true
        %not3A_253 = arith.xori %eq3A_155, %not3A_252 : i1
        %and3A_254 = arith.andi %or3A_251, %not3A_253 : i1
        %convert_element_type3A_255 = arith.extui %and3A_254 : i1 to i32
        %cond3A_256 = arith.constant 0 : i32
        %cond3A_257 = arith.cmpi ne, %convert_element_type3A_255, %cond3A_256 : i32
        scf.if %cond3A_257 {
        } else {
        }
        %and3A_258 = arith.constant false
        %and3A_259 = arith.andi %and3A_254, %and3A_258 : i1
        %ne3A_260 = arith.cmpi ne, %add3A_158, %add3A_167 : i32
        %or3A_261 = arith.constant false
        %or3A_262 = arith.ori %or3A_261, %ne3A_260 : i1
        %or3A_263 = arith.constant false
        %or3A_264 = arith.ori %or3A_262, %or3A_263 : i1
        %not3A_265 = arith.constant true
        %not3A_266 = arith.xori %eq3A_155, %not3A_265 : i1
        %and3A_267 = arith.andi %or3A_264, %not3A_266 : i1
        %convert_element_type3A_268 = arith.extui %and3A_267 : i1 to i32
        %cond3A_269 = arith.constant 0 : i32
        %cond3A_270 = arith.cmpi ne, %convert_element_type3A_268, %cond3A_269 : i32
        scf.if %cond3A_270 {
          "tpu.trace_start"() <{level = 10 : i32, message = "ep_wait_out"}> : () -> ()
          %rem3A_291 = arith.constant 2 : i32
          %rem3A_292 = arith.remui %scan3A_152, %rem3A_291 : i32
          %mul3A_293 = arith.constant 128 : i32
          %mul3A_294 = arith.muli %mul3A_293, %add3A_167 : i32
          %dma_wait3A_295 = arith.constant 0 : i32
          %dma_wait3A_296 = arith.constant 0 : i32
          %dma_wait3A_297 = tpu.memref_slice %run_scoped3A_35[%rem3A_292, %dma_wait3A_295, %dma_wait3A_296] : memref<2x128x256xf32, #tpu.memory_space<vmem>> -> memref<1x128x256xf32, #tpu.memory_space<vmem>>
          %dma_wait3A_298 = tpu.memref_squeeze %dma_wait3A_297 : memref<1x128x256xf32, #tpu.memory_space<vmem>> -> memref<128x256xf32, #tpu.memory_space<vmem>>
          %dma_wait3A_299 = arith.constant 768 : i32
          %dma_wait3A_300 = tpu.memref_slice %arg7[%mul3A_294, %dma_wait3A_299] : memref<8192x1024xf32, #tpu.memory_space<hbm>> -> memref<128x256xf32, #tpu.memory_space<hbm>>
          %dma_wait3A_301 = tpu.memref_slice %run_scoped3A_36[%rem3A_292] : memref<2x!tpu.dma_semaphore, #tpu.memory_space<semaphore_mem>> -> memref<1x!tpu.dma_semaphore, #tpu.memory_space<semaphore_mem>>
          %dma_wait3A_302 = tpu.memref_squeeze %dma_wait3A_301 : memref<1x!tpu.dma_semaphore, #tpu.memory_space<semaphore_mem>> -> memref<!tpu.dma_semaphore, #tpu.memory_space<semaphore_mem>>
          %dma_wait3A_303 = arith.constant 768 : i32
          %dma_wait3A_304 = tpu.memref_slice %arg7[%mul3A_294, %dma_wait3A_303] : memref<8192x1024xf32, #tpu.memory_space<hbm>> -> memref<128x256xf32, #tpu.memory_space<hbm>>
          %dma_wait3A_305 = arith.constant 0 : i32
          %dma_wait3A_306 = arith.constant 0 : i32
          %dma_wait3A_307 = tpu.memref_slice %run_scoped3A_35[%rem3A_292, %dma_wait3A_305, %dma_wait3A_306] : memref<2x128x256xf32, #tpu.memory_space<vmem>> -> memref<1x128x256xf32, #tpu.memory_space<vmem>>
          %dma_wait3A_308 = tpu.memref_squeeze %dma_wait3A_307 : memref<1x128x256xf32, #tpu.memory_space<vmem>> -> memref<128x256xf32, #tpu.memory_space<vmem>>
          tpu.wait_dma2 semaphore(%dma_wait3A_302 : memref<!tpu.dma_semaphore, #tpu.memory_space<semaphore_mem>>) src(%dma_wait3A_308 : memref<128x256xf32, #tpu.memory_space<vmem>>) dst(%dma_wait3A_304 : memref<128x256xf32, #tpu.memory_space<hbm>>)
          "tpu.trace_stop"() : () -> ()
        } else {
        }
        %and3A_271 = arith.constant true
        %and3A_272 = arith.andi %and3A_267, %and3A_271 : i1
        %add3A_273 = arith.constant 1 : i32
        %add3A_274 = arith.addi %scan3A_152, %add3A_273 : i32
        %select_n3A_275 = arith.select %and3A_272, %add3A_274, %scan3A_152 : i32
        %ne3A_276 = arith.cmpi ne, %add3A_158, %add3A_176 : i32
        %or3A_277 = arith.constant false
        %or3A_278 = arith.ori %or3A_277, %ne3A_276 : i1
        %or3A_279 = arith.ori %or3A_278, %eq3A_157 : i1
        %add3A_280 = arith.constant 1 : i32
        %add3A_281 = arith.addi %scan3A_150, %add3A_280 : i32
        %select_n3A_282 = arith.select %or3A_279, %add3A_281, %scan3A_150 : i32
        %add3A_283 = arith.constant 1 : i32
        %add3A_284 = arith.addi %scan3A_153, %add3A_283 : i32
        %select_n3A_285 = arith.constant true
        %select_n3A_286 = arith.select %select_n3A_285, %add3A_284, %scan3A_153 : i32
        %eq3A_287 = arith.constant 2 : i32
        %eq3A_288 = arith.cmpi eq, %select_n3A_286, %eq3A_287 : i32
        %select_n3A_289 = arith.constant 0 : i32
        %select_n3A_290 = arith.select %eq3A_288, %select_n3A_289, %select_n3A_286 : i32
        scf.yield %select_n3A_194, %select_n3A_282, %select_n3A_248, %select_n3A_275, %select_n3A_290 : i32, i32, i32, i32, i32
      }
      %scan3A_95 = arith.constant 2 : i32
      %sub3A = arith.constant 1 : i32
      %sub3A_96 = arith.subi %scan3A_94#4, %sub3A : i32
      %select_n3A_97 = arith.constant true
      %select_n3A_98 = arith.select %select_n3A_97, %sub3A_96, %scan3A_94#4 : i32
      %eq3A_99 = arith.constant -1 : i32
      %eq3A_100 = arith.cmpi eq, %select_n3A_98, %eq3A_99 : i32
      %select_n3A_101 = arith.constant 1 : i32
      %select_n3A_102 = arith.select %eq3A_100, %select_n3A_101, %select_n3A_98 : i32
      %add3A_103 = arith.addi %select_n3A_102, %mul3A_33 : i32
      %sub3A_104 = arith.constant 1 : i32
      %sub3A_105 = arith.subi %select_n3A_102, %sub3A_104 : i32
      %select_n3A_106 = arith.constant true
      %select_n3A_107 = arith.select %select_n3A_106, %sub3A_105, %select_n3A_102 : i32
      %eq3A_108 = arith.constant -1 : i32
      %eq3A_109 = arith.cmpi eq, %select_n3A_107, %eq3A_108 : i32
      %select_n3A_110 = arith.constant 1 : i32
      %select_n3A_111 = arith.select %eq3A_109, %select_n3A_110, %select_n3A_107 : i32
      %add3A_112 = arith.addi %select_n3A_111, %mul3A_33 : i32
      %add3A_113 = arith.constant 1 : i32
      %add3A_114 = arith.addi %select_n3A_102, %add3A_113 : i32
      %select_n3A_115 = arith.constant true
      %select_n3A_116 = arith.select %select_n3A_115, %add3A_114, %select_n3A_102 : i32
      %eq3A_117 = arith.constant 2 : i32
      %eq3A_118 = arith.cmpi eq, %select_n3A_116, %eq3A_117 : i32
      %select_n3A_119 = arith.constant 0 : i32
      %select_n3A_120 = arith.select %eq3A_118, %select_n3A_119, %select_n3A_116 : i32
      %add3A_121 = arith.addi %select_n3A_120, %mul3A_33 : i32
      %add3A_122 = arith.constant 1 : i32
      %add3A_123 = arith.addi %select_n3A_120, %add3A_122 : i32
      %select_n3A_124 = arith.constant true
      %select_n3A_125 = arith.select %select_n3A_124, %add3A_123, %select_n3A_120 : i32
      %eq3A_126 = arith.constant 2 : i32
      %eq3A_127 = arith.cmpi eq, %select_n3A_125, %eq3A_126 : i32
      %select_n3A_128 = arith.constant 0 : i32
      %select_n3A_129 = arith.select %eq3A_127, %select_n3A_128, %select_n3A_125 : i32
      %add3A_130 = arith.addi %select_n3A_129, %mul3A_33 : i32
      "tpu.trace_start"() <{level = 10 : i32, message = "ep_finalize"}> : () -> ()
      %rem3A_131 = arith.constant 2 : i32
      %rem3A_132 = arith.remui %scan3A_94#3, %rem3A_131 : i32
      %mul3A_133 = arith.constant 128 : i32
      %mul3A_134 = arith.muli %mul3A_133, %add3A_103 : i32
      %dma_wait3A = arith.constant 0 : i32
      %dma_wait3A_135 = arith.constant 0 : i32
      %dma_wait3A_136 = tpu.memref_slice %run_scoped3A_35[%rem3A_132, %dma_wait3A, %dma_wait3A_135] : memref<2x128x256xf32, #tpu.memory_space<vmem>> -> memref<1x128x256xf32, #tpu.memory_space<vmem>>
      %dma_wait3A_137 = tpu.memref_squeeze %dma_wait3A_136 : memref<1x128x256xf32, #tpu.memory_space<vmem>> -> memref<128x256xf32, #tpu.memory_space<vmem>>
      %dma_wait3A_138 = arith.constant 768 : i32
      %dma_wait3A_139 = tpu.memref_slice %arg7[%mul3A_134, %dma_wait3A_138] : memref<8192x1024xf32, #tpu.memory_space<hbm>> -> memref<128x256xf32, #tpu.memory_space<hbm>>
      %dma_wait3A_140 = tpu.memref_slice %run_scoped3A_36[%rem3A_132] : memref<2x!tpu.dma_semaphore, #tpu.memory_space<semaphore_mem>> -> memref<1x!tpu.dma_semaphore, #tpu.memory_space<semaphore_mem>>
      %dma_wait3A_141 = tpu.memref_squeeze %dma_wait3A_140 : memref<1x!tpu.dma_semaphore, #tpu.memory_space<semaphore_mem>> -> memref<!tpu.dma_semaphore, #tpu.memory_space<semaphore_mem>>
      %dma_wait3A_142 = arith.constant 768 : i32
      %dma_wait3A_143 = tpu.memref_slice %arg7[%mul3A_134, %dma_wait3A_142] : memref<8192x1024xf32, #tpu.memory_space<hbm>> -> memref<128x256xf32, #tpu.memory_space<hbm>>
      %dma_wait3A_144 = arith.constant 0 : i32
      %dma_wait3A_145 = arith.constant 0 : i32
      %dma_wait3A_146 = tpu.memref_slice %run_scoped3A_35[%rem3A_132, %dma_wait3A_144, %dma_wait3A_145] : memref<2x128x256xf32, #tpu.memory_space<vmem>> -> memref<1x128x256xf32, #tpu.memory_space<vmem>>
      %dma_wait3A_147 = tpu.memref_squeeze %dma_wait3A_146 : memref<1x128x256xf32, #tpu.memory_space<vmem>> -> memref<128x256xf32, #tpu.memory_space<vmem>>
      tpu.wait_dma2 semaphore(%dma_wait3A_141 : memref<!tpu.dma_semaphore, #tpu.memory_space<semaphore_mem>>) src(%dma_wait3A_147 : memref<128x256xf32, #tpu.memory_space<vmem>>) dst(%dma_wait3A_143 : memref<128x256xf32, #tpu.memory_space<hbm>>)
      "tpu.trace_stop"() : () -> ()
      tpu.yield
    }) : () -> ()
    return
  }
}

#map = affine_map<(d0, d1) -> (0, 0)>
module attributes {stable_mosaic.version = 14 : i64} {
  func.func @run(%arg0: i32, %arg1: i32, %arg2: memref<8192x1024xf32, #tpu.memory_space<hbm>>, %arg3: memref<1x32768xi32, #tpu.memory_space<hbm>>, %arg4: memref<32768x256xf32, #tpu.memory_space<hbm>>) attributes {dimension_semantics = [#tpu.dimension_semantics<core_parallel>, #tpu.dimension_semantics<subcore_parallel>], iteration_bounds = array<i64: 2, 16>, scalar_prefetch = 0 : i64, scratch_operands = 0 : i64, tpu.core_type = #tpu.core_type<sc_vector_subcore>, window_params = [{transform_indices = #map}, {transform_indices = #map}, {transform_indices = #map}]} {
    %mul3A = arith.constant 1 : i32
    %mul3A_0 = arith.muli %arg1, %mul3A : i32
    %add3A = arith.constant 0 : i32
    %add3A_1 = arith.addi %add3A, %mul3A_0 : i32
    %mul3A_2 = arith.constant 16 : i32
    %mul3A_3 = arith.muli %arg0, %mul3A_2 : i32
    %add3A_4 = arith.addi %add3A_1, %mul3A_3 : i32
    %mul3A_5 = arith.constant 2 : i32
    %mul3A_6 = arith.muli %add3A_4, %mul3A_5 : i32
    "tpu.region"() ({
      %run_scoped3A = memref.alloca() : memref<2x128x256xf32, #tpu.memory_space<vmem>>
      %run_scoped3A_7 = tpu.sem_alloc : memref<2x!tpu.dma_semaphore, #tpu.memory_space<semaphore_mem>>
      %run_scoped3A_8 = memref.alloca() : memref<2x1x128xi32, #tpu.memory_space<vmem>>
      %run_scoped3A_9 = tpu.sem_alloc : memref<2x!tpu.dma_semaphore, #tpu.memory_space<semaphore_mem>>
      %add3A_10 = arith.constant 0 : i32
      %add3A_11 = arith.addi %add3A_10, %mul3A_6 : i32
      %select_n3A = arith.constant true
      %select_n3A_12 = arith.constant 0 : i32
      %select_n3A_13 = arith.constant -1 : i32
      %select_n3A_14 = arith.select %select_n3A, %select_n3A_13, %select_n3A_12 : i32
      %eq3A = arith.constant -1 : i32
      %eq3A_15 = arith.cmpi eq, %select_n3A_14, %eq3A : i32
      %select_n3A_16 = arith.constant 1 : i32
      %select_n3A_17 = arith.select %eq3A_15, %select_n3A_16, %select_n3A_14 : i32
      %select_n3A_18 = arith.constant 0 : i32
      %select_n3A_19 = arith.constant -1 : i32
      %select_n3A_20 = arith.select %eq3A_15, %select_n3A_19, %select_n3A_18 : i32
      %eq3A_21 = arith.constant -1 : i32
      %eq3A_22 = arith.cmpi eq, %select_n3A_20, %eq3A_21 : i32
      %select_n3A_23 = arith.constant 3 : i32
      %select_n3A_24 = arith.select %eq3A_22, %select_n3A_23, %select_n3A_20 : i32
      %add3A_25 = arith.constant 0 : i32
      %add3A_26 = arith.addi %select_n3A_24, %add3A_25 : i32
      %add3A_27 = arith.addi %select_n3A_17, %mul3A_6 : i32
      %select_n3A_28 = arith.constant true
      %select_n3A_29 = arith.constant 0 : i32
      %select_n3A_30 = arith.constant 1 : i32
      %select_n3A_31 = arith.select %select_n3A_28, %select_n3A_30, %select_n3A_29 : i32
      %eq3A_32 = arith.constant 2 : i32
      %eq3A_33 = arith.cmpi eq, %select_n3A_31, %eq3A_32 : i32
      %select_n3A_34 = arith.constant 0 : i32
      %select_n3A_35 = arith.select %eq3A_33, %select_n3A_34, %select_n3A_31 : i32
      %select_n3A_36 = arith.constant 0 : i32
      %select_n3A_37 = arith.constant 1 : i32
      %select_n3A_38 = arith.select %eq3A_33, %select_n3A_37, %select_n3A_36 : i32
      %eq3A_39 = arith.constant 4 : i32
      %eq3A_40 = arith.cmpi eq, %select_n3A_38, %eq3A_39 : i32
      %select_n3A_41 = arith.constant 0 : i32
      %select_n3A_42 = arith.select %eq3A_40, %select_n3A_41, %select_n3A_38 : i32
      %add3A_43 = arith.constant 0 : i32
      %add3A_44 = arith.addi %select_n3A_42, %add3A_43 : i32
      %add3A_45 = arith.addi %select_n3A_35, %mul3A_6 : i32
      %add3A_46 = arith.constant 1 : i32
      %add3A_47 = arith.addi %select_n3A_35, %add3A_46 : i32
      %select_n3A_48 = arith.constant true
      %select_n3A_49 = arith.select %select_n3A_48, %add3A_47, %select_n3A_35 : i32
      %eq3A_50 = arith.constant 2 : i32
      %eq3A_51 = arith.cmpi eq, %select_n3A_49, %eq3A_50 : i32
      %select_n3A_52 = arith.constant 0 : i32
      %select_n3A_53 = arith.select %eq3A_51, %select_n3A_52, %select_n3A_49 : i32
      %add3A_54 = arith.constant 1 : i32
      %add3A_55 = arith.addi %select_n3A_42, %add3A_54 : i32
      %select_n3A_56 = arith.select %eq3A_51, %add3A_55, %select_n3A_42 : i32
      %eq3A_57 = arith.constant 4 : i32
      %eq3A_58 = arith.cmpi eq, %select_n3A_56, %eq3A_57 : i32
      %select_n3A_59 = arith.constant 0 : i32
      %select_n3A_60 = arith.select %eq3A_58, %select_n3A_59, %select_n3A_56 : i32
      %add3A_61 = arith.constant 0 : i32
      %add3A_62 = arith.addi %select_n3A_60, %add3A_61 : i32
      %add3A_63 = arith.addi %select_n3A_53, %mul3A_6 : i32
      "tpu.trace_start"() <{level = 10 : i32, message = "ep_initialize_0"}> : () -> ()
      %rem3A = arith.constant 0 : i32
      %rem3A_64 = arith.constant 2 : i32
      %rem3A_65 = arith.remui %rem3A, %rem3A_64 : i32
      %mul3A_66 = arith.constant 128 : i32
      %mul3A_67 = arith.muli %mul3A_66, %add3A_11 : i32
      %dma_start3A = arith.constant 0 : i32
      %dma_start3A_68 = arith.constant 0 : i32
      %dma_start3A_69 = tpu.memref_slice %run_scoped3A[%rem3A_65, %dma_start3A, %dma_start3A_68] : memref<2x128x256xf32, #tpu.memory_space<vmem>> -> memref<1x128x256xf32, #tpu.memory_space<vmem>>
      %dma_start3A_70 = tpu.memref_squeeze %dma_start3A_69 : memref<1x128x256xf32, #tpu.memory_space<vmem>> -> memref<128x256xf32, #tpu.memory_space<vmem>>
      %dma_start3A_71 = arith.constant 0 : i32
      %dma_start3A_72 = tpu.memref_slice %arg2[%mul3A_67, %dma_start3A_71] : memref<8192x1024xf32, #tpu.memory_space<hbm>> -> memref<128x256xf32, #tpu.memory_space<hbm>>
      %dma_start3A_73 = tpu.memref_slice %run_scoped3A_7[%rem3A_65] : memref<2x!tpu.dma_semaphore, #tpu.memory_space<semaphore_mem>> -> memref<1x!tpu.dma_semaphore, #tpu.memory_space<semaphore_mem>>
      %dma_start3A_74 = tpu.memref_squeeze %dma_start3A_73 : memref<1x!tpu.dma_semaphore, #tpu.memory_space<semaphore_mem>> -> memref<!tpu.dma_semaphore, #tpu.memory_space<semaphore_mem>>
      %dma_start3A_75 = arith.constant 0 : i32
      %dma_start3A_76 = arith.constant 0 : i32
      %dma_start3A_77 = tpu.memref_slice %run_scoped3A[%rem3A_65, %dma_start3A_75, %dma_start3A_76] : memref<2x128x256xf32, #tpu.memory_space<vmem>> -> memref<1x128x256xf32, #tpu.memory_space<vmem>>
      %dma_start3A_78 = tpu.memref_squeeze %dma_start3A_77 : memref<1x128x256xf32, #tpu.memory_space<vmem>> -> memref<128x256xf32, #tpu.memory_space<vmem>>
      %dma_start3A_79 = arith.constant 0 : i32
      %dma_start3A_80 = tpu.memref_slice %arg2[%mul3A_67, %dma_start3A_79] : memref<8192x1024xf32, #tpu.memory_space<hbm>> -> memref<128x256xf32, #tpu.memory_space<hbm>>
      tpu.enqueue_dma source(%dma_start3A_80 : memref<128x256xf32, #tpu.memory_space<hbm>>) target(%dma_start3A_78 : memref<128x256xf32, #tpu.memory_space<vmem>>) target_semaphore(%dma_start3A_74 : memref<!tpu.dma_semaphore, #tpu.memory_space<semaphore_mem>>)
      %add3A_81 = arith.constant 0 : i32
      %add3A_82 = arith.constant 1 : i32
      %add3A_83 = arith.addi %add3A_81, %add3A_82 : i32
      %select_n3A_84 = arith.constant true
      %select_n3A_85 = arith.constant 0 : i32
      %select_n3A_86 = arith.select %select_n3A_84, %add3A_83, %select_n3A_85 : i32
      %rem3A_87 = arith.constant 0 : i32
      %rem3A_88 = arith.constant 2 : i32
      %rem3A_89 = arith.remui %rem3A_87, %rem3A_88 : i32
      %add3A_90 = arith.constant 0 : i32
      %add3A_91 = arith.addi %add3A_90, %add3A_11 : i32
      %mul3A_92 = arith.constant 128 : i32
      %mul3A_93 = arith.muli %mul3A_92, %add3A_91 : i32
      %dma_start3A_94 = arith.constant 0 : i32
      %dma_start3A_95 = arith.constant 0 : i32
      %dma_start3A_96 = tpu.memref_slice %run_scoped3A_8[%rem3A_89, %dma_start3A_94, %dma_start3A_95] : memref<2x1x128xi32, #tpu.memory_space<vmem>> -> memref<1x1x128xi32, #tpu.memory_space<vmem>>
      %dma_start3A_97 = tpu.memref_squeeze %dma_start3A_96 : memref<1x1x128xi32, #tpu.memory_space<vmem>> -> memref<1x128xi32, #tpu.memory_space<vmem>>
      %dma_start3A_98 = arith.constant 0 : i32
      %dma_start3A_99 = tpu.memref_slice %arg3[%dma_start3A_98, %mul3A_93] : memref<1x32768xi32, #tpu.memory_space<hbm>> -> memref<1x128xi32, #tpu.memory_space<hbm>>
      %dma_start3A_100 = tpu.memref_slice %run_scoped3A_9[%rem3A_89] : memref<2x!tpu.dma_semaphore, #tpu.memory_space<semaphore_mem>> -> memref<1x!tpu.dma_semaphore, #tpu.memory_space<semaphore_mem>>
      %dma_start3A_101 = tpu.memref_squeeze %dma_start3A_100 : memref<1x!tpu.dma_semaphore, #tpu.memory_space<semaphore_mem>> -> memref<!tpu.dma_semaphore, #tpu.memory_space<semaphore_mem>>
      %dma_start3A_102 = arith.constant 0 : i32
      %dma_start3A_103 = arith.constant 0 : i32
      %dma_start3A_104 = tpu.memref_slice %run_scoped3A_8[%rem3A_89, %dma_start3A_102, %dma_start3A_103] : memref<2x1x128xi32, #tpu.memory_space<vmem>> -> memref<1x1x128xi32, #tpu.memory_space<vmem>>
      %dma_start3A_105 = tpu.memref_squeeze %dma_start3A_104 : memref<1x1x128xi32, #tpu.memory_space<vmem>> -> memref<1x128xi32, #tpu.memory_space<vmem>>
      %dma_start3A_106 = arith.constant 0 : i32
      %dma_start3A_107 = tpu.memref_slice %arg3[%dma_start3A_106, %mul3A_93] : memref<1x32768xi32, #tpu.memory_space<hbm>> -> memref<1x128xi32, #tpu.memory_space<hbm>>
      tpu.enqueue_dma source(%dma_start3A_107 : memref<1x128xi32, #tpu.memory_space<hbm>>) target(%dma_start3A_105 : memref<1x128xi32, #tpu.memory_space<vmem>>) target_semaphore(%dma_start3A_101 : memref<!tpu.dma_semaphore, #tpu.memory_space<semaphore_mem>>)
      %add3A_108 = arith.constant 0 : i32
      %add3A_109 = arith.constant 1 : i32
      %add3A_110 = arith.addi %add3A_108, %add3A_109 : i32
      %select_n3A_111 = arith.constant true
      %select_n3A_112 = arith.constant 0 : i32
      %select_n3A_113 = arith.select %select_n3A_111, %add3A_110, %select_n3A_112 : i32
      "tpu.trace_stop"() : () -> ()
      %scan3A = arith.constant 0 : i32
      %scan3A_114 = arith.constant 0 : i32
      %scan3A_115 = arith.constant 0 : i32
      %scan3A_116 = arith.constant 0 : i32
      %scan3A_117 = arith.constant 0 : i32
      %scan3A_118 = arith.constant 8 : i32
      %scan3A_119 = arith.addi %scan3A_117, %scan3A_118 : i32
      %scan3A_120 = arith.constant 1 : i32
      %scan3A_121:6 = scf.for %scan3A_194 = %scan3A_117 to %scan3A_119 step %scan3A_120 iter_args(%scan3A_195 = %select_n3A_86, %scan3A_196 = %scan3A, %scan3A_197 = %select_n3A_113, %scan3A_198 = %scan3A_114, %scan3A_199 = %scan3A_115, %scan3A_200 = %scan3A_116) -> (i32, i32, i32, i32, i32, i32)  : i32 {
        %eq3A_201 = arith.constant 0 : i32
        %eq3A_202 = arith.cmpi eq, %scan3A_194, %eq3A_201 : i32
        %eq3A_203 = arith.constant 7 : i32
        %eq3A_204 = arith.cmpi eq, %scan3A_194, %eq3A_203 : i32
        %add3A_205 = arith.constant 0 : i32
        %add3A_206 = arith.addi %scan3A_199, %add3A_205 : i32
        %add3A_207 = arith.addi %scan3A_200, %mul3A_6 : i32
        %sub3A_208 = arith.constant 1 : i32
        %sub3A_209 = arith.subi %scan3A_200, %sub3A_208 : i32
        %select_n3A_210 = arith.constant true
        %select_n3A_211 = arith.select %select_n3A_210, %sub3A_209, %scan3A_200 : i32
        %eq3A_212 = arith.constant -1 : i32
        %eq3A_213 = arith.cmpi eq, %select_n3A_211, %eq3A_212 : i32
        %select_n3A_214 = arith.constant 1 : i32
        %select_n3A_215 = arith.select %eq3A_213, %select_n3A_214, %select_n3A_211 : i32
        %sub3A_216 = arith.constant 1 : i32
        %sub3A_217 = arith.subi %scan3A_199, %sub3A_216 : i32
        %select_n3A_218 = arith.select %eq3A_213, %sub3A_217, %scan3A_199 : i32
        %eq3A_219 = arith.constant -1 : i32
        %eq3A_220 = arith.cmpi eq, %select_n3A_218, %eq3A_219 : i32
        %select_n3A_221 = arith.constant 3 : i32
        %select_n3A_222 = arith.select %eq3A_220, %select_n3A_221, %select_n3A_218 : i32
        %add3A_223 = arith.constant 0 : i32
        %add3A_224 = arith.addi %select_n3A_222, %add3A_223 : i32
        %add3A_225 = arith.addi %select_n3A_215, %mul3A_6 : i32
        %add3A_226 = arith.constant 1 : i32
        %add3A_227 = arith.addi %scan3A_200, %add3A_226 : i32
        %select_n3A_228 = arith.constant true
        %select_n3A_229 = arith.select %select_n3A_228, %add3A_227, %scan3A_200 : i32
        %eq3A_230 = arith.constant 2 : i32
        %eq3A_231 = arith.cmpi eq, %select_n3A_229, %eq3A_230 : i32
        %select_n3A_232 = arith.constant 0 : i32
        %select_n3A_233 = arith.select %eq3A_231, %select_n3A_232, %select_n3A_229 : i32
        %add3A_234 = arith.constant 1 : i32
        %add3A_235 = arith.addi %scan3A_199, %add3A_234 : i32
        %select_n3A_236 = arith.select %eq3A_231, %add3A_235, %scan3A_199 : i32
        %eq3A_237 = arith.constant 4 : i32
        %eq3A_238 = arith.cmpi eq, %select_n3A_236, %eq3A_237 : i32
        %select_n3A_239 = arith.constant 0 : i32
        %select_n3A_240 = arith.select %eq3A_238, %select_n3A_239, %select_n3A_236 : i32
        %add3A_241 = arith.constant 0 : i32
        %add3A_242 = arith.addi %select_n3A_240, %add3A_241 : i32
        %add3A_243 = arith.addi %select_n3A_233, %mul3A_6 : i32
        %add3A_244 = arith.constant 1 : i32
        %add3A_245 = arith.addi %select_n3A_233, %add3A_244 : i32
        %select_n3A_246 = arith.constant true
        %select_n3A_247 = arith.select %select_n3A_246, %add3A_245, %select_n3A_233 : i32
        %eq3A_248 = arith.constant 2 : i32
        %eq3A_249 = arith.cmpi eq, %select_n3A_247, %eq3A_248 : i32
        %select_n3A_250 = arith.constant 0 : i32
        %select_n3A_251 = arith.select %eq3A_249, %select_n3A_250, %select_n3A_247 : i32
        %add3A_252 = arith.constant 1 : i32
        %add3A_253 = arith.addi %select_n3A_240, %add3A_252 : i32
        %select_n3A_254 = arith.select %eq3A_249, %add3A_253, %select_n3A_240 : i32
        %eq3A_255 = arith.constant 4 : i32
        %eq3A_256 = arith.cmpi eq, %select_n3A_254, %eq3A_255 : i32
        %select_n3A_257 = arith.constant 0 : i32
        %select_n3A_258 = arith.select %eq3A_256, %select_n3A_257, %select_n3A_254 : i32
        %add3A_259 = arith.constant 0 : i32
        %add3A_260 = arith.addi %select_n3A_258, %add3A_259 : i32
        %add3A_261 = arith.addi %select_n3A_251, %mul3A_6 : i32
        %ne3A = arith.cmpi ne, %add3A_207, %add3A_243 : i32
        %ne3A_262 = arith.cmpi ne, %add3A_206, %add3A_242 : i32
        %or3A = arith.constant false
        %or3A_263 = arith.ori %or3A, %ne3A : i1
        %or3A_264 = arith.ori %or3A_263, %ne3A_262 : i1
        %ge3A = arith.constant 7 : i32
        %ge3A_265 = arith.cmpi sge, %scan3A_194, %ge3A : i32
        %not3A = arith.constant true
        %not3A_266 = arith.xori %ge3A_265, %not3A : i1
        %and3A = arith.andi %or3A_264, %not3A_266 : i1
        %convert_element_type3A = arith.extui %and3A : i1 to i32
        %cond3A = arith.constant 0 : i32
        %cond3A_267 = arith.cmpi ne, %convert_element_type3A, %cond3A : i32
        scf.if %cond3A_267 {
          "tpu.trace_start"() <{level = 10 : i32, message = "ep_copy_in"}> : () -> ()
          %rem3A_415 = arith.constant 2 : i32
          %rem3A_416 = arith.remui %scan3A_195, %rem3A_415 : i32
          %mul3A_417 = arith.constant 128 : i32
          %mul3A_418 = arith.muli %mul3A_417, %add3A_243 : i32
          %mul3A_419 = arith.constant 256 : i32
          %mul3A_420 = arith.muli %mul3A_419, %add3A_242 : i32
          %dma_start3A_421 = arith.constant 0 : i32
          %dma_start3A_422 = arith.constant 0 : i32
          %dma_start3A_423 = tpu.memref_slice %run_scoped3A[%rem3A_416, %dma_start3A_421, %dma_start3A_422] : memref<2x128x256xf32, #tpu.memory_space<vmem>> -> memref<1x128x256xf32, #tpu.memory_space<vmem>>
          %dma_start3A_424 = tpu.memref_squeeze %dma_start3A_423 : memref<1x128x256xf32, #tpu.memory_space<vmem>> -> memref<128x256xf32, #tpu.memory_space<vmem>>
          %dma_start3A_425 = tpu.memref_slice %arg2[%mul3A_418, %mul3A_420] : memref<8192x1024xf32, #tpu.memory_space<hbm>> -> memref<128x256xf32, #tpu.memory_space<hbm>>
          %dma_start3A_426 = tpu.memref_slice %run_scoped3A_7[%rem3A_416] : memref<2x!tpu.dma_semaphore, #tpu.memory_space<semaphore_mem>> -> memref<1x!tpu.dma_semaphore, #tpu.memory_space<semaphore_mem>>
          %dma_start3A_427 = tpu.memref_squeeze %dma_start3A_426 : memref<1x!tpu.dma_semaphore, #tpu.memory_space<semaphore_mem>> -> memref<!tpu.dma_semaphore, #tpu.memory_space<semaphore_mem>>
          %dma_start3A_428 = arith.constant 0 : i32
          %dma_start3A_429 = arith.constant 0 : i32
          %dma_start3A_430 = tpu.memref_slice %run_scoped3A[%rem3A_416, %dma_start3A_428, %dma_start3A_429] : memref<2x128x256xf32, #tpu.memory_space<vmem>> -> memref<1x128x256xf32, #tpu.memory_space<vmem>>
          %dma_start3A_431 = tpu.memref_squeeze %dma_start3A_430 : memref<1x128x256xf32, #tpu.memory_space<vmem>> -> memref<128x256xf32, #tpu.memory_space<vmem>>
          %dma_start3A_432 = tpu.memref_slice %arg2[%mul3A_418, %mul3A_420] : memref<8192x1024xf32, #tpu.memory_space<hbm>> -> memref<128x256xf32, #tpu.memory_space<hbm>>
          tpu.enqueue_dma source(%dma_start3A_432 : memref<128x256xf32, #tpu.memory_space<hbm>>) target(%dma_start3A_431 : memref<128x256xf32, #tpu.memory_space<vmem>>) target_semaphore(%dma_start3A_427 : memref<!tpu.dma_semaphore, #tpu.memory_space<semaphore_mem>>)
          "tpu.trace_stop"() : () -> ()
        } else {
        }
        %and3A_268 = arith.constant true
        %and3A_269 = arith.andi %and3A, %and3A_268 : i1
        %add3A_270 = arith.constant 1 : i32
        %add3A_271 = arith.addi %scan3A_195, %add3A_270 : i32
        %select_n3A_272 = arith.select %and3A_269, %add3A_271, %scan3A_195 : i32
        %mul3A_273 = arith.constant 64 : i32
        %mul3A_274 = arith.muli %add3A_206, %mul3A_273 : i32
        %add3A_275 = arith.addi %mul3A_274, %add3A_207 : i32
        %mul3A_276 = arith.constant 64 : i32
        %mul3A_277 = arith.muli %add3A_242, %mul3A_276 : i32
        %add3A_278 = arith.addi %mul3A_277, %add3A_243 : i32
        %ne3A_279 = arith.cmpi ne, %add3A_275, %add3A_278 : i32
        %or3A_280 = arith.constant false
        %or3A_281 = arith.ori %or3A_280, %ne3A_279 : i1
        %ge3A_282 = arith.constant 7 : i32
        %ge3A_283 = arith.cmpi sge, %scan3A_194, %ge3A_282 : i32
        %not3A_284 = arith.constant true
        %not3A_285 = arith.xori %ge3A_283, %not3A_284 : i1
        %and3A_286 = arith.andi %or3A_281, %not3A_285 : i1
        %convert_element_type3A_287 = arith.extui %and3A_286 : i1 to i32
        %cond3A_288 = arith.constant 0 : i32
        %cond3A_289 = arith.cmpi ne, %convert_element_type3A_287, %cond3A_288 : i32
        scf.if %cond3A_289 {
          "tpu.trace_start"() <{level = 10 : i32, message = "ep_copy_in"}> : () -> ()
          %rem3A_415 = arith.constant 2 : i32
          %rem3A_416 = arith.remui %scan3A_197, %rem3A_415 : i32
          %mul3A_417 = arith.constant 64 : i32
          %mul3A_418 = arith.muli %add3A_242, %mul3A_417 : i32
          %add3A_419 = arith.addi %mul3A_418, %add3A_243 : i32
          %mul3A_420 = arith.constant 128 : i32
          %mul3A_421 = arith.muli %mul3A_420, %add3A_419 : i32
          %dma_start3A_422 = arith.constant 0 : i32
          %dma_start3A_423 = arith.constant 0 : i32
          %dma_start3A_424 = tpu.memref_slice %run_scoped3A_8[%rem3A_416, %dma_start3A_422, %dma_start3A_423] : memref<2x1x128xi32, #tpu.memory_space<vmem>> -> memref<1x1x128xi32, #tpu.memory_space<vmem>>
          %dma_start3A_425 = tpu.memref_squeeze %dma_start3A_424 : memref<1x1x128xi32, #tpu.memory_space<vmem>> -> memref<1x128xi32, #tpu.memory_space<vmem>>
          %dma_start3A_426 = arith.constant 0 : i32
          %dma_start3A_427 = tpu.memref_slice %arg3[%dma_start3A_426, %mul3A_421] : memref<1x32768xi32, #tpu.memory_space<hbm>> -> memref<1x128xi32, #tpu.memory_space<hbm>>
          %dma_start3A_428 = tpu.memref_slice %run_scoped3A_9[%rem3A_416] : memref<2x!tpu.dma_semaphore, #tpu.memory_space<semaphore_mem>> -> memref<1x!tpu.dma_semaphore, #tpu.memory_space<semaphore_mem>>
          %dma_start3A_429 = tpu.memref_squeeze %dma_start3A_428 : memref<1x!tpu.dma_semaphore, #tpu.memory_space<semaphore_mem>> -> memref<!tpu.dma_semaphore, #tpu.memory_space<semaphore_mem>>
          %dma_start3A_430 = arith.constant 0 : i32
          %dma_start3A_431 = arith.constant 0 : i32
          %dma_start3A_432 = tpu.memref_slice %run_scoped3A_8[%rem3A_416, %dma_start3A_430, %dma_start3A_431] : memref<2x1x128xi32, #tpu.memory_space<vmem>> -> memref<1x1x128xi32, #tpu.memory_space<vmem>>
          %dma_start3A_433 = tpu.memref_squeeze %dma_start3A_432 : memref<1x1x128xi32, #tpu.memory_space<vmem>> -> memref<1x128xi32, #tpu.memory_space<vmem>>
          %dma_start3A_434 = arith.constant 0 : i32
          %dma_start3A_435 = tpu.memref_slice %arg3[%dma_start3A_434, %mul3A_421] : memref<1x32768xi32, #tpu.memory_space<hbm>> -> memref<1x128xi32, #tpu.memory_space<hbm>>
          tpu.enqueue_dma source(%dma_start3A_435 : memref<1x128xi32, #tpu.memory_space<hbm>>) target(%dma_start3A_433 : memref<1x128xi32, #tpu.memory_space<vmem>>) target_semaphore(%dma_start3A_429 : memref<!tpu.dma_semaphore, #tpu.memory_space<semaphore_mem>>)
          "tpu.trace_stop"() : () -> ()
        } else {
        }
        %and3A_290 = arith.constant true
        %and3A_291 = arith.andi %and3A_286, %and3A_290 : i1
        %add3A_292 = arith.constant 1 : i32
        %add3A_293 = arith.addi %scan3A_197, %add3A_292 : i32
        %select_n3A_294 = arith.select %and3A_291, %add3A_293, %scan3A_197 : i32
        %ne3A_295 = arith.cmpi ne, %add3A_207, %add3A_225 : i32
        %ne3A_296 = arith.cmpi ne, %add3A_206, %add3A_224 : i32
        %or3A_297 = arith.constant false
        %or3A_298 = arith.ori %or3A_297, %ne3A_295 : i1
        %or3A_299 = arith.ori %or3A_298, %ne3A_296 : i1
        %or3A_300 = arith.ori %or3A_299, %eq3A_202 : i1
        %convert_element_type3A_301 = arith.extui %or3A_300 : i1 to i32
        %cond3A_302 = arith.constant 0 : i32
        %cond3A_303 = arith.cmpi ne, %convert_element_type3A_301, %cond3A_302 : i32
        scf.if %cond3A_303 {
          "tpu.trace_start"() <{level = 10 : i32, message = "ep_wait_in"}> : () -> ()
          %mul3A_415 = arith.constant 128 : i32
          %mul3A_416 = arith.muli %mul3A_415, %add3A_207 : i32
          %mul3A_417 = arith.constant 256 : i32
          %mul3A_418 = arith.muli %mul3A_417, %add3A_206 : i32
          %rem3A_419 = arith.constant 2 : i32
          %rem3A_420 = arith.remui %scan3A_196, %rem3A_419 : i32
          %dma_wait3A = arith.constant 0 : i32
          %dma_wait3A_421 = arith.constant 0 : i32
          %dma_wait3A_422 = tpu.memref_slice %run_scoped3A[%rem3A_420, %dma_wait3A, %dma_wait3A_421] : memref<2x128x256xf32, #tpu.memory_space<vmem>> -> memref<1x128x256xf32, #tpu.memory_space<vmem>>
          %dma_wait3A_423 = tpu.memref_squeeze %dma_wait3A_422 : memref<1x128x256xf32, #tpu.memory_space<vmem>> -> memref<128x256xf32, #tpu.memory_space<vmem>>
          %dma_wait3A_424 = tpu.memref_slice %arg2[%mul3A_416, %mul3A_418] : memref<8192x1024xf32, #tpu.memory_space<hbm>> -> memref<128x256xf32, #tpu.memory_space<hbm>>
          %dma_wait3A_425 = tpu.memref_slice %run_scoped3A_7[%rem3A_420] : memref<2x!tpu.dma_semaphore, #tpu.memory_space<semaphore_mem>> -> memref<1x!tpu.dma_semaphore, #tpu.memory_space<semaphore_mem>>
          %dma_wait3A_426 = tpu.memref_squeeze %dma_wait3A_425 : memref<1x!tpu.dma_semaphore, #tpu.memory_space<semaphore_mem>> -> memref<!tpu.dma_semaphore, #tpu.memory_space<semaphore_mem>>
          %dma_wait3A_427 = arith.constant 0 : i32
          %dma_wait3A_428 = arith.constant 0 : i32
          %dma_wait3A_429 = tpu.memref_slice %run_scoped3A[%rem3A_420, %dma_wait3A_427, %dma_wait3A_428] : memref<2x128x256xf32, #tpu.memory_space<vmem>> -> memref<1x128x256xf32, #tpu.memory_space<vmem>>
          %dma_wait3A_430 = tpu.memref_squeeze %dma_wait3A_429 : memref<1x128x256xf32, #tpu.memory_space<vmem>> -> memref<128x256xf32, #tpu.memory_space<vmem>>
          %dma_wait3A_431 = tpu.memref_slice %arg2[%mul3A_416, %mul3A_418] : memref<8192x1024xf32, #tpu.memory_space<hbm>> -> memref<128x256xf32, #tpu.memory_space<hbm>>
          tpu.wait_dma2 semaphore(%dma_wait3A_426 : memref<!tpu.dma_semaphore, #tpu.memory_space<semaphore_mem>>) src(%dma_wait3A_431 : memref<128x256xf32, #tpu.memory_space<hbm>>) dst(%dma_wait3A_430 : memref<128x256xf32, #tpu.memory_space<vmem>>)
          "tpu.trace_stop"() : () -> ()
        } else {
        }
        %mul3A_304 = arith.constant 64 : i32
        %mul3A_305 = arith.muli %add3A_206, %mul3A_304 : i32
        %add3A_306 = arith.addi %mul3A_305, %add3A_207 : i32
        %mul3A_307 = arith.constant 64 : i32
        %mul3A_308 = arith.muli %add3A_224, %mul3A_307 : i32
        %add3A_309 = arith.addi %mul3A_308, %add3A_225 : i32
        %ne3A_310 = arith.cmpi ne, %add3A_306, %add3A_309 : i32
        %or3A_311 = arith.constant false
        %or3A_312 = arith.ori %or3A_311, %ne3A_310 : i1
        %or3A_313 = arith.ori %or3A_312, %eq3A_202 : i1
        %convert_element_type3A_314 = arith.extui %or3A_313 : i1 to i32
        %cond3A_315 = arith.constant 0 : i32
        %cond3A_316 = arith.cmpi ne, %convert_element_type3A_314, %cond3A_315 : i32
        scf.if %cond3A_316 {
          "tpu.trace_start"() <{level = 10 : i32, message = "ep_wait_in"}> : () -> ()
          %mul3A_415 = arith.constant 64 : i32
          %mul3A_416 = arith.muli %add3A_206, %mul3A_415 : i32
          %add3A_417 = arith.addi %mul3A_416, %add3A_207 : i32
          %mul3A_418 = arith.constant 128 : i32
          %mul3A_419 = arith.muli %mul3A_418, %add3A_417 : i32
          %rem3A_420 = arith.constant 2 : i32
          %rem3A_421 = arith.remui %scan3A_198, %rem3A_420 : i32
          %dma_wait3A = arith.constant 0 : i32
          %dma_wait3A_422 = arith.constant 0 : i32
          %dma_wait3A_423 = tpu.memref_slice %run_scoped3A_8[%rem3A_421, %dma_wait3A, %dma_wait3A_422] : memref<2x1x128xi32, #tpu.memory_space<vmem>> -> memref<1x1x128xi32, #tpu.memory_space<vmem>>
          %dma_wait3A_424 = tpu.memref_squeeze %dma_wait3A_423 : memref<1x1x128xi32, #tpu.memory_space<vmem>> -> memref<1x128xi32, #tpu.memory_space<vmem>>
          %dma_wait3A_425 = arith.constant 0 : i32
          %dma_wait3A_426 = tpu.memref_slice %arg3[%dma_wait3A_425, %mul3A_419] : memref<1x32768xi32, #tpu.memory_space<hbm>> -> memref<1x128xi32, #tpu.memory_space<hbm>>
          %dma_wait3A_427 = tpu.memref_slice %run_scoped3A_9[%rem3A_421] : memref<2x!tpu.dma_semaphore, #tpu.memory_space<semaphore_mem>> -> memref<1x!tpu.dma_semaphore, #tpu.memory_space<semaphore_mem>>
          %dma_wait3A_428 = tpu.memref_squeeze %dma_wait3A_427 : memref<1x!tpu.dma_semaphore, #tpu.memory_space<semaphore_mem>> -> memref<!tpu.dma_semaphore, #tpu.memory_space<semaphore_mem>>
          %dma_wait3A_429 = arith.constant 0 : i32
          %dma_wait3A_430 = arith.constant 0 : i32
          %dma_wait3A_431 = tpu.memref_slice %run_scoped3A_8[%rem3A_421, %dma_wait3A_429, %dma_wait3A_430] : memref<2x1x128xi32, #tpu.memory_space<vmem>> -> memref<1x1x128xi32, #tpu.memory_space<vmem>>
          %dma_wait3A_432 = tpu.memref_squeeze %dma_wait3A_431 : memref<1x1x128xi32, #tpu.memory_space<vmem>> -> memref<1x128xi32, #tpu.memory_space<vmem>>
          %dma_wait3A_433 = arith.constant 0 : i32
          %dma_wait3A_434 = tpu.memref_slice %arg3[%dma_wait3A_433, %mul3A_419] : memref<1x32768xi32, #tpu.memory_space<hbm>> -> memref<1x128xi32, #tpu.memory_space<hbm>>
          tpu.wait_dma2 semaphore(%dma_wait3A_428 : memref<!tpu.dma_semaphore, #tpu.memory_space<semaphore_mem>>) src(%dma_wait3A_434 : memref<1x128xi32, #tpu.memory_space<hbm>>) dst(%dma_wait3A_432 : memref<1x128xi32, #tpu.memory_space<vmem>>)
          "tpu.trace_stop"() : () -> ()
        } else {
        }
        %rem3A_317 = arith.constant 2 : i32
        %rem3A_318 = arith.remui %scan3A_196, %rem3A_317 : i32
        %rem3A_319 = arith.constant 2 : i32
        %rem3A_320 = arith.remui %scan3A_198, %rem3A_319 : i32
        %run_scoped3A_321 = arith.constant 0 : i32
        "tpu.trace_start"() <{level = 10 : i32, message = "ep_run_kernel"}> : () -> ()
        "tpu.region"() ({
          %run_scoped3A_415 = tpu.sem_alloc : memref<!tpu.dma_semaphore, #tpu.memory_space<semaphore_mem>>
          %dma_start3A_416 = arith.constant 0 : i32
          %dma_start3A_417 = arith.constant 0 : i32
          %dma_start3A_418 = tpu.memref_slice %run_scoped3A[%rem3A_318, %dma_start3A_416, %dma_start3A_417] : memref<2x128x256xf32, #tpu.memory_space<vmem>> -> memref<1x128x256xf32, #tpu.memory_space<vmem>>
          %dma_start3A_419 = tpu.memref_squeeze %dma_start3A_418 : memref<1x128x256xf32, #tpu.memory_space<vmem>> -> memref<128x256xf32, #tpu.memory_space<vmem>>
          %dma_start3A_420 = arith.constant 0 : i32
          %dma_start3A_421 = arith.constant 0 : i32
          %dma_start3A_422 = tpu.memref_slice %run_scoped3A_8[%rem3A_320, %dma_start3A_420, %dma_start3A_421] : memref<2x1x128xi32, #tpu.memory_space<vmem>> -> memref<1x1x128xi32, #tpu.memory_space<vmem>>
          %dma_start3A_423 = tpu.memref_squeeze %dma_start3A_422 : memref<1x1x128xi32, #tpu.memory_space<vmem>> -> memref<1x128xi32, #tpu.memory_space<vmem>>
          %dma_start3A_424 = arith.constant 0 : i32
          %dma_start3A_425 = tpu.memref_slice %dma_start3A_423[%run_scoped3A_321, %dma_start3A_424] : memref<1x128xi32, #tpu.memory_space<vmem>> -> memref<1x128xi32, #tpu.memory_space<vmem>>
          %dma_start3A_426 = tpu.memref_squeeze %dma_start3A_425 : memref<1x128xi32, #tpu.memory_space<vmem>> -> memref<128xi32, #tpu.memory_space<vmem>>
          %dma_start3A_427 = arith.constant 0 : i32
          %dma_start3A_428 = arith.constant 0 : i32
          %dma_start3A_429 = tpu.memref_slice %arg4[%dma_start3A_427, %dma_start3A_428] : memref<32768x256xf32, #tpu.memory_space<hbm>> -> memref<32768x256xf32, #tpu.memory_space<hbm>>
          tpu.enqueue_indirect_dma source(%dma_start3A_419 : memref<128x256xf32, #tpu.memory_space<vmem>>) target(%dma_start3A_429 : memref<32768x256xf32, #tpu.memory_space<hbm>>) offsets(%dma_start3A_426 : memref<128xi32, #tpu.memory_space<vmem>>) semaphore(%run_scoped3A_415 : memref<!tpu.dma_semaphore, #tpu.memory_space<semaphore_mem>>)
          %dma_wait3A = arith.constant 0 : i32
          %dma_wait3A_430 = arith.constant 0 : i32
          %dma_wait3A_431 = tpu.memref_slice %run_scoped3A[%rem3A_318, %dma_wait3A, %dma_wait3A_430] : memref<2x128x256xf32, #tpu.memory_space<vmem>> -> memref<1x128x256xf32, #tpu.memory_space<vmem>>
          %dma_wait3A_432 = tpu.memref_squeeze %dma_wait3A_431 : memref<1x128x256xf32, #tpu.memory_space<vmem>> -> memref<128x256xf32, #tpu.memory_space<vmem>>
          %dma_wait3A_433 = arith.constant 0 : i32
          %dma_wait3A_434 = arith.constant 0 : i32
          %dma_wait3A_435 = tpu.memref_slice %run_scoped3A_8[%rem3A_320, %dma_wait3A_433, %dma_wait3A_434] : memref<2x1x128xi32, #tpu.memory_space<vmem>> -> memref<1x1x128xi32, #tpu.memory_space<vmem>>
          %dma_wait3A_436 = tpu.memref_squeeze %dma_wait3A_435 : memref<1x1x128xi32, #tpu.memory_space<vmem>> -> memref<1x128xi32, #tpu.memory_space<vmem>>
          %dma_wait3A_437 = arith.constant 0 : i32
          %dma_wait3A_438 = tpu.memref_slice %dma_wait3A_436[%run_scoped3A_321, %dma_wait3A_437] : memref<1x128xi32, #tpu.memory_space<vmem>> -> memref<1x128xi32, #tpu.memory_space<vmem>>
          %dma_wait3A_439 = tpu.memref_squeeze %dma_wait3A_438 : memref<1x128xi32, #tpu.memory_space<vmem>> -> memref<128xi32, #tpu.memory_space<vmem>>
          %dma_wait3A_440 = arith.constant 0 : i32
          %dma_wait3A_441 = arith.constant 0 : i32
          %dma_wait3A_442 = tpu.memref_slice %arg4[%dma_wait3A_440, %dma_wait3A_441] : memref<32768x256xf32, #tpu.memory_space<hbm>> -> memref<32768x256xf32, #tpu.memory_space<hbm>>
          tpu.wait_indirect_dma semaphore(%run_scoped3A_415 : memref<!tpu.dma_semaphore, #tpu.memory_space<semaphore_mem>>) src(%dma_wait3A_432 : memref<128x256xf32, #tpu.memory_space<vmem>>) dst(%dma_wait3A_442 : memref<32768x256xf32, #tpu.memory_space<hbm>>)
          tpu.yield
        }) : () -> ()
        "tpu.trace_stop"() : () -> ()
        %ne3A_322 = arith.cmpi ne, %add3A_207, %add3A_243 : i32
        %ne3A_323 = arith.cmpi ne, %add3A_206, %add3A_242 : i32
        %or3A_324 = arith.constant false
        %or3A_325 = arith.ori %or3A_324, %ne3A_322 : i1
        %or3A_326 = arith.ori %or3A_325, %ne3A_323 : i1
        %or3A_327 = arith.ori %or3A_326, %eq3A_204 : i1
        %convert_element_type3A_328 = arith.extui %or3A_327 : i1 to i32
        %cond3A_329 = arith.constant 0 : i32
        %cond3A_330 = arith.cmpi ne, %convert_element_type3A_328, %cond3A_329 : i32
        scf.if %cond3A_330 {
        } else {
        }
        %and3A_331 = arith.constant false
        %and3A_332 = arith.andi %or3A_327, %and3A_331 : i1
        %mul3A_333 = arith.constant 64 : i32
        %mul3A_334 = arith.muli %add3A_206, %mul3A_333 : i32
        %add3A_335 = arith.addi %mul3A_334, %add3A_207 : i32
        %mul3A_336 = arith.constant 64 : i32
        %mul3A_337 = arith.muli %add3A_242, %mul3A_336 : i32
        %add3A_338 = arith.addi %mul3A_337, %add3A_243 : i32
        %ne3A_339 = arith.cmpi ne, %add3A_335, %add3A_338 : i32
        %or3A_340 = arith.constant false
        %or3A_341 = arith.ori %or3A_340, %ne3A_339 : i1
        %or3A_342 = arith.ori %or3A_341, %eq3A_204 : i1
        %convert_element_type3A_343 = arith.extui %or3A_342 : i1 to i32
        %cond3A_344 = arith.constant 0 : i32
        %cond3A_345 = arith.cmpi ne, %convert_element_type3A_343, %cond3A_344 : i32
        scf.if %cond3A_345 {
        } else {
        }
        %and3A_346 = arith.constant false
        %and3A_347 = arith.andi %or3A_342, %and3A_346 : i1
        %ne3A_348 = arith.cmpi ne, %add3A_207, %add3A_225 : i32
        %ne3A_349 = arith.cmpi ne, %add3A_206, %add3A_224 : i32
        %or3A_350 = arith.constant false
        %or3A_351 = arith.ori %or3A_350, %ne3A_348 : i1
        %or3A_352 = arith.ori %or3A_351, %ne3A_349 : i1
        %not3A_353 = arith.constant true
        %not3A_354 = arith.xori %eq3A_202, %not3A_353 : i1
        %and3A_355 = arith.andi %or3A_352, %not3A_354 : i1
        %convert_element_type3A_356 = arith.extui %and3A_355 : i1 to i32
        %cond3A_357 = arith.constant 0 : i32
        %cond3A_358 = arith.cmpi ne, %convert_element_type3A_356, %cond3A_357 : i32
        scf.if %cond3A_358 {
        } else {
        }
        %and3A_359 = arith.constant false
        %and3A_360 = arith.andi %and3A_355, %and3A_359 : i1
        %mul3A_361 = arith.constant 64 : i32
        %mul3A_362 = arith.muli %add3A_206, %mul3A_361 : i32
        %add3A_363 = arith.addi %mul3A_362, %add3A_207 : i32
        %mul3A_364 = arith.constant 64 : i32
        %mul3A_365 = arith.muli %add3A_224, %mul3A_364 : i32
        %add3A_366 = arith.addi %mul3A_365, %add3A_225 : i32
        %ne3A_367 = arith.cmpi ne, %add3A_363, %add3A_366 : i32
        %or3A_368 = arith.constant false
        %or3A_369 = arith.ori %or3A_368, %ne3A_367 : i1
        %not3A_370 = arith.constant true
        %not3A_371 = arith.xori %eq3A_202, %not3A_370 : i1
        %and3A_372 = arith.andi %or3A_369, %not3A_371 : i1
        %convert_element_type3A_373 = arith.extui %and3A_372 : i1 to i32
        %cond3A_374 = arith.constant 0 : i32
        %cond3A_375 = arith.cmpi ne, %convert_element_type3A_373, %cond3A_374 : i32
        scf.if %cond3A_375 {
        } else {
        }
        %and3A_376 = arith.constant false
        %and3A_377 = arith.andi %and3A_372, %and3A_376 : i1
        %ne3A_378 = arith.cmpi ne, %add3A_207, %add3A_243 : i32
        %ne3A_379 = arith.cmpi ne, %add3A_206, %add3A_242 : i32
        %or3A_380 = arith.constant false
        %or3A_381 = arith.ori %or3A_380, %ne3A_378 : i1
        %or3A_382 = arith.ori %or3A_381, %ne3A_379 : i1
        %or3A_383 = arith.ori %or3A_382, %eq3A_204 : i1
        %add3A_384 = arith.constant 1 : i32
        %add3A_385 = arith.addi %scan3A_196, %add3A_384 : i32
        %select_n3A_386 = arith.select %or3A_383, %add3A_385, %scan3A_196 : i32
        %mul3A_387 = arith.constant 64 : i32
        %mul3A_388 = arith.muli %add3A_206, %mul3A_387 : i32
        %add3A_389 = arith.addi %mul3A_388, %add3A_207 : i32
        %mul3A_390 = arith.constant 64 : i32
        %mul3A_391 = arith.muli %add3A_242, %mul3A_390 : i32
        %add3A_392 = arith.addi %mul3A_391, %add3A_243 : i32
        %ne3A_393 = arith.cmpi ne, %add3A_389, %add3A_392 : i32
        %or3A_394 = arith.constant false
        %or3A_395 = arith.ori %or3A_394, %ne3A_393 : i1
        %or3A_396 = arith.ori %or3A_395, %eq3A_204 : i1
        %add3A_397 = arith.constant 1 : i32
        %add3A_398 = arith.addi %scan3A_198, %add3A_397 : i32
        %select_n3A_399 = arith.select %or3A_396, %add3A_398, %scan3A_198 : i32
        %add3A_400 = arith.constant 1 : i32
        %add3A_401 = arith.addi %scan3A_200, %add3A_400 : i32
        %select_n3A_402 = arith.constant true
        %select_n3A_403 = arith.select %select_n3A_402, %add3A_401, %scan3A_200 : i32
        %eq3A_404 = arith.constant 2 : i32
        %eq3A_405 = arith.cmpi eq, %select_n3A_403, %eq3A_404 : i32
        %select_n3A_406 = arith.constant 0 : i32
        %select_n3A_407 = arith.select %eq3A_405, %select_n3A_406, %select_n3A_403 : i32
        %add3A_408 = arith.constant 1 : i32
        %add3A_409 = arith.addi %scan3A_199, %add3A_408 : i32
        %select_n3A_410 = arith.select %eq3A_405, %add3A_409, %scan3A_199 : i32
        %eq3A_411 = arith.constant 4 : i32
        %eq3A_412 = arith.cmpi eq, %select_n3A_410, %eq3A_411 : i32
        %select_n3A_413 = arith.constant 0 : i32
        %select_n3A_414 = arith.select %eq3A_412, %select_n3A_413, %select_n3A_410 : i32
        scf.yield %select_n3A_272, %select_n3A_386, %select_n3A_294, %select_n3A_399, %select_n3A_414, %select_n3A_407 : i32, i32, i32, i32, i32, i32
      }
      %scan3A_122 = arith.constant 8 : i32
      %sub3A = arith.constant 1 : i32
      %sub3A_123 = arith.subi %scan3A_121#5, %sub3A : i32
      %select_n3A_124 = arith.constant true
      %select_n3A_125 = arith.select %select_n3A_124, %sub3A_123, %scan3A_121#5 : i32
      %eq3A_126 = arith.constant -1 : i32
      %eq3A_127 = arith.cmpi eq, %select_n3A_125, %eq3A_126 : i32
      %select_n3A_128 = arith.constant 1 : i32
      %select_n3A_129 = arith.select %eq3A_127, %select_n3A_128, %select_n3A_125 : i32
      %sub3A_130 = arith.constant 1 : i32
      %sub3A_131 = arith.subi %scan3A_121#4, %sub3A_130 : i32
      %select_n3A_132 = arith.select %eq3A_127, %sub3A_131, %scan3A_121#4 : i32
      %eq3A_133 = arith.constant -1 : i32
      %eq3A_134 = arith.cmpi eq, %select_n3A_132, %eq3A_133 : i32
      %select_n3A_135 = arith.constant 3 : i32
      %select_n3A_136 = arith.select %eq3A_134, %select_n3A_135, %select_n3A_132 : i32
      %add3A_137 = arith.constant 0 : i32
      %add3A_138 = arith.addi %select_n3A_136, %add3A_137 : i32
      %add3A_139 = arith.addi %select_n3A_129, %mul3A_6 : i32
      %sub3A_140 = arith.constant 1 : i32
      %sub3A_141 = arith.subi %select_n3A_129, %sub3A_140 : i32
      %select_n3A_142 = arith.constant true
      %select_n3A_143 = arith.select %select_n3A_142, %sub3A_141, %select_n3A_129 : i32
      %eq3A_144 = arith.constant -1 : i32
      %eq3A_145 = arith.cmpi eq, %select_n3A_143, %eq3A_144 : i32
      %select_n3A_146 = arith.constant 1 : i32
      %select_n3A_147 = arith.select %eq3A_145, %select_n3A_146, %select_n3A_143 : i32
      %sub3A_148 = arith.constant 1 : i32
      %sub3A_149 = arith.subi %select_n3A_136, %sub3A_148 : i32
      %select_n3A_150 = arith.select %eq3A_145, %sub3A_149, %select_n3A_136 : i32
      %eq3A_151 = arith.constant -1 : i32
      %eq3A_152 = arith.cmpi eq, %select_n3A_150, %eq3A_151 : i32
      %select_n3A_153 = arith.constant 3 : i32
      %select_n3A_154 = arith.select %eq3A_152, %select_n3A_153, %select_n3A_150 : i32
      %add3A_155 = arith.constant 0 : i32
      %add3A_156 = arith.addi %select_n3A_154, %add3A_155 : i32
      %add3A_157 = arith.addi %select_n3A_147, %mul3A_6 : i32
      %add3A_158 = arith.constant 1 : i32
      %add3A_159 = arith.addi %select_n3A_129, %add3A_158 : i32
      %select_n3A_160 = arith.constant true
      %select_n3A_161 = arith.select %select_n3A_160, %add3A_159, %select_n3A_129 : i32
      %eq3A_162 = arith.constant 2 : i32
      %eq3A_163 = arith.cmpi eq, %select_n3A_161, %eq3A_162 : i32
      %select_n3A_164 = arith.constant 0 : i32
      %select_n3A_165 = arith.select %eq3A_163, %select_n3A_164, %select_n3A_161 : i32
      %add3A_166 = arith.constant 1 : i32
      %add3A_167 = arith.addi %select_n3A_136, %add3A_166 : i32
      %select_n3A_168 = arith.select %eq3A_163, %add3A_167, %select_n3A_136 : i32
      %eq3A_169 = arith.constant 4 : i32
      %eq3A_170 = arith.cmpi eq, %select_n3A_168, %eq3A_169 : i32
      %select_n3A_171 = arith.constant 0 : i32
      %select_n3A_172 = arith.select %eq3A_170, %select_n3A_171, %select_n3A_168 : i32
      %add3A_173 = arith.constant 0 : i32
      %add3A_174 = arith.addi %select_n3A_172, %add3A_173 : i32
      %add3A_175 = arith.addi %select_n3A_165, %mul3A_6 : i32
      %add3A_176 = arith.constant 1 : i32
      %add3A_177 = arith.addi %select_n3A_165, %add3A_176 : i32
      %select_n3A_178 = arith.constant true
      %select_n3A_179 = arith.select %select_n3A_178, %add3A_177, %select_n3A_165 : i32
      %eq3A_180 = arith.constant 2 : i32
      %eq3A_181 = arith.cmpi eq, %select_n3A_179, %eq3A_180 : i32
      %select_n3A_182 = arith.constant 0 : i32
      %select_n3A_183 = arith.select %eq3A_181, %select_n3A_182, %select_n3A_179 : i32
      %add3A_184 = arith.constant 1 : i32
      %add3A_185 = arith.addi %select_n3A_172, %add3A_184 : i32
      %select_n3A_186 = arith.select %eq3A_181, %add3A_185, %select_n3A_172 : i32
      %eq3A_187 = arith.constant 4 : i32
      %eq3A_188 = arith.cmpi eq, %select_n3A_186, %eq3A_187 : i32
      %select_n3A_189 = arith.constant 0 : i32
      %select_n3A_190 = arith.select %eq3A_188, %select_n3A_189, %select_n3A_186 : i32
      %add3A_191 = arith.constant 0 : i32
      %add3A_192 = arith.addi %select_n3A_190, %add3A_191 : i32
      %add3A_193 = arith.addi %select_n3A_183, %mul3A_6 : i32
      tpu.yield
    }) : () -> ()
    return
  }
}

module attributes {stable_mosaic.version = 14 : i64} {
  func.func @_destiny_body(%arg0: memref<8192x1xi32, #tpu.memory_space<vmem>>, %arg1: memref<8192x1xf32, #tpu.memory_space<vmem>>, %arg2: memref<8x1x8xf32, #tpu.memory_space<vmem>>, %arg3: memref<8192x4xi32, #tpu.memory_space<vmem>>, %arg4: memref<1x8xi32, #tpu.memory_space<vmem>>) attributes {dimension_semantics = [], scalar_prefetch = 0 : i64, scratch_operands = 0 : i64, tpu.core_type = #tpu.core_type<tc>} {
    %get3A = arith.constant 0 : index
    %get3A_0 = arith.constant 0 : index
    %get3A_1 = arith.constant 0 : index
    %get3A_2 = vector.load %arg2[%get3A, %get3A_0, %get3A_1] : memref<8x1x8xf32, #tpu.memory_space<vmem>>, vector<8x1x8xf32>
    %get3A_3 = vector.shape_cast %get3A_2 : vector<8x1x8xf32> to vector<8x8xf32>
    %iota3A = tpu.iota {dimensions = array<i32: 0>} : vector<8x8xi32>
    %iota3A_4 = tpu.iota {dimensions = array<i32: 1>} : vector<8x8xi32>
    %lt3A = arith.cmpi slt, %iota3A_4, %iota3A : vector<8x8xi32>
    %convert_element_type3A = arith.extui %lt3A : vector<8x8xi1> to vector<8x8xi32>
    %convert_element_type3A_5 = arith.sitofp %convert_element_type3A : vector<8x8xi32> to vector<8x8xf32>
    %dot_general3A = arith.constant dense<0.000000e+00> : vector<8x8xf32>
    %dot_general3A_6 = tpu.matmul %convert_element_type3A_5, %get3A_3, %dot_general3A {dimension_numbers = #tpu.dot_dimension_numbers<[1], [0], [0], [1], [0, 0, 1, 1], [], []>, precision = #tpu.contract_precision<fp32>, transpose_lhs_hint = false} : vector<8x8xf32>, vector<8x8xf32>, vector<8x8xf32> -> vector<8x8xf32>
    %reduce_sum3A = arith.constant dense<0.000000e+00> : vector<8xf32>
    %reduce_sum3A_7 = vector.multi_reduction <add>, %get3A_3, %reduce_sum3A [0] : vector<8x8xf32> to vector<8xf32>
    %broadcast_in_dim3A = vector.shape_cast %reduce_sum3A_7 : vector<8xf32> to vector<1x8xf32>
    %iota3A_8 = tpu.iota {dimensions = array<i32: 0>} : vector<8x8xi32>
    %iota3A_9 = tpu.iota {dimensions = array<i32: 1>} : vector<8x8xi32>
    %lt3A_10 = arith.cmpi slt, %iota3A_8, %iota3A_9 : vector<8x8xi32>
    %convert_element_type3A_11 = arith.extui %lt3A_10 : vector<8x8xi1> to vector<8x8xi32>
    %convert_element_type3A_12 = arith.sitofp %convert_element_type3A_11 : vector<8x8xi32> to vector<8x8xf32>
    %dot_general3A_13 = arith.constant dense<0.000000e+00> : vector<1x8xf32>
    %dot_general3A_14 = tpu.matmul %broadcast_in_dim3A, %convert_element_type3A_12, %dot_general3A_13 {dimension_numbers = #tpu.dot_dimension_numbers<[1], [0], [0], [1], [0, 0, 1, 1], [], []>, precision = #tpu.contract_precision<fp32>, transpose_lhs_hint = false} : vector<1x8xf32>, vector<8x8xf32>, vector<1x8xf32> -> vector<1x8xf32>
    %broadcast_in_dim3A_15 = vector.shape_cast %dot_general3A_14 : vector<1x8xf32> to vector<1x1x8xf32>
    %broadcast_in_dim3A_16 = vector.shape_cast %dot_general3A_6 : vector<8x8xf32> to vector<8x1x8xf32>
    %add3A = vector.broadcast %broadcast_in_dim3A_15 : vector<1x1x8xf32> to vector<8x1x8xf32>
    %add3A_17 = arith.addf %add3A, %broadcast_in_dim3A_16 : vector<8x1x8xf32>
    %broadcast_in_dim3A_18 = vector.shape_cast %add3A_17 : vector<8x1x8xf32> to vector<8x1x8xf32>
    %broadcast_in_dim3A_19 = vector.broadcast %broadcast_in_dim3A_18 : vector<8x1x8xf32> to vector<8x1024x8xf32>
    %reshape3A = vector.shape_cast %broadcast_in_dim3A_19 : vector<8x1024x8xf32> to vector<8192x8xf32>
    %get3A_20 = arith.constant 0 : index
    %get3A_21 = arith.constant 0 : index
    %get3A_22 = vector.load %arg0[%get3A_20, %get3A_21] : memref<8192x1xi32, #tpu.memory_space<vmem>>, vector<8192x1xi32>
    %iota3A_23 = tpu.iota {dimensions = array<i32: 1>} : vector<8192x8xi32>
    %eq3A = vector.broadcast %get3A_22 : vector<8192x1xi32> to vector<8192x8xi32>
    %eq3A_24 = arith.cmpi eq, %iota3A_23, %eq3A : vector<8192x8xi32>
    %convert_element_type3A_25 = arith.extui %eq3A_24 : vector<8192x8xi1> to vector<8192x8xi32>
    %convert_element_type3A_26 = arith.sitofp %convert_element_type3A_25 : vector<8192x8xi32> to vector<8192x8xf32>
    %mul3A = arith.mulf %convert_element_type3A_26, %reshape3A : vector<8192x8xf32>
    %reduce_sum3A_27 = arith.constant dense<0.000000e+00> : vector<8192xf32>
    %reduce_sum3A_28 = vector.multi_reduction <add>, %mul3A, %reduce_sum3A_27 [1] : vector<8192x8xf32> to vector<8192xf32>
    %broadcast_in_dim3A_29 = vector.shape_cast %reduce_sum3A_28 : vector<8192xf32> to vector<8192x1xf32>
    %get3A_30 = arith.constant 0 : index
    %get3A_31 = arith.constant 0 : index
    %get3A_32 = vector.load %arg1[%get3A_30, %get3A_31] : memref<8192x1xf32, #tpu.memory_space<vmem>>, vector<8192x1xf32>
    %add3A_33 = arith.addf %broadcast_in_dim3A_29, %get3A_32 : vector<8192x1xf32>
    %convert_element_type3A_34 = arith.fptosi %add3A_33 : vector<8192x1xf32> to vector<8192x1xi32>
    %iota3A_35 = tpu.iota {dimensions = array<i32: 1>} : vector<8192x4xi32>
    %mul3A_36 = arith.constant 8192 : i32
    %mul3A_37 = vector.broadcast %mul3A_36 : i32 to vector<8192x4xi32>
    %mul3A_38 = arith.muli %iota3A_35, %mul3A_37 : vector<8192x4xi32>
    %add3A_39 = vector.broadcast %convert_element_type3A_34 : vector<8192x1xi32> to vector<8192x4xi32>
    %add3A_40 = arith.addi %add3A_39, %mul3A_38 : vector<8192x4xi32>
    %swap3A = arith.constant 0 : index
    %swap3A_41 = arith.constant 0 : index
    %swap3A_42 = vector.load %arg3[%swap3A, %swap3A_41] : memref<8192x4xi32, #tpu.memory_space<vmem>>, vector<8192x4xi32>
    tpu.vector_store %arg3[%swap3A, %swap3A_41], %add3A_40 {strides = array<i32>} : memref<8192x4xi32, #tpu.memory_space<vmem>>, vector<8192x4xi32>,
    %convert_element_type3A_43 = arith.fptosi %dot_general3A_14 : vector<1x8xf32> to vector<1x8xi32>
    %swap3A_44 = arith.constant 0 : index
    %swap3A_45 = arith.constant 0 : index
    %swap3A_46 = vector.load %arg4[%swap3A_44, %swap3A_45] : memref<1x8xi32, #tpu.memory_space<vmem>>, vector<1x8xi32>
    tpu.vector_store %arg4[%swap3A_44, %swap3A_45], %convert_element_type3A_43 {strides = array<i32>} : memref<1x8xi32, #tpu.memory_space<vmem>>, vector<1x8xi32>,
    return
  }
}

module attributes {stable_mosaic.version = 14 : i64} {
  func.func @_classify_body(%arg0: i32, %arg1: memref<1024x1024xf32, #tpu.memory_space<vmem>>, %arg2: memref<1024x8xf32, #tpu.memory_space<vmem>>, %arg3: memref<1x8xf32, #tpu.memory_space<vmem>>, %arg4: memref<1024x1xi32, #tpu.memory_space<vmem>>, %arg5: memref<1024x1xf32, #tpu.memory_space<vmem>>, %arg6: memref<1x1x8xf32, #tpu.memory_space<vmem>>) attributes {dimension_semantics = [#tpu.dimension_semantics<arbitrary>], iteration_bounds = array<i64: 8>, scalar_prefetch = 0 : i64, scratch_operands = 0 : i64, tpu.core_type = #tpu.core_type<tc>, window_params = [{transform_indices = @transform_0, window_bounds = array<i64: 1024, 1024>}, {pipeline_mode = #tpu.pipeline_mode<synchronous>, transform_indices = @transform_1, window_bounds = array<i64: 1024, 8>}, {pipeline_mode = #tpu.pipeline_mode<synchronous>, transform_indices = @transform_2, window_bounds = array<i64: 1, 8>}, {transform_indices = @transform_3, window_bounds = array<i64: 1024, 1>}, {transform_indices = @transform_4, window_bounds = array<i64: 1024, 1>}, {transform_indices = @transform_5, window_bounds = array<i64: 1, 1, 8>}]} {
    %get3A = arith.constant 0 : index
    %get3A_0 = arith.constant 0 : index
    %get3A_1 = vector.load %arg1[%get3A, %get3A_0] : memref<1024x1024xf32, #tpu.memory_space<vmem>>, vector<1024x1024xf32>
    %get3A_2 = arith.constant 0 : index
    %get3A_3 = arith.constant 0 : index
    %get3A_4 = vector.load %arg2[%get3A_2, %get3A_3] : memref<1024x8xf32, #tpu.memory_space<vmem>>, vector<1024x8xf32>
    %dot_general3A = arith.constant dense<0.000000e+00> : vector<1024x8xf32>
    %dot_general3A_5 = tpu.matmul %get3A_1, %get3A_4, %dot_general3A {dimension_numbers = #tpu.dot_dimension_numbers<[1], [0], [0], [1], [0, 0, 1, 1], [], []>, transpose_lhs_hint = false} : vector<1024x1024xf32>, vector<1024x8xf32>, vector<1024x8xf32> -> vector<1024x8xf32>
    %get3A_6 = arith.constant 0 : index
    %get3A_7 = arith.constant 0 : index
    %get3A_8 = vector.load %arg3[%get3A_6, %get3A_7] : memref<1x8xf32, #tpu.memory_space<vmem>>, vector<1x8xf32>
    %add3A = vector.broadcast %get3A_8 : vector<1x8xf32> to vector<1024x8xf32>
    %add3A_9 = arith.addf %dot_general3A_5, %add3A : vector<1024x8xf32>
    %reduce_max3A = arith.constant dense<0xFF800000> : vector<1024xf32>
    %reduce_max3A_10 = vector.multi_reduction <maximumf>, %add3A_9, %reduce_max3A [1] : vector<1024x8xf32> to vector<1024xf32>
    %broadcast_in_dim3A = vector.shape_cast %reduce_max3A_10 : vector<1024xf32> to vector<1024x1xf32>
    %iota3A = tpu.iota {dimensions = array<i32: 1>} : vector<1024x8xi32>
    %eq3A = vector.broadcast %broadcast_in_dim3A : vector<1024x1xf32> to vector<1024x8xf32>
    %eq3A_11 = arith.cmpf oeq, %add3A_9, %eq3A : vector<1024x8xf32>
    %jit3A = arith.constant 8 : i32
    %broadcast_in_dim3A_12 = vector.broadcast %jit3A : i32 to vector<1024x8xi32>
    %select_n3A = arith.select %eq3A_11, %iota3A, %broadcast_in_dim3A_12 : vector<1024x8xi1>, vector<1024x8xi32>
    %reduce_min3A = arith.constant dense<2147483647> : vector<1024xi32>
    %reduce_min3A_13 = vector.multi_reduction <minsi>, %select_n3A, %reduce_min3A [1] : vector<1024x8xi32> to vector<1024xi32>
    %broadcast_in_dim3A_14 = vector.shape_cast %reduce_min3A_13 : vector<1024xi32> to vector<1024x1xi32>
    %eq3A_15 = vector.broadcast %broadcast_in_dim3A_14 : vector<1024x1xi32> to vector<1024x8xi32>
    %eq3A_16 = arith.cmpi eq, %iota3A, %eq3A_15 : vector<1024x8xi32>
    %convert_element_type3A = arith.extui %eq3A_16 : vector<1024x8xi1> to vector<1024x8xi32>
    %convert_element_type3A_17 = arith.sitofp %convert_element_type3A : vector<1024x8xi32> to vector<1024x8xf32>
    %iota3A_18 = tpu.iota {dimensions = array<i32: 0>} : vector<1024x1024xi32>
    %iota3A_19 = tpu.iota {dimensions = array<i32: 1>} : vector<1024x1024xi32>
    %lt3A = arith.cmpi slt, %iota3A_19, %iota3A_18 : vector<1024x1024xi32>
    %jit3A_20 = arith.constant 256 : i32
    %div3A = vector.broadcast %jit3A_20 : i32 to vector<1024x1024xi32>
    %div3A_21 = arith.divsi %iota3A_19, %div3A : vector<1024x1024xi32>
    %sign3A = arith.constant 0 : i32
    %sign3A_22 = vector.broadcast %sign3A : i32 to vector<1024x1024xi32>
    %sign3A_23 = arith.cmpi sgt, %iota3A_19, %sign3A_22 : vector<1024x1024xi32>
    %sign3A_24 = arith.extui %sign3A_23 : vector<1024x1024xi1> to vector<1024x1024xi32>
    %sign3A_25 = arith.constant 0 : i32
    %sign3A_26 = vector.broadcast %sign3A_25 : i32 to vector<1024x1024xi32>
    %sign3A_27 = arith.cmpi slt, %iota3A_19, %sign3A_26 : vector<1024x1024xi32>
    %sign3A_28 = arith.extui %sign3A_27 : vector<1024x1024xi1> to vector<1024x1024xi32>
    %sign3A_29 = arith.subi %sign3A_24, %sign3A_28 : vector<1024x1024xi32>
    %sign3A_30 = arith.constant 0 : i32
    %sign3A_31 = arith.cmpi sgt, %jit3A_20, %sign3A_30 : i32
    %sign3A_32 = arith.extui %sign3A_31 : i1 to i32
    %sign3A_33 = arith.constant 0 : i32
    %sign3A_34 = arith.cmpi slt, %jit3A_20, %sign3A_33 : i32
    %sign3A_35 = arith.extui %sign3A_34 : i1 to i32
    %sign3A_36 = arith.subi %sign3A_32, %sign3A_35 : i32
    %ne3A = vector.broadcast %sign3A_36 : i32 to vector<1024x1024xi32>
    %ne3A_37 = arith.cmpi ne, %sign3A_29, %ne3A : vector<1024x1024xi32>
    %rem3A = vector.broadcast %jit3A_20 : i32 to vector<1024x1024xi32>
    %rem3A_38 = arith.remsi %iota3A_19, %rem3A : vector<1024x1024xi32>
    %ne3A_39 = arith.constant 0 : i32
    %ne3A_40 = vector.broadcast %ne3A_39 : i32 to vector<1024x1024xi32>
    %ne3A_41 = arith.cmpi ne, %rem3A_38, %ne3A_40 : vector<1024x1024xi32>
    %and3A = arith.andi %ne3A_37, %ne3A_41 : vector<1024x1024xi1>
    %sub3A = arith.constant 1 : i32
    %sub3A_42 = vector.broadcast %sub3A : i32 to vector<1024x1024xi32>
    %sub3A_43 = arith.subi %div3A_21, %sub3A_42 : vector<1024x1024xi32>
    %select_n3A_44 = arith.select %and3A, %sub3A_43, %div3A_21 : vector<1024x1024xi1>, vector<1024x1024xi32>
    %jit3A_45 = arith.constant 256 : i32
    %div3A_46 = vector.broadcast %jit3A_45 : i32 to vector<1024x1024xi32>
    %div3A_47 = arith.divsi %iota3A_18, %div3A_46 : vector<1024x1024xi32>
    %sign3A_48 = arith.constant 0 : i32
    %sign3A_49 = vector.broadcast %sign3A_48 : i32 to vector<1024x1024xi32>
    %sign3A_50 = arith.cmpi sgt, %iota3A_18, %sign3A_49 : vector<1024x1024xi32>
    %sign3A_51 = arith.extui %sign3A_50 : vector<1024x1024xi1> to vector<1024x1024xi32>
    %sign3A_52 = arith.constant 0 : i32
    %sign3A_53 = vector.broadcast %sign3A_52 : i32 to vector<1024x1024xi32>
    %sign3A_54 = arith.cmpi slt, %iota3A_18, %sign3A_53 : vector<1024x1024xi32>
    %sign3A_55 = arith.extui %sign3A_54 : vector<1024x1024xi1> to vector<1024x1024xi32>
    %sign3A_56 = arith.subi %sign3A_51, %sign3A_55 : vector<1024x1024xi32>
    %sign3A_57 = arith.constant 0 : i32
    %sign3A_58 = arith.cmpi sgt, %jit3A_45, %sign3A_57 : i32
    %sign3A_59 = arith.extui %sign3A_58 : i1 to i32
    %sign3A_60 = arith.constant 0 : i32
    %sign3A_61 = arith.cmpi slt, %jit3A_45, %sign3A_60 : i32
    %sign3A_62 = arith.extui %sign3A_61 : i1 to i32
    %sign3A_63 = arith.subi %sign3A_59, %sign3A_62 : i32
    %ne3A_64 = vector.broadcast %sign3A_63 : i32 to vector<1024x1024xi32>
    %ne3A_65 = arith.cmpi ne, %sign3A_56, %ne3A_64 : vector<1024x1024xi32>
    %rem3A_66 = vector.broadcast %jit3A_45 : i32 to vector<1024x1024xi32>
    %rem3A_67 = arith.remsi %iota3A_18, %rem3A_66 : vector<1024x1024xi32>
    %ne3A_68 = arith.constant 0 : i32
    %ne3A_69 = vector.broadcast %ne3A_68 : i32 to vector<1024x1024xi32>
    %ne3A_70 = arith.cmpi ne, %rem3A_67, %ne3A_69 : vector<1024x1024xi32>
    %and3A_71 = arith.andi %ne3A_65, %ne3A_70 : vector<1024x1024xi1>
    %sub3A_72 = arith.constant 1 : i32
    %sub3A_73 = vector.broadcast %sub3A_72 : i32 to vector<1024x1024xi32>
    %sub3A_74 = arith.subi %div3A_47, %sub3A_73 : vector<1024x1024xi32>
    %select_n3A_75 = arith.select %and3A_71, %sub3A_74, %div3A_47 : vector<1024x1024xi1>, vector<1024x1024xi32>
    %eq3A_76 = arith.cmpi eq, %select_n3A_44, %select_n3A_75 : vector<1024x1024xi32>
    %and3A_77 = arith.andi %lt3A, %eq3A_76 : vector<1024x1024xi1>
    %convert_element_type3A_78 = arith.extui %and3A_77 : vector<1024x1024xi1> to vector<1024x1024xi32>
    %convert_element_type3A_79 = arith.sitofp %convert_element_type3A_78 : vector<1024x1024xi32> to vector<1024x1024xf32>
    %dot_general3A_80 = arith.constant dense<0.000000e+00> : vector<1024x8xf32>
    %dot_general3A_81 = tpu.matmul %convert_element_type3A_79, %convert_element_type3A_17, %dot_general3A_80 {dimension_numbers = #tpu.dot_dimension_numbers<[1], [0], [0], [1], [0, 0, 1, 1], [], []>, transpose_lhs_hint = false} : vector<1024x1024xf32>, vector<1024x8xf32>, vector<1024x8xf32> -> vector<1024x8xf32>
    %reshape3A = vector.shape_cast %convert_element_type3A_17 : vector<1024x8xf32> to vector<4x256x8xf32>
    %reduce_sum3A = arith.constant dense<0.000000e+00> : vector<4x8xf32>
    %reduce_sum3A_82 = vector.multi_reduction <add>, %reshape3A, %reduce_sum3A [1] : vector<4x256x8xf32> to vector<4x8xf32>
    %iota3A_83 = tpu.iota {dimensions = array<i32: 0>} : vector<4x4xi32>
    %iota3A_84 = tpu.iota {dimensions = array<i32: 1>} : vector<4x4xi32>
    %lt3A_85 = arith.cmpi slt, %iota3A_84, %iota3A_83 : vector<4x4xi32>
    %convert_element_type3A_86 = arith.extui %lt3A_85 : vector<4x4xi1> to vector<4x4xi32>
    %convert_element_type3A_87 = arith.sitofp %convert_element_type3A_86 : vector<4x4xi32> to vector<4x4xf32>
    %dot_general3A_88 = arith.constant dense<0.000000e+00> : vector<4x8xf32>
    %dot_general3A_89 = tpu.matmul %convert_element_type3A_87, %reduce_sum3A_82, %dot_general3A_88 {dimension_numbers = #tpu.dot_dimension_numbers<[1], [0], [0], [1], [0, 0, 1, 1], [], []>, transpose_lhs_hint = false} : vector<4x4xf32>, vector<4x8xf32>, vector<4x8xf32> -> vector<4x8xf32>
    %broadcast_in_dim3A_90 = vector.shape_cast %dot_general3A_89 : vector<4x8xf32> to vector<4x1x8xf32>
    %broadcast_in_dim3A_91 = vector.shape_cast %broadcast_in_dim3A_90 : vector<4x1x8xf32> to vector<4x1x8xf32>
    %broadcast_in_dim3A_92 = vector.broadcast %broadcast_in_dim3A_91 : vector<4x1x8xf32> to vector<4x256x8xf32>
    %reshape3A_93 = vector.shape_cast %broadcast_in_dim3A_92 : vector<4x256x8xf32> to vector<1024x8xf32>
    %add3A_94 = arith.addf %dot_general3A_81, %reshape3A_93 : vector<1024x8xf32>
    %mul3A = arith.mulf %add3A_94, %convert_element_type3A_17 : vector<1024x8xf32>
    %reduce_sum3A_95 = arith.constant dense<0.000000e+00> : vector<1024xf32>
    %reduce_sum3A_96 = vector.multi_reduction <add>, %mul3A, %reduce_sum3A_95 [1] : vector<1024x8xf32> to vector<1024xf32>
    %broadcast_in_dim3A_97 = vector.shape_cast %reduce_sum3A_96 : vector<1024xf32> to vector<1024x1xf32>
    %swap3A = arith.constant 0 : index
    %swap3A_98 = arith.constant 0 : index
    %swap3A_99 = vector.load %arg4[%swap3A, %swap3A_98] : memref<1024x1xi32, #tpu.memory_space<vmem>>, vector<1024x1xi32>
    tpu.vector_store %arg4[%swap3A, %swap3A_98], %broadcast_in_dim3A_14 {strides = array<i32>} : memref<1024x1xi32, #tpu.memory_space<vmem>>, vector<1024x1xi32>,
    %swap3A_100 = arith.constant 0 : index
    %swap3A_101 = arith.constant 0 : index
    %swap3A_102 = vector.load %arg5[%swap3A_100, %swap3A_101] : memref<1024x1xf32, #tpu.memory_space<vmem>>, vector<1024x1xf32>
    tpu.vector_store %arg5[%swap3A_100, %swap3A_101], %broadcast_in_dim3A_97 {strides = array<i32>} : memref<1024x1xf32, #tpu.memory_space<vmem>>, vector<1024x1xf32>,
    %reduce_sum3A_103 = arith.constant dense<0.000000e+00> : vector<8xf32>
    %reduce_sum3A_104 = vector.multi_reduction <add>, %convert_element_type3A_17, %reduce_sum3A_103 [0] : vector<1024x8xf32> to vector<8xf32>
    %broadcast_in_dim3A_105 = vector.shape_cast %reduce_sum3A_104 : vector<8xf32> to vector<1x8xf32>
    %broadcast_in_dim3A_106 = vector.shape_cast %broadcast_in_dim3A_105 : vector<1x8xf32> to vector<1x1x8xf32>
    %swap3A_107 = arith.constant 0 : index
    %swap3A_108 = arith.constant 0 : index
    %swap3A_109 = arith.constant 0 : index
    %swap3A_110 = vector.load %arg6[%swap3A_107, %swap3A_108, %swap3A_109] : memref<1x1x8xf32, #tpu.memory_space<vmem>>, vector<1x1x8xf32>
    tpu.vector_store %arg6[%swap3A_107, %swap3A_108, %swap3A_109], %broadcast_in_dim3A_106 {strides = array<i32>} : memref<1x1x8xf32, #tpu.memory_space<vmem>>, vector<1x1x8xf32>,
    return
  }
  func.func @transform_0(%arg0: i32) -> (i32, i32) {
    %c0_i32 = arith.constant 0 : i32
    %c0_i32_0 = arith.constant 0 : i32
    return %arg0, %c0_i32 : i32, i32
  }
  func.func @transform_1(%arg0: i32) -> (i32, i32) {
    %c0_i32 = arith.constant 0 : i32
    %c0_i32_0 = arith.constant 0 : i32
    %c0_i32_1 = arith.constant 0 : i32
    return %c0_i32, %c0_i32_0 : i32, i32
  }
  func.func @transform_2(%arg0: i32) -> (i32, i32) {
    %c0_i32 = arith.constant 0 : i32
    %c0_i32_0 = arith.constant 0 : i32
    %c0_i32_1 = arith.constant 0 : i32
    return %c0_i32, %c0_i32_0 : i32, i32
  }
  func.func @transform_3(%arg0: i32) -> (i32, i32) {
    %c0_i32 = arith.constant 0 : i32
    %c0_i32_0 = arith.constant 0 : i32
    return %arg0, %c0_i32 : i32, i32
  }
  func.func @transform_4(%arg0: i32) -> (i32, i32) {
    %c0_i32 = arith.constant 0 : i32
    %c0_i32_0 = arith.constant 0 : i32
    return %arg0, %c0_i32 : i32, i32
  }
  func.func @transform_5(%arg0: i32) -> (i32, i32, i32) {
    %c0_i32 = arith.constant 0 : i32
    %c0_i32_0 = arith.constant 0 : i32
    %c0_i32_1 = arith.constant 0 : i32
    return %arg0, %c0_i32, %c0_i32_0 : i32, i32, i32
  }
}

module attributes {stable_mosaic.version = 14 : i64} {
  func.func @_ae_body(%arg0: i32, %arg1: memref<9xi32, #tpu.memory_space<smem>>, %arg2: memref<512x256xf32, #tpu.memory_space<vmem>>, %arg3: memref<512x256xf32, #tpu.memory_space<vmem>>, %arg4: memref<512x256xf32, #tpu.memory_space<vmem>>, %arg5: memref<512x256xf32, #tpu.memory_space<vmem>>, %arg6: memref<8x1024x256xf32, #tpu.memory_space<vmem>>, %arg7: memref<8x256xf32, #tpu.memory_space<vmem>>, %arg8: memref<8x256x1024xf32, #tpu.memory_space<vmem>>, %arg9: memref<8x1024xf32, #tpu.memory_space<vmem>>, %arg10: memref<512x256xf32, #tpu.memory_space<vmem>>, %arg11: memref<512x256xf32, #tpu.memory_space<vmem>>, %arg12: memref<512x256xf32, #tpu.memory_space<vmem>>, %arg13: memref<512x256xf32, #tpu.memory_space<vmem>>) attributes {dimension_semantics = [#tpu.dimension_semantics<arbitrary>], iteration_bounds = array<i64: 16>, scalar_prefetch = 1 : i64, scratch_operands = 0 : i64, tpu.core_type = #tpu.core_type<tc>, window_params = [{transform_indices = @transform_0, window_bounds = array<i64: 512, 256>}, {transform_indices = @transform_1, window_bounds = array<i64: 512, 256>}, {transform_indices = @transform_2, window_bounds = array<i64: 512, 256>}, {transform_indices = @transform_3, window_bounds = array<i64: 512, 256>}, {pipeline_mode = #tpu.pipeline_mode<synchronous>, transform_indices = @transform_4, window_bounds = array<i64: 8, 1024, 256>}, {pipeline_mode = #tpu.pipeline_mode<synchronous>, transform_indices = @transform_5, window_bounds = array<i64: 8, 256>}, {pipeline_mode = #tpu.pipeline_mode<synchronous>, transform_indices = @transform_6, window_bounds = array<i64: 8, 256, 1024>}, {pipeline_mode = #tpu.pipeline_mode<synchronous>, transform_indices = @transform_7, window_bounds = array<i64: 8, 1024>}, {transform_indices = @transform_8, window_bounds = array<i64: 512, 256>}, {transform_indices = @transform_9, window_bounds = array<i64: 512, 256>}, {transform_indices = @transform_10, window_bounds = array<i64: 512, 256>}, {transform_indices = @transform_11, window_bounds = array<i64: 512, 256>}]} {
    %mul3A = arith.constant 512 : i32
    %mul3A_0 = arith.muli %arg0, %mul3A : i32
    %iota3A = tpu.iota {dimensions = array<i32: 0>} : vector<512x1xi32>
    %get3A = arith.constant 0 : index
    %get3A_1 = arith.constant 0 : index
    %get3A_2 = vector.load %arg2[%get3A, %get3A_1] : memref<512x256xf32, #tpu.memory_space<vmem>>, vector<512x256xf32>
    %get3A_3 = arith.constant 0 : index
    %get3A_4 = arith.constant 0 : index
    %get3A_5 = vector.load %arg3[%get3A_3, %get3A_4] : memref<512x256xf32, #tpu.memory_space<vmem>>, vector<512x256xf32>
    %get3A_6 = arith.constant 0 : index
    %get3A_7 = arith.constant 0 : index
    %get3A_8 = vector.load %arg4[%get3A_6, %get3A_7] : memref<512x256xf32, #tpu.memory_space<vmem>>, vector<512x256xf32>
    %get3A_9 = arith.constant 0 : index
    %get3A_10 = arith.constant 0 : index
    %get3A_11 = vector.load %arg5[%get3A_9, %get3A_10] : memref<512x256xf32, #tpu.memory_space<vmem>>, vector<512x256xf32>
    %concatenate3A = tpu.concatenate %get3A_2, %get3A_5, %get3A_8, %get3A_11 in 1 : vector<512x256xf32>, vector<512x256xf32>, vector<512x256xf32>, vector<512x256xf32> -> vector<512x1024xf32>
    %get3A_12 = arith.constant 0 : index
    %get3A_13 = memref.load %arg1[%get3A_12] : memref<9xi32, #tpu.memory_space<smem>>
    %sub3A = arith.subi %get3A_13, %mul3A_0 : i32
    %jit3A = arith.constant 0 : i32
    %jit3A_14 = arith.constant 512 : i32
    %max3A = arith.maxsi %jit3A, %sub3A : i32
    %min3A = arith.minsi %jit3A_14, %max3A : i32
    %get3A_15 = arith.constant 1 : index
    %get3A_16 = memref.load %arg1[%get3A_15] : memref<9xi32, #tpu.memory_space<smem>>
    %sub3A_17 = arith.subi %get3A_16, %mul3A_0 : i32
    %jit3A_18 = arith.constant 0 : i32
    %jit3A_19 = arith.constant 512 : i32
    %max3A_20 = arith.maxsi %jit3A_18, %sub3A_17 : i32
    %min3A_21 = arith.minsi %jit3A_19, %max3A_20 : i32
    %gt3A = arith.cmpi sgt, %min3A_21, %min3A : i32
    %convert_element_type3A = arith.extui %gt3A : i1 to i32
    %cond3A = arith.constant 0 : i32
    %cond3A_22 = arith.cmpi ne, %convert_element_type3A, %cond3A : i32
    scf.if %cond3A_22 {
      %get3A_149 = arith.constant 0 : index
      %get3A_150 = arith.constant 0 : index
      %get3A_151 = arith.constant 0 : index
      %get3A_152 = vector.load %arg6[%get3A_149, %get3A_150, %get3A_151] : memref<8x1024x256xf32, #tpu.memory_space<vmem>>, vector<1x1024x256xf32>
      %get3A_153 = vector.shape_cast %get3A_152 : vector<1x1024x256xf32> to vector<1024x256xf32>
      %dot_general3A = arith.constant dense<0.000000e+00> : vector<512x256xf32>
      %dot_general3A_154 = tpu.matmul %concatenate3A, %get3A_153, %dot_general3A {dimension_numbers = #tpu.dot_dimension_numbers<[1], [0], [0], [1], [0, 0, 1, 1], [], []>, transpose_lhs_hint = false} : vector<512x1024xf32>, vector<1024x256xf32>, vector<512x256xf32> -> vector<512x256xf32>
      %get3A_155 = arith.constant 0 : index
      %get3A_156 = arith.constant 0 : index
      %get3A_157 = vector.load %arg7[%get3A_155, %get3A_156] : memref<8x256xf32, #tpu.memory_space<vmem>>, vector<1x256xf32>
      %get3A_158 = vector.shape_cast %get3A_157 : vector<1x256xf32> to vector<256xf32>
      %broadcast_in_dim3A = vector.shape_cast %get3A_158 : vector<256xf32> to vector<1x256xf32>
      %add3A = vector.broadcast %broadcast_in_dim3A : vector<1x256xf32> to vector<512x256xf32>
      %add3A_159 = arith.addf %dot_general3A_154, %add3A : vector<512x256xf32>
      %max3A_160 = arith.constant 0.000000e+00 : f32
      %max3A_161 = vector.broadcast %max3A_160 : f32 to vector<512x256xf32>
      %max3A_162 = arith.maximumf %add3A_159, %max3A_161 : vector<512x256xf32>
      %get3A_163 = arith.constant 0 : index
      %get3A_164 = arith.constant 0 : index
      %get3A_165 = arith.constant 0 : index
      %get3A_166 = vector.load %arg8[%get3A_163, %get3A_164, %get3A_165] : memref<8x256x1024xf32, #tpu.memory_space<vmem>>, vector<1x256x1024xf32>
      %get3A_167 = vector.shape_cast %get3A_166 : vector<1x256x1024xf32> to vector<256x1024xf32>
      %dot_general3A_168 = arith.constant dense<0.000000e+00> : vector<512x1024xf32>
      %dot_general3A_169 = tpu.matmul %max3A_162, %get3A_167, %dot_general3A_168 {dimension_numbers = #tpu.dot_dimension_numbers<[1], [0], [0], [1], [0, 0, 1, 1], [], []>, transpose_lhs_hint = false} : vector<512x256xf32>, vector<256x1024xf32>, vector<512x1024xf32> -> vector<512x1024xf32>
      %get3A_170 = arith.constant 0 : index
      %get3A_171 = arith.constant 0 : index
      %get3A_172 = vector.load %arg9[%get3A_170, %get3A_171] : memref<8x1024xf32, #tpu.memory_space<vmem>>, vector<1x1024xf32>
      %get3A_173 = vector.shape_cast %get3A_172 : vector<1x1024xf32> to vector<1024xf32>
      %broadcast_in_dim3A_174 = vector.shape_cast %get3A_173 : vector<1024xf32> to vector<1x1024xf32>
      %add3A_175 = vector.broadcast %broadcast_in_dim3A_174 : vector<1x1024xf32> to vector<512x1024xf32>
      %add3A_176 = arith.addf %dot_general3A_169, %add3A_175 : vector<512x1024xf32>
      %ge3A = vector.broadcast %min3A : i32 to vector<512x1xi32>
      %ge3A_177 = arith.cmpi sge, %iota3A, %ge3A : vector<512x1xi32>
      %lt3A = vector.broadcast %min3A_21 : i32 to vector<512x1xi32>
      %lt3A_178 = arith.cmpi slt, %iota3A, %lt3A : vector<512x1xi32>
      %and3A = arith.andi %ge3A_177, %lt3A_178 : vector<512x1xi1>
      %slice3A = vector.extract_strided_slice %add3A_176 {offsets = [0, 0], sizes = [512, 256], strides = [1, 1]} : vector<512x1024xf32> to vector<512x256xf32>
      %get3A_179 = arith.constant 0 : index
      %get3A_180 = arith.constant 0 : index
      %get3A_181 = vector.load %arg10[%get3A_179, %get3A_180] : memref<512x256xf32, #tpu.memory_space<vmem>>, vector<512x256xf32>
      %broadcast_in_dim3A_182 = vector.shape_cast %and3A : vector<512x1xi1> to vector<512x1xi1>
      %broadcast_in_dim3A_183 = vector.broadcast %broadcast_in_dim3A_182 : vector<512x1xi1> to vector<512x256xi1>
      %select_n3A = arith.select %broadcast_in_dim3A_183, %slice3A, %get3A_181 : vector<512x256xi1>, vector<512x256xf32>
      %swap3A = arith.constant 0 : index
      %swap3A_184 = arith.constant 0 : index
      %swap3A_185 = vector.load %arg10[%swap3A, %swap3A_184] : memref<512x256xf32, #tpu.memory_space<vmem>>, vector<512x256xf32>
      tpu.vector_store %arg10[%swap3A, %swap3A_184], %select_n3A {strides = array<i32>} : memref<512x256xf32, #tpu.memory_space<vmem>>, vector<512x256xf32>,
      %slice3A_186 = vector.extract_strided_slice %add3A_176 {offsets = [0, 256], sizes = [512, 256], strides = [1, 1]} : vector<512x1024xf32> to vector<512x256xf32>
      %get3A_187 = arith.constant 0 : index
      %get3A_188 = arith.constant 0 : index
      %get3A_189 = vector.load %arg11[%get3A_187, %get3A_188] : memref<512x256xf32, #tpu.memory_space<vmem>>, vector<512x256xf32>
      %broadcast_in_dim3A_190 = vector.shape_cast %and3A : vector<512x1xi1> to vector<512x1xi1>
      %broadcast_in_dim3A_191 = vector.broadcast %broadcast_in_dim3A_190 : vector<512x1xi1> to vector<512x256xi1>
      %select_n3A_192 = arith.select %broadcast_in_dim3A_191, %slice3A_186, %get3A_189 : vector<512x256xi1>, vector<512x256xf32>
      %swap3A_193 = arith.constant 0 : index
      %swap3A_194 = arith.constant 0 : index
      %swap3A_195 = vector.load %arg11[%swap3A_193, %swap3A_194] : memref<512x256xf32, #tpu.memory_space<vmem>>, vector<512x256xf32>
      tpu.vector_store %arg11[%swap3A_193, %swap3A_194], %select_n3A_192 {strides = array<i32>} : memref<512x256xf32, #tpu.memory_space<vmem>>, vector<512x256xf32>,
      %slice3A_196 = vector.extract_strided_slice %add3A_176 {offsets = [0, 512], sizes = [512, 256], strides = [1, 1]} : vector<512x1024xf32> to vector<512x256xf32>
      %get3A_197 = arith.constant 0 : index
      %get3A_198 = arith.constant 0 : index
      %get3A_199 = vector.load %arg12[%get3A_197, %get3A_198] : memref<512x256xf32, #tpu.memory_space<vmem>>, vector<512x256xf32>
      %broadcast_in_dim3A_200 = vector.shape_cast %and3A : vector<512x1xi1> to vector<512x1xi1>
      %broadcast_in_dim3A_201 = vector.broadcast %broadcast_in_dim3A_200 : vector<512x1xi1> to vector<512x256xi1>
      %select_n3A_202 = arith.select %broadcast_in_dim3A_201, %slice3A_196, %get3A_199 : vector<512x256xi1>, vector<512x256xf32>
      %swap3A_203 = arith.constant 0 : index
      %swap3A_204 = arith.constant 0 : index
      %swap3A_205 = vector.load %arg12[%swap3A_203, %swap3A_204] : memref<512x256xf32, #tpu.memory_space<vmem>>, vector<512x256xf32>
      tpu.vector_store %arg12[%swap3A_203, %swap3A_204], %select_n3A_202 {strides = array<i32>} : memref<512x256xf32, #tpu.memory_space<vmem>>, vector<512x256xf32>,
      %slice3A_206 = vector.extract_strided_slice %add3A_176 {offsets = [0, 768], sizes = [512, 256], strides = [1, 1]} : vector<512x1024xf32> to vector<512x256xf32>
      %get3A_207 = arith.constant 0 : index
      %get3A_208 = arith.constant 0 : index
      %get3A_209 = vector.load %arg13[%get3A_207, %get3A_208] : memref<512x256xf32, #tpu.memory_space<vmem>>, vector<512x256xf32>
      %broadcast_in_dim3A_210 = vector.shape_cast %and3A : vector<512x1xi1> to vector<512x1xi1>
      %broadcast_in_dim3A_211 = vector.broadcast %broadcast_in_dim3A_210 : vector<512x1xi1> to vector<512x256xi1>
      %select_n3A_212 = arith.select %broadcast_in_dim3A_211, %slice3A_206, %get3A_209 : vector<512x256xi1>, vector<512x256xf32>
      %swap3A_213 = arith.constant 0 : index
      %swap3A_214 = arith.constant 0 : index
      %swap3A_215 = vector.load %arg13[%swap3A_213, %swap3A_214] : memref<512x256xf32, #tpu.memory_space<vmem>>, vector<512x256xf32>
      tpu.vector_store %arg13[%swap3A_213, %swap3A_214], %select_n3A_212 {strides = array<i32>} : memref<512x256xf32, #tpu.memory_space<vmem>>, vector<512x256xf32>,
    } else {
    }
    %get3A_23 = arith.constant 1 : index
    %get3A_24 = memref.load %arg1[%get3A_23] : memref<9xi32, #tpu.memory_space<smem>>
    %sub3A_25 = arith.subi %get3A_24, %mul3A_0 : i32
    %jit3A_26 = arith.constant 0 : i32
    %jit3A_27 = arith.constant 512 : i32
    %max3A_28 = arith.maxsi %jit3A_26, %sub3A_25 : i32
    %min3A_29 = arith.minsi %jit3A_27, %max3A_28 : i32
    %get3A_30 = arith.constant 2 : index
    %get3A_31 = memref.load %arg1[%get3A_30] : memref<9xi32, #tpu.memory_space<smem>>
    %sub3A_32 = arith.subi %get3A_31, %mul3A_0 : i32
    %jit3A_33 = arith.constant 0 : i32
    %jit3A_34 = arith.constant 512 : i32
    %max3A_35 = arith.maxsi %jit3A_33, %sub3A_32 : i32
    %min3A_36 = arith.minsi %jit3A_34, %max3A_35 : i32
    %gt3A_37 = arith.cmpi sgt, %min3A_36, %min3A_29 : i32
    %convert_element_type3A_38 = arith.extui %gt3A_37 : i1 to i32
    %cond3A_39 = arith.constant 0 : i32
    %cond3A_40 = arith.cmpi ne, %convert_element_type3A_38, %cond3A_39 : i32
    scf.if %cond3A_40 {
      %get3A_149 = arith.constant 1 : index
      %get3A_150 = arith.constant 0 : index
      %get3A_151 = arith.constant 0 : index
      %get3A_152 = vector.load %arg6[%get3A_149, %get3A_150, %get3A_151] : memref<8x1024x256xf32, #tpu.memory_space<vmem>>, vector<1x1024x256xf32>
      %get3A_153 = vector.shape_cast %get3A_152 : vector<1x1024x256xf32> to vector<1024x256xf32>
      %dot_general3A = arith.constant dense<0.000000e+00> : vector<512x256xf32>
      %dot_general3A_154 = tpu.matmul %concatenate3A, %get3A_153, %dot_general3A {dimension_numbers = #tpu.dot_dimension_numbers<[1], [0], [0], [1], [0, 0, 1, 1], [], []>, transpose_lhs_hint = false} : vector<512x1024xf32>, vector<1024x256xf32>, vector<512x256xf32> -> vector<512x256xf32>
      %get3A_155 = arith.constant 1 : index
      %get3A_156 = arith.constant 0 : index
      %get3A_157 = vector.load %arg7[%get3A_155, %get3A_156] : memref<8x256xf32, #tpu.memory_space<vmem>>, vector<1x256xf32>
      %get3A_158 = vector.shape_cast %get3A_157 : vector<1x256xf32> to vector<256xf32>
      %broadcast_in_dim3A = vector.shape_cast %get3A_158 : vector<256xf32> to vector<1x256xf32>
      %add3A = vector.broadcast %broadcast_in_dim3A : vector<1x256xf32> to vector<512x256xf32>
      %add3A_159 = arith.addf %dot_general3A_154, %add3A : vector<512x256xf32>
      %max3A_160 = arith.constant 0.000000e+00 : f32
      %max3A_161 = vector.broadcast %max3A_160 : f32 to vector<512x256xf32>
      %max3A_162 = arith.maximumf %add3A_159, %max3A_161 : vector<512x256xf32>
      %get3A_163 = arith.constant 1 : index
      %get3A_164 = arith.constant 0 : index
      %get3A_165 = arith.constant 0 : index
      %get3A_166 = vector.load %arg8[%get3A_163, %get3A_164, %get3A_165] : memref<8x256x1024xf32, #tpu.memory_space<vmem>>, vector<1x256x1024xf32>
      %get3A_167 = vector.shape_cast %get3A_166 : vector<1x256x1024xf32> to vector<256x1024xf32>
      %dot_general3A_168 = arith.constant dense<0.000000e+00> : vector<512x1024xf32>
      %dot_general3A_169 = tpu.matmul %max3A_162, %get3A_167, %dot_general3A_168 {dimension_numbers = #tpu.dot_dimension_numbers<[1], [0], [0], [1], [0, 0, 1, 1], [], []>, transpose_lhs_hint = false} : vector<512x256xf32>, vector<256x1024xf32>, vector<512x1024xf32> -> vector<512x1024xf32>
      %get3A_170 = arith.constant 1 : index
      %get3A_171 = arith.constant 0 : index
      %get3A_172 = vector.load %arg9[%get3A_170, %get3A_171] : memref<8x1024xf32, #tpu.memory_space<vmem>>, vector<1x1024xf32>
      %get3A_173 = vector.shape_cast %get3A_172 : vector<1x1024xf32> to vector<1024xf32>
      %broadcast_in_dim3A_174 = vector.shape_cast %get3A_173 : vector<1024xf32> to vector<1x1024xf32>
      %add3A_175 = vector.broadcast %broadcast_in_dim3A_174 : vector<1x1024xf32> to vector<512x1024xf32>
      %add3A_176 = arith.addf %dot_general3A_169, %add3A_175 : vector<512x1024xf32>
      %ge3A = vector.broadcast %min3A_29 : i32 to vector<512x1xi32>
      %ge3A_177 = arith.cmpi sge, %iota3A, %ge3A : vector<512x1xi32>
      %lt3A = vector.broadcast %min3A_36 : i32 to vector<512x1xi32>
      %lt3A_178 = arith.cmpi slt, %iota3A, %lt3A : vector<512x1xi32>
      %and3A = arith.andi %ge3A_177, %lt3A_178 : vector<512x1xi1>
      %slice3A = vector.extract_strided_slice %add3A_176 {offsets = [0, 0], sizes = [512, 256], strides = [1, 1]} : vector<512x1024xf32> to vector<512x256xf32>
      %get3A_179 = arith.constant 0 : index
      %get3A_180 = arith.constant 0 : index
      %get3A_181 = vector.load %arg10[%get3A_179, %get3A_180] : memref<512x256xf32, #tpu.memory_space<vmem>>, vector<512x256xf32>
      %broadcast_in_dim3A_182 = vector.shape_cast %and3A : vector<512x1xi1> to vector<512x1xi1>
      %broadcast_in_dim3A_183 = vector.broadcast %broadcast_in_dim3A_182 : vector<512x1xi1> to vector<512x256xi1>
      %select_n3A = arith.select %broadcast_in_dim3A_183, %slice3A, %get3A_181 : vector<512x256xi1>, vector<512x256xf32>
      %swap3A = arith.constant 0 : index
      %swap3A_184 = arith.constant 0 : index
      %swap3A_185 = vector.load %arg10[%swap3A, %swap3A_184] : memref<512x256xf32, #tpu.memory_space<vmem>>, vector<512x256xf32>
      tpu.vector_store %arg10[%swap3A, %swap3A_184], %select_n3A {strides = array<i32>} : memref<512x256xf32, #tpu.memory_space<vmem>>, vector<512x256xf32>,
      %slice3A_186 = vector.extract_strided_slice %add3A_176 {offsets = [0, 256], sizes = [512, 256], strides = [1, 1]} : vector<512x1024xf32> to vector<512x256xf32>
      %get3A_187 = arith.constant 0 : index
      %get3A_188 = arith.constant 0 : index
      %get3A_189 = vector.load %arg11[%get3A_187, %get3A_188] : memref<512x256xf32, #tpu.memory_space<vmem>>, vector<512x256xf32>
      %broadcast_in_dim3A_190 = vector.shape_cast %and3A : vector<512x1xi1> to vector<512x1xi1>
      %broadcast_in_dim3A_191 = vector.broadcast %broadcast_in_dim3A_190 : vector<512x1xi1> to vector<512x256xi1>
      %select_n3A_192 = arith.select %broadcast_in_dim3A_191, %slice3A_186, %get3A_189 : vector<512x256xi1>, vector<512x256xf32>
      %swap3A_193 = arith.constant 0 : index
      %swap3A_194 = arith.constant 0 : index
      %swap3A_195 = vector.load %arg11[%swap3A_193, %swap3A_194] : memref<512x256xf32, #tpu.memory_space<vmem>>, vector<512x256xf32>
      tpu.vector_store %arg11[%swap3A_193, %swap3A_194], %select_n3A_192 {strides = array<i32>} : memref<512x256xf32, #tpu.memory_space<vmem>>, vector<512x256xf32>,
      %slice3A_196 = vector.extract_strided_slice %add3A_176 {offsets = [0, 512], sizes = [512, 256], strides = [1, 1]} : vector<512x1024xf32> to vector<512x256xf32>
      %get3A_197 = arith.constant 0 : index
      %get3A_198 = arith.constant 0 : index
      %get3A_199 = vector.load %arg12[%get3A_197, %get3A_198] : memref<512x256xf32, #tpu.memory_space<vmem>>, vector<512x256xf32>
      %broadcast_in_dim3A_200 = vector.shape_cast %and3A : vector<512x1xi1> to vector<512x1xi1>
      %broadcast_in_dim3A_201 = vector.broadcast %broadcast_in_dim3A_200 : vector<512x1xi1> to vector<512x256xi1>
      %select_n3A_202 = arith.select %broadcast_in_dim3A_201, %slice3A_196, %get3A_199 : vector<512x256xi1>, vector<512x256xf32>
      %swap3A_203 = arith.constant 0 : index
      %swap3A_204 = arith.constant 0 : index
      %swap3A_205 = vector.load %arg12[%swap3A_203, %swap3A_204] : memref<512x256xf32, #tpu.memory_space<vmem>>, vector<512x256xf32>
      tpu.vector_store %arg12[%swap3A_203, %swap3A_204], %select_n3A_202 {strides = array<i32>} : memref<512x256xf32, #tpu.memory_space<vmem>>, vector<512x256xf32>,
      %slice3A_206 = vector.extract_strided_slice %add3A_176 {offsets = [0, 768], sizes = [512, 256], strides = [1, 1]} : vector<512x1024xf32> to vector<512x256xf32>
      %get3A_207 = arith.constant 0 : index
      %get3A_208 = arith.constant 0 : index
      %get3A_209 = vector.load %arg13[%get3A_207, %get3A_208] : memref<512x256xf32, #tpu.memory_space<vmem>>, vector<512x256xf32>
      %broadcast_in_dim3A_210 = vector.shape_cast %and3A : vector<512x1xi1> to vector<512x1xi1>
      %broadcast_in_dim3A_211 = vector.broadcast %broadcast_in_dim3A_210 : vector<512x1xi1> to vector<512x256xi1>
      %select_n3A_212 = arith.select %broadcast_in_dim3A_211, %slice3A_206, %get3A_209 : vector<512x256xi1>, vector<512x256xf32>
      %swap3A_213 = arith.constant 0 : index
      %swap3A_214 = arith.constant 0 : index
      %swap3A_215 = vector.load %arg13[%swap3A_213, %swap3A_214] : memref<512x256xf32, #tpu.memory_space<vmem>>, vector<512x256xf32>
      tpu.vector_store %arg13[%swap3A_213, %swap3A_214], %select_n3A_212 {strides = array<i32>} : memref<512x256xf32, #tpu.memory_space<vmem>>, vector<512x256xf32>,
    } else {
    }
    %get3A_41 = arith.constant 2 : index
    %get3A_42 = memref.load %arg1[%get3A_41] : memref<9xi32, #tpu.memory_space<smem>>
    %sub3A_43 = arith.subi %get3A_42, %mul3A_0 : i32
    %jit3A_44 = arith.constant 0 : i32
    %jit3A_45 = arith.constant 512 : i32
    %max3A_46 = arith.maxsi %jit3A_44, %sub3A_43 : i32
    %min3A_47 = arith.minsi %jit3A_45, %max3A_46 : i32
    %get3A_48 = arith.constant 3 : index
    %get3A_49 = memref.load %arg1[%get3A_48] : memref<9xi32, #tpu.memory_space<smem>>
    %sub3A_50 = arith.subi %get3A_49, %mul3A_0 : i32
    %jit3A_51 = arith.constant 0 : i32
    %jit3A_52 = arith.constant 512 : i32
    %max3A_53 = arith.maxsi %jit3A_51, %sub3A_50 : i32
    %min3A_54 = arith.minsi %jit3A_52, %max3A_53 : i32
    %gt3A_55 = arith.cmpi sgt, %min3A_54, %min3A_47 : i32
    %convert_element_type3A_56 = arith.extui %gt3A_55 : i1 to i32
    %cond3A_57 = arith.constant 0 : i32
    %cond3A_58 = arith.cmpi ne, %convert_element_type3A_56, %cond3A_57 : i32
    scf.if %cond3A_58 {
      %get3A_149 = arith.constant 2 : index
      %get3A_150 = arith.constant 0 : index
      %get3A_151 = arith.constant 0 : index
      %get3A_152 = vector.load %arg6[%get3A_149, %get3A_150, %get3A_151] : memref<8x1024x256xf32, #tpu.memory_space<vmem>>, vector<1x1024x256xf32>
      %get3A_153 = vector.shape_cast %get3A_152 : vector<1x1024x256xf32> to vector<1024x256xf32>
      %dot_general3A = arith.constant dense<0.000000e+00> : vector<512x256xf32>
      %dot_general3A_154 = tpu.matmul %concatenate3A, %get3A_153, %dot_general3A {dimension_numbers = #tpu.dot_dimension_numbers<[1], [0], [0], [1], [0, 0, 1, 1], [], []>, transpose_lhs_hint = false} : vector<512x1024xf32>, vector<1024x256xf32>, vector<512x256xf32> -> vector<512x256xf32>
      %get3A_155 = arith.constant 2 : index
      %get3A_156 = arith.constant 0 : index
      %get3A_157 = vector.load %arg7[%get3A_155, %get3A_156] : memref<8x256xf32, #tpu.memory_space<vmem>>, vector<1x256xf32>
      %get3A_158 = vector.shape_cast %get3A_157 : vector<1x256xf32> to vector<256xf32>
      %broadcast_in_dim3A = vector.shape_cast %get3A_158 : vector<256xf32> to vector<1x256xf32>
      %add3A = vector.broadcast %broadcast_in_dim3A : vector<1x256xf32> to vector<512x256xf32>
      %add3A_159 = arith.addf %dot_general3A_154, %add3A : vector<512x256xf32>
      %max3A_160 = arith.constant 0.000000e+00 : f32
      %max3A_161 = vector.broadcast %max3A_160 : f32 to vector<512x256xf32>
      %max3A_162 = arith.maximumf %add3A_159, %max3A_161 : vector<512x256xf32>
      %get3A_163 = arith.constant 2 : index
      %get3A_164 = arith.constant 0 : index
      %get3A_165 = arith.constant 0 : index
      %get3A_166 = vector.load %arg8[%get3A_163, %get3A_164, %get3A_165] : memref<8x256x1024xf32, #tpu.memory_space<vmem>>, vector<1x256x1024xf32>
      %get3A_167 = vector.shape_cast %get3A_166 : vector<1x256x1024xf32> to vector<256x1024xf32>
      %dot_general3A_168 = arith.constant dense<0.000000e+00> : vector<512x1024xf32>
      %dot_general3A_169 = tpu.matmul %max3A_162, %get3A_167, %dot_general3A_168 {dimension_numbers = #tpu.dot_dimension_numbers<[1], [0], [0], [1], [0, 0, 1, 1], [], []>, transpose_lhs_hint = false} : vector<512x256xf32>, vector<256x1024xf32>, vector<512x1024xf32> -> vector<512x1024xf32>
      %get3A_170 = arith.constant 2 : index
      %get3A_171 = arith.constant 0 : index
      %get3A_172 = vector.load %arg9[%get3A_170, %get3A_171] : memref<8x1024xf32, #tpu.memory_space<vmem>>, vector<1x1024xf32>
      %get3A_173 = vector.shape_cast %get3A_172 : vector<1x1024xf32> to vector<1024xf32>
      %broadcast_in_dim3A_174 = vector.shape_cast %get3A_173 : vector<1024xf32> to vector<1x1024xf32>
      %add3A_175 = vector.broadcast %broadcast_in_dim3A_174 : vector<1x1024xf32> to vector<512x1024xf32>
      %add3A_176 = arith.addf %dot_general3A_169, %add3A_175 : vector<512x1024xf32>
      %ge3A = vector.broadcast %min3A_47 : i32 to vector<512x1xi32>
      %ge3A_177 = arith.cmpi sge, %iota3A, %ge3A : vector<512x1xi32>
      %lt3A = vector.broadcast %min3A_54 : i32 to vector<512x1xi32>
      %lt3A_178 = arith.cmpi slt, %iota3A, %lt3A : vector<512x1xi32>
      %and3A = arith.andi %ge3A_177, %lt3A_178 : vector<512x1xi1>
      %slice3A = vector.extract_strided_slice %add3A_176 {offsets = [0, 0], sizes = [512, 256], strides = [1, 1]} : vector<512x1024xf32> to vector<512x256xf32>
      %get3A_179 = arith.constant 0 : index
      %get3A_180 = arith.constant 0 : index
      %get3A_181 = vector.load %arg10[%get3A_179, %get3A_180] : memref<512x256xf32, #tpu.memory_space<vmem>>, vector<512x256xf32>
      %broadcast_in_dim3A_182 = vector.shape_cast %and3A : vector<512x1xi1> to vector<512x1xi1>
      %broadcast_in_dim3A_183 = vector.broadcast %broadcast_in_dim3A_182 : vector<512x1xi1> to vector<512x256xi1>
      %select_n3A = arith.select %broadcast_in_dim3A_183, %slice3A, %get3A_181 : vector<512x256xi1>, vector<512x256xf32>
      %swap3A = arith.constant 0 : index
      %swap3A_184 = arith.constant 0 : index
      %swap3A_185 = vector.load %arg10[%swap3A, %swap3A_184] : memref<512x256xf32, #tpu.memory_space<vmem>>, vector<512x256xf32>
      tpu.vector_store %arg10[%swap3A, %swap3A_184], %select_n3A {strides = array<i32>} : memref<512x256xf32, #tpu.memory_space<vmem>>, vector<512x256xf32>,
      %slice3A_186 = vector.extract_strided_slice %add3A_176 {offsets = [0, 256], sizes = [512, 256], strides = [1, 1]} : vector<512x1024xf32> to vector<512x256xf32>
      %get3A_187 = arith.constant 0 : index
      %get3A_188 = arith.constant 0 : index
      %get3A_189 = vector.load %arg11[%get3A_187, %get3A_188] : memref<512x256xf32, #tpu.memory_space<vmem>>, vector<512x256xf32>
      %broadcast_in_dim3A_190 = vector.shape_cast %and3A : vector<512x1xi1> to vector<512x1xi1>
      %broadcast_in_dim3A_191 = vector.broadcast %broadcast_in_dim3A_190 : vector<512x1xi1> to vector<512x256xi1>
      %select_n3A_192 = arith.select %broadcast_in_dim3A_191, %slice3A_186, %get3A_189 : vector<512x256xi1>, vector<512x256xf32>
      %swap3A_193 = arith.constant 0 : index
      %swap3A_194 = arith.constant 0 : index
      %swap3A_195 = vector.load %arg11[%swap3A_193, %swap3A_194] : memref<512x256xf32, #tpu.memory_space<vmem>>, vector<512x256xf32>
      tpu.vector_store %arg11[%swap3A_193, %swap3A_194], %select_n3A_192 {strides = array<i32>} : memref<512x256xf32, #tpu.memory_space<vmem>>, vector<512x256xf32>,
      %slice3A_196 = vector.extract_strided_slice %add3A_176 {offsets = [0, 512], sizes = [512, 256], strides = [1, 1]} : vector<512x1024xf32> to vector<512x256xf32>
      %get3A_197 = arith.constant 0 : index
      %get3A_198 = arith.constant 0 : index
      %get3A_199 = vector.load %arg12[%get3A_197, %get3A_198] : memref<512x256xf32, #tpu.memory_space<vmem>>, vector<512x256xf32>
      %broadcast_in_dim3A_200 = vector.shape_cast %and3A : vector<512x1xi1> to vector<512x1xi1>
      %broadcast_in_dim3A_201 = vector.broadcast %broadcast_in_dim3A_200 : vector<512x1xi1> to vector<512x256xi1>
      %select_n3A_202 = arith.select %broadcast_in_dim3A_201, %slice3A_196, %get3A_199 : vector<512x256xi1>, vector<512x256xf32>
      %swap3A_203 = arith.constant 0 : index
      %swap3A_204 = arith.constant 0 : index
      %swap3A_205 = vector.load %arg12[%swap3A_203, %swap3A_204] : memref<512x256xf32, #tpu.memory_space<vmem>>, vector<512x256xf32>
      tpu.vector_store %arg12[%swap3A_203, %swap3A_204], %select_n3A_202 {strides = array<i32>} : memref<512x256xf32, #tpu.memory_space<vmem>>, vector<512x256xf32>,
      %slice3A_206 = vector.extract_strided_slice %add3A_176 {offsets = [0, 768], sizes = [512, 256], strides = [1, 1]} : vector<512x1024xf32> to vector<512x256xf32>
      %get3A_207 = arith.constant 0 : index
      %get3A_208 = arith.constant 0 : index
      %get3A_209 = vector.load %arg13[%get3A_207, %get3A_208] : memref<512x256xf32, #tpu.memory_space<vmem>>, vector<512x256xf32>
      %broadcast_in_dim3A_210 = vector.shape_cast %and3A : vector<512x1xi1> to vector<512x1xi1>
      %broadcast_in_dim3A_211 = vector.broadcast %broadcast_in_dim3A_210 : vector<512x1xi1> to vector<512x256xi1>
      %select_n3A_212 = arith.select %broadcast_in_dim3A_211, %slice3A_206, %get3A_209 : vector<512x256xi1>, vector<512x256xf32>
      %swap3A_213 = arith.constant 0 : index
      %swap3A_214 = arith.constant 0 : index
      %swap3A_215 = vector.load %arg13[%swap3A_213, %swap3A_214] : memref<512x256xf32, #tpu.memory_space<vmem>>, vector<512x256xf32>
      tpu.vector_store %arg13[%swap3A_213, %swap3A_214], %select_n3A_212 {strides = array<i32>} : memref<512x256xf32, #tpu.memory_space<vmem>>, vector<512x256xf32>,
    } else {
    }
    %get3A_59 = arith.constant 3 : index
    %get3A_60 = memref.load %arg1[%get3A_59] : memref<9xi32, #tpu.memory_space<smem>>
    %sub3A_61 = arith.subi %get3A_60, %mul3A_0 : i32
    %jit3A_62 = arith.constant 0 : i32
    %jit3A_63 = arith.constant 512 : i32
    %max3A_64 = arith.maxsi %jit3A_62, %sub3A_61 : i32
    %min3A_65 = arith.minsi %jit3A_63, %max3A_64 : i32
    %get3A_66 = arith.constant 4 : index
    %get3A_67 = memref.load %arg1[%get3A_66] : memref<9xi32, #tpu.memory_space<smem>>
    %sub3A_68 = arith.subi %get3A_67, %mul3A_0 : i32
    %jit3A_69 = arith.constant 0 : i32
    %jit3A_70 = arith.constant 512 : i32
    %max3A_71 = arith.maxsi %jit3A_69, %sub3A_68 : i32
    %min3A_72 = arith.minsi %jit3A_70, %max3A_71 : i32
    %gt3A_73 = arith.cmpi sgt, %min3A_72, %min3A_65 : i32
    %convert_element_type3A_74 = arith.extui %gt3A_73 : i1 to i32
    %cond3A_75 = arith.constant 0 : i32
    %cond3A_76 = arith.cmpi ne, %convert_element_type3A_74, %cond3A_75 : i32
    scf.if %cond3A_76 {
      %get3A_149 = arith.constant 3 : index
      %get3A_150 = arith.constant 0 : index
      %get3A_151 = arith.constant 0 : index
      %get3A_152 = vector.load %arg6[%get3A_149, %get3A_150, %get3A_151] : memref<8x1024x256xf32, #tpu.memory_space<vmem>>, vector<1x1024x256xf32>
      %get3A_153 = vector.shape_cast %get3A_152 : vector<1x1024x256xf32> to vector<1024x256xf32>
      %dot_general3A = arith.constant dense<0.000000e+00> : vector<512x256xf32>
      %dot_general3A_154 = tpu.matmul %concatenate3A, %get3A_153, %dot_general3A {dimension_numbers = #tpu.dot_dimension_numbers<[1], [0], [0], [1], [0, 0, 1, 1], [], []>, transpose_lhs_hint = false} : vector<512x1024xf32>, vector<1024x256xf32>, vector<512x256xf32> -> vector<512x256xf32>
      %get3A_155 = arith.constant 3 : index
      %get3A_156 = arith.constant 0 : index
      %get3A_157 = vector.load %arg7[%get3A_155, %get3A_156] : memref<8x256xf32, #tpu.memory_space<vmem>>, vector<1x256xf32>
      %get3A_158 = vector.shape_cast %get3A_157 : vector<1x256xf32> to vector<256xf32>
      %broadcast_in_dim3A = vector.shape_cast %get3A_158 : vector<256xf32> to vector<1x256xf32>
      %add3A = vector.broadcast %broadcast_in_dim3A : vector<1x256xf32> to vector<512x256xf32>
      %add3A_159 = arith.addf %dot_general3A_154, %add3A : vector<512x256xf32>
      %max3A_160 = arith.constant 0.000000e+00 : f32
      %max3A_161 = vector.broadcast %max3A_160 : f32 to vector<512x256xf32>
      %max3A_162 = arith.maximumf %add3A_159, %max3A_161 : vector<512x256xf32>
      %get3A_163 = arith.constant 3 : index
      %get3A_164 = arith.constant 0 : index
      %get3A_165 = arith.constant 0 : index
      %get3A_166 = vector.load %arg8[%get3A_163, %get3A_164, %get3A_165] : memref<8x256x1024xf32, #tpu.memory_space<vmem>>, vector<1x256x1024xf32>
      %get3A_167 = vector.shape_cast %get3A_166 : vector<1x256x1024xf32> to vector<256x1024xf32>
      %dot_general3A_168 = arith.constant dense<0.000000e+00> : vector<512x1024xf32>
      %dot_general3A_169 = tpu.matmul %max3A_162, %get3A_167, %dot_general3A_168 {dimension_numbers = #tpu.dot_dimension_numbers<[1], [0], [0], [1], [0, 0, 1, 1], [], []>, transpose_lhs_hint = false} : vector<512x256xf32>, vector<256x1024xf32>, vector<512x1024xf32> -> vector<512x1024xf32>
      %get3A_170 = arith.constant 3 : index
      %get3A_171 = arith.constant 0 : index
      %get3A_172 = vector.load %arg9[%get3A_170, %get3A_171] : memref<8x1024xf32, #tpu.memory_space<vmem>>, vector<1x1024xf32>
      %get3A_173 = vector.shape_cast %get3A_172 : vector<1x1024xf32> to vector<1024xf32>
      %broadcast_in_dim3A_174 = vector.shape_cast %get3A_173 : vector<1024xf32> to vector<1x1024xf32>
      %add3A_175 = vector.broadcast %broadcast_in_dim3A_174 : vector<1x1024xf32> to vector<512x1024xf32>
      %add3A_176 = arith.addf %dot_general3A_169, %add3A_175 : vector<512x1024xf32>
      %ge3A = vector.broadcast %min3A_65 : i32 to vector<512x1xi32>
      %ge3A_177 = arith.cmpi sge, %iota3A, %ge3A : vector<512x1xi32>
      %lt3A = vector.broadcast %min3A_72 : i32 to vector<512x1xi32>
      %lt3A_178 = arith.cmpi slt, %iota3A, %lt3A : vector<512x1xi32>
      %and3A = arith.andi %ge3A_177, %lt3A_178 : vector<512x1xi1>
      %slice3A = vector.extract_strided_slice %add3A_176 {offsets = [0, 0], sizes = [512, 256], strides = [1, 1]} : vector<512x1024xf32> to vector<512x256xf32>
      %get3A_179 = arith.constant 0 : index
      %get3A_180 = arith.constant 0 : index
      %get3A_181 = vector.load %arg10[%get3A_179, %get3A_180] : memref<512x256xf32, #tpu.memory_space<vmem>>, vector<512x256xf32>
      %broadcast_in_dim3A_182 = vector.shape_cast %and3A : vector<512x1xi1> to vector<512x1xi1>
      %broadcast_in_dim3A_183 = vector.broadcast %broadcast_in_dim3A_182 : vector<512x1xi1> to vector<512x256xi1>
      %select_n3A = arith.select %broadcast_in_dim3A_183, %slice3A, %get3A_181 : vector<512x256xi1>, vector<512x256xf32>
      %swap3A = arith.constant 0 : index
      %swap3A_184 = arith.constant 0 : index
      %swap3A_185 = vector.load %arg10[%swap3A, %swap3A_184] : memref<512x256xf32, #tpu.memory_space<vmem>>, vector<512x256xf32>
      tpu.vector_store %arg10[%swap3A, %swap3A_184], %select_n3A {strides = array<i32>} : memref<512x256xf32, #tpu.memory_space<vmem>>, vector<512x256xf32>,
      %slice3A_186 = vector.extract_strided_slice %add3A_176 {offsets = [0, 256], sizes = [512, 256], strides = [1, 1]} : vector<512x1024xf32> to vector<512x256xf32>
      %get3A_187 = arith.constant 0 : index
      %get3A_188 = arith.constant 0 : index
      %get3A_189 = vector.load %arg11[%get3A_187, %get3A_188] : memref<512x256xf32, #tpu.memory_space<vmem>>, vector<512x256xf32>
      %broadcast_in_dim3A_190 = vector.shape_cast %and3A : vector<512x1xi1> to vector<512x1xi1>
      %broadcast_in_dim3A_191 = vector.broadcast %broadcast_in_dim3A_190 : vector<512x1xi1> to vector<512x256xi1>
      %select_n3A_192 = arith.select %broadcast_in_dim3A_191, %slice3A_186, %get3A_189 : vector<512x256xi1>, vector<512x256xf32>
      %swap3A_193 = arith.constant 0 : index
      %swap3A_194 = arith.constant 0 : index
      %swap3A_195 = vector.load %arg11[%swap3A_193, %swap3A_194] : memref<512x256xf32, #tpu.memory_space<vmem>>, vector<512x256xf32>
      tpu.vector_store %arg11[%swap3A_193, %swap3A_194], %select_n3A_192 {strides = array<i32>} : memref<512x256xf32, #tpu.memory_space<vmem>>, vector<512x256xf32>,
      %slice3A_196 = vector.extract_strided_slice %add3A_176 {offsets = [0, 512], sizes = [512, 256], strides = [1, 1]} : vector<512x1024xf32> to vector<512x256xf32>
      %get3A_197 = arith.constant 0 : index
      %get3A_198 = arith.constant 0 : index
      %get3A_199 = vector.load %arg12[%get3A_197, %get3A_198] : memref<512x256xf32, #tpu.memory_space<vmem>>, vector<512x256xf32>
      %broadcast_in_dim3A_200 = vector.shape_cast %and3A : vector<512x1xi1> to vector<512x1xi1>
      %broadcast_in_dim3A_201 = vector.broadcast %broadcast_in_dim3A_200 : vector<512x1xi1> to vector<512x256xi1>
      %select_n3A_202 = arith.select %broadcast_in_dim3A_201, %slice3A_196, %get3A_199 : vector<512x256xi1>, vector<512x256xf32>
      %swap3A_203 = arith.constant 0 : index
      %swap3A_204 = arith.constant 0 : index
      %swap3A_205 = vector.load %arg12[%swap3A_203, %swap3A_204] : memref<512x256xf32, #tpu.memory_space<vmem>>, vector<512x256xf32>
      tpu.vector_store %arg12[%swap3A_203, %swap3A_204], %select_n3A_202 {strides = array<i32>} : memref<512x256xf32, #tpu.memory_space<vmem>>, vector<512x256xf32>,
      %slice3A_206 = vector.extract_strided_slice %add3A_176 {offsets = [0, 768], sizes = [512, 256], strides = [1, 1]} : vector<512x1024xf32> to vector<512x256xf32>
      %get3A_207 = arith.constant 0 : index
      %get3A_208 = arith.constant 0 : index
      %get3A_209 = vector.load %arg13[%get3A_207, %get3A_208] : memref<512x256xf32, #tpu.memory_space<vmem>>, vector<512x256xf32>
      %broadcast_in_dim3A_210 = vector.shape_cast %and3A : vector<512x1xi1> to vector<512x1xi1>
      %broadcast_in_dim3A_211 = vector.broadcast %broadcast_in_dim3A_210 : vector<512x1xi1> to vector<512x256xi1>
      %select_n3A_212 = arith.select %broadcast_in_dim3A_211, %slice3A_206, %get3A_209 : vector<512x256xi1>, vector<512x256xf32>
      %swap3A_213 = arith.constant 0 : index
      %swap3A_214 = arith.constant 0 : index
      %swap3A_215 = vector.load %arg13[%swap3A_213, %swap3A_214] : memref<512x256xf32, #tpu.memory_space<vmem>>, vector<512x256xf32>
      tpu.vector_store %arg13[%swap3A_213, %swap3A_214], %select_n3A_212 {strides = array<i32>} : memref<512x256xf32, #tpu.memory_space<vmem>>, vector<512x256xf32>,
    } else {
    }
    %get3A_77 = arith.constant 4 : index
    %get3A_78 = memref.load %arg1[%get3A_77] : memref<9xi32, #tpu.memory_space<smem>>
    %sub3A_79 = arith.subi %get3A_78, %mul3A_0 : i32
    %jit3A_80 = arith.constant 0 : i32
    %jit3A_81 = arith.constant 512 : i32
    %max3A_82 = arith.maxsi %jit3A_80, %sub3A_79 : i32
    %min3A_83 = arith.minsi %jit3A_81, %max3A_82 : i32
    %get3A_84 = arith.constant 5 : index
    %get3A_85 = memref.load %arg1[%get3A_84] : memref<9xi32, #tpu.memory_space<smem>>
    %sub3A_86 = arith.subi %get3A_85, %mul3A_0 : i32
    %jit3A_87 = arith.constant 0 : i32
    %jit3A_88 = arith.constant 512 : i32
    %max3A_89 = arith.maxsi %jit3A_87, %sub3A_86 : i32
    %min3A_90 = arith.minsi %jit3A_88, %max3A_89 : i32
    %gt3A_91 = arith.cmpi sgt, %min3A_90, %min3A_83 : i32
    %convert_element_type3A_92 = arith.extui %gt3A_91 : i1 to i32
    %cond3A_93 = arith.constant 0 : i32
    %cond3A_94 = arith.cmpi ne, %convert_element_type3A_92, %cond3A_93 : i32
    scf.if %cond3A_94 {
      %get3A_149 = arith.constant 4 : index
      %get3A_150 = arith.constant 0 : index
      %get3A_151 = arith.constant 0 : index
      %get3A_152 = vector.load %arg6[%get3A_149, %get3A_150, %get3A_151] : memref<8x1024x256xf32, #tpu.memory_space<vmem>>, vector<1x1024x256xf32>
      %get3A_153 = vector.shape_cast %get3A_152 : vector<1x1024x256xf32> to vector<1024x256xf32>
      %dot_general3A = arith.constant dense<0.000000e+00> : vector<512x256xf32>
      %dot_general3A_154 = tpu.matmul %concatenate3A, %get3A_153, %dot_general3A {dimension_numbers = #tpu.dot_dimension_numbers<[1], [0], [0], [1], [0, 0, 1, 1], [], []>, transpose_lhs_hint = false} : vector<512x1024xf32>, vector<1024x256xf32>, vector<512x256xf32> -> vector<512x256xf32>
      %get3A_155 = arith.constant 4 : index
      %get3A_156 = arith.constant 0 : index
      %get3A_157 = vector.load %arg7[%get3A_155, %get3A_156] : memref<8x256xf32, #tpu.memory_space<vmem>>, vector<1x256xf32>
      %get3A_158 = vector.shape_cast %get3A_157 : vector<1x256xf32> to vector<256xf32>
      %broadcast_in_dim3A = vector.shape_cast %get3A_158 : vector<256xf32> to vector<1x256xf32>
      %add3A = vector.broadcast %broadcast_in_dim3A : vector<1x256xf32> to vector<512x256xf32>
      %add3A_159 = arith.addf %dot_general3A_154, %add3A : vector<512x256xf32>
      %max3A_160 = arith.constant 0.000000e+00 : f32
      %max3A_161 = vector.broadcast %max3A_160 : f32 to vector<512x256xf32>
      %max3A_162 = arith.maximumf %add3A_159, %max3A_161 : vector<512x256xf32>
      %get3A_163 = arith.constant 4 : index
      %get3A_164 = arith.constant 0 : index
      %get3A_165 = arith.constant 0 : index
      %get3A_166 = vector.load %arg8[%get3A_163, %get3A_164, %get3A_165] : memref<8x256x1024xf32, #tpu.memory_space<vmem>>, vector<1x256x1024xf32>
      %get3A_167 = vector.shape_cast %get3A_166 : vector<1x256x1024xf32> to vector<256x1024xf32>
      %dot_general3A_168 = arith.constant dense<0.000000e+00> : vector<512x1024xf32>
      %dot_general3A_169 = tpu.matmul %max3A_162, %get3A_167, %dot_general3A_168 {dimension_numbers = #tpu.dot_dimension_numbers<[1], [0], [0], [1], [0, 0, 1, 1], [], []>, transpose_lhs_hint = false} : vector<512x256xf32>, vector<256x1024xf32>, vector<512x1024xf32> -> vector<512x1024xf32>
      %get3A_170 = arith.constant 4 : index
      %get3A_171 = arith.constant 0 : index
      %get3A_172 = vector.load %arg9[%get3A_170, %get3A_171] : memref<8x1024xf32, #tpu.memory_space<vmem>>, vector<1x1024xf32>
      %get3A_173 = vector.shape_cast %get3A_172 : vector<1x1024xf32> to vector<1024xf32>
      %broadcast_in_dim3A_174 = vector.shape_cast %get3A_173 : vector<1024xf32> to vector<1x1024xf32>
      %add3A_175 = vector.broadcast %broadcast_in_dim3A_174 : vector<1x1024xf32> to vector<512x1024xf32>
      %add3A_176 = arith.addf %dot_general3A_169, %add3A_175 : vector<512x1024xf32>
      %ge3A = vector.broadcast %min3A_83 : i32 to vector<512x1xi32>
      %ge3A_177 = arith.cmpi sge, %iota3A, %ge3A : vector<512x1xi32>
      %lt3A = vector.broadcast %min3A_90 : i32 to vector<512x1xi32>
      %lt3A_178 = arith.cmpi slt, %iota3A, %lt3A : vector<512x1xi32>
      %and3A = arith.andi %ge3A_177, %lt3A_178 : vector<512x1xi1>
      %slice3A = vector.extract_strided_slice %add3A_176 {offsets = [0, 0], sizes = [512, 256], strides = [1, 1]} : vector<512x1024xf32> to vector<512x256xf32>
      %get3A_179 = arith.constant 0 : index
      %get3A_180 = arith.constant 0 : index
      %get3A_181 = vector.load %arg10[%get3A_179, %get3A_180] : memref<512x256xf32, #tpu.memory_space<vmem>>, vector<512x256xf32>
      %broadcast_in_dim3A_182 = vector.shape_cast %and3A : vector<512x1xi1> to vector<512x1xi1>
      %broadcast_in_dim3A_183 = vector.broadcast %broadcast_in_dim3A_182 : vector<512x1xi1> to vector<512x256xi1>
      %select_n3A = arith.select %broadcast_in_dim3A_183, %slice3A, %get3A_181 : vector<512x256xi1>, vector<512x256xf32>
      %swap3A = arith.constant 0 : index
      %swap3A_184 = arith.constant 0 : index
      %swap3A_185 = vector.load %arg10[%swap3A, %swap3A_184] : memref<512x256xf32, #tpu.memory_space<vmem>>, vector<512x256xf32>
      tpu.vector_store %arg10[%swap3A, %swap3A_184], %select_n3A {strides = array<i32>} : memref<512x256xf32, #tpu.memory_space<vmem>>, vector<512x256xf32>,
      %slice3A_186 = vector.extract_strided_slice %add3A_176 {offsets = [0, 256], sizes = [512, 256], strides = [1, 1]} : vector<512x1024xf32> to vector<512x256xf32>
      %get3A_187 = arith.constant 0 : index
      %get3A_188 = arith.constant 0 : index
      %get3A_189 = vector.load %arg11[%get3A_187, %get3A_188] : memref<512x256xf32, #tpu.memory_space<vmem>>, vector<512x256xf32>
      %broadcast_in_dim3A_190 = vector.shape_cast %and3A : vector<512x1xi1> to vector<512x1xi1>
      %broadcast_in_dim3A_191 = vector.broadcast %broadcast_in_dim3A_190 : vector<512x1xi1> to vector<512x256xi1>
      %select_n3A_192 = arith.select %broadcast_in_dim3A_191, %slice3A_186, %get3A_189 : vector<512x256xi1>, vector<512x256xf32>
      %swap3A_193 = arith.constant 0 : index
      %swap3A_194 = arith.constant 0 : index
      %swap3A_195 = vector.load %arg11[%swap3A_193, %swap3A_194] : memref<512x256xf32, #tpu.memory_space<vmem>>, vector<512x256xf32>
      tpu.vector_store %arg11[%swap3A_193, %swap3A_194], %select_n3A_192 {strides = array<i32>} : memref<512x256xf32, #tpu.memory_space<vmem>>, vector<512x256xf32>,
      %slice3A_196 = vector.extract_strided_slice %add3A_176 {offsets = [0, 512], sizes = [512, 256], strides = [1, 1]} : vector<512x1024xf32> to vector<512x256xf32>
      %get3A_197 = arith.constant 0 : index
      %get3A_198 = arith.constant 0 : index
      %get3A_199 = vector.load %arg12[%get3A_197, %get3A_198] : memref<512x256xf32, #tpu.memory_space<vmem>>, vector<512x256xf32>
      %broadcast_in_dim3A_200 = vector.shape_cast %and3A : vector<512x1xi1> to vector<512x1xi1>
      %broadcast_in_dim3A_201 = vector.broadcast %broadcast_in_dim3A_200 : vector<512x1xi1> to vector<512x256xi1>
      %select_n3A_202 = arith.select %broadcast_in_dim3A_201, %slice3A_196, %get3A_199 : vector<512x256xi1>, vector<512x256xf32>
      %swap3A_203 = arith.constant 0 : index
      %swap3A_204 = arith.constant 0 : index
      %swap3A_205 = vector.load %arg12[%swap3A_203, %swap3A_204] : memref<512x256xf32, #tpu.memory_space<vmem>>, vector<512x256xf32>
      tpu.vector_store %arg12[%swap3A_203, %swap3A_204], %select_n3A_202 {strides = array<i32>} : memref<512x256xf32, #tpu.memory_space<vmem>>, vector<512x256xf32>,
      %slice3A_206 = vector.extract_strided_slice %add3A_176 {offsets = [0, 768], sizes = [512, 256], strides = [1, 1]} : vector<512x1024xf32> to vector<512x256xf32>
      %get3A_207 = arith.constant 0 : index
      %get3A_208 = arith.constant 0 : index
      %get3A_209 = vector.load %arg13[%get3A_207, %get3A_208] : memref<512x256xf32, #tpu.memory_space<vmem>>, vector<512x256xf32>
      %broadcast_in_dim3A_210 = vector.shape_cast %and3A : vector<512x1xi1> to vector<512x1xi1>
      %broadcast_in_dim3A_211 = vector.broadcast %broadcast_in_dim3A_210 : vector<512x1xi1> to vector<512x256xi1>
      %select_n3A_212 = arith.select %broadcast_in_dim3A_211, %slice3A_206, %get3A_209 : vector<512x256xi1>, vector<512x256xf32>
      %swap3A_213 = arith.constant 0 : index
      %swap3A_214 = arith.constant 0 : index
      %swap3A_215 = vector.load %arg13[%swap3A_213, %swap3A_214] : memref<512x256xf32, #tpu.memory_space<vmem>>, vector<512x256xf32>
      tpu.vector_store %arg13[%swap3A_213, %swap3A_214], %select_n3A_212 {strides = array<i32>} : memref<512x256xf32, #tpu.memory_space<vmem>>, vector<512x256xf32>,
    } else {
    }
    %get3A_95 = arith.constant 5 : index
    %get3A_96 = memref.load %arg1[%get3A_95] : memref<9xi32, #tpu.memory_space<smem>>
    %sub3A_97 = arith.subi %get3A_96, %mul3A_0 : i32
    %jit3A_98 = arith.constant 0 : i32
    %jit3A_99 = arith.constant 512 : i32
    %max3A_100 = arith.maxsi %jit3A_98, %sub3A_97 : i32
    %min3A_101 = arith.minsi %jit3A_99, %max3A_100 : i32
    %get3A_102 = arith.constant 6 : index
    %get3A_103 = memref.load %arg1[%get3A_102] : memref<9xi32, #tpu.memory_space<smem>>
    %sub3A_104 = arith.subi %get3A_103, %mul3A_0 : i32
    %jit3A_105 = arith.constant 0 : i32
    %jit3A_106 = arith.constant 512 : i32
    %max3A_107 = arith.maxsi %jit3A_105, %sub3A_104 : i32
    %min3A_108 = arith.minsi %jit3A_106, %max3A_107 : i32
    %gt3A_109 = arith.cmpi sgt, %min3A_108, %min3A_101 : i32
    %convert_element_type3A_110 = arith.extui %gt3A_109 : i1 to i32
    %cond3A_111 = arith.constant 0 : i32
    %cond3A_112 = arith.cmpi ne, %convert_element_type3A_110, %cond3A_111 : i32
    scf.if %cond3A_112 {
      %get3A_149 = arith.constant 5 : index
      %get3A_150 = arith.constant 0 : index
      %get3A_151 = arith.constant 0 : index
      %get3A_152 = vector.load %arg6[%get3A_149, %get3A_150, %get3A_151] : memref<8x1024x256xf32, #tpu.memory_space<vmem>>, vector<1x1024x256xf32>
      %get3A_153 = vector.shape_cast %get3A_152 : vector<1x1024x256xf32> to vector<1024x256xf32>
      %dot_general3A = arith.constant dense<0.000000e+00> : vector<512x256xf32>
      %dot_general3A_154 = tpu.matmul %concatenate3A, %get3A_153, %dot_general3A {dimension_numbers = #tpu.dot_dimension_numbers<[1], [0], [0], [1], [0, 0, 1, 1], [], []>, transpose_lhs_hint = false} : vector<512x1024xf32>, vector<1024x256xf32>, vector<512x256xf32> -> vector<512x256xf32>
      %get3A_155 = arith.constant 5 : index
      %get3A_156 = arith.constant 0 : index
      %get3A_157 = vector.load %arg7[%get3A_155, %get3A_156] : memref<8x256xf32, #tpu.memory_space<vmem>>, vector<1x256xf32>
      %get3A_158 = vector.shape_cast %get3A_157 : vector<1x256xf32> to vector<256xf32>
      %broadcast_in_dim3A = vector.shape_cast %get3A_158 : vector<256xf32> to vector<1x256xf32>
      %add3A = vector.broadcast %broadcast_in_dim3A : vector<1x256xf32> to vector<512x256xf32>
      %add3A_159 = arith.addf %dot_general3A_154, %add3A : vector<512x256xf32>
      %max3A_160 = arith.constant 0.000000e+00 : f32
      %max3A_161 = vector.broadcast %max3A_160 : f32 to vector<512x256xf32>
      %max3A_162 = arith.maximumf %add3A_159, %max3A_161 : vector<512x256xf32>
      %get3A_163 = arith.constant 5 : index
      %get3A_164 = arith.constant 0 : index
      %get3A_165 = arith.constant 0 : index
      %get3A_166 = vector.load %arg8[%get3A_163, %get3A_164, %get3A_165] : memref<8x256x1024xf32, #tpu.memory_space<vmem>>, vector<1x256x1024xf32>
      %get3A_167 = vector.shape_cast %get3A_166 : vector<1x256x1024xf32> to vector<256x1024xf32>
      %dot_general3A_168 = arith.constant dense<0.000000e+00> : vector<512x1024xf32>
      %dot_general3A_169 = tpu.matmul %max3A_162, %get3A_167, %dot_general3A_168 {dimension_numbers = #tpu.dot_dimension_numbers<[1], [0], [0], [1], [0, 0, 1, 1], [], []>, transpose_lhs_hint = false} : vector<512x256xf32>, vector<256x1024xf32>, vector<512x1024xf32> -> vector<512x1024xf32>
      %get3A_170 = arith.constant 5 : index
      %get3A_171 = arith.constant 0 : index
      %get3A_172 = vector.load %arg9[%get3A_170, %get3A_171] : memref<8x1024xf32, #tpu.memory_space<vmem>>, vector<1x1024xf32>
      %get3A_173 = vector.shape_cast %get3A_172 : vector<1x1024xf32> to vector<1024xf32>
      %broadcast_in_dim3A_174 = vector.shape_cast %get3A_173 : vector<1024xf32> to vector<1x1024xf32>
      %add3A_175 = vector.broadcast %broadcast_in_dim3A_174 : vector<1x1024xf32> to vector<512x1024xf32>
      %add3A_176 = arith.addf %dot_general3A_169, %add3A_175 : vector<512x1024xf32>
      %ge3A = vector.broadcast %min3A_101 : i32 to vector<512x1xi32>
      %ge3A_177 = arith.cmpi sge, %iota3A, %ge3A : vector<512x1xi32>
      %lt3A = vector.broadcast %min3A_108 : i32 to vector<512x1xi32>
      %lt3A_178 = arith.cmpi slt, %iota3A, %lt3A : vector<512x1xi32>
      %and3A = arith.andi %ge3A_177, %lt3A_178 : vector<512x1xi1>
      %slice3A = vector.extract_strided_slice %add3A_176 {offsets = [0, 0], sizes = [512, 256], strides = [1, 1]} : vector<512x1024xf32> to vector<512x256xf32>
      %get3A_179 = arith.constant 0 : index
      %get3A_180 = arith.constant 0 : index
      %get3A_181 = vector.load %arg10[%get3A_179, %get3A_180] : memref<512x256xf32, #tpu.memory_space<vmem>>, vector<512x256xf32>
      %broadcast_in_dim3A_182 = vector.shape_cast %and3A : vector<512x1xi1> to vector<512x1xi1>
      %broadcast_in_dim3A_183 = vector.broadcast %broadcast_in_dim3A_182 : vector<512x1xi1> to vector<512x256xi1>
      %select_n3A = arith.select %broadcast_in_dim3A_183, %slice3A, %get3A_181 : vector<512x256xi1>, vector<512x256xf32>
      %swap3A = arith.constant 0 : index
      %swap3A_184 = arith.constant 0 : index
      %swap3A_185 = vector.load %arg10[%swap3A, %swap3A_184] : memref<512x256xf32, #tpu.memory_space<vmem>>, vector<512x256xf32>
      tpu.vector_store %arg10[%swap3A, %swap3A_184], %select_n3A {strides = array<i32>} : memref<512x256xf32, #tpu.memory_space<vmem>>, vector<512x256xf32>,
      %slice3A_186 = vector.extract_strided_slice %add3A_176 {offsets = [0, 256], sizes = [512, 256], strides = [1, 1]} : vector<512x1024xf32> to vector<512x256xf32>
      %get3A_187 = arith.constant 0 : index
      %get3A_188 = arith.constant 0 : index
      %get3A_189 = vector.load %arg11[%get3A_187, %get3A_188] : memref<512x256xf32, #tpu.memory_space<vmem>>, vector<512x256xf32>
      %broadcast_in_dim3A_190 = vector.shape_cast %and3A : vector<512x1xi1> to vector<512x1xi1>
      %broadcast_in_dim3A_191 = vector.broadcast %broadcast_in_dim3A_190 : vector<512x1xi1> to vector<512x256xi1>
      %select_n3A_192 = arith.select %broadcast_in_dim3A_191, %slice3A_186, %get3A_189 : vector<512x256xi1>, vector<512x256xf32>
      %swap3A_193 = arith.constant 0 : index
      %swap3A_194 = arith.constant 0 : index
      %swap3A_195 = vector.load %arg11[%swap3A_193, %swap3A_194] : memref<512x256xf32, #tpu.memory_space<vmem>>, vector<512x256xf32>
      tpu.vector_store %arg11[%swap3A_193, %swap3A_194], %select_n3A_192 {strides = array<i32>} : memref<512x256xf32, #tpu.memory_space<vmem>>, vector<512x256xf32>,
      %slice3A_196 = vector.extract_strided_slice %add3A_176 {offsets = [0, 512], sizes = [512, 256], strides = [1, 1]} : vector<512x1024xf32> to vector<512x256xf32>
      %get3A_197 = arith.constant 0 : index
      %get3A_198 = arith.constant 0 : index
      %get3A_199 = vector.load %arg12[%get3A_197, %get3A_198] : memref<512x256xf32, #tpu.memory_space<vmem>>, vector<512x256xf32>
      %broadcast_in_dim3A_200 = vector.shape_cast %and3A : vector<512x1xi1> to vector<512x1xi1>
      %broadcast_in_dim3A_201 = vector.broadcast %broadcast_in_dim3A_200 : vector<512x1xi1> to vector<512x256xi1>
      %select_n3A_202 = arith.select %broadcast_in_dim3A_201, %slice3A_196, %get3A_199 : vector<512x256xi1>, vector<512x256xf32>
      %swap3A_203 = arith.constant 0 : index
      %swap3A_204 = arith.constant 0 : index
      %swap3A_205 = vector.load %arg12[%swap3A_203, %swap3A_204] : memref<512x256xf32, #tpu.memory_space<vmem>>, vector<512x256xf32>
      tpu.vector_store %arg12[%swap3A_203, %swap3A_204], %select_n3A_202 {strides = array<i32>} : memref<512x256xf32, #tpu.memory_space<vmem>>, vector<512x256xf32>,
      %slice3A_206 = vector.extract_strided_slice %add3A_176 {offsets = [0, 768], sizes = [512, 256], strides = [1, 1]} : vector<512x1024xf32> to vector<512x256xf32>
      %get3A_207 = arith.constant 0 : index
      %get3A_208 = arith.constant 0 : index
      %get3A_209 = vector.load %arg13[%get3A_207, %get3A_208] : memref<512x256xf32, #tpu.memory_space<vmem>>, vector<512x256xf32>
      %broadcast_in_dim3A_210 = vector.shape_cast %and3A : vector<512x1xi1> to vector<512x1xi1>
      %broadcast_in_dim3A_211 = vector.broadcast %broadcast_in_dim3A_210 : vector<512x1xi1> to vector<512x256xi1>
      %select_n3A_212 = arith.select %broadcast_in_dim3A_211, %slice3A_206, %get3A_209 : vector<512x256xi1>, vector<512x256xf32>
      %swap3A_213 = arith.constant 0 : index
      %swap3A_214 = arith.constant 0 : index
      %swap3A_215 = vector.load %arg13[%swap3A_213, %swap3A_214] : memref<512x256xf32, #tpu.memory_space<vmem>>, vector<512x256xf32>
      tpu.vector_store %arg13[%swap3A_213, %swap3A_214], %select_n3A_212 {strides = array<i32>} : memref<512x256xf32, #tpu.memory_space<vmem>>, vector<512x256xf32>,
    } else {
    }
    %get3A_113 = arith.constant 6 : index
    %get3A_114 = memref.load %arg1[%get3A_113] : memref<9xi32, #tpu.memory_space<smem>>
    %sub3A_115 = arith.subi %get3A_114, %mul3A_0 : i32
    %jit3A_116 = arith.constant 0 : i32
    %jit3A_117 = arith.constant 512 : i32
    %max3A_118 = arith.maxsi %jit3A_116, %sub3A_115 : i32
    %min3A_119 = arith.minsi %jit3A_117, %max3A_118 : i32
    %get3A_120 = arith.constant 7 : index
    %get3A_121 = memref.load %arg1[%get3A_120] : memref<9xi32, #tpu.memory_space<smem>>
    %sub3A_122 = arith.subi %get3A_121, %mul3A_0 : i32
    %jit3A_123 = arith.constant 0 : i32
    %jit3A_124 = arith.constant 512 : i32
    %max3A_125 = arith.maxsi %jit3A_123, %sub3A_122 : i32
    %min3A_126 = arith.minsi %jit3A_124, %max3A_125 : i32
    %gt3A_127 = arith.cmpi sgt, %min3A_126, %min3A_119 : i32
    %convert_element_type3A_128 = arith.extui %gt3A_127 : i1 to i32
    %cond3A_129 = arith.constant 0 : i32
    %cond3A_130 = arith.cmpi ne, %convert_element_type3A_128, %cond3A_129 : i32
    scf.if %cond3A_130 {
      %get3A_149 = arith.constant 6 : index
      %get3A_150 = arith.constant 0 : index
      %get3A_151 = arith.constant 0 : index
      %get3A_152 = vector.load %arg6[%get3A_149, %get3A_150, %get3A_151] : memref<8x1024x256xf32, #tpu.memory_space<vmem>>, vector<1x1024x256xf32>
      %get3A_153 = vector.shape_cast %get3A_152 : vector<1x1024x256xf32> to vector<1024x256xf32>
      %dot_general3A = arith.constant dense<0.000000e+00> : vector<512x256xf32>
      %dot_general3A_154 = tpu.matmul %concatenate3A, %get3A_153, %dot_general3A {dimension_numbers = #tpu.dot_dimension_numbers<[1], [0], [0], [1], [0, 0, 1, 1], [], []>, transpose_lhs_hint = false} : vector<512x1024xf32>, vector<1024x256xf32>, vector<512x256xf32> -> vector<512x256xf32>
      %get3A_155 = arith.constant 6 : index
      %get3A_156 = arith.constant 0 : index
      %get3A_157 = vector.load %arg7[%get3A_155, %get3A_156] : memref<8x256xf32, #tpu.memory_space<vmem>>, vector<1x256xf32>
      %get3A_158 = vector.shape_cast %get3A_157 : vector<1x256xf32> to vector<256xf32>
      %broadcast_in_dim3A = vector.shape_cast %get3A_158 : vector<256xf32> to vector<1x256xf32>
      %add3A = vector.broadcast %broadcast_in_dim3A : vector<1x256xf32> to vector<512x256xf32>
      %add3A_159 = arith.addf %dot_general3A_154, %add3A : vector<512x256xf32>
      %max3A_160 = arith.constant 0.000000e+00 : f32
      %max3A_161 = vector.broadcast %max3A_160 : f32 to vector<512x256xf32>
      %max3A_162 = arith.maximumf %add3A_159, %max3A_161 : vector<512x256xf32>
      %get3A_163 = arith.constant 6 : index
      %get3A_164 = arith.constant 0 : index
      %get3A_165 = arith.constant 0 : index
      %get3A_166 = vector.load %arg8[%get3A_163, %get3A_164, %get3A_165] : memref<8x256x1024xf32, #tpu.memory_space<vmem>>, vector<1x256x1024xf32>
      %get3A_167 = vector.shape_cast %get3A_166 : vector<1x256x1024xf32> to vector<256x1024xf32>
      %dot_general3A_168 = arith.constant dense<0.000000e+00> : vector<512x1024xf32>
      %dot_general3A_169 = tpu.matmul %max3A_162, %get3A_167, %dot_general3A_168 {dimension_numbers = #tpu.dot_dimension_numbers<[1], [0], [0], [1], [0, 0, 1, 1], [], []>, transpose_lhs_hint = false} : vector<512x256xf32>, vector<256x1024xf32>, vector<512x1024xf32> -> vector<512x1024xf32>
      %get3A_170 = arith.constant 6 : index
      %get3A_171 = arith.constant 0 : index
      %get3A_172 = vector.load %arg9[%get3A_170, %get3A_171] : memref<8x1024xf32, #tpu.memory_space<vmem>>, vector<1x1024xf32>
      %get3A_173 = vector.shape_cast %get3A_172 : vector<1x1024xf32> to vector<1024xf32>
      %broadcast_in_dim3A_174 = vector.shape_cast %get3A_173 : vector<1024xf32> to vector<1x1024xf32>
      %add3A_175 = vector.broadcast %broadcast_in_dim3A_174 : vector<1x1024xf32> to vector<512x1024xf32>
      %add3A_176 = arith.addf %dot_general3A_169, %add3A_175 : vector<512x1024xf32>
      %ge3A = vector.broadcast %min3A_119 : i32 to vector<512x1xi32>
      %ge3A_177 = arith.cmpi sge, %iota3A, %ge3A : vector<512x1xi32>
      %lt3A = vector.broadcast %min3A_126 : i32 to vector<512x1xi32>
      %lt3A_178 = arith.cmpi slt, %iota3A, %lt3A : vector<512x1xi32>
      %and3A = arith.andi %ge3A_177, %lt3A_178 : vector<512x1xi1>
      %slice3A = vector.extract_strided_slice %add3A_176 {offsets = [0, 0], sizes = [512, 256], strides = [1, 1]} : vector<512x1024xf32> to vector<512x256xf32>
      %get3A_179 = arith.constant 0 : index
      %get3A_180 = arith.constant 0 : index
      %get3A_181 = vector.load %arg10[%get3A_179, %get3A_180] : memref<512x256xf32, #tpu.memory_space<vmem>>, vector<512x256xf32>
      %broadcast_in_dim3A_182 = vector.shape_cast %and3A : vector<512x1xi1> to vector<512x1xi1>
      %broadcast_in_dim3A_183 = vector.broadcast %broadcast_in_dim3A_182 : vector<512x1xi1> to vector<512x256xi1>
      %select_n3A = arith.select %broadcast_in_dim3A_183, %slice3A, %get3A_181 : vector<512x256xi1>, vector<512x256xf32>
      %swap3A = arith.constant 0 : index
      %swap3A_184 = arith.constant 0 : index
      %swap3A_185 = vector.load %arg10[%swap3A, %swap3A_184] : memref<512x256xf32, #tpu.memory_space<vmem>>, vector<512x256xf32>
      tpu.vector_store %arg10[%swap3A, %swap3A_184], %select_n3A {strides = array<i32>} : memref<512x256xf32, #tpu.memory_space<vmem>>, vector<512x256xf32>,
      %slice3A_186 = vector.extract_strided_slice %add3A_176 {offsets = [0, 256], sizes = [512, 256], strides = [1, 1]} : vector<512x1024xf32> to vector<512x256xf32>
      %get3A_187 = arith.constant 0 : index
      %get3A_188 = arith.constant 0 : index
      %get3A_189 = vector.load %arg11[%get3A_187, %get3A_188] : memref<512x256xf32, #tpu.memory_space<vmem>>, vector<512x256xf32>
      %broadcast_in_dim3A_190 = vector.shape_cast %and3A : vector<512x1xi1> to vector<512x1xi1>
      %broadcast_in_dim3A_191 = vector.broadcast %broadcast_in_dim3A_190 : vector<512x1xi1> to vector<512x256xi1>
      %select_n3A_192 = arith.select %broadcast_in_dim3A_191, %slice3A_186, %get3A_189 : vector<512x256xi1>, vector<512x256xf32>
      %swap3A_193 = arith.constant 0 : index
      %swap3A_194 = arith.constant 0 : index
      %swap3A_195 = vector.load %arg11[%swap3A_193, %swap3A_194] : memref<512x256xf32, #tpu.memory_space<vmem>>, vector<512x256xf32>
      tpu.vector_store %arg11[%swap3A_193, %swap3A_194], %select_n3A_192 {strides = array<i32>} : memref<512x256xf32, #tpu.memory_space<vmem>>, vector<512x256xf32>,
      %slice3A_196 = vector.extract_strided_slice %add3A_176 {offsets = [0, 512], sizes = [512, 256], strides = [1, 1]} : vector<512x1024xf32> to vector<512x256xf32>
      %get3A_197 = arith.constant 0 : index
      %get3A_198 = arith.constant 0 : index
      %get3A_199 = vector.load %arg12[%get3A_197, %get3A_198] : memref<512x256xf32, #tpu.memory_space<vmem>>, vector<512x256xf32>
      %broadcast_in_dim3A_200 = vector.shape_cast %and3A : vector<512x1xi1> to vector<512x1xi1>
      %broadcast_in_dim3A_201 = vector.broadcast %broadcast_in_dim3A_200 : vector<512x1xi1> to vector<512x256xi1>
      %select_n3A_202 = arith.select %broadcast_in_dim3A_201, %slice3A_196, %get3A_199 : vector<512x256xi1>, vector<512x256xf32>
      %swap3A_203 = arith.constant 0 : index
      %swap3A_204 = arith.constant 0 : index
      %swap3A_205 = vector.load %arg12[%swap3A_203, %swap3A_204] : memref<512x256xf32, #tpu.memory_space<vmem>>, vector<512x256xf32>
      tpu.vector_store %arg12[%swap3A_203, %swap3A_204], %select_n3A_202 {strides = array<i32>} : memref<512x256xf32, #tpu.memory_space<vmem>>, vector<512x256xf32>,
      %slice3A_206 = vector.extract_strided_slice %add3A_176 {offsets = [0, 768], sizes = [512, 256], strides = [1, 1]} : vector<512x1024xf32> to vector<512x256xf32>
      %get3A_207 = arith.constant 0 : index
      %get3A_208 = arith.constant 0 : index
      %get3A_209 = vector.load %arg13[%get3A_207, %get3A_208] : memref<512x256xf32, #tpu.memory_space<vmem>>, vector<512x256xf32>
      %broadcast_in_dim3A_210 = vector.shape_cast %and3A : vector<512x1xi1> to vector<512x1xi1>
      %broadcast_in_dim3A_211 = vector.broadcast %broadcast_in_dim3A_210 : vector<512x1xi1> to vector<512x256xi1>
      %select_n3A_212 = arith.select %broadcast_in_dim3A_211, %slice3A_206, %get3A_209 : vector<512x256xi1>, vector<512x256xf32>
      %swap3A_213 = arith.constant 0 : index
      %swap3A_214 = arith.constant 0 : index
      %swap3A_215 = vector.load %arg13[%swap3A_213, %swap3A_214] : memref<512x256xf32, #tpu.memory_space<vmem>>, vector<512x256xf32>
      tpu.vector_store %arg13[%swap3A_213, %swap3A_214], %select_n3A_212 {strides = array<i32>} : memref<512x256xf32, #tpu.memory_space<vmem>>, vector<512x256xf32>,
    } else {
    }
    %get3A_131 = arith.constant 7 : index
    %get3A_132 = memref.load %arg1[%get3A_131] : memref<9xi32, #tpu.memory_space<smem>>
    %sub3A_133 = arith.subi %get3A_132, %mul3A_0 : i32
    %jit3A_134 = arith.constant 0 : i32
    %jit3A_135 = arith.constant 512 : i32
    %max3A_136 = arith.maxsi %jit3A_134, %sub3A_133 : i32
    %min3A_137 = arith.minsi %jit3A_135, %max3A_136 : i32
    %get3A_138 = arith.constant 8 : index
    %get3A_139 = memref.load %arg1[%get3A_138] : memref<9xi32, #tpu.memory_space<smem>>
    %sub3A_140 = arith.subi %get3A_139, %mul3A_0 : i32
    %jit3A_141 = arith.constant 0 : i32
    %jit3A_142 = arith.constant 512 : i32
    %max3A_143 = arith.maxsi %jit3A_141, %sub3A_140 : i32
    %min3A_144 = arith.minsi %jit3A_142, %max3A_143 : i32
    %gt3A_145 = arith.cmpi sgt, %min3A_144, %min3A_137 : i32
    %convert_element_type3A_146 = arith.extui %gt3A_145 : i1 to i32
    %cond3A_147 = arith.constant 0 : i32
    %cond3A_148 = arith.cmpi ne, %convert_element_type3A_146, %cond3A_147 : i32
    scf.if %cond3A_148 {
      %get3A_149 = arith.constant 7 : index
      %get3A_150 = arith.constant 0 : index
      %get3A_151 = arith.constant 0 : index
      %get3A_152 = vector.load %arg6[%get3A_149, %get3A_150, %get3A_151] : memref<8x1024x256xf32, #tpu.memory_space<vmem>>, vector<1x1024x256xf32>
      %get3A_153 = vector.shape_cast %get3A_152 : vector<1x1024x256xf32> to vector<1024x256xf32>
      %dot_general3A = arith.constant dense<0.000000e+00> : vector<512x256xf32>
      %dot_general3A_154 = tpu.matmul %concatenate3A, %get3A_153, %dot_general3A {dimension_numbers = #tpu.dot_dimension_numbers<[1], [0], [0], [1], [0, 0, 1, 1], [], []>, transpose_lhs_hint = false} : vector<512x1024xf32>, vector<1024x256xf32>, vector<512x256xf32> -> vector<512x256xf32>
      %get3A_155 = arith.constant 7 : index
      %get3A_156 = arith.constant 0 : index
      %get3A_157 = vector.load %arg7[%get3A_155, %get3A_156] : memref<8x256xf32, #tpu.memory_space<vmem>>, vector<1x256xf32>
      %get3A_158 = vector.shape_cast %get3A_157 : vector<1x256xf32> to vector<256xf32>
      %broadcast_in_dim3A = vector.shape_cast %get3A_158 : vector<256xf32> to vector<1x256xf32>
      %add3A = vector.broadcast %broadcast_in_dim3A : vector<1x256xf32> to vector<512x256xf32>
      %add3A_159 = arith.addf %dot_general3A_154, %add3A : vector<512x256xf32>
      %max3A_160 = arith.constant 0.000000e+00 : f32
      %max3A_161 = vector.broadcast %max3A_160 : f32 to vector<512x256xf32>
      %max3A_162 = arith.maximumf %add3A_159, %max3A_161 : vector<512x256xf32>
      %get3A_163 = arith.constant 7 : index
      %get3A_164 = arith.constant 0 : index
      %get3A_165 = arith.constant 0 : index
      %get3A_166 = vector.load %arg8[%get3A_163, %get3A_164, %get3A_165] : memref<8x256x1024xf32, #tpu.memory_space<vmem>>, vector<1x256x1024xf32>
      %get3A_167 = vector.shape_cast %get3A_166 : vector<1x256x1024xf32> to vector<256x1024xf32>
      %dot_general3A_168 = arith.constant dense<0.000000e+00> : vector<512x1024xf32>
      %dot_general3A_169 = tpu.matmul %max3A_162, %get3A_167, %dot_general3A_168 {dimension_numbers = #tpu.dot_dimension_numbers<[1], [0], [0], [1], [0, 0, 1, 1], [], []>, transpose_lhs_hint = false} : vector<512x256xf32>, vector<256x1024xf32>, vector<512x1024xf32> -> vector<512x1024xf32>
      %get3A_170 = arith.constant 7 : index
      %get3A_171 = arith.constant 0 : index
      %get3A_172 = vector.load %arg9[%get3A_170, %get3A_171] : memref<8x1024xf32, #tpu.memory_space<vmem>>, vector<1x1024xf32>
      %get3A_173 = vector.shape_cast %get3A_172 : vector<1x1024xf32> to vector<1024xf32>
      %broadcast_in_dim3A_174 = vector.shape_cast %get3A_173 : vector<1024xf32> to vector<1x1024xf32>
      %add3A_175 = vector.broadcast %broadcast_in_dim3A_174 : vector<1x1024xf32> to vector<512x1024xf32>
      %add3A_176 = arith.addf %dot_general3A_169, %add3A_175 : vector<512x1024xf32>
      %ge3A = vector.broadcast %min3A_137 : i32 to vector<512x1xi32>
      %ge3A_177 = arith.cmpi sge, %iota3A, %ge3A : vector<512x1xi32>
      %lt3A = vector.broadcast %min3A_144 : i32 to vector<512x1xi32>
      %lt3A_178 = arith.cmpi slt, %iota3A, %lt3A : vector<512x1xi32>
      %and3A = arith.andi %ge3A_177, %lt3A_178 : vector<512x1xi1>
      %slice3A = vector.extract_strided_slice %add3A_176 {offsets = [0, 0], sizes = [512, 256], strides = [1, 1]} : vector<512x1024xf32> to vector<512x256xf32>
      %get3A_179 = arith.constant 0 : index
      %get3A_180 = arith.constant 0 : index
      %get3A_181 = vector.load %arg10[%get3A_179, %get3A_180] : memref<512x256xf32, #tpu.memory_space<vmem>>, vector<512x256xf32>
      %broadcast_in_dim3A_182 = vector.shape_cast %and3A : vector<512x1xi1> to vector<512x1xi1>
      %broadcast_in_dim3A_183 = vector.broadcast %broadcast_in_dim3A_182 : vector<512x1xi1> to vector<512x256xi1>
      %select_n3A = arith.select %broadcast_in_dim3A_183, %slice3A, %get3A_181 : vector<512x256xi1>, vector<512x256xf32>
      %swap3A = arith.constant 0 : index
      %swap3A_184 = arith.constant 0 : index
      %swap3A_185 = vector.load %arg10[%swap3A, %swap3A_184] : memref<512x256xf32, #tpu.memory_space<vmem>>, vector<512x256xf32>
      tpu.vector_store %arg10[%swap3A, %swap3A_184], %select_n3A {strides = array<i32>} : memref<512x256xf32, #tpu.memory_space<vmem>>, vector<512x256xf32>,
      %slice3A_186 = vector.extract_strided_slice %add3A_176 {offsets = [0, 256], sizes = [512, 256], strides = [1, 1]} : vector<512x1024xf32> to vector<512x256xf32>
      %get3A_187 = arith.constant 0 : index
      %get3A_188 = arith.constant 0 : index
      %get3A_189 = vector.load %arg11[%get3A_187, %get3A_188] : memref<512x256xf32, #tpu.memory_space<vmem>>, vector<512x256xf32>
      %broadcast_in_dim3A_190 = vector.shape_cast %and3A : vector<512x1xi1> to vector<512x1xi1>
      %broadcast_in_dim3A_191 = vector.broadcast %broadcast_in_dim3A_190 : vector<512x1xi1> to vector<512x256xi1>
      %select_n3A_192 = arith.select %broadcast_in_dim3A_191, %slice3A_186, %get3A_189 : vector<512x256xi1>, vector<512x256xf32>
      %swap3A_193 = arith.constant 0 : index
      %swap3A_194 = arith.constant 0 : index
      %swap3A_195 = vector.load %arg11[%swap3A_193, %swap3A_194] : memref<512x256xf32, #tpu.memory_space<vmem>>, vector<512x256xf32>
      tpu.vector_store %arg11[%swap3A_193, %swap3A_194], %select_n3A_192 {strides = array<i32>} : memref<512x256xf32, #tpu.memory_space<vmem>>, vector<512x256xf32>,
      %slice3A_196 = vector.extract_strided_slice %add3A_176 {offsets = [0, 512], sizes = [512, 256], strides = [1, 1]} : vector<512x1024xf32> to vector<512x256xf32>
      %get3A_197 = arith.constant 0 : index
      %get3A_198 = arith.constant 0 : index
      %get3A_199 = vector.load %arg12[%get3A_197, %get3A_198] : memref<512x256xf32, #tpu.memory_space<vmem>>, vector<512x256xf32>
      %broadcast_in_dim3A_200 = vector.shape_cast %and3A : vector<512x1xi1> to vector<512x1xi1>
      %broadcast_in_dim3A_201 = vector.broadcast %broadcast_in_dim3A_200 : vector<512x1xi1> to vector<512x256xi1>
      %select_n3A_202 = arith.select %broadcast_in_dim3A_201, %slice3A_196, %get3A_199 : vector<512x256xi1>, vector<512x256xf32>
      %swap3A_203 = arith.constant 0 : index
      %swap3A_204 = arith.constant 0 : index
      %swap3A_205 = vector.load %arg12[%swap3A_203, %swap3A_204] : memref<512x256xf32, #tpu.memory_space<vmem>>, vector<512x256xf32>
      tpu.vector_store %arg12[%swap3A_203, %swap3A_204], %select_n3A_202 {strides = array<i32>} : memref<512x256xf32, #tpu.memory_space<vmem>>, vector<512x256xf32>,
      %slice3A_206 = vector.extract_strided_slice %add3A_176 {offsets = [0, 768], sizes = [512, 256], strides = [1, 1]} : vector<512x1024xf32> to vector<512x256xf32>
      %get3A_207 = arith.constant 0 : index
      %get3A_208 = arith.constant 0 : index
      %get3A_209 = vector.load %arg13[%get3A_207, %get3A_208] : memref<512x256xf32, #tpu.memory_space<vmem>>, vector<512x256xf32>
      %broadcast_in_dim3A_210 = vector.shape_cast %and3A : vector<512x1xi1> to vector<512x1xi1>
      %broadcast_in_dim3A_211 = vector.broadcast %broadcast_in_dim3A_210 : vector<512x1xi1> to vector<512x256xi1>
      %select_n3A_212 = arith.select %broadcast_in_dim3A_211, %slice3A_206, %get3A_209 : vector<512x256xi1>, vector<512x256xf32>
      %swap3A_213 = arith.constant 0 : index
      %swap3A_214 = arith.constant 0 : index
      %swap3A_215 = vector.load %arg13[%swap3A_213, %swap3A_214] : memref<512x256xf32, #tpu.memory_space<vmem>>, vector<512x256xf32>
      tpu.vector_store %arg13[%swap3A_213, %swap3A_214], %select_n3A_212 {strides = array<i32>} : memref<512x256xf32, #tpu.memory_space<vmem>>, vector<512x256xf32>,
    } else {
    }
    return
  }
  func.func @transform_0(%arg0: i32, %arg1: memref<9xi32, #tpu.memory_space<smem>>) -> (i32, i32) {
    %add3A = arith.constant 0 : i32
    %add3A_0 = arith.addi %add3A, %arg0 : i32
    %c0_i32 = arith.constant 0 : i32
    %c0_i32_1 = arith.constant 0 : i32
    return %add3A_0, %c0_i32 : i32, i32
  }
  func.func @transform_1(%arg0: i32, %arg1: memref<9xi32, #tpu.memory_space<smem>>) -> (i32, i32) {
    %add3A = arith.constant 16 : i32
    %add3A_0 = arith.addi %add3A, %arg0 : i32
    %c0_i32 = arith.constant 0 : i32
    %c0_i32_1 = arith.constant 0 : i32
    return %add3A_0, %c0_i32 : i32, i32
  }
  func.func @transform_2(%arg0: i32, %arg1: memref<9xi32, #tpu.memory_space<smem>>) -> (i32, i32) {
    %add3A = arith.constant 32 : i32
    %add3A_0 = arith.addi %add3A, %arg0 : i32
    %c0_i32 = arith.constant 0 : i32
    %c0_i32_1 = arith.constant 0 : i32
    return %add3A_0, %c0_i32 : i32, i32
  }
  func.func @transform_3(%arg0: i32, %arg1: memref<9xi32, #tpu.memory_space<smem>>) -> (i32, i32) {
    %add3A = arith.constant 48 : i32
    %add3A_0 = arith.addi %add3A, %arg0 : i32
    %c0_i32 = arith.constant 0 : i32
    %c0_i32_1 = arith.constant 0 : i32
    return %add3A_0, %c0_i32 : i32, i32
  }
  func.func @transform_4(%arg0: i32, %arg1: memref<9xi32, #tpu.memory_space<smem>>) -> (i32, i32, i32) {
    %c0_i32 = arith.constant 0 : i32
    %c0_i32_0 = arith.constant 0 : i32
    %c0_i32_1 = arith.constant 0 : i32
    %c0_i32_2 = arith.constant 0 : i32
    return %c0_i32, %c0_i32_0, %c0_i32_1 : i32, i32, i32
  }
  func.func @transform_5(%arg0: i32, %arg1: memref<9xi32, #tpu.memory_space<smem>>) -> (i32, i32) {
    %c0_i32 = arith.constant 0 : i32
    %c0_i32_0 = arith.constant 0 : i32
    %c0_i32_1 = arith.constant 0 : i32
    return %c0_i32, %c0_i32_0 : i32, i32
  }
  func.func @transform_6(%arg0: i32, %arg1: memref<9xi32, #tpu.memory_space<smem>>) -> (i32, i32, i32) {
    %c0_i32 = arith.constant 0 : i32
    %c0_i32_0 = arith.constant 0 : i32
    %c0_i32_1 = arith.constant 0 : i32
    %c0_i32_2 = arith.constant 0 : i32
    return %c0_i32, %c0_i32_0, %c0_i32_1 : i32, i32, i32
  }
  func.func @transform_7(%arg0: i32, %arg1: memref<9xi32, #tpu.memory_space<smem>>) -> (i32, i32) {
    %c0_i32 = arith.constant 0 : i32
    %c0_i32_0 = arith.constant 0 : i32
    %c0_i32_1 = arith.constant 0 : i32
    return %c0_i32, %c0_i32_0 : i32, i32
  }
  func.func @transform_8(%arg0: i32, %arg1: memref<9xi32, #tpu.memory_space<smem>>) -> (i32, i32) {
    %c0_i32 = arith.constant 0 : i32
    %c0_i32_0 = arith.constant 0 : i32
    return %arg0, %c0_i32 : i32, i32
  }
  func.func @transform_9(%arg0: i32, %arg1: memref<9xi32, #tpu.memory_space<smem>>) -> (i32, i32) {
    %c0_i32 = arith.constant 0 : i32
    %c0_i32_0 = arith.constant 0 : i32
    return %arg0, %c0_i32 : i32, i32
  }
  func.func @transform_10(%arg0: i32, %arg1: memref<9xi32, #tpu.memory_space<smem>>) -> (i32, i32) {
    %c0_i32 = arith.constant 0 : i32
    %c0_i32_0 = arith.constant 0 : i32
    return %arg0, %c0_i32 : i32, i32
  }
  func.func @transform_11(%arg0: i32, %arg1: memref<9xi32, #tpu.memory_space<smem>>) -> (i32, i32) {
    %c0_i32 = arith.constant 0 : i32
    %c0_i32_0 = arith.constant 0 : i32
    return %arg0, %c0_i32 : i32, i32
  }
}

</mosaic_0001>

<sc_bundles>
// kernel: kernel.10.cloned.1.call-start
scs
__scs_entry_jumppad:
0x0: {  	(pc) =	sbr.rel $0x88, $3  }
0x1: {  	(tag) =	ssettag $0x0;
	lr =	simm.s32 $0x1  }
0x2: {  	[smem:$0x3F9A] =	sst lr;
	_ =	strace $0xD0000000  }
0x3: {  	_ = 	snop  }
0x4: {  	_ = 	snop  }
0x5: {  	_ = 	snop  }
0x6: {  	_ = 	snop  }
0x7: {  	_ = 	snop  }
__scs_overlays_trampoline_lowered:
0x8: {  	[smem:$0x3FA9] =	sst s0  }
0x9: {  	[smem:$0x3FAA] =	sst s1  }
0xa: {  	[smem:$0x3FAB] =	sst s2  }
0xb: {  	[smem:$0x3FAC] =	sst s3  }
0xc: {  	[smem:$0x3FAD] =	sst s4  }
0xd: {  	[smem:$0x3FAE] =	sst s5  }
0xe: {  	[smem:$0x3FAF] =	sst s6  }
0xf: {  	[smem:$0x3FB0] =	sst s7  }
0x10: {  	[smem:$0x3FB1] =	sst s8  }
0x11: {  	[smem:$0x3FB2] =	sst s9;
	s0 =	simm.s32 @!p0 $0x0  }
0x12: {  	s1 =	sld [smem:$0x3F98];
	s0 =	simm.s32 @p0 $0x1  }
0x13: {  	[smem:$0x3FB3] =	sst s0;
	s0 =	simm.s32 @!p1 $0x0  }
0x14: {  	s2 =	sld [smem:$0x3F97];
	s0 =	simm.s32 @p1 $0x1  }
0x15: {  	[smem:$0x3FB4] =	sst s0;
	s0 =	simm.s32 @!p2 $0x0  }
0x16: {  	s3 =	sld [smem:$0x3FDB];
	s0 =	simm.s32 @p2 $0x1  }
0x17: {  	s4 =	simm.s32 $0x1BF5;
	[smem:$0x3FB6] =	sst s0  }
0x18: {  	s0 =	sld [smem:$0x3F99];
	_ =	swait.ge [sflag:s4], $0x0  }
0x19: {  	s7 =	sld [smem:$0x3F9A]  }
0x1a: {  	s8 =	sadd.s32 $0xFFFFE003, lr  }
0x1b: {  	s9 =	sadd.s32 $0xFFFFFEF7, lr;
	s5 =	simm.s32 $0xFFFFFFFF;
	p2 =	slt.u32 s8, $0xFFFFF086  }
0x1c: {  	p1 =	slt.u32 s9, $0xF7A;
	s5 =	simm.s32 @!p2 $0x0  }
0x1d: {  	s5 =	simm.s32 @p1 $0x1;
	p0 =	seq.s32 s7, s2  }
0x1e: {  	s7 =	smul.u32 @!p0 $0xF7A, s2;
	p2 =	seq.s32 @!p0 s5, $0x0  }
0x1f: {  	s9 =	smul.u32 $0xF7A, s1;
	s8 =	simm.s32 @!p0 $0x1BF5;
	p2 =	por !p2, p0  }
0x20: {  	[sflag:s8] =	ssyncset.s32 @!p0 $0xFFFFF086;
	s6 =	sadd.s32 @!p0 s3, s7;
	s7 =	simm.s32 @!p0 $0x108  }
0x21: {  	s3 =	sadd.s32 s3, s9;
	s6 =	sadd.s32 @!p0 $0x88, s6;
	s7 =	simm.s32 @p2 $0x1082  }
0x22: {  	[simem:s7], [sflag:s8] =	dma.local @!p0 [hbm:s6], $0xF7A  }
0x23: {  	s9 =	sor.u32 $0xD0000000, s2;
	s6 =	simm.s32 $0x108;
	_ =	swait.ge @!p0 [sflag:s8], $0x0  }
0x24: {  	s3 =	sadd.s32 $0x88, s3;
	s6 =	simm.s32 @!p1 $0x1082;
	[sflag:s4] =	ssyncset.s32 $0xFFFFF086  }
0x25: {  	[simem:s6], [sflag:s4] =	dma.local [hbm:s3], $0xF7A  }
0x26: {  	[smem:$0x3F9A] =	sst s1;
	(tag) =	ssettag s2;
	_ =	strace s9  }
0x27: {  	s1 =	sld [smem:$0x3FAA]  }
0x28: {  	s2 =	sld [smem:$0x3FAB]  }
0x29: {  	s4 =	sld [smem:$0x3FAD]  }
0x2a: {  	p0 =	seq.s32 s5, $0x0;
	s5 =	sld [smem:$0x3FAE]  }
0x2b: {  	s6 =	sld [smem:$0x3FAF]  }
0x2c: {  	s7 =	sld [smem:$0x3FB0]  }
0x2d: {  	s3 =	simm.s32 $0x108;
	s8 =	sld [smem:$0x3FB1]  }
0x2e: {  	s3 =	simm.s32 @!p0 $0x1082;
	s9 =	sld [smem:$0x3FB2]  }
0x2f: {  	lr =	sadd.s32 s0, s3;
	s0 =	sld [smem:$0x3FA9]  }
0x30: {  	s3 =	sld [smem:$0x3FAC]  }
0x31: {  	[smem:$0x3FB5] =	sst s10  }
0x32: {  	s10 =	sld [smem:$0x3FB3];
	_ =	sdelay $0x3  }
0x33: {  	p0 =	seq.s32 s10, $0x1;
	s10 =	sld [smem:$0x3FB5];
	_ =	sdelay $0x3  }
0x34: {  	[smem:$0x3FB5] =	sst s10  }
0x35: {  	s10 =	sld [smem:$0x3FB4];
	_ =	sdelay $0x3  }
0x36: {  	p1 =	seq.s32 s10, $0x1;
	s10 =	sld [smem:$0x3FB5];
	_ =	sdelay $0x3  }
0x37: {  	[smem:$0x3FB5] =	sst s10  }
0x38: {  	s10 =	sld [smem:$0x3FB6]  }
0x39: {  	_ = 	snop;
	(pc) =	sbr.ind lr, $3  }
0x3a: {  	_ = 	snop  }
0x3b: {  	_ = 	snop  }
0x3c: {  	p2 =	seq.s32 s10, $0x1;
	s10 =	sld [smem:$0x3FB5]  }
0x3d: {  	_ =	shalt  }
0x3e: {  	_ =	shalt  }
0x3f: {  	_ =	shalt  }
0x40: {  	_ =	shalt  }
0x41: {  	_ =	shalt  }
0x42: {  	_ =	shalt  }
0x43: {  	_ =	shalt  }
0x44: {  	_ =	shalt  }
0x45: {  	_ =	shalt  }
0x46: {  	_ =	shalt  }
0x47: {  	_ =	shalt  }
0x48: {  	_ =	shalt  }
0x49: {  	_ =	shalt  }
0x4a: {  	_ =	shalt  }
0x4b: {  	_ =	shalt  }
0x4c: {  	_ =	shalt  }
0x4d: {  	_ =	shalt  }
0x4e: {  	_ =	shalt  }
0x4f: {  	_ =	shalt  }
0x50: {  	_ =	shalt  }
0x51: {  	_ =	shalt  }
0x52: {  	_ =	shalt  }
0x53: {  	_ =	shalt  }
0x54: {  	_ =	shalt  }
0x55: {  	_ =	shalt  }
0x56: {  	_ =	shalt  }
0x57: {  	_ =	shalt  }
0x58: {  	_ =	shalt  }
0x59: {  	_ =	shalt  }
0x5a: {  	_ =	shalt  }
0x5b: {  	_ =	shalt  }
0x5c: {  	_ =	shalt  }
0x5d: {  	_ =	shalt  }
0x5e: {  	_ =	shalt  }
0x5f: {  	_ =	shalt  }
0x60: {  	_ =	shalt  }
0x61: {  	_ =	shalt  }
0x62: {  	_ =	shalt  }
0x63: {  	_ =	shalt  }
0x64: {  	_ =	shalt  }
0x65: {  	_ =	shalt  }
0x66: {  	_ =	shalt  }
0x67: {  	_ =	shalt  }
0x68: {  	_ =	shalt  }
0x69: {  	_ =	shalt  }
0x6a: {  	_ =	shalt  }
0x6b: {  	_ =	shalt  }
0x6c: {  	_ =	shalt  }
0x6d: {  	_ =	shalt  }
0x6e: {  	_ =	shalt  }
0x6f: {  	_ =	shalt  }
0x70: {  	_ =	shalt  }
0x71: {  	_ =	shalt  }
0x72: {  	_ =	shalt  }
0x73: {  	_ =	shalt  }
0x74: {  	_ =	shalt  }
0x75: {  	_ =	shalt  }
0x76: {  	_ =	shalt  }
0x77: {  	_ =	shalt  }
0x78: {  	_ =	shalt  }
0x79: {  	_ =	shalt  }
0x7a: {  	_ =	shalt  }
0x7b: {  	_ =	shalt  }
0x7c: {  	_ =	shalt  }
0x7d: {  	_ =	shalt  }
0x7e: {  	_ =	shalt  }
0x7f: {  	_ =	shalt  }
0x80: {  	_ =	shalt  }
0x81: {  	_ =	shalt  }
0x82: {  	_ =	shalt  }
0x83: {  	_ =	shalt  }
0x84: {  	_ =	shalt  }
0x85: {  	_ =	shalt  }
0x86: {  	_ =	shalt  }
0x87: {  	_ =	shalt  }
.Lfunc_end0:
.L_simem_size_0:
called_computation.1_lowered:
.L_overlay_start_0:
0x88: {  	s2 =	sld [smem:$0x3FD9]  }
0x89: {  	s3 =	sld [smem:$0x3FFE];
	_ =	sdelay $0x1  }
0x8a: {  	s1 =	srdreg.scid  }
0x8b: {  	s0 =	sand.u32 $0x1, s1  }
0x8c: {  	s14 =	sshll.u32 s0, $0xA;
	s2 =	sadd.s32 s3, s2  }
0x8d: {  	s2 =	sadd.s32 s2, s14  }
0x8e: {  	[smem:$0x3FC1] =	sst s2  }
0x8f: {  	_ = 	snop  }
0x90: {  	s2 =	sld [smem:$0x3FD0];
	_ =	sdelay $0x2  }
0x91: {  	s15 =	simm.s32 $0xA;
	s4 =	simm.s32 $0x10  }
0x92: {  	[smem:s4], [sflag:s15] =	dma.local [hbm:s2], $0x1  }
0x93: {  	_ =	swait.eq [sflag:s15], $0x1  }
0x94: {  	[sflag:s15] =	ssyncset.done $0x0  }
0x95: {  	[sflag:s15] =	ssyncadd.s32 $0xFFFFFFFF  }
0x96: {  	s16 =	sld [smem:$0x10];
	(tm) =	ssettm $0x1  }
0x97: {  	s17 =	sld [smem:$0x3FFB];
	_ =	sdelay $0x3  }
0x98: {  	_ =	strace s17  }
0x99: {  	s3 =	sld [smem:$0x3FFC];
	_ =	sdelay $0x3  }
0x9a: {  	_ =	strace s3  }
0x9b: {  	s3 =	sld [smem:$0x3FFD];
	_ =	sdelay $0x3  }
0x9c: {  	_ =	strace s3  }
0x9d: {  	_ =	strace $0x8FFFFFFF  }
0x9e: {  	s18 =	sld [smem:$0x3FDB];
	_ =	sdelay $0x1  }
0x9f: {  	s19 =	simm.s32 $_scs_section_size  }
0xa0: {  	s5 =	simm.s32 $_size__tile_overlayer_lowered;
	s6 =	simm.s32 $_tile_overlayer_lowered  }
0xa1: {  	s22 =	simm.s32 $0x1BFF;
	s21 =	sshll.u32 s6, $0x1;
	s3 =	sadd.s32 s19, s18  }
0xa2: {  	s7 =	simm.s32 $0x0;
	s20 =	sshll.u32 s5, $0x1;
	s5 =	sadd.s32 s21, s3  }
0xa3: {  	[timem:s7], [sflag:s22] =	dma.local [hbm:s5], s20  }
0xa4: {  	_ =	swait.ge [sflag:s22], s20  }
0xa5: {  	s4 =	ssub.s32 $0x0, s20;
	[sflag:s22] =	ssyncset.done $0x0  }
0xa6: {  	[sflag:s22] =	ssyncadd.s32 s4;
	_ =	sdelay $0x1  }
0xa7: {  	s23 =	simm.s32 $0x1B8B  }
0xa8: {  	_ =	swait.ge [sflag:s23], $0x1  }
0xa9: {  	[sflag:s23] =	ssyncset.done $0x0  }
0xaa: {  	s25 =	simm.s32 $0x1B8E;
	s24 =	sld [smem:$0x3FFE];
	[sflag:s23] =	ssyncadd.s32 $0xFFFFFFFF  }
0xab: {  	s26 =	simm.s32 $execute0_lowered;
	[smem:$0x3FD2] =	sst s25  }
0xac: {  	s5 =	sshll.u32 s26, $0x1;
	_ =	strace $0x8000004F;
	[dreg:$0x1] =	wrdreg $0xFFFFFFFF  }
0xad: {  	s28 =	simm.s32 $_size_execute0_lowered;
	s3 =	sadd.s32 s3, s5;
	[dreg:$0x0] =	wrdreg $0x0  }
0xae: {  	s5 =	sshll.u32 s28, $0x1;
	[dreg:$0x2] =	wrdreg s3  }
0xaf: {  	[dreg:$0x3] =	wrdreg s5  }
0xb0: {  	[dreg:$0x4] =	wrdreg $0xC0  }
0xb1: {  	_ =	task [dreg:s7], $0x5FFFF  }
0xb2: {  	[dreg:$0x1] =	wrdreg $0xFFFFFFFF  }
0xb3: {  	[dreg:$0x0] =	wrdreg $0x60  }
0xb4: {  	[dreg:$0x2] =	wrdreg s24  }
0xb5: {  	[dreg:$0x3] =	wrdreg s16  }
0xb6: {  	[dreg:$0x4] =	wrdreg $0x9  }
0xb7: {  	_ =	task.clear_ibuf [dreg:s7], $0x5FFFF;
	_ =	strace $0x9000004F  }
0xb8: {  	s29 =	simm.s32 $0x9;
	_ =	strace $0x8000006D  }
0xb9: {  	_ =	swait.ge [sflag:s29], $0x1  }
0xba: {  	[sflag:s29] =	ssyncadd.s32 $0xFFFFFFFF  }
0xbb: {  	_ =	strace $0x9000006D  }
0xbc: {  	_ =	sfence  }
0xbd: {  	s30 =	sld [smem:$0x0];
	_ =	sdelay $0x2  }
0xbe: {  	s31 =	sshll.u32 s1, $0xD;
	s1 =	sshrl.u32 s1, $0x2  }
0xbf: {  	s3 =	sand.u32 $0x4000, s31;
	s1 =	sadd.s32 s1, s30  }
0xc0: {  	s0 =	sor.u32 s3, s0;
	s1 =	sshll.u32 s1, $0x11  }
0xc1: {  	s0 =	sor.u32 s1, s0  }
0xc2: {  	s0 =	sadd.s32 $0x8F2B, s0  }
0xc3: {  	[sflag:s0] =	ssyncadd.remote.s32 $0x1  }
0xc4: {  	_ =	sfence.sel $0xFFFF  }
0xc5: {  	[dreg:$0x0] =	wrdreg $0xFFFFFFFF;
	(pc) =	sbr.abs _section_cstart, $3  }
0xc6: {  	[dreg:$0x1] =	wrdreg $0xFFFFFFFF  }
0xc7: {  	_ =	task.clear_ibuf [dreg:s7], $0x2FFFF;
	_ =	strace $0x9FFFFFFF  }
0xc8: {  	(tm) =	ssettm $0x7FFFFFFF  }
0xc9: {  	_ =	shalt  }
tec
execute0_lowered:
.L_overlay_start_1:
0x0: {  	(tag) =	ssettag $0x1  }
0x1: {  	s8 =	rddreg [dreg:$0x0]  }
0x2: {  	s1 =	rddreg [dreg:$0x1]  }
0x3: {  	s0 =	rddreg [dreg:$0x2]  }
0x4: {  	s2 =	simm.s32 $0x0;
	s4 =	srdreg.scid;
	s15 =	simm.s32 $0x5  }
0x5: {  	s16 =	simm.s32 $0x4;
	s17 =	simm.s32 $0x0;
	[smem:$0x7FF] =	sst s2  }
0x6: {  	s3 =	sadd.s32 $0xA2600, s8;
	s5 =	sadd.s32 $0xE2600, s8;
	s6 =	sadd.s32 $0x22600, s8  }
0x7: {  	s7 =	sand.u32 $0x1, s4;
	s4 =	stileid.u32;
	s12 =	sadd.s32 $0x200, s1  }
.Ltmp0:
0x8: {  	s13 =	sadd.s32 $0x300, s1;
	_ =	strace $0x80000050;
	(pc) =	sbr.rel .LBB2_1-.Ltmp0, $4  }
0x9: {  	s9 =	ssub.s32 $0x2, s7;
	s10 =	sshll.u32 s7, $0x4;
	s7 =	sadd.s32 $0x62600, s8  }
0xa: {  	v2 =	vlaneseq.u32;
	s8 =	sadd.s32 $0x22200, s8;
	s11 =	sshrl.u32 s9, $0x1;
	s10 =	sor.u32 s4, s10  }
0xb: {  	vm0 =	vmmov $0xffff;
	v1 =	vshrl.u32 v2, $0x3;
	s14 =	ssub.s32 s9, s11;
	s31 =	sshll.u32 s10, $0x5;
	s9 =	sshll.u32 s10, $0x1  }
0xc: {  	v0 =	vand.u32 $0x7, v2;
	v2 =	vor.u32 $0x8, v2;
	v1 =	vmul.u32 $0x8, v1;
	s11 =	sadd.s32 $0x100, s1;
	s10 =	sadd.s32 s8, s31;
	s14 =	smax.u32 s14, $0x1  }
.LBB2_13:
0xd: {  	s18 =	sand.u32 $0x1, s19  }
0xe: {  	_ =	strace $0x8000006B;
	s18 =	sadd.s32 $0x3, s18  }
0xf: {  	_ =	swait.ge [sflag:s18], $0x8000  }
0x10: {  	[sflag:s18] =	ssyncset.done $0x0  }
0x11: {  	s17 =	sadd.s32 $0x1, s17;
	[sflag:s18] =	ssyncadd.s32 $0xFFFF8000  }
0x12: {  	p0 =	sne.s32 s17, s14;
	_ =	strace $0x9000006B  }
.Ltmp1:
0x13: {  	_ =	strace $0x8000006C;
	(pc) =	sbr.rel @!p0 .LBB2_14-.Ltmp1, $4  }
0x14: {  	_ =	swait.ge [sflag:s16], $0x8000  }
0x15: {  	[sflag:s16] =	ssyncset.done $0x0  }
0x16: {  	[sflag:s16] =	ssyncadd.s32 $0xFFFF8000  }
0x17: {  	_ =	strace $0x9000006C  }
.LBB2_1:
0x18: {  	_ =	strace $0x80000051  }
0x19: {  	p0 =	por $0x1, $0x1;
	p2 =	por $0x0, $0x0;
	s19 =	simm.s32 $0x0  }
0x1a: {  	s18 =	simm.s32 $0x0;
	s23 =	simm.s32 $0x0;
	s20 =	simm.s32 $0x0  }
0x1b: {  	[tilespmem:s2], [sflag:$0x1] =	stream.linear.gather [hbm4b:s10+s2], $0x80, $0x200038;
	[tilespmem:$0x10100] =	vst v63  }
0x1c: {  	s21 =	simm.s32 $0x1;
	s22 =	simm.s32 $0x0;
	_ =	strace $0x90000051  }
.LBB2_2:
0x1d: {  	s24 =	smov.u32 s19;
	s19 =	sadd.s32 $0x1, s19  }
0x1e: {  	p1 =	seq.s32 s19, $0x2  }
0x1f: {  	s19 =	simm.s32 @p1 $0x0  }
0x20: {  	p1 =	sne.s32 s24, s19  }
0x21: {  	p1 =	por !p0, !p1  }
0x22: {  	p1 =	por !p1, !p1  }
0x23: {  	s25 =	sadd.s32 @p1 s9, s19  }
0x24: {  	s26 =	sand.u32 @p1 $0x1, s21;
	s25 =	sshll.u32 @p1 s25, $0x4  }
0x25: {  	_ =	strace @p1 $0x80000052;
	s29 =	simm.s32 @p1 $0x0;
	s25 =	sand.u32 @p1 $0x1FFFFFF0, s25  }
0x26: {  	s28 =	sshll.u32 @p1 s26, $0x7;
	s26 =	sadd.s32 @p1 $0x1, s26;
	s25 =	sadd.s32 @p1 s8, s25  }
0x27: {  	[tilespmem:s28], [sflag:s26] =	stream.linear.gather @p1 [hbm4b:s25+s29], $0x80, $0x200038;
	[tilespmem:$0x10100] =	vst v63  }
0x28: {  	s29 =	sand.u32 $0x1, s20;
	_ =	strace @p1 $0x90000052  }
0x29: {  	s25 =	sadd.s32 $0x1, s29;
	_ =	strace $0x80000053  }
0x2a: {  	_ =	swait.ge [sflag:s25], $0x80  }
0x2b: {  	[sflag:s25] =	ssyncset.done $0x0  }
0x2c: {  	[sflag:s25] =	ssyncadd.s32 $0xFFFFFF80  }
0x2d: {  	s30 =	sshll.u32 s20, $0x7;
	_ =	strace $0x90000053  }
0x2e: {  	s29 =	sand.u32 $0x80, s30;
	_ =	strace $0x80000054  }
0x2f: {  	v3 =	vld [tilespmem:s29+$0x0];
	_ =	sdelay $0x4  }
0x30: {  	v4 =	vshll.u32 v3, $0x1  }
0x31: {  	v3 =	vand.u32 $0x7, v3;
	v4 =	vand.u32 $0xFFFFFFF0, v4  }
0x32: {  	v3 =	vor.u32 v3, v4  }
0x33: {  	v4 =	vperm.xlane v3, v0;
	_ =	sdelay $0x1  }
0x34: {  	v3 =	vperm.xlane v3, v2;
	v4 =	vadd.s32 v1, v4;
	_ =	sdelay $0x1  }
0x35: {  	s26 =	sand.u32 $0x1, s23;
	v3 =	vadd.s32 v1, v3  }
0x36: {  	s28 =	sshll.u32 s26, $0xF  }
0x37: {  	s25 =	sor.u32 $0x100, s28  }
0x38: {  	[tilespmem:s25], [sflag:$0x5] =	stream.indirect_vreg.gather [hbm4b:s3+s2], $0x80, v4, vm0, $0x2000b8;
	[tilespmem:$0x10100] =	vst v63  }
0x39: {  	s30 =	sor.u32 $0x900, s28  }
0x3a: {  	[tilespmem:s30], [sflag:$0x5] =	stream.indirect_vreg.gather [hbm4b:s3+s2], $0x80, v3, vm0, $0x2000b8;
	[tilespmem:$0x10100] =	vst v63  }
0x3b: {  	v3 =	vld [tilespmem:s29+$0x10];
	_ =	sdelay $0x4  }
0x3c: {  	v57 =	vshll.u32 v3, $0x1  }
0x3d: {  	v3 =	vand.u32 $0x7, v3;
	v4 =	vand.u32 $0xFFFFFFF0, v57  }
0x3e: {  	v3 =	vor.u32 v3, v4  }
0x3f: {  	v4 =	vperm.xlane v3, v0;
	_ =	sdelay $0x1  }
0x40: {  	v3 =	vperm.xlane v3, v2;
	v4 =	vadd.s32 v1, v4;
	_ =	sdelay $0x1  }
0x41: {  	v3 =	vadd.s32 v1, v3;
	_ =	sdelay $0x1  }
0x42: {  	s31 =	sor.u32 $0x1100, s28  }
0x43: {  	[tilespmem:s31], [sflag:$0x5] =	stream.indirect_vreg.gather [hbm4b:s3+s2], $0x80, v4, vm0, $0x2000b8;
	[tilespmem:$0x10100] =	vst v63  }
0x44: {  	s31 =	sor.u32 $0x1900, s28  }
0x45: {  	[tilespmem:s31], [sflag:$0x5] =	stream.indirect_vreg.gather [hbm4b:s3+s2], $0x80, v3, vm0, $0x2000b8;
	[tilespmem:$0x10100] =	vst v63  }
0x46: {  	v3 =	vld [tilespmem:s29+$0x20];
	_ =	sdelay $0x4  }
0x47: {  	v58 =	vshll.u32 v3, $0x1  }
0x48: {  	v3 =	vand.u32 $0x7, v3;
	v4 =	vand.u32 $0xFFFFFFF0, v58  }
0x49: {  	v3 =	vor.u32 v3, v4  }
0x4a: {  	v4 =	vperm.xlane v3, v0;
	_ =	sdelay $0x1  }
0x4b: {  	v3 =	vperm.xlane v3, v2;
	v4 =	vadd.s32 v1, v4;
	_ =	sdelay $0x1  }
0x4c: {  	v3 =	vadd.s32 v1, v3;
	_ =	sdelay $0x1  }
0x4d: {  	s31 =	sor.u32 $0x2100, s28  }
0x4e: {  	[tilespmem:s31], [sflag:$0x5] =	stream.indirect_vreg.gather [hbm4b:s3+s2], $0x80, v4, vm0, $0x2000b8;
	[tilespmem:$0x10100] =	vst v63  }
0x4f: {  	s31 =	sor.u32 $0x2900, s28  }
0x50: {  	[tilespmem:s31], [sflag:$0x5] =	stream.indirect_vreg.gather [hbm4b:s3+s2], $0x80, v3, vm0, $0x2000b8;
	[tilespmem:$0x10100] =	vst v63  }
0x51: {  	v3 =	vld [tilespmem:s29+$0x30];
	_ =	sdelay $0x4  }
0x52: {  	v59 =	vshll.u32 v3, $0x1  }
0x53: {  	v3 =	vand.u32 $0x7, v3;
	v4 =	vand.u32 $0xFFFFFFF0, v59  }
0x54: {  	v3 =	vor.u32 v3, v4  }
0x55: {  	v4 =	vperm.xlane v3, v0;
	_ =	sdelay $0x1  }
0x56: {  	v3 =	vperm.xlane v3, v2;
	v4 =	vadd.s32 v1, v4;
	_ =	sdelay $0x1  }
0x57: {  	v3 =	vadd.s32 v1, v3;
	_ =	sdelay $0x1  }
0x58: {  	s31 =	sor.u32 $0x3100, s28  }
0x59: {  	[tilespmem:s31], [sflag:$0x5] =	stream.indirect_vreg.gather [hbm4b:s3+s2], $0x80, v4, vm0, $0x2000b8;
	[tilespmem:$0x10100] =	vst v63  }
0x5a: {  	s31 =	sor.u32 $0x3900, s28  }
0x5b: {  	[tilespmem:s31], [sflag:$0x5] =	stream.indirect_vreg.gather [hbm4b:s3+s2], $0x80, v3, vm0, $0x2000b8;
	[tilespmem:$0x10100] =	vst v63  }
0x5c: {  	v3 =	vld [tilespmem:s29+$0x40];
	_ =	sdelay $0x4  }
0x5d: {  	v60 =	vshll.u32 v3, $0x1  }
0x5e: {  	v3 =	vand.u32 $0x7, v3;
	v4 =	vand.u32 $0xFFFFFFF0, v60  }
0x5f: {  	v3 =	vor.u32 v3, v4  }
0x60: {  	v4 =	vperm.xlane v3, v0;
	_ =	sdelay $0x1  }
0x61: {  	v3 =	vperm.xlane v3, v2;
	v4 =	vadd.s32 v1, v4;
	_ =	sdelay $0x1  }
0x62: {  	v3 =	vadd.s32 v1, v3;
	_ =	sdelay $0x1  }
0x63: {  	s31 =	sor.u32 $0x4100, s28  }
0x64: {  	[tilespmem:s31], [sflag:$0x5] =	stream.indirect_vreg.gather [hbm4b:s3+s2], $0x80, v4, vm0, $0x2000b8;
	[tilespmem:$0x10100] =	vst v63  }
0x65: {  	s31 =	sor.u32 $0x4900, s28  }
0x66: {  	[tilespmem:s31], [sflag:$0x5] =	stream.indirect_vreg.gather [hbm4b:s3+s2], $0x80, v3, vm0, $0x2000b8;
	[tilespmem:$0x10100] =	vst v63  }
0x67: {  	v3 =	vld [tilespmem:s29+$0x50];
	_ =	sdelay $0x4  }
0x68: {  	v61 =	vshll.u32 v3, $0x1  }
0x69: {  	v3 =	vand.u32 $0x7, v3;
	v4 =	vand.u32 $0xFFFFFFF0, v61  }
0x6a: {  	v3 =	vor.u32 v3, v4  }
0x6b: {  	v4 =	vperm.xlane v3, v0;
	_ =	sdelay $0x1  }
0x6c: {  	v3 =	vperm.xlane v3, v2;
	v4 =	vadd.s32 v1, v4;
	_ =	sdelay $0x1  }
0x6d: {  	v3 =	vadd.s32 v1, v3;
	_ =	sdelay $0x1  }
0x6e: {  	s31 =	sor.u32 $0x5100, s28  }
0x6f: {  	[tilespmem:s31], [sflag:$0x5] =	stream.indirect_vreg.gather [hbm4b:s3+s2], $0x80, v4, vm0, $0x2000b8;
	[tilespmem:$0x10100] =	vst v63  }
0x70: {  	s31 =	sor.u32 $0x5900, s28  }
0x71: {  	[tilespmem:s31], [sflag:$0x5] =	stream.indirect_vreg.gather [hbm4b:s3+s2], $0x80, v3, vm0, $0x2000b8;
	[tilespmem:$0x10100] =	vst v63  }
0x72: {  	v3 =	vld [tilespmem:s29+$0x60];
	_ =	sdelay $0x4  }
0x73: {  	v62 =	vshll.u32 v3, $0x1  }
0x74: {  	v3 =	vand.u32 $0x7, v3;
	v4 =	vand.u32 $0xFFFFFFF0, v62  }
0x75: {  	v3 =	vor.u32 v3, v4  }
0x76: {  	v4 =	vperm.xlane v3, v0;
	_ =	sdelay $0x1  }
0x77: {  	v3 =	vperm.xlane v3, v2;
	v4 =	vadd.s32 v1, v4;
	_ =	sdelay $0x1  }
0x78: {  	v3 =	vadd.s32 v1, v3;
	_ =	sdelay $0x1  }
0x79: {  	s31 =	sor.u32 $0x6100, s28  }
0x7a: {  	[tilespmem:s31], [sflag:$0x5] =	stream.indirect_vreg.gather [hbm4b:s3+s2], $0x80, v4, vm0, $0x2000b8;
	[tilespmem:$0x10100] =	vst v63  }
0x7b: {  	s31 =	sor.u32 $0x6900, s28  }
0x7c: {  	[tilespmem:s31], [sflag:$0x5] =	stream.indirect_vreg.gather [hbm4b:s3+s2], $0x80, v3, vm0, $0x2000b8;
	[tilespmem:$0x10100] =	vst v63  }
0x7d: {  	v3 =	vld [tilespmem:s29+$0x70];
	_ =	sdelay $0x4  }
0x7e: {  	v63 =	vshll.u32 v3, $0x1  }
0x7f: {  	v3 =	vand.u32 $0x7, v3;
	v4 =	vand.u32 $0xFFFFFFF0, v63  }
0x80: {  	v3 =	vor.u32 v3, v4  }
0x81: {  	v4 =	vperm.xlane v3, v0;
	_ =	sdelay $0x1  }
0x82: {  	v3 =	vperm.xlane v3, v2;
	v4 =	vadd.s32 v1, v4;
	_ =	sdelay $0x1  }
0x83: {  	v3 =	vadd.s32 v1, v3;
	_ =	sdelay $0x1  }
0x84: {  	p2 =	por !p2, !p2;
	p3 =	seq.s32 s24, s19;
	s31 =	sor.u32 $0x7100, s28  }
0x85: {  	[tilespmem:s31], [sflag:$0x5] =	stream.indirect_vreg.gather [hbm4b:s3+s2], $0x80, v4, vm0, $0x2000b8;
	[tilespmem:$0x10100] =	vst v63  }
0x86: {  	p2 =	por !p2, !p3;
	s28 =	sor.u32 $0x7900, s28  }
0x87: {  	[tilespmem:s28], [sflag:$0x5] =	stream.indirect_vreg.gather [hbm4b:s3+s2], $0x80, v3, vm0, $0x2000b8;
	[tilespmem:$0x10100] =	vst v63  }
0x88: {  	s24 =	sadd.s32 s9, s24;
	p2 =	por !p2, !p2;
	_ =	swait.ge [sflag:s15], $0x8000  }
0x89: {  	s24 =	sshll.u32 @!p2 s24, $0xE;
	p0 =	por p2, p0;
	[sflag:s15] =	ssyncset.done $0x0  }
.Ltmp2:
0x8a: {  	s24 =	sand.u32 @!p2 $0x1FFFC000, s24;
	[sflag:s15] =	ssyncadd.s32 $0xFFFF8000;
	(pc) =	sbr.rel @!p0 .LBB2_4-.Ltmp2, $4  }
0x8b: {  	s24 =	sadd.s32 @!p2 s1, s24;
	s26 =	sadd.s32 @!p2 $0x3, s26;
	_ =	strace $0x90000054  }
0x8c: {  	s29 =	simm.s32 @!p2 $0x2000;
	s28 =	simm.s32 @!p2 $0x800;
	_ =	strace @!p2 $0x80000055  }
0x8d: {  	[hbm4b:s24+s28] =	stream.strided.scatter @!p2 [tilespmem:s25], [sflag:s26], $0x8000, s29, s28, $0x200038;
	[tilespmem:$0x10100] =	vst v63  }
0x8e: {  	_ =	strace @!p2 $0x90000055  }
.Ltmp3:
0x8f: {  	s24 =	simm.s32 $0x1;
	(pc) =	sbr.rel .LBB2_2-.Ltmp3, $4  }
0x90: {  	s25 =	simm.s32 @!p2 $0x1;
	s18 =	sadd.s32 s22, s18;
	s24 =	simm.s32 @!p1 $0x0  }
0x91: {  	s22 =	simm.s32 $0x1;
	s21 =	sadd.s32 s24, s21;
	s24 =	sadd.s32 @!p2 $0x1, s23  }
0x92: {  	p0 =	por $0x0, $0x0;
	s25 =	simm.s32 @p2 $0x0;
	s24 =	smov.u32 @p2 s23  }
0x93: {  	s20 =	sadd.s32 s20, s25;
	p2 =	por $0x1, $0x1;
	s23 =	smov.u32 s24  }
.LBB2_4:
0x94: {  	s18 =	sand.u32 $0x1, s18  }
0x95: {  	_ =	strace $0x80000056;
	s18 =	sadd.s32 $0x3, s18  }
0x96: {  	_ =	swait.ge [sflag:s18], $0x8000  }
0x97: {  	[sflag:s18] =	ssyncset.done $0x0  }
0x98: {  	[sflag:s18] =	ssyncadd.s32 $0xFFFF8000  }
0x99: {  	_ =	strace $0x90000056  }
0x9a: {  	_ =	strace $0x80000057  }
0x9b: {  	_ =	swait.ge [sflag:s16], $0x8000  }
0x9c: {  	[sflag:s16] =	ssyncset.done $0x0  }
0x9d: {  	p0 =	por $0x1, $0x1;
	p2 =	por $0x0, $0x0;
	[sflag:s16] =	ssyncadd.s32 $0xFFFF8000  }
0x9e: {  	s20 =	simm.s32 $0x1;
	s19 =	simm.s32 $0x0;
	_ =	strace $0x90000057  }
0x9f: {  	s23 =	simm.s32 $0x0;
	s18 =	simm.s32 $0x0;
	_ =	strace $0x80000058  }
0xa0: {  	[tilespmem:s18], [sflag:$0x1] =	stream.linear.gather [hbm4b:s10+s18], $0x80, $0x200038;
	[tilespmem:$0x10100] =	vst v63  }
0xa1: {  	s21 =	simm.s32 $0x0;
	s22 =	simm.s32 $0x0;
	_ =	strace $0x90000058  }
.LBB2_5:
0xa2: {  	s24 =	smov.u32 s18;
	s18 =	sadd.s32 $0x1, s18  }
0xa3: {  	p1 =	seq.s32 s18, $0x2  }
0xa4: {  	s18 =	simm.s32 @p1 $0x0  }
0xa5: {  	p1 =	sne.s32 s24, s18  }
0xa6: {  	p1 =	por !p0, !p1  }
0xa7: {  	p1 =	por !p1, !p1  }
0xa8: {  	s25 =	sadd.s32 @p1 s9, s18  }
0xa9: {  	s26 =	sand.u32 @p1 $0x1, s20;
	s25 =	sshll.u32 @p1 s25, $0x4  }
0xaa: {  	_ =	strace @p1 $0x80000059;
	s29 =	simm.s32 @p1 $0x0;
	s25 =	sand.u32 @p1 $0x1FFFFFF0, s25  }
0xab: {  	s28 =	sshll.u32 @p1 s26, $0x7;
	s26 =	sadd.s32 @p1 $0x1, s26;
	s25 =	sadd.s32 @p1 s8, s25  }
0xac: {  	[tilespmem:s28], [sflag:s26] =	stream.linear.gather @p1 [hbm4b:s25+s29], $0x80, $0x200038;
	[tilespmem:$0x10100] =	vst v63  }
0xad: {  	s29 =	sand.u32 $0x1, s21;
	_ =	strace @p1 $0x90000059  }
0xae: {  	s25 =	sadd.s32 $0x1, s29;
	_ =	strace $0x8000005A  }
0xaf: {  	_ =	swait.ge [sflag:s25], $0x80  }
0xb0: {  	[sflag:s25] =	ssyncset.done $0x0  }
0xb1: {  	[sflag:s25] =	ssyncadd.s32 $0xFFFFFF80  }
0xb2: {  	s30 =	sshll.u32 s21, $0x7;
	_ =	strace $0x9000005A  }
0xb3: {  	s29 =	sand.u32 $0x80, s30;
	_ =	strace $0x8000005B  }
0xb4: {  	v3 =	vld [tilespmem:s29+$0x0];
	_ =	sdelay $0x4  }
0xb5: {  	v4 =	vshll.u32 v3, $0x1  }
0xb6: {  	v3 =	vand.u32 $0x7, v3;
	v4 =	vand.u32 $0xFFFFFFF0, v4  }
0xb7: {  	v3 =	vor.u32 v3, v4  }
0xb8: {  	v4 =	vperm.xlane v3, v0;
	_ =	sdelay $0x1  }
0xb9: {  	v3 =	vperm.xlane v3, v2;
	v4 =	vadd.s32 v1, v4;
	_ =	sdelay $0x1  }
0xba: {  	s26 =	sand.u32 $0x1, s23;
	v3 =	vadd.s32 v1, v3  }
0xbb: {  	s28 =	sshll.u32 s26, $0xF  }
0xbc: {  	s25 =	sor.u32 $0x100, s28  }
0xbd: {  	[tilespmem:s25], [sflag:$0x5] =	stream.indirect_vreg.gather [hbm4b:s5+s2], $0x80, v4, vm0, $0x2000b8;
	[tilespmem:$0x10100] =	vst v63  }
0xbe: {  	s30 =	sor.u32 $0x900, s28  }
0xbf: {  	[tilespmem:s30], [sflag:$0x5] =	stream.indirect_vreg.gather [hbm4b:s5+s2], $0x80, v3, vm0, $0x2000b8;
	[tilespmem:$0x10100] =	vst v63  }
0xc0: {  	v3 =	vld [tilespmem:s29+$0x10];
	_ =	sdelay $0x4  }
0xc1: {  	v57 =	vshll.u32 v3, $0x1  }
0xc2: {  	v3 =	vand.u32 $0x7, v3;
	v4 =	vand.u32 $0xFFFFFFF0, v57  }
0xc3: {  	v3 =	vor.u32 v3, v4  }
0xc4: {  	v4 =	vperm.xlane v3, v0;
	_ =	sdelay $0x1  }
0xc5: {  	v3 =	vperm.xlane v3, v2;
	v4 =	vadd.s32 v1, v4;
	_ =	sdelay $0x1  }
0xc6: {  	v3 =	vadd.s32 v1, v3;
	_ =	sdelay $0x1  }
0xc7: {  	s31 =	sor.u32 $0x1100, s28  }
0xc8: {  	[tilespmem:s31], [sflag:$0x5] =	stream.indirect_vreg.gather [hbm4b:s5+s2], $0x80, v4, vm0, $0x2000b8;
	[tilespmem:$0x10100] =	vst v63  }
0xc9: {  	s31 =	sor.u32 $0x1900, s28  }
0xca: {  	[tilespmem:s31], [sflag:$0x5] =	stream.indirect_vreg.gather [hbm4b:s5+s2], $0x80, v3, vm0, $0x2000b8;
	[tilespmem:$0x10100] =	vst v63  }
0xcb: {  	v3 =	vld [tilespmem:s29+$0x20];
	_ =	sdelay $0x4  }
0xcc: {  	v58 =	vshll.u32 v3, $0x1  }
0xcd: {  	v3 =	vand.u32 $0x7, v3;
	v4 =	vand.u32 $0xFFFFFFF0, v58  }
0xce: {  	v3 =	vor.u32 v3, v4  }
0xcf: {  	v4 =	vperm.xlane v3, v0;
	_ =	sdelay $0x1  }
0xd0: {  	v3 =	vperm.xlane v3, v2;
	v4 =	vadd.s32 v1, v4;
	_ =	sdelay $0x1  }
0xd1: {  	v3 =	vadd.s32 v1, v3;
	_ =	sdelay $0x1  }
0xd2: {  	s31 =	sor.u32 $0x2100, s28  }
0xd3: {  	[tilespmem:s31], [sflag:$0x5] =	stream.indirect_vreg.gather [hbm4b:s5+s2], $0x80, v4, vm0, $0x2000b8;
	[tilespmem:$0x10100] =	vst v63  }
0xd4: {  	s31 =	sor.u32 $0x2900, s28  }
0xd5: {  	[tilespmem:s31], [sflag:$0x5] =	stream.indirect_vreg.gather [hbm4b:s5+s2], $0x80, v3, vm0, $0x2000b8;
	[tilespmem:$0x10100] =	vst v63  }
0xd6: {  	v3 =	vld [tilespmem:s29+$0x30];
	_ =	sdelay $0x4  }
0xd7: {  	v59 =	vshll.u32 v3, $0x1  }
0xd8: {  	v3 =	vand.u32 $0x7, v3;
	v4 =	vand.u32 $0xFFFFFFF0, v59  }
0xd9: {  	v3 =	vor.u32 v3, v4  }
0xda: {  	v4 =	vperm.xlane v3, v0;
	_ =	sdelay $0x1  }
0xdb: {  	v3 =	vperm.xlane v3, v2;
	v4 =	vadd.s32 v1, v4;
	_ =	sdelay $0x1  }
0xdc: {  	v3 =	vadd.s32 v1, v3;
	_ =	sdelay $0x1  }
0xdd: {  	s31 =	sor.u32 $0x3100, s28  }
0xde: {  	[tilespmem:s31], [sflag:$0x5] =	stream.indirect_vreg.gather [hbm4b:s5+s2], $0x80, v4, vm0, $0x2000b8;
	[tilespmem:$0x10100] =	vst v63  }
0xdf: {  	s31 =	sor.u32 $0x3900, s28  }
0xe0: {  	[tilespmem:s31], [sflag:$0x5] =	stream.indirect_vreg.gather [hbm4b:s5+s2], $0x80, v3, vm0, $0x2000b8;
	[tilespmem:$0x10100] =	vst v63  }
0xe1: {  	v3 =	vld [tilespmem:s29+$0x40];
	_ =	sdelay $0x4  }
0xe2: {  	v60 =	vshll.u32 v3, $0x1  }
0xe3: {  	v3 =	vand.u32 $0x7, v3;
	v4 =	vand.u32 $0xFFFFFFF0, v60  }
0xe4: {  	v3 =	vor.u32 v3, v4  }
0xe5: {  	v4 =	vperm.xlane v3, v0;
	_ =	sdelay $0x1  }
0xe6: {  	v3 =	vperm.xlane v3, v2;
	v4 =	vadd.s32 v1, v4;
	_ =	sdelay $0x1  }
0xe7: {  	v3 =	vadd.s32 v1, v3;
	_ =	sdelay $0x1  }
0xe8: {  	s31 =	sor.u32 $0x4100, s28  }
0xe9: {  	[tilespmem:s31], [sflag:$0x5] =	stream.indirect_vreg.gather [hbm4b:s5+s2], $0x80, v4, vm0, $0x2000b8;
	[tilespmem:$0x10100] =	vst v63  }
0xea: {  	s31 =	sor.u32 $0x4900, s28  }
0xeb: {  	[tilespmem:s31], [sflag:$0x5] =	stream.indirect_vreg.gather [hbm4b:s5+s2], $0x80, v3, vm0, $0x2000b8;
	[tilespmem:$0x10100] =	vst v63  }
0xec: {  	v3 =	vld [tilespmem:s29+$0x50];
	_ =	sdelay $0x4  }
0xed: {  	v61 =	vshll.u32 v3, $0x1  }
0xee: {  	v3 =	vand.u32 $0x7, v3;
	v4 =	vand.u32 $0xFFFFFFF0, v61  }
0xef: {  	v3 =	vor.u32 v3, v4  }
0xf0: {  	v4 =	vperm.xlane v3, v0;
	_ =	sdelay $0x1  }
0xf1: {  	v3 =	vperm.xlane v3, v2;
	v4 =	vadd.s32 v1, v4;
	_ =	sdelay $0x1  }
0xf2: {  	v3 =	vadd.s32 v1, v3;
	_ =	sdelay $0x1  }
0xf3: {  	s31 =	sor.u32 $0x5100, s28  }
0xf4: {  	[tilespmem:s31], [sflag:$0x5] =	stream.indirect_vreg.gather [hbm4b:s5+s2], $0x80, v4, vm0, $0x2000b8;
	[tilespmem:$0x10100] =	vst v63  }
0xf5: {  	s31 =	sor.u32 $0x5900, s28  }
0xf6: {  	[tilespmem:s31], [sflag:$0x5] =	stream.indirect_vreg.gather [hbm4b:s5+s2], $0x80, v3, vm0, $0x2000b8;
	[tilespmem:$0x10100] =	vst v63  }
0xf7: {  	v3 =	vld [tilespmem:s29+$0x60];
	_ =	sdelay $0x4  }
0xf8: {  	v62 =	vshll.u32 v3, $0x1  }
0xf9: {  	v3 =	vand.u32 $0x7, v3;
	v4 =	vand.u32 $0xFFFFFFF0, v62  }
0xfa: {  	v3 =	vor.u32 v3, v4  }
0xfb: {  	v4 =	vperm.xlane v3, v0;
	_ =	sdelay $0x1  }
0xfc: {  	v3 =	vperm.xlane v3, v2;
	v4 =	vadd.s32 v1, v4;
	_ =	sdelay $0x1  }
0xfd: {  	v3 =	vadd.s32 v1, v3;
	_ =	sdelay $0x1  }
0xfe: {  	s31 =	sor.u32 $0x6100, s28  }
0xff: {  	[tilespmem:s31], [sflag:$0x5] =	stream.indirect_vreg.gather [hbm4b:s5+s2], $0x80, v4, vm0, $0x2000b8;
	[tilespmem:$0x10100] =	vst v63  }
0x100: {  	s31 =	sor.u32 $0x6900, s28  }
0x101: {  	[tilespmem:s31], [sflag:$0x5] =	stream.indirect_vreg.gather [hbm4b:s5+s2], $0x80, v3, vm0, $0x2000b8;
	[tilespmem:$0x10100] =	vst v63  }
0x102: {  	v3 =	vld [tilespmem:s29+$0x70];
	_ =	sdelay $0x4  }
0x103: {  	v63 =	vshll.u32 v3, $0x1  }
0x104: {  	v3 =	vand.u32 $0x7, v3;
	v4 =	vand.u32 $0xFFFFFFF0, v63  }
0x105: {  	v3 =	vor.u32 v3, v4  }
0x106: {  	v4 =	vperm.xlane v3, v0;
	_ =	sdelay $0x1  }
0x107: {  	v3 =	vperm.xlane v3, v2;
	v4 =	vadd.s32 v1, v4;
	_ =	sdelay $0x1  }
0x108: {  	v3 =	vadd.s32 v1, v3;
	_ =	sdelay $0x1  }
0x109: {  	p2 =	por !p2, !p2;
	p3 =	seq.s32 s24, s18;
	s31 =	sor.u32 $0x7100, s28  }
0x10a: {  	[tilespmem:s31], [sflag:$0x5] =	stream.indirect_vreg.gather [hbm4b:s5+s2], $0x80, v4, vm0, $0x2000b8;
	[tilespmem:$0x10100] =	vst v63  }
0x10b: {  	p2 =	por !p2, !p3;
	s28 =	sor.u32 $0x7900, s28  }
0x10c: {  	[tilespmem:s28], [sflag:$0x5] =	stream.indirect_vreg.gather [hbm4b:s5+s2], $0x80, v3, vm0, $0x2000b8;
	[tilespmem:$0x10100] =	vst v63  }
0x10d: {  	s24 =	sadd.s32 s9, s24;
	p2 =	por !p2, !p2;
	_ =	swait.ge [sflag:s15], $0x8000  }
0x10e: {  	s24 =	sshll.u32 @!p2 s24, $0xE;
	p0 =	por p2, p0;
	[sflag:s15] =	ssyncset.done $0x0  }
.Ltmp4:
0x10f: {  	s24 =	sand.u32 @!p2 $0x1FFFC000, s24;
	[sflag:s15] =	ssyncadd.s32 $0xFFFF8000;
	(pc) =	sbr.rel @!p0 .LBB2_7-.Ltmp4, $4  }
0x110: {  	s24 =	sadd.s32 @!p2 s24, s11;
	s26 =	sadd.s32 @!p2 $0x3, s26;
	_ =	strace $0x9000005B  }
0x111: {  	s29 =	simm.s32 @!p2 $0x2000;
	s28 =	simm.s32 @!p2 $0x800;
	_ =	strace @!p2 $0x8000005C  }
0x112: {  	[hbm4b:s24+s28] =	stream.strided.scatter @!p2 [tilespmem:s25], [sflag:s26], $0x8000, s29, s28, $0x200038;
	[tilespmem:$0x10100] =	vst v63  }
0x113: {  	_ =	strace @!p2 $0x9000005C  }
.Ltmp5:
0x114: {  	s24 =	simm.s32 $0x1;
	(pc) =	sbr.rel .LBB2_5-.Ltmp5, $4  }
0x115: {  	s25 =	simm.s32 @!p2 $0x1;
	s19 =	sadd.s32 s22, s19;
	s24 =	simm.s32 @!p1 $0x0  }
0x116: {  	s22 =	simm.s32 $0x1;
	s20 =	sadd.s32 s24, s20;
	s24 =	sadd.s32 @!p2 $0x1, s23  }
0x117: {  	p0 =	por $0x0, $0x0;
	s25 =	simm.s32 @p2 $0x0;
	s24 =	smov.u32 @p2 s23  }
0x118: {  	s21 =	sadd.s32 s21, s25;
	p2 =	por $0x1, $0x1;
	s23 =	smov.u32 s24  }
.LBB2_7:
0x119: {  	s18 =	sand.u32 $0x1, s19  }
0x11a: {  	_ =	strace $0x8000005D;
	s18 =	sadd.s32 $0x3, s18  }
0x11b: {  	_ =	swait.ge [sflag:s18], $0x8000  }
0x11c: {  	[sflag:s18] =	ssyncset.done $0x0  }
0x11d: {  	[sflag:s18] =	ssyncadd.s32 $0xFFFF8000  }
0x11e: {  	_ =	strace $0x9000005D  }
0x11f: {  	_ =	strace $0x8000005E  }
0x120: {  	_ =	swait.ge [sflag:s16], $0x8000  }
0x121: {  	[sflag:s16] =	ssyncset.done $0x0  }
0x122: {  	p0 =	por $0x1, $0x1;
	p2 =	por $0x0, $0x0;
	[sflag:s16] =	ssyncadd.s32 $0xFFFF8000  }
0x123: {  	s20 =	simm.s32 $0x1;
	s19 =	simm.s32 $0x0;
	_ =	strace $0x9000005E  }
0x124: {  	s23 =	simm.s32 $0x0;
	s18 =	simm.s32 $0x0;
	_ =	strace $0x8000005F  }
0x125: {  	[tilespmem:s18], [sflag:$0x1] =	stream.linear.gather [hbm4b:s10+s18], $0x80, $0x200038;
	[tilespmem:$0x10100] =	vst v63  }
0x126: {  	s21 =	simm.s32 $0x0;
	s22 =	simm.s32 $0x0;
	_ =	strace $0x9000005F  }
.LBB2_8:
0x127: {  	s24 =	smov.u32 s18;
	s18 =	sadd.s32 $0x1, s18  }
0x128: {  	p1 =	seq.s32 s18, $0x2  }
0x129: {  	s18 =	simm.s32 @p1 $0x0  }
0x12a: {  	p1 =	sne.s32 s24, s18  }
0x12b: {  	p1 =	por !p0, !p1  }
0x12c: {  	p1 =	por !p1, !p1  }
0x12d: {  	s25 =	sadd.s32 @p1 s9, s18  }
0x12e: {  	s26 =	sand.u32 @p1 $0x1, s20;
	s25 =	sshll.u32 @p1 s25, $0x4  }
0x12f: {  	_ =	strace @p1 $0x80000060;
	s29 =	simm.s32 @p1 $0x0;
	s25 =	sand.u32 @p1 $0x1FFFFFF0, s25  }
0x130: {  	s28 =	sshll.u32 @p1 s26, $0x7;
	s26 =	sadd.s32 @p1 $0x1, s26;
	s25 =	sadd.s32 @p1 s8, s25  }
0x131: {  	[tilespmem:s28], [sflag:s26] =	stream.linear.gather @p1 [hbm4b:s25+s29], $0x80, $0x200038;
	[tilespmem:$0x10100] =	vst v63  }
0x132: {  	s29 =	sand.u32 $0x1, s21;
	_ =	strace @p1 $0x90000060  }
0x133: {  	s25 =	sadd.s32 $0x1, s29;
	_ =	strace $0x80000061  }
0x134: {  	_ =	swait.ge [sflag:s25], $0x80  }
0x135: {  	[sflag:s25] =	ssyncset.done $0x0  }
0x136: {  	[sflag:s25] =	ssyncadd.s32 $0xFFFFFF80  }
0x137: {  	s30 =	sshll.u32 s21, $0x7;
	_ =	strace $0x90000061  }
0x138: {  	s29 =	sand.u32 $0x80, s30;
	_ =	strace $0x80000062  }
0x139: {  	v3 =	vld [tilespmem:s29+$0x0];
	_ =	sdelay $0x4  }
0x13a: {  	v4 =	vshll.u32 v3, $0x1  }
0x13b: {  	v3 =	vand.u32 $0x7, v3;
	v4 =	vand.u32 $0xFFFFFFF0, v4  }
0x13c: {  	v3 =	vor.u32 v3, v4  }
0x13d: {  	v4 =	vperm.xlane v3, v0;
	_ =	sdelay $0x1  }
0x13e: {  	v3 =	vperm.xlane v3, v2;
	v4 =	vadd.s32 v1, v4;
	_ =	sdelay $0x1  }
0x13f: {  	s26 =	sand.u32 $0x1, s23;
	v3 =	vadd.s32 v1, v3  }
0x140: {  	s28 =	sshll.u32 s26, $0xF  }
0x141: {  	s25 =	sor.u32 $0x100, s28  }
0x142: {  	[tilespmem:s25], [sflag:$0x5] =	stream.indirect_vreg.gather [hbm4b:s6+s2], $0x80, v4, vm0, $0x2000b8;
	[tilespmem:$0x10100] =	vst v63  }
0x143: {  	s30 =	sor.u32 $0x900, s28  }
0x144: {  	[tilespmem:s30], [sflag:$0x5] =	stream.indirect_vreg.gather [hbm4b:s6+s2], $0x80, v3, vm0, $0x2000b8;
	[tilespmem:$0x10100] =	vst v63  }
0x145: {  	v3 =	vld [tilespmem:s29+$0x10];
	_ =	sdelay $0x4  }
0x146: {  	v57 =	vshll.u32 v3, $0x1  }
0x147: {  	v3 =	vand.u32 $0x7, v3;
	v4 =	vand.u32 $0xFFFFFFF0, v57  }
0x148: {  	v3 =	vor.u32 v3, v4  }
0x149: {  	v4 =	vperm.xlane v3, v0;
	_ =	sdelay $0x1  }
0x14a: {  	v3 =	vperm.xlane v3, v2;
	v4 =	vadd.s32 v1, v4;
	_ =	sdelay $0x1  }
0x14b: {  	v3 =	vadd.s32 v1, v3;
	_ =	sdelay $0x1  }
0x14c: {  	s31 =	sor.u32 $0x1100, s28  }
0x14d: {  	[tilespmem:s31], [sflag:$0x5] =	stream.indirect_vreg.gather [hbm4b:s6+s2], $0x80, v4, vm0, $0x2000b8;
	[tilespmem:$0x10100] =	vst v63  }
0x14e: {  	s31 =	sor.u32 $0x1900, s28  }
0x14f: {  	[tilespmem:s31], [sflag:$0x5] =	stream.indirect_vreg.gather [hbm4b:s6+s2], $0x80, v3, vm0, $0x2000b8;
	[tilespmem:$0x10100] =	vst v63  }
0x150: {  	v3 =	vld [tilespmem:s29+$0x20];
	_ =	sdelay $0x4  }
0x151: {  	v58 =	vshll.u32 v3, $0x1  }
0x152: {  	v3 =	vand.u32 $0x7, v3;
	v4 =	vand.u32 $0xFFFFFFF0, v58  }
0x153: {  	v3 =	vor.u32 v3, v4  }
0x154: {  	v4 =	vperm.xlane v3, v0;
	_ =	sdelay $0x1  }
0x155: {  	v3 =	vperm.xlane v3, v2;
	v4 =	vadd.s32 v1, v4;
	_ =	sdelay $0x1  }
0x156: {  	v3 =	vadd.s32 v1, v3;
	_ =	sdelay $0x1  }
0x157: {  	s31 =	sor.u32 $0x2100, s28  }
0x158: {  	[tilespmem:s31], [sflag:$0x5] =	stream.indirect_vreg.gather [hbm4b:s6+s2], $0x80, v4, vm0, $0x2000b8;
	[tilespmem:$0x10100] =	vst v63  }
0x159: {  	s31 =	sor.u32 $0x2900, s28  }
0x15a: {  	[tilespmem:s31], [sflag:$0x5] =	stream.indirect_vreg.gather [hbm4b:s6+s2], $0x80, v3, vm0, $0x2000b8;
	[tilespmem:$0x10100] =	vst v63  }
0x15b: {  	v3 =	vld [tilespmem:s29+$0x30];
	_ =	sdelay $0x4  }
0x15c: {  	v59 =	vshll.u32 v3, $0x1  }
0x15d: {  	v3 =	vand.u32 $0x7, v3;
	v4 =	vand.u32 $0xFFFFFFF0, v59  }
0x15e: {  	v3 =	vor.u32 v3, v4  }
0x15f: {  	v4 =	vperm.xlane v3, v0;
	_ =	sdelay $0x1  }
0x160: {  	v3 =	vperm.xlane v3, v2;
	v4 =	vadd.s32 v1, v4;
	_ =	sdelay $0x1  }
0x161: {  	v3 =	vadd.s32 v1, v3;
	_ =	sdelay $0x1  }
0x162: {  	s31 =	sor.u32 $0x3100, s28  }
0x163: {  	[tilespmem:s31], [sflag:$0x5] =	stream.indirect_vreg.gather [hbm4b:s6+s2], $0x80, v4, vm0, $0x2000b8;
	[tilespmem:$0x10100] =	vst v63  }
0x164: {  	s31 =	sor.u32 $0x3900, s28  }
0x165: {  	[tilespmem:s31], [sflag:$0x5] =	stream.indirect_vreg.gather [hbm4b:s6+s2], $0x80, v3, vm0, $0x2000b8;
	[tilespmem:$0x10100] =	vst v63  }
0x166: {  	v3 =	vld [tilespmem:s29+$0x40];
	_ =	sdelay $0x4  }
0x167: {  	v60 =	vshll.u32 v3, $0x1  }
0x168: {  	v3 =	vand.u32 $0x7, v3;
	v4 =	vand.u32 $0xFFFFFFF0, v60  }
0x169: {  	v3 =	vor.u32 v3, v4  }
0x16a: {  	v4 =	vperm.xlane v3, v0;
	_ =	sdelay $0x1  }
0x16b: {  	v3 =	vperm.xlane v3, v2;
	v4 =	vadd.s32 v1, v4;
	_ =	sdelay $0x1  }
0x16c: {  	v3 =	vadd.s32 v1, v3;
	_ =	sdelay $0x1  }
0x16d: {  	s31 =	sor.u32 $0x4100, s28  }
0x16e: {  	[tilespmem:s31], [sflag:$0x5] =	stream.indirect_vreg.gather [hbm4b:s6+s2], $0x80, v4, vm0, $0x2000b8;
	[tilespmem:$0x10100] =	vst v63  }
0x16f: {  	s31 =	sor.u32 $0x4900, s28  }
0x170: {  	[tilespmem:s31], [sflag:$0x5] =	stream.indirect_vreg.gather [hbm4b:s6+s2], $0x80, v3, vm0, $0x2000b8;
	[tilespmem:$0x10100] =	vst v63  }
0x171: {  	v3 =	vld [tilespmem:s29+$0x50];
	_ =	sdelay $0x4  }
0x172: {  	v61 =	vshll.u32 v3, $0x1  }
0x173: {  	v3 =	vand.u32 $0x7, v3;
	v4 =	vand.u32 $0xFFFFFFF0, v61  }
0x174: {  	v3 =	vor.u32 v3, v4  }
0x175: {  	v4 =	vperm.xlane v3, v0;
	_ =	sdelay $0x1  }
0x176: {  	v3 =	vperm.xlane v3, v2;
	v4 =	vadd.s32 v1, v4;
	_ =	sdelay $0x1  }
0x177: {  	v3 =	vadd.s32 v1, v3;
	_ =	sdelay $0x1  }
0x178: {  	s31 =	sor.u32 $0x5100, s28  }
0x179: {  	[tilespmem:s31], [sflag:$0x5] =	stream.indirect_vreg.gather [hbm4b:s6+s2], $0x80, v4, vm0, $0x2000b8;
	[tilespmem:$0x10100] =	vst v63  }
0x17a: {  	s31 =	sor.u32 $0x5900, s28  }
0x17b: {  	[tilespmem:s31], [sflag:$0x5] =	stream.indirect_vreg.gather [hbm4b:s6+s2], $0x80, v3, vm0, $0x2000b8;
	[tilespmem:$0x10100] =	vst v63  }
0x17c: {  	v3 =	vld [tilespmem:s29+$0x60];
	_ =	sdelay $0x4  }
0x17d: {  	v62 =	vshll.u32 v3, $0x1  }
0x17e: {  	v3 =	vand.u32 $0x7, v3;
	v4 =	vand.u32 $0xFFFFFFF0, v62  }
0x17f: {  	v3 =	vor.u32 v3, v4  }
0x180: {  	v4 =	vperm.xlane v3, v0;
	_ =	sdelay $0x1  }
0x181: {  	v3 =	vperm.xlane v3, v2;
	v4 =	vadd.s32 v1, v4;
	_ =	sdelay $0x1  }
0x182: {  	v3 =	vadd.s32 v1, v3;
	_ =	sdelay $0x1  }
0x183: {  	s31 =	sor.u32 $0x6100, s28  }
0x184: {  	[tilespmem:s31], [sflag:$0x5] =	stream.indirect_vreg.gather [hbm4b:s6+s2], $0x80, v4, vm0, $0x2000b8;
	[tilespmem:$0x10100] =	vst v63  }
0x185: {  	s31 =	sor.u32 $0x6900, s28  }
0x186: {  	[tilespmem:s31], [sflag:$0x5] =	stream.indirect_vreg.gather [hbm4b:s6+s2], $0x80, v3, vm0, $0x2000b8;
	[tilespmem:$0x10100] =	vst v63  }
0x187: {  	v3 =	vld [tilespmem:s29+$0x70];
	_ =	sdelay $0x4  }
0x188: {  	v63 =	vshll.u32 v3, $0x1  }
0x189: {  	v3 =	vand.u32 $0x7, v3;
	v4 =	vand.u32 $0xFFFFFFF0, v63  }
0x18a: {  	v3 =	vor.u32 v3, v4  }
0x18b: {  	v4 =	vperm.xlane v3, v0;
	_ =	sdelay $0x1  }
0x18c: {  	v3 =	vperm.xlane v3, v2;
	v4 =	vadd.s32 v1, v4;
	_ =	sdelay $0x1  }
0x18d: {  	v3 =	vadd.s32 v1, v3;
	_ =	sdelay $0x1  }
0x18e: {  	p2 =	por !p2, !p2;
	p3 =	seq.s32 s24, s18;
	s31 =	sor.u32 $0x7100, s28  }
0x18f: {  	[tilespmem:s31], [sflag:$0x5] =	stream.indirect_vreg.gather [hbm4b:s6+s2], $0x80, v4, vm0, $0x2000b8;
	[tilespmem:$0x10100] =	vst v63  }
0x190: {  	p2 =	por !p2, !p3;
	s28 =	sor.u32 $0x7900, s28  }
0x191: {  	[tilespmem:s28], [sflag:$0x5] =	stream.indirect_vreg.gather [hbm4b:s6+s2], $0x80, v3, vm0, $0x2000b8;
	[tilespmem:$0x10100] =	vst v63  }
0x192: {  	s24 =	sadd.s32 s9, s24;
	p2 =	por !p2, !p2;
	_ =	swait.ge [sflag:s15], $0x8000  }
0x193: {  	s24 =	sshll.u32 @!p2 s24, $0xE;
	p0 =	por p2, p0;
	[sflag:s15] =	ssyncset.done $0x0  }
.Ltmp6:
0x194: {  	s24 =	sand.u32 @!p2 $0x1FFFC000, s24;
	[sflag:s15] =	ssyncadd.s32 $0xFFFF8000;
	(pc) =	sbr.rel @!p0 .LBB2_10-.Ltmp6, $4  }
0x195: {  	s24 =	sadd.s32 @!p2 s24, s12;
	s26 =	sadd.s32 @!p2 $0x3, s26;
	_ =	strace $0x90000062  }
0x196: {  	s29 =	simm.s32 @!p2 $0x2000;
	s28 =	simm.s32 @!p2 $0x800;
	_ =	strace @!p2 $0x80000063  }
0x197: {  	[hbm4b:s24+s28] =	stream.strided.scatter @!p2 [tilespmem:s25], [sflag:s26], $0x8000, s29, s28, $0x200038;
	[tilespmem:$0x10100] =	vst v63  }
0x198: {  	_ =	strace @!p2 $0x90000063  }
.Ltmp7:
0x199: {  	s24 =	simm.s32 $0x1;
	(pc) =	sbr.rel .LBB2_8-.Ltmp7, $4  }
0x19a: {  	s25 =	simm.s32 @!p2 $0x1;
	s19 =	sadd.s32 s22, s19;
	s24 =	simm.s32 @!p1 $0x0  }
0x19b: {  	s22 =	simm.s32 $0x1;
	s20 =	sadd.s32 s24, s20;
	s24 =	sadd.s32 @!p2 $0x1, s23  }
0x19c: {  	p0 =	por $0x0, $0x0;
	s25 =	simm.s32 @p2 $0x0;
	s24 =	smov.u32 @p2 s23  }
0x19d: {  	s21 =	sadd.s32 s21, s25;
	p2 =	por $0x1, $0x1;
	s23 =	smov.u32 s24  }
.LBB2_10:
0x19e: {  	s18 =	sand.u32 $0x1, s19  }
0x19f: {  	_ =	strace $0x80000064;
	s18 =	sadd.s32 $0x3, s18  }
0x1a0: {  	_ =	swait.ge [sflag:s18], $0x8000  }
0x1a1: {  	[sflag:s18] =	ssyncset.done $0x0  }
0x1a2: {  	[sflag:s18] =	ssyncadd.s32 $0xFFFF8000  }
0x1a3: {  	_ =	strace $0x90000064  }
0x1a4: {  	_ =	strace $0x80000065  }
0x1a5: {  	_ =	swait.ge [sflag:s16], $0x8000  }
0x1a6: {  	[sflag:s16] =	ssyncset.done $0x0  }
0x1a7: {  	p0 =	por $0x1, $0x1;
	p2 =	por $0x0, $0x0;
	[sflag:s16] =	ssyncadd.s32 $0xFFFF8000  }
0x1a8: {  	s20 =	simm.s32 $0x1;
	s19 =	simm.s32 $0x0;
	_ =	strace $0x90000065  }
0x1a9: {  	s23 =	simm.s32 $0x0;
	s18 =	simm.s32 $0x0;
	_ =	strace $0x80000066  }
0x1aa: {  	[tilespmem:s18], [sflag:$0x1] =	stream.linear.gather [hbm4b:s10+s18], $0x80, $0x200038;
	[tilespmem:$0x10100] =	vst v63  }
0x1ab: {  	s21 =	simm.s32 $0x0;
	s22 =	simm.s32 $0x0;
	_ =	strace $0x90000066  }
.LBB2_11:
0x1ac: {  	s24 =	smov.u32 s18;
	s18 =	sadd.s32 $0x1, s18  }
0x1ad: {  	p1 =	seq.s32 s18, $0x2  }
0x1ae: {  	s18 =	simm.s32 @p1 $0x0  }
0x1af: {  	p1 =	sne.s32 s24, s18  }
0x1b0: {  	p1 =	por !p0, !p1  }
0x1b1: {  	p1 =	por !p1, !p1  }
0x1b2: {  	s25 =	sadd.s32 @p1 s9, s18  }
0x1b3: {  	s26 =	sand.u32 @p1 $0x1, s20;
	s25 =	sshll.u32 @p1 s25, $0x4  }
0x1b4: {  	_ =	strace @p1 $0x80000067;
	s29 =	simm.s32 @p1 $0x0;
	s25 =	sand.u32 @p1 $0x1FFFFFF0, s25  }
0x1b5: {  	s28 =	sshll.u32 @p1 s26, $0x7;
	s26 =	sadd.s32 @p1 $0x1, s26;
	s25 =	sadd.s32 @p1 s8, s25  }
0x1b6: {  	[tilespmem:s28], [sflag:s26] =	stream.linear.gather @p1 [hbm4b:s25+s29], $0x80, $0x200038;
	[tilespmem:$0x10100] =	vst v63  }
0x1b7: {  	s29 =	sand.u32 $0x1, s21;
	_ =	strace @p1 $0x90000067  }
0x1b8: {  	s25 =	sadd.s32 $0x1, s29;
	_ =	strace $0x80000068  }
0x1b9: {  	_ =	swait.ge [sflag:s25], $0x80  }
0x1ba: {  	[sflag:s25] =	ssyncset.done $0x0  }
0x1bb: {  	[sflag:s25] =	ssyncadd.s32 $0xFFFFFF80  }
0x1bc: {  	s30 =	sshll.u32 s21, $0x7;
	_ =	strace $0x90000068  }
0x1bd: {  	s29 =	sand.u32 $0x80, s30;
	_ =	strace $0x80000069  }
0x1be: {  	v3 =	vld [tilespmem:s29+$0x0];
	_ =	sdelay $0x4  }
0x1bf: {  	v4 =	vshll.u32 v3, $0x1  }
0x1c0: {  	v3 =	vand.u32 $0x7, v3;
	v4 =	vand.u32 $0xFFFFFFF0, v4  }
0x1c1: {  	v3 =	vor.u32 v3, v4  }
0x1c2: {  	v4 =	vperm.xlane v3, v0;
	_ =	sdelay $0x1  }
0x1c3: {  	v3 =	vperm.xlane v3, v2;
	v4 =	vadd.s32 v1, v4;
	_ =	sdelay $0x1  }
0x1c4: {  	s26 =	sand.u32 $0x1, s23;
	v3 =	vadd.s32 v1, v3  }
0x1c5: {  	s28 =	sshll.u32 s26, $0xF  }
0x1c6: {  	s25 =	sor.u32 $0x100, s28  }
0x1c7: {  	[tilespmem:s25], [sflag:$0x5] =	stream.indirect_vreg.gather [hbm4b:s7+s2], $0x80, v4, vm0, $0x2000b8;
	[tilespmem:$0x10100] =	vst v63  }
0x1c8: {  	s30 =	sor.u32 $0x900, s28  }
0x1c9: {  	[tilespmem:s30], [sflag:$0x5] =	stream.indirect_vreg.gather [hbm4b:s7+s2], $0x80, v3, vm0, $0x2000b8;
	[tilespmem:$0x10100] =	vst v63  }
0x1ca: {  	v3 =	vld [tilespmem:s29+$0x10];
	_ =	sdelay $0x4  }
0x1cb: {  	v57 =	vshll.u32 v3, $0x1  }
0x1cc: {  	v3 =	vand.u32 $0x7, v3;
	v4 =	vand.u32 $0xFFFFFFF0, v57  }
0x1cd: {  	v3 =	vor.u32 v3, v4  }
0x1ce: {  	v4 =	vperm.xlane v3, v0;
	_ =	sdelay $0x1  }
0x1cf: {  	v3 =	vperm.xlane v3, v2;
	v4 =	vadd.s32 v1, v4;
	_ =	sdelay $0x1  }
0x1d0: {  	v3 =	vadd.s32 v1, v3;
	_ =	sdelay $0x1  }
0x1d1: {  	s31 =	sor.u32 $0x1100, s28  }
0x1d2: {  	[tilespmem:s31], [sflag:$0x5] =	stream.indirect_vreg.gather [hbm4b:s7+s2], $0x80, v4, vm0, $0x2000b8;
	[tilespmem:$0x10100] =	vst v63  }
0x1d3: {  	s31 =	sor.u32 $0x1900, s28  }
0x1d4: {  	[tilespmem:s31], [sflag:$0x5] =	stream.indirect_vreg.gather [hbm4b:s7+s2], $0x80, v3, vm0, $0x2000b8;
	[tilespmem:$0x10100] =	vst v63  }
0x1d5: {  	v3 =	vld [tilespmem:s29+$0x20];
	_ =	sdelay $0x4  }
0x1d6: {  	v58 =	vshll.u32 v3, $0x1  }
0x1d7: {  	v3 =	vand.u32 $0x7, v3;
	v4 =	vand.u32 $0xFFFFFFF0, v58  }
0x1d8: {  	v3 =	vor.u32 v3, v4  }
0x1d9: {  	v4 =	vperm.xlane v3, v0;
	_ =	sdelay $0x1  }
0x1da: {  	v3 =	vperm.xlane v3, v2;
	v4 =	vadd.s32 v1, v4;
	_ =	sdelay $0x1  }
0x1db: {  	v3 =	vadd.s32 v1, v3;
	_ =	sdelay $0x1  }
0x1dc: {  	s31 =	sor.u32 $0x2100, s28  }
0x1dd: {  	[tilespmem:s31], [sflag:$0x5] =	stream.indirect_vreg.gather [hbm4b:s7+s2], $0x80, v4, vm0, $0x2000b8;
	[tilespmem:$0x10100] =	vst v63  }
0x1de: {  	s31 =	sor.u32 $0x2900, s28  }
0x1df: {  	[tilespmem:s31], [sflag:$0x5] =	stream.indirect_vreg.gather [hbm4b:s7+s2], $0x80, v3, vm0, $0x2000b8;
	[tilespmem:$0x10100] =	vst v63  }
0x1e0: {  	v3 =	vld [tilespmem:s29+$0x30];
	_ =	sdelay $0x4  }
0x1e1: {  	v59 =	vshll.u32 v3, $0x1  }
0x1e2: {  	v3 =	vand.u32 $0x7, v3;
	v4 =	vand.u32 $0xFFFFFFF0, v59  }
0x1e3: {  	v3 =	vor.u32 v3, v4  }
0x1e4: {  	v4 =	vperm.xlane v3, v0;
	_ =	sdelay $0x1  }
0x1e5: {  	v3 =	vperm.xlane v3, v2;
	v4 =	vadd.s32 v1, v4;
	_ =	sdelay $0x1  }
0x1e6: {  	v3 =	vadd.s32 v1, v3;
	_ =	sdelay $0x1  }
0x1e7: {  	s31 =	sor.u32 $0x3100, s28  }
0x1e8: {  	[tilespmem:s31], [sflag:$0x5] =	stream.indirect_vreg.gather [hbm4b:s7+s2], $0x80, v4, vm0, $0x2000b8;
	[tilespmem:$0x10100] =	vst v63  }
0x1e9: {  	s31 =	sor.u32 $0x3900, s28  }
0x1ea: {  	[tilespmem:s31], [sflag:$0x5] =	stream.indirect_vreg.gather [hbm4b:s7+s2], $0x80, v3, vm0, $0x2000b8;
	[tilespmem:$0x10100] =	vst v63  }
0x1eb: {  	v3 =	vld [tilespmem:s29+$0x40];
	_ =	sdelay $0x4  }
0x1ec: {  	v60 =	vshll.u32 v3, $0x1  }
0x1ed: {  	v3 =	vand.u32 $0x7, v3;
	v4 =	vand.u32 $0xFFFFFFF0, v60  }
0x1ee: {  	v3 =	vor.u32 v3, v4  }
0x1ef: {  	v4 =	vperm.xlane v3, v0;
	_ =	sdelay $0x1  }
0x1f0: {  	v3 =	vperm.xlane v3, v2;
	v4 =	vadd.s32 v1, v4;
	_ =	sdelay $0x1  }
0x1f1: {  	v3 =	vadd.s32 v1, v3;
	_ =	sdelay $0x1  }
0x1f2: {  	s31 =	sor.u32 $0x4100, s28  }
0x1f3: {  	[tilespmem:s31], [sflag:$0x5] =	stream.indirect_vreg.gather [hbm4b:s7+s2], $0x80, v4, vm0, $0x2000b8;
	[tilespmem:$0x10100] =	vst v63  }
0x1f4: {  	s31 =	sor.u32 $0x4900, s28  }
0x1f5: {  	[tilespmem:s31], [sflag:$0x5] =	stream.indirect_vreg.gather [hbm4b:s7+s2], $0x80, v3, vm0, $0x2000b8;
	[tilespmem:$0x10100] =	vst v63  }
0x1f6: {  	v3 =	vld [tilespmem:s29+$0x50];
	_ =	sdelay $0x4  }
0x1f7: {  	v61 =	vshll.u32 v3, $0x1  }
0x1f8: {  	v3 =	vand.u32 $0x7, v3;
	v4 =	vand.u32 $0xFFFFFFF0, v61  }
0x1f9: {  	v3 =	vor.u32 v3, v4  }
0x1fa: {  	v4 =	vperm.xlane v3, v0;
	_ =	sdelay $0x1  }
0x1fb: {  	v3 =	vperm.xlane v3, v2;
	v4 =	vadd.s32 v1, v4;
	_ =	sdelay $0x1  }
0x1fc: {  	v3 =	vadd.s32 v1, v3;
	_ =	sdelay $0x1  }
0x1fd: {  	s31 =	sor.u32 $0x5100, s28  }
0x1fe: {  	[tilespmem:s31], [sflag:$0x5] =	stream.indirect_vreg.gather [hbm4b:s7+s2], $0x80, v4, vm0, $0x2000b8;
	[tilespmem:$0x10100] =	vst v63  }
0x1ff: {  	s31 =	sor.u32 $0x5900, s28  }
0x200: {  	[tilespmem:s31], [sflag:$0x5] =	stream.indirect_vreg.gather [hbm4b:s7+s2], $0x80, v3, vm0, $0x2000b8;
	[tilespmem:$0x10100] =	vst v63  }
0x201: {  	v3 =	vld [tilespmem:s29+$0x60];
	_ =	sdelay $0x4  }
0x202: {  	v62 =	vshll.u32 v3, $0x1  }
0x203: {  	v3 =	vand.u32 $0x7, v3;
	v4 =	vand.u32 $0xFFFFFFF0, v62  }
0x204: {  	v3 =	vor.u32 v3, v4  }
0x205: {  	v4 =	vperm.xlane v3, v0;
	_ =	sdelay $0x1  }
0x206: {  	v3 =	vperm.xlane v3, v2;
	v4 =	vadd.s32 v1, v4;
	_ =	sdelay $0x1  }
0x207: {  	v3 =	vadd.s32 v1, v3;
	_ =	sdelay $0x1  }
0x208: {  	s31 =	sor.u32 $0x6100, s28  }
0x209: {  	[tilespmem:s31], [sflag:$0x5] =	stream.indirect_vreg.gather [hbm4b:s7+s2], $0x80, v4, vm0, $0x2000b8;
	[tilespmem:$0x10100] =	vst v63  }
0x20a: {  	s31 =	sor.u32 $0x6900, s28  }
0x20b: {  	[tilespmem:s31], [sflag:$0x5] =	stream.indirect_vreg.gather [hbm4b:s7+s2], $0x80, v3, vm0, $0x2000b8;
	[tilespmem:$0x10100] =	vst v63  }
0x20c: {  	v3 =	vld [tilespmem:s29+$0x70];
	_ =	sdelay $0x4  }
0x20d: {  	v63 =	vshll.u32 v3, $0x1  }
0x20e: {  	v3 =	vand.u32 $0x7, v3;
	v4 =	vand.u32 $0xFFFFFFF0, v63  }
0x20f: {  	v3 =	vor.u32 v3, v4  }
0x210: {  	v4 =	vperm.xlane v3, v0;
	_ =	sdelay $0x1  }
0x211: {  	v3 =	vperm.xlane v3, v2;
	v4 =	vadd.s32 v1, v4;
	_ =	sdelay $0x1  }
0x212: {  	v3 =	vadd.s32 v1, v3;
	_ =	sdelay $0x1  }
0x213: {  	p2 =	por !p2, !p2;
	p3 =	seq.s32 s24, s18;
	s31 =	sor.u32 $0x7100, s28  }
0x214: {  	[tilespmem:s31], [sflag:$0x5] =	stream.indirect_vreg.gather [hbm4b:s7+s2], $0x80, v4, vm0, $0x2000b8;
	[tilespmem:$0x10100] =	vst v63  }
0x215: {  	p2 =	por !p2, !p3;
	s28 =	sor.u32 $0x7900, s28  }
0x216: {  	[tilespmem:s28], [sflag:$0x5] =	stream.indirect_vreg.gather [hbm4b:s7+s2], $0x80, v3, vm0, $0x2000b8;
	[tilespmem:$0x10100] =	vst v63  }
0x217: {  	s24 =	sadd.s32 s9, s24;
	p2 =	por !p2, !p2;
	_ =	swait.ge [sflag:s15], $0x8000  }
0x218: {  	s24 =	sshll.u32 @!p2 s24, $0xE;
	p0 =	por p2, p0;
	[sflag:s15] =	ssyncset.done $0x0  }
.Ltmp8:
0x219: {  	s24 =	sand.u32 @!p2 $0x1FFFC000, s24;
	[sflag:s15] =	ssyncadd.s32 $0xFFFF8000;
	(pc) =	sbr.rel @!p0 .LBB2_13-.Ltmp8, $4  }
0x21a: {  	s24 =	sadd.s32 @!p2 s24, s13;
	s26 =	sadd.s32 @!p2 $0x3, s26;
	_ =	strace $0x90000069  }
0x21b: {  	s29 =	simm.s32 @!p2 $0x2000;
	s28 =	simm.s32 @!p2 $0x800;
	_ =	strace @!p2 $0x8000006A  }
0x21c: {  	[hbm4b:s24+s28] =	stream.strided.scatter @!p2 [tilespmem:s25], [sflag:s26], $0x8000, s29, s28, $0x200038;
	[tilespmem:$0x10100] =	vst v63  }
0x21d: {  	_ =	strace @!p2 $0x9000006A  }
.Ltmp9:
0x21e: {  	s24 =	simm.s32 $0x1;
	(pc) =	sbr.rel .LBB2_11-.Ltmp9, $4  }
0x21f: {  	s25 =	simm.s32 @!p2 $0x1;
	s19 =	sadd.s32 s22, s19;
	s24 =	simm.s32 @!p1 $0x0  }
0x220: {  	s22 =	simm.s32 $0x1;
	s20 =	sadd.s32 s24, s20;
	s24 =	sadd.s32 @!p2 $0x1, s23  }
0x221: {  	p0 =	por $0x0, $0x0;
	s25 =	simm.s32 @p2 $0x0;
	s24 =	smov.u32 @p2 s23  }
0x222: {  	s21 =	sadd.s32 s21, s25;
	p2 =	por $0x1, $0x1;
	s23 =	smov.u32 s24  }
.LBB2_14:
0x223: {  	_ =	sfence.sel $0x180000  }
0x224: {  	[bflag:$0x0] =	sbarrier.arrive $0xFFFF  }
0x225: {  	p0 =	sne.s32 s4, $0x0;
	_ =	strace $0x90000050  }
0x226: {  	s0 =	sadd.s32 @!p0 $0x100000, s0;
	[bflag:$0x2] =	sbarrier.arrive $0xFFFF  }
0x227: {  	[sflag:s0] =	ssyncadd.tile.s32 @!p0 $0x1;
	_ =	shalt  }
.Lfunc_end2:
_tile_overlayer_lowered:
.L_overlay_start_2:
0x228: {  	(tag) =	ssettag $0x2  }
0x229: {  	s0 =	rddreg [dreg:$0x0];
	s2 =	stileid.u32  }
0x22a: {  	s1 =	rddreg [dreg:$0x1];
	p0 =	sne.s32 s2, $0x0  }
0x22b: {  	s3 =	rddreg [dreg:$0x2];
	[bflag:$0x3] =	sbarrier.arrive $0xFFFF;
	s2 =	simm.s32 @!p0 $0x1C01  }
0x22c: {  	[timem:s3], [sflag:s2] =	dma.local @!p0 [hbm:s0], s1  }
0x22d: {  	s0 =	simm.s32 @!p0 $0x1  }
0x22e: {  	_ =	swait.ge @!p0 [sflag:s0], s1  }
0x22f: {  	s1 =	ssub.s32 @!p0 $0x0, s1;
	[sflag:s0] =	ssyncset.done @!p0 $0x0  }
0x230: {  	[sflag:s0] =	ssyncadd.s32 @!p0 s1  }
0x231: {  	[bflag:$0x3] =	sbarrier.arrive $0xFFFF  }
0x232: {  	_ =	shalt  }

// kernel: kernel.7.cloned.1.call-start
scs
__scs_entry_jumppad:
0x0: {  	(pc) =	sbr.rel $0x88, $3  }
0x1: {  	(tag) =	ssettag $0x0;
	lr =	simm.s32 $0x1  }
0x2: {  	[smem:$0x3F9A] =	sst lr;
	_ =	strace $0xD0000000  }
0x3: {  	_ = 	snop  }
0x4: {  	_ = 	snop  }
0x5: {  	_ = 	snop  }
0x6: {  	_ = 	snop  }
0x7: {  	_ = 	snop  }
__scs_overlays_trampoline_lowered:
0x8: {  	[smem:$0x3FA9] =	sst s0  }
0x9: {  	[smem:$0x3FAA] =	sst s1  }
0xa: {  	[smem:$0x3FAB] =	sst s2  }
0xb: {  	[smem:$0x3FAC] =	sst s3  }
0xc: {  	[smem:$0x3FAD] =	sst s4  }
0xd: {  	[smem:$0x3FAE] =	sst s5  }
0xe: {  	[smem:$0x3FAF] =	sst s6  }
0xf: {  	[smem:$0x3FB0] =	sst s7  }
0x10: {  	[smem:$0x3FB1] =	sst s8  }
0x11: {  	[smem:$0x3FB2] =	sst s9;
	s0 =	simm.s32 @!p0 $0x0  }
0x12: {  	s1 =	sld [smem:$0x3F98];
	s0 =	simm.s32 @p0 $0x1  }
0x13: {  	[smem:$0x3FB3] =	sst s0;
	s0 =	simm.s32 @!p1 $0x0  }
0x14: {  	s2 =	sld [smem:$0x3F97];
	s0 =	simm.s32 @p1 $0x1  }
0x15: {  	[smem:$0x3FB4] =	sst s0;
	s0 =	simm.s32 @!p2 $0x0  }
0x16: {  	s3 =	sld [smem:$0x3FDB];
	s0 =	simm.s32 @p2 $0x1  }
0x17: {  	s4 =	simm.s32 $0x1BF5;
	[smem:$0x3FB6] =	sst s0  }
0x18: {  	s0 =	sld [smem:$0x3F99];
	_ =	swait.ge [sflag:s4], $0x0  }
0x19: {  	s7 =	sld [smem:$0x3F9A]  }
0x1a: {  	s8 =	sadd.s32 $0xFFFFE003, lr  }
0x1b: {  	s9 =	sadd.s32 $0xFFFFFEF7, lr;
	s5 =	simm.s32 $0xFFFFFFFF;
	p2 =	slt.u32 s8, $0xFFFFF086  }
0x1c: {  	p1 =	slt.u32 s9, $0xF7A;
	s5 =	simm.s32 @!p2 $0x0  }
0x1d: {  	s5 =	simm.s32 @p1 $0x1;
	p0 =	seq.s32 s7, s2  }
0x1e: {  	s7 =	smul.u32 @!p0 $0xF7A, s2;
	p2 =	seq.s32 @!p0 s5, $0x0  }
0x1f: {  	s9 =	smul.u32 $0xF7A, s1;
	s8 =	simm.s32 @!p0 $0x1BF5;
	p2 =	por !p2, p0  }
0x20: {  	[sflag:s8] =	ssyncset.s32 @!p0 $0xFFFFF086;
	s6 =	sadd.s32 @!p0 s3, s7;
	s7 =	simm.s32 @!p0 $0x108  }
0x21: {  	s3 =	sadd.s32 s3, s9;
	s6 =	sadd.s32 @!p0 $0x88, s6;
	s7 =	simm.s32 @p2 $0x1082  }
0x22: {  	[simem:s7], [sflag:s8] =	dma.local @!p0 [hbm:s6], $0xF7A  }
0x23: {  	s9 =	sor.u32 $0xD0000000, s2;
	s6 =	simm.s32 $0x108;
	_ =	swait.ge @!p0 [sflag:s8], $0x0  }
0x24: {  	s3 =	sadd.s32 $0x88, s3;
	s6 =	simm.s32 @!p1 $0x1082;
	[sflag:s4] =	ssyncset.s32 $0xFFFFF086  }
0x25: {  	[simem:s6], [sflag:s4] =	dma.local [hbm:s3], $0xF7A  }
0x26: {  	[smem:$0x3F9A] =	sst s1;
	(tag) =	ssettag s2;
	_ =	strace s9  }
0x27: {  	s1 =	sld [smem:$0x3FAA]  }
0x28: {  	s2 =	sld [smem:$0x3FAB]  }
0x29: {  	s4 =	sld [smem:$0x3FAD]  }
0x2a: {  	p0 =	seq.s32 s5, $0x0;
	s5 =	sld [smem:$0x3FAE]  }
0x2b: {  	s6 =	sld [smem:$0x3FAF]  }
0x2c: {  	s7 =	sld [smem:$0x3FB0]  }
0x2d: {  	s3 =	simm.s32 $0x108;
	s8 =	sld [smem:$0x3FB1]  }
0x2e: {  	s3 =	simm.s32 @!p0 $0x1082;
	s9 =	sld [smem:$0x3FB2]  }
0x2f: {  	lr =	sadd.s32 s0, s3;
	s0 =	sld [smem:$0x3FA9]  }
0x30: {  	s3 =	sld [smem:$0x3FAC]  }
0x31: {  	[smem:$0x3FB5] =	sst s10  }
0x32: {  	s10 =	sld [smem:$0x3FB3];
	_ =	sdelay $0x3  }
0x33: {  	p0 =	seq.s32 s10, $0x1;
	s10 =	sld [smem:$0x3FB5];
	_ =	sdelay $0x3  }
0x34: {  	[smem:$0x3FB5] =	sst s10  }
0x35: {  	s10 =	sld [smem:$0x3FB4];
	_ =	sdelay $0x3  }
0x36: {  	p1 =	seq.s32 s10, $0x1;
	s10 =	sld [smem:$0x3FB5];
	_ =	sdelay $0x3  }
0x37: {  	[smem:$0x3FB5] =	sst s10  }
0x38: {  	s10 =	sld [smem:$0x3FB6]  }
0x39: {  	_ = 	snop;
	(pc) =	sbr.ind lr, $3  }
0x3a: {  	_ = 	snop  }
0x3b: {  	_ = 	snop  }
0x3c: {  	p2 =	seq.s32 s10, $0x1;
	s10 =	sld [smem:$0x3FB5]  }
0x3d: {  	_ =	shalt  }
0x3e: {  	_ =	shalt  }
0x3f: {  	_ =	shalt  }
0x40: {  	_ =	shalt  }
0x41: {  	_ =	shalt  }
0x42: {  	_ =	shalt  }
0x43: {  	_ =	shalt  }
0x44: {  	_ =	shalt  }
0x45: {  	_ =	shalt  }
0x46: {  	_ =	shalt  }
0x47: {  	_ =	shalt  }
0x48: {  	_ =	shalt  }
0x49: {  	_ =	shalt  }
0x4a: {  	_ =	shalt  }
0x4b: {  	_ =	shalt  }
0x4c: {  	_ =	shalt  }
0x4d: {  	_ =	shalt  }
0x4e: {  	_ =	shalt  }
0x4f: {  	_ =	shalt  }
0x50: {  	_ =	shalt  }
0x51: {  	_ =	shalt  }
0x52: {  	_ =	shalt  }
0x53: {  	_ =	shalt  }
0x54: {  	_ =	shalt  }
0x55: {  	_ =	shalt  }
0x56: {  	_ =	shalt  }
0x57: {  	_ =	shalt  }
0x58: {  	_ =	shalt  }
0x59: {  	_ =	shalt  }
0x5a: {  	_ =	shalt  }
0x5b: {  	_ =	shalt  }
0x5c: {  	_ =	shalt  }
0x5d: {  	_ =	shalt  }
0x5e: {  	_ =	shalt  }
0x5f: {  	_ =	shalt  }
0x60: {  	_ =	shalt  }
0x61: {  	_ =	shalt  }
0x62: {  	_ =	shalt  }
0x63: {  	_ =	shalt  }
0x64: {  	_ =	shalt  }
0x65: {  	_ =	shalt  }
0x66: {  	_ =	shalt  }
0x67: {  	_ =	shalt  }
0x68: {  	_ =	shalt  }
0x69: {  	_ =	shalt  }
0x6a: {  	_ =	shalt  }
0x6b: {  	_ =	shalt  }
0x6c: {  	_ =	shalt  }
0x6d: {  	_ =	shalt  }
0x6e: {  	_ =	shalt  }
0x6f: {  	_ =	shalt  }
0x70: {  	_ =	shalt  }
0x71: {  	_ =	shalt  }
0x72: {  	_ =	shalt  }
0x73: {  	_ =	shalt  }
0x74: {  	_ =	shalt  }
0x75: {  	_ =	shalt  }
0x76: {  	_ =	shalt  }
0x77: {  	_ =	shalt  }
0x78: {  	_ =	shalt  }
0x79: {  	_ =	shalt  }
0x7a: {  	_ =	shalt  }
0x7b: {  	_ =	shalt  }
0x7c: {  	_ =	shalt  }
0x7d: {  	_ =	shalt  }
0x7e: {  	_ =	shalt  }
0x7f: {  	_ =	shalt  }
0x80: {  	_ =	shalt  }
0x81: {  	_ =	shalt  }
0x82: {  	_ =	shalt  }
0x83: {  	_ =	shalt  }
0x84: {  	_ =	shalt  }
0x85: {  	_ =	shalt  }
0x86: {  	_ =	shalt  }
0x87: {  	_ =	shalt  }
.Lfunc_end0:
.L_simem_size_0:
called_computation_lowered:
.L_overlay_start_0:
0x88: {  	s2 =	sld [smem:$0x3FD9]  }
0x89: {  	s3 =	sld [smem:$0x3FFE];
	_ =	sdelay $0x1  }
0x8a: {  	s1 =	srdreg.scid  }
0x8b: {  	s0 =	sand.u32 $0x1, s1  }
0x8c: {  	s14 =	sshll.u32 s0, $0xA;
	s2 =	sadd.s32 s3, s2  }
0x8d: {  	s2 =	sadd.s32 s2, s14  }
0x8e: {  	[smem:$0x3FC1] =	sst s2  }
0x8f: {  	_ = 	snop  }
0x90: {  	s2 =	sld [smem:$0x3FD0];
	_ =	sdelay $0x2  }
0x91: {  	s4 =	simm.s32 $0xA;
	s5 =	simm.s32 $0x10;
	s15 =	sld [smem:$0x3FC9]  }
0x92: {  	[smem:s5], [sflag:s4] =	dma.local [hbm:s2], $0x1  }
0x93: {  	_ =	swait.eq [sflag:s4], $0x1  }
0x94: {  	[sflag:s4] =	ssyncset.done $0x0  }
0x95: {  	[sflag:s4] =	ssyncadd.s32 $0xFFFFFFFF  }
0x96: {  	s16 =	sld [smem:$0x10];
	(tm) =	ssettm $0x1  }
0x97: {  	s17 =	sld [smem:$0x3FFB];
	_ =	sdelay $0x3  }
0x98: {  	_ =	strace s17  }
0x99: {  	s4 =	sld [smem:$0x3FFC];
	_ =	sdelay $0x3  }
0x9a: {  	_ =	strace s4  }
0x9b: {  	s4 =	sld [smem:$0x3FFD];
	_ =	sdelay $0x3  }
0x9c: {  	_ =	strace s4  }
0x9d: {  	_ =	strace $0x8FFFFFFF  }
0x9e: {  	s18 =	sld [smem:$0x3FDB];
	_ =	sdelay $0x1  }
0x9f: {  	s19 =	simm.s32 $_scs_section_size  }
0xa0: {  	s6 =	simm.s32 $_size__tile_overlayer_lowered;
	s7 =	simm.s32 $_tile_overlayer_lowered  }
0xa1: {  	s22 =	simm.s32 $0x1BFF;
	s21 =	sshll.u32 s7, $0x1;
	s4 =	sadd.s32 s19, s18  }
0xa2: {  	s8 =	simm.s32 $0x0;
	s20 =	sshll.u32 s6, $0x1;
	s6 =	sadd.s32 s21, s4  }
0xa3: {  	[timem:s8], [sflag:s22] =	dma.local [hbm:s6], s20  }
0xa4: {  	_ =	swait.ge [sflag:s22], s20  }
0xa5: {  	s5 =	ssub.s32 $0x0, s20;
	[sflag:s22] =	ssyncset.done $0x0  }
0xa6: {  	[sflag:s22] =	ssyncadd.s32 s5;
	_ =	sdelay $0x1  }
0xa7: {  	s23 =	simm.s32 $0x1B8B  }
0xa8: {  	_ =	swait.ge [sflag:s23], $0x1  }
0xa9: {  	[sflag:s23] =	ssyncset.done $0x0  }
0xaa: {  	s25 =	simm.s32 $0x1B8E;
	s24 =	sld [smem:$0x3FFE];
	[sflag:s23] =	ssyncadd.s32 $0xFFFFFFFF  }
0xab: {  	s26 =	simm.s32 $execute0_lowered;
	[smem:$0x3FD2] =	sst s25  }
0xac: {  	s6 =	sshll.u32 s26, $0x1;
	_ =	strace $0x80000046;
	[dreg:$0x1] =	wrdreg $0xFFFFFFFF  }
0xad: {  	s28 =	simm.s32 $_size_execute0_lowered;
	s4 =	sadd.s32 s4, s6;
	[dreg:$0x0] =	wrdreg $0x0  }
0xae: {  	s6 =	sshll.u32 s28, $0x1;
	[dreg:$0x2] =	wrdreg s4  }
0xaf: {  	[dreg:$0x3] =	wrdreg s6  }
0xb0: {  	[dreg:$0x4] =	wrdreg $0xC0  }
0xb1: {  	_ =	task [dreg:s8], $0x5FFFF  }
0xb2: {  	[dreg:$0x1] =	wrdreg $0xFFFFFFFF  }
0xb3: {  	[dreg:$0x0] =	wrdreg $0x60  }
0xb4: {  	[dreg:$0x2] =	wrdreg s15  }
0xb5: {  	[dreg:$0x3] =	wrdreg s24  }
0xb6: {  	[dreg:$0x4] =	wrdreg s16  }
0xb7: {  	[dreg:$0x5] =	wrdreg $0x9  }
0xb8: {  	_ =	task.clear_ibuf [dreg:s8], $0x6FFFF;
	_ =	strace $0x90000046  }
0xb9: {  	s29 =	simm.s32 $0x9;
	_ =	strace $0x8000004E  }
0xba: {  	_ =	swait.ge [sflag:s29], $0x1  }
0xbb: {  	[sflag:s29] =	ssyncadd.s32 $0xFFFFFFFF  }
0xbc: {  	_ =	strace $0x9000004E  }
0xbd: {  	_ =	sfence  }
0xbe: {  	s30 =	sld [smem:$0x0];
	_ =	sdelay $0x2  }
0xbf: {  	s31 =	sshll.u32 s1, $0xD;
	s1 =	sshrl.u32 s1, $0x2  }
0xc0: {  	s3 =	sand.u32 $0x4000, s31;
	s1 =	sadd.s32 s1, s30  }
0xc1: {  	s0 =	sor.u32 s3, s0;
	s1 =	sshll.u32 s1, $0x11  }
0xc2: {  	s0 =	sor.u32 s1, s0  }
0xc3: {  	s0 =	sadd.s32 $0x8F2B, s0  }
0xc4: {  	[sflag:s0] =	ssyncadd.remote.s32 $0x1  }
0xc5: {  	_ =	sfence.sel $0xFFFF  }
0xc6: {  	[dreg:$0x0] =	wrdreg $0xFFFFFFFF;
	(pc) =	sbr.abs _section_cstart, $3  }
0xc7: {  	[dreg:$0x1] =	wrdreg $0xFFFFFFFF  }
0xc8: {  	_ =	task.clear_ibuf [dreg:s8], $0x2FFFF;
	_ =	strace $0x9FFFFFFF  }
0xc9: {  	(tm) =	ssettm $0x7FFFFFFF  }
tec
execute0_lowered:
.L_overlay_start_1:
0x0: {  	(tag) =	ssettag $0x1  }
0x1: {  	s1 =	rddreg [dreg:$0x0]  }
0x2: {  	s5 =	rddreg [dreg:$0x1]  }
0x3: {  	s2 =	rddreg [dreg:$0x2]  }
0x4: {  	s0 =	rddreg [dreg:$0x3];
	s3 =	simm.s32 $0x0;
	s4 =	srdreg.scid  }
0x5: {  	s10 =	simm.s32 $0x800;
	s11 =	simm.s32 $0x2000;
	s12 =	simm.s32 $0x10000  }
0x6: {  	s13 =	simm.s32 $0x5;
	s14 =	simm.s32 $0x0;
	s6 =	sand.u32 $0x1, s4  }
0x7: {  	[smem:$0x7FF] =	sst s3;
	s4 =	stileid.u32;
	s7 =	ssub.s32 $0x2, s6  }
0x8: {  	s5 =	sadd.s32 $0x21200, s5;
	s6 =	sshll.u32 s6, $0x4;
	s8 =	sshrl.u32 s7, $0x1  }
0x9: {  	v2 =	vlaneseq.u32;
	_ =	strace $0x80000047;
	s6 =	sor.u32 s4, s6;
	s9 =	ssub.s32 s7, s8  }
0xa: {  	vm0 =	vmmov $0xffff;
	v1 =	vshrl.u32 v2, $0x3;
	s30 =	sshll.u32 s6, $0xF;
	s31 =	sshll.u32 s6, $0x5;
	s6 =	sshll.u32 s6, $0x1  }
0xb: {  	v0 =	vand.u32 $0x7, v2;
	v2 =	vor.u32 $0x8, v2;
	v1 =	vmul.u32 $0x8, v1;
	s7 =	sadd.s32 s1, s30;
	s8 =	sadd.s32 s5, s31;
	s9 =	smax.u32 s9, $0x1  }
.LBB2_1:
0xc: {  	_ =	strace $0x80000048;
	s15 =	simm.s32 $0x8;
	s16 =	simm.s32 $0x0  }
0xd: {  	[tilespmem:s3], [sflag:$0x1] =	stream.strided.gather [hbm4b:s7+s10], $0x8000, s11, s10, $0x200038;
	[tilespmem:$0x10100] =	vst v63  }
0xe: {  	s18 =	simm.s32 $0x0;
	s17 =	simm.s32 $0x0;
	s19 =	simm.s32 $0x1  }
0xf: {  	[tilespmem:s12], [sflag:$0x3] =	stream.linear.gather [hbm4b:s8+s3], $0x80, $0x200038;
	[tilespmem:$0x10100] =	vst v63  }
0x10: {  	s20 =	simm.s32 $0x0;
	s21 =	simm.s32 $0x1;
	_ =	strace $0x90000048  }
.LBB2_2:
0x11: {  	s22 =	smov.u32 s16;
	s16 =	sadd.s32 $0x1, s16  }
0x12: {  	s23 =	simm.s32 $0x1;
	p0 =	seq.s32 s16, $0x2  }
0x13: {  	s23 =	simm.s32 @!p0 $0x0  }
0x14: {  	s24 =	smov.u32 s18;
	s18 =	sadd.s32 s23, s18  }
0x15: {  	p1 =	seq.s32 s18, $0x4  }
0x16: {  	s16 =	simm.s32 @p0 $0x0;
	s18 =	simm.s32 @p1 $0x0  }
0x17: {  	p0 =	sne.s32 s22, s16;
	p1 =	sne.s32 s24, s18  }
0x18: {  	p3 =	sne.s32 s15, $0x1;
	p0 =	por p0, p1  }
0x19: {  	p1 =	por !p3, !p0  }
0x1a: {  	s23 =	sadd.s32 s6, s16;
	p1 =	por !p1, !p1  }
0x1b: {  	s25 =	sshll.u32 @p1 s23, $0x11;
	s26 =	sshll.u32 @p1 s18, $0xB  }
0x1c: {  	_ =	strace @p1 $0x80000049;
	s29 =	simm.s32 @p1 $0x800;
	s25 =	sadd.s32 @p1 s25, s26  }
0x1d: {  	s30 =	simm.s32 @p1 $0x2000;
	s26 =	sand.u32 @p1 $0x1, s21;
	s25 =	sshrl.u32 @p1 s25, $0x3  }
0x1e: {  	s28 =	sshll.u32 @p1 s26, $0xF;
	s26 =	sadd.s32 @p1 $0x1, s26;
	s25 =	sadd.s32 @p1 s1, s25  }
0x1f: {  	[tilespmem:s28], [sflag:s26] =	stream.strided.gather @p1 [hbm4b:s25+s29], $0x8000, s30, s29, $0x200038;
	[tilespmem:$0x10100] =	vst v63  }
0x20: {  	s26 =	sadd.s32 s6, s22;
	s29 =	sshll.u32 s24, $0x6  }
0x21: {  	p4 =	seq.s32 s22, $0x0;
	s30 =	sshll.u32 s18, $0x6;
	s25 =	sadd.s32 s29, s26  }
0x22: {  	s23 =	sadd.s32 s23, s30;
	s26 =	sadd.s32 $0xFFFFFFFF, s22;
	s22 =	simm.s32 $0x1  }
0x23: {  	_ =	strace @p1 $0x90000049;
	p2 =	sne.s32 s25, s23;
	s22 =	simm.s32 @!p4 $0x0  }
0x24: {  	s26 =	simm.s32 @p4 $0x1;
	p3 =	por !p3, !p2;
	s22 =	ssub.s32 s24, s22  }
0x25: {  	s31 =	sadd.s32 s6, s26;
	s26 =	sand.u32 $0x1, s20;
	p3 =	por !p3, !p3  }
0x26: {  	s28 =	sand.u32 @p3 $0x1, s19;
	_ =	strace @p3 $0x8000004A;
	s23 =	sshll.u32 @p3 s23, $0x4  }
0x27: {  	s30 =	simm.s32 @p3 $0x0;
	s29 =	sshll.u32 @p3 s28, $0x7;
	s23 =	sand.u32 @p3 $0x1FFFFFF0, s23  }
0x28: {  	s28 =	sadd.s32 @p3 $0x3, s28;
	s29 =	sor.u32 @p3 $0x10000, s29;
	s23 =	sadd.s32 @p3 s5, s23  }
0x29: {  	[tilespmem:s29], [sflag:s28] =	stream.linear.gather @p3 [hbm4b:s23+s30], $0x80, $0x200038;
	[tilespmem:$0x10100] =	vst v63  }
0x2a: {  	p4 =	seq.s32 s22, $0xFFFFFFFF;
	s22 =	sshll.u32 s22, $0x6;
	_ =	strace @p3 $0x9000004A  }
0x2b: {  	s24 =	sadd.s32 $0x1, s26;
	s22 =	simm.s32 @p4 $0xC0;
	_ =	strace $0x8000004B  }
0x2c: {  	p4 =	seq.s32 s15, $0x8;
	s22 =	sadd.s32 s22, s31;
	_ =	swait.ge [sflag:s24], $0x8000  }
0x2d: {  	p5 =	seq.s32 @!p4 s25, s22;
	[sflag:s24] =	ssyncset.done $0x0  }
0x2e: {  	p4 =	por p4, !p5;
	[sflag:s24] =	ssyncadd.s32 $0xFFFF8000  }
0x2f: {  	s22 =	sand.u32 @p4 $0x1, s17;
	_ =	strace $0x9000004B  }
0x30: {  	s22 =	sadd.s32 @p4 $0x3, s22;
	_ =	strace @p4 $0x8000004C  }
0x31: {  	_ =	swait.ge @p4 [sflag:s22], $0x80  }
0x32: {  	[sflag:s22] =	ssyncset.done @p4 $0x0  }
0x33: {  	[sflag:s22] =	ssyncadd.s32 @p4 $0xFFFFFF80  }
0x34: {  	s28 =	sshll.u32 s17, $0x7;
	_ =	strace @p4 $0x9000004C  }
0x35: {  	s23 =	sand.u32 $0x80, s28;
	_ =	strace $0x8000004D  }
0x36: {  	v3 =	vld [tilespmem:s23+$0x10000];
	_ =	sdelay $0x4  }
0x37: {  	v4 =	vshll.u32 v3, $0x1  }
0x38: {  	v3 =	vand.u32 $0x7, v3;
	v4 =	vand.u32 $0xFFFFFFF0, v4  }
0x39: {  	v3 =	vor.u32 v3, v4  }
0x3a: {  	v4 =	vperm.xlane v3, v0;
	_ =	sdelay $0x1  }
0x3b: {  	v3 =	vperm.xlane v3, v2;
	v4 =	vadd.s32 v1, v4;
	_ =	sdelay $0x1  }
0x3c: {  	v3 =	vadd.s32 v1, v3  }
0x3d: {  	s29 =	sshll.u32 s20, $0xF  }
0x3e: {  	s22 =	sand.u32 $0x8000, s29  }
0x3f: {  	[hbm4b:s2+s3] =	stream.indirect_vreg.scatter [tilespmem:s22], [sflag:$0x5], $0x80, v4, vm0, $0x2000b8;
	[tilespmem:$0x10100] =	vst v63  }
0x40: {  	s30 =	sor.u32 $0x800, s22  }
0x41: {  	[hbm4b:s2+s3] =	stream.indirect_vreg.scatter [tilespmem:s30], [sflag:$0x5], $0x80, v3, vm0, $0x2000b8;
	[tilespmem:$0x10100] =	vst v63  }
0x42: {  	v3 =	vld [tilespmem:s23+$0x10010];
	_ =	sdelay $0x4  }
0x43: {  	v57 =	vshll.u32 v3, $0x1  }
0x44: {  	v3 =	vand.u32 $0x7, v3;
	v4 =	vand.u32 $0xFFFFFFF0, v57  }
0x45: {  	v3 =	vor.u32 v3, v4  }
0x46: {  	v4 =	vperm.xlane v3, v0;
	_ =	sdelay $0x1  }
0x47: {  	v3 =	vperm.xlane v3, v2;
	v4 =	vadd.s32 v1, v4;
	_ =	sdelay $0x1  }
0x48: {  	v3 =	vadd.s32 v1, v3;
	_ =	sdelay $0x1  }
0x49: {  	s31 =	sor.u32 $0x1000, s22  }
0x4a: {  	[hbm4b:s2+s3] =	stream.indirect_vreg.scatter [tilespmem:s31], [sflag:$0x5], $0x80, v4, vm0, $0x2000b8;
	[tilespmem:$0x10100] =	vst v63  }
0x4b: {  	s25 =	sor.u32 $0x1800, s22  }
0x4c: {  	[hbm4b:s2+s3] =	stream.indirect_vreg.scatter [tilespmem:s25], [sflag:$0x5], $0x80, v3, vm0, $0x2000b8;
	[tilespmem:$0x10100] =	vst v63  }
0x4d: {  	v3 =	vld [tilespmem:s23+$0x10020];
	_ =	sdelay $0x4  }
0x4e: {  	v58 =	vshll.u32 v3, $0x1  }
0x4f: {  	v3 =	vand.u32 $0x7, v3;
	v4 =	vand.u32 $0xFFFFFFF0, v58  }
0x50: {  	v3 =	vor.u32 v3, v4  }
0x51: {  	v4 =	vperm.xlane v3, v0;
	_ =	sdelay $0x1  }
0x52: {  	v3 =	vperm.xlane v3, v2;
	v4 =	vadd.s32 v1, v4;
	_ =	sdelay $0x1  }
0x53: {  	v3 =	vadd.s32 v1, v3;
	_ =	sdelay $0x1  }
0x54: {  	s26 =	sor.u32 $0x2000, s22  }
0x55: {  	[hbm4b:s2+s3] =	stream.indirect_vreg.scatter [tilespmem:s26], [sflag:$0x5], $0x80, v4, vm0, $0x2000b8;
	[tilespmem:$0x10100] =	vst v63  }
0x56: {  	s28 =	sor.u32 $0x2800, s22  }
0x57: {  	[hbm4b:s2+s3] =	stream.indirect_vreg.scatter [tilespmem:s28], [sflag:$0x5], $0x80, v3, vm0, $0x2000b8;
	[tilespmem:$0x10100] =	vst v63  }
0x58: {  	v3 =	vld [tilespmem:s23+$0x10030];
	_ =	sdelay $0x4  }
0x59: {  	v59 =	vshll.u32 v3, $0x1  }
0x5a: {  	v3 =	vand.u32 $0x7, v3;
	v4 =	vand.u32 $0xFFFFFFF0, v59  }
0x5b: {  	v3 =	vor.u32 v3, v4  }
0x5c: {  	v4 =	vperm.xlane v3, v0;
	_ =	sdelay $0x1  }
0x5d: {  	v3 =	vperm.xlane v3, v2;
	v4 =	vadd.s32 v1, v4;
	_ =	sdelay $0x1  }
0x5e: {  	v3 =	vadd.s32 v1, v3;
	_ =	sdelay $0x1  }
0x5f: {  	s29 =	sor.u32 $0x3000, s22  }
0x60: {  	[hbm4b:s2+s3] =	stream.indirect_vreg.scatter [tilespmem:s29], [sflag:$0x5], $0x80, v4, vm0, $0x2000b8;
	[tilespmem:$0x10100] =	vst v63  }
0x61: {  	s30 =	sor.u32 $0x3800, s22  }
0x62: {  	[hbm4b:s2+s3] =	stream.indirect_vreg.scatter [tilespmem:s30], [sflag:$0x5], $0x80, v3, vm0, $0x2000b8;
	[tilespmem:$0x10100] =	vst v63  }
0x63: {  	v3 =	vld [tilespmem:s23+$0x10040];
	_ =	sdelay $0x4  }
0x64: {  	v60 =	vshll.u32 v3, $0x1  }
0x65: {  	v3 =	vand.u32 $0x7, v3;
	v4 =	vand.u32 $0xFFFFFFF0, v60  }
0x66: {  	v3 =	vor.u32 v3, v4  }
0x67: {  	v4 =	vperm.xlane v3, v0;
	_ =	sdelay $0x1  }
0x68: {  	v3 =	vperm.xlane v3, v2;
	v4 =	vadd.s32 v1, v4;
	_ =	sdelay $0x1  }
0x69: {  	v3 =	vadd.s32 v1, v3;
	_ =	sdelay $0x1  }
0x6a: {  	s31 =	sor.u32 $0x4000, s22  }
0x6b: {  	[hbm4b:s2+s3] =	stream.indirect_vreg.scatter [tilespmem:s31], [sflag:$0x5], $0x80, v4, vm0, $0x2000b8;
	[tilespmem:$0x10100] =	vst v63  }
0x6c: {  	s25 =	sor.u32 $0x4800, s22  }
0x6d: {  	[hbm4b:s2+s3] =	stream.indirect_vreg.scatter [tilespmem:s25], [sflag:$0x5], $0x80, v3, vm0, $0x2000b8;
	[tilespmem:$0x10100] =	vst v63  }
0x6e: {  	v3 =	vld [tilespmem:s23+$0x10050];
	_ =	sdelay $0x4  }
0x6f: {  	v61 =	vshll.u32 v3, $0x1  }
0x70: {  	v3 =	vand.u32 $0x7, v3;
	v4 =	vand.u32 $0xFFFFFFF0, v61  }
0x71: {  	v3 =	vor.u32 v3, v4  }
0x72: {  	v4 =	vperm.xlane v3, v0;
	_ =	sdelay $0x1  }
0x73: {  	v3 =	vperm.xlane v3, v2;
	v4 =	vadd.s32 v1, v4;
	_ =	sdelay $0x1  }
0x74: {  	v3 =	vadd.s32 v1, v3;
	_ =	sdelay $0x1  }
0x75: {  	s26 =	sor.u32 $0x5000, s22  }
0x76: {  	[hbm4b:s2+s3] =	stream.indirect_vreg.scatter [tilespmem:s26], [sflag:$0x5], $0x80, v4, vm0, $0x2000b8;
	[tilespmem:$0x10100] =	vst v63  }
0x77: {  	s28 =	sor.u32 $0x5800, s22  }
0x78: {  	[hbm4b:s2+s3] =	stream.indirect_vreg.scatter [tilespmem:s28], [sflag:$0x5], $0x80, v3, vm0, $0x2000b8;
	[tilespmem:$0x10100] =	vst v63  }
0x79: {  	v3 =	vld [tilespmem:s23+$0x10060];
	_ =	sdelay $0x4  }
0x7a: {  	v62 =	vshll.u32 v3, $0x1  }
0x7b: {  	v3 =	vand.u32 $0x7, v3;
	v4 =	vand.u32 $0xFFFFFFF0, v62  }
0x7c: {  	v3 =	vor.u32 v3, v4  }
0x7d: {  	v4 =	vperm.xlane v3, v0;
	_ =	sdelay $0x1  }
0x7e: {  	v3 =	vperm.xlane v3, v2;
	v4 =	vadd.s32 v1, v4;
	_ =	sdelay $0x1  }
0x7f: {  	v3 =	vadd.s32 v1, v3;
	_ =	sdelay $0x1  }
0x80: {  	s29 =	sor.u32 $0x6000, s22  }
0x81: {  	[hbm4b:s2+s3] =	stream.indirect_vreg.scatter [tilespmem:s29], [sflag:$0x5], $0x80, v4, vm0, $0x2000b8;
	[tilespmem:$0x10100] =	vst v63  }
0x82: {  	s30 =	sor.u32 $0x6800, s22  }
0x83: {  	[hbm4b:s2+s3] =	stream.indirect_vreg.scatter [tilespmem:s30], [sflag:$0x5], $0x80, v3, vm0, $0x2000b8;
	[tilespmem:$0x10100] =	vst v63  }
0x84: {  	v3 =	vld [tilespmem:s23+$0x10070];
	_ =	sdelay $0x4  }
0x85: {  	v63 =	vshll.u32 v3, $0x1  }
0x86: {  	v3 =	vand.u32 $0x7, v3;
	v4 =	vand.u32 $0xFFFFFFF0, v63  }
0x87: {  	v3 =	vor.u32 v3, v4  }
0x88: {  	v4 =	vperm.xlane v3, v0;
	_ =	sdelay $0x1  }
0x89: {  	v3 =	vperm.xlane v3, v2;
	v4 =	vadd.s32 v1, v4;
	_ =	sdelay $0x1  }
0x8a: {  	v3 =	vadd.s32 v1, v3;
	_ =	sdelay $0x1  }
0x8b: {  	s31 =	sor.u32 $0x7000, s22  }
0x8c: {  	[hbm4b:s2+s3] =	stream.indirect_vreg.scatter [tilespmem:s31], [sflag:$0x5], $0x80, v4, vm0, $0x2000b8;
	[tilespmem:$0x10100] =	vst v63  }
0x8d: {  	p6 =	seq.s32 s15, $0x1;
	s22 =	sor.u32 $0x7800, s22  }
0x8e: {  	[hbm4b:s2+s3] =	stream.indirect_vreg.scatter [tilespmem:s22], [sflag:$0x5], $0x80, v3, vm0, $0x2000b8;
	[tilespmem:$0x10100] =	vst v63  }
0x8f: {  	p0 =	por p6, p0;
	s15 =	sadd.s32 $0xFFFFFFFF, s15;
	s22 =	simm.s32 $0x1  }
0x90: {  	s24 =	simm.s32 $0x1;
	s22 =	simm.s32 @!p0 $0x0;
	p0 =	sne.s32 s15, $0x0  }
.Ltmp0:
0x91: {  	s24 =	simm.s32 @!p3 $0x0;
	s23 =	simm.s32 $0x1;
	(pc) =	sbr.rel @p0 .LBB2_2-.Ltmp0, $4  }
0x92: {  	s23 =	simm.s32 @!p1 $0x0;
	p1 =	por p6, p2;
	_ =	swait.ge [sflag:s13], $0x8000  }
0x93: {  	s21 =	sadd.s32 s23, s21;
	s23 =	simm.s32 $0x1;
	[sflag:s13] =	ssyncset.done $0x0  }
0x94: {  	s19 =	sadd.s32 s24, s19;
	s23 =	simm.s32 @!p1 $0x0;
	[sflag:s13] =	ssyncadd.s32 $0xFFFF8000  }
0x95: {  	s17 =	sadd.s32 s23, s17;
	s20 =	sadd.s32 s22, s20;
	_ =	strace $0x9000004D  }
0x96: {  	s14 =	sadd.s32 $0x1, s14  }
0x97: {  	p0 =	sne.s32 s14, s9  }
.Ltmp1:
0x98: {  	_ = 	snop;
	(pc) =	sbr.rel @p0 .LBB2_1-.Ltmp1, $1  }
0x99: {  	_ =	sdelay $0x3  }
0x9a: {  	_ =	sfence.sel $0x180000  }
0x9b: {  	[bflag:$0x0] =	sbarrier.arrive $0xFFFF  }
0x9c: {  	p0 =	sne.s32 s4, $0x0;
	_ =	strace $0x90000047  }
0x9d: {  	s0 =	sadd.s32 @!p0 $0x100000, s0;
	[bflag:$0x2] =	sbarrier.arrive $0xFFFF  }
0x9e: {  	[sflag:s0] =	ssyncadd.tile.s32 @!p0 $0x1;
	_ =	shalt  }
.Lfunc_end2:
_tile_overlayer_lowered:
.L_overlay_start_2:
0x9f: {  	(tag) =	ssettag $0x2  }
0xa0: {  	s0 =	rddreg [dreg:$0x0];
	s2 =	stileid.u32  }
0xa1: {  	s1 =	rddreg [dreg:$0x1];
	p0 =	sne.s32 s2, $0x0  }
0xa2: {  	s3 =	rddreg [dreg:$0x2];
	[bflag:$0x3] =	sbarrier.arrive $0xFFFF;
	s2 =	simm.s32 @!p0 $0x1C01  }
0xa3: {  	[timem:s3], [sflag:s2] =	dma.local @!p0 [hbm:s0], s1  }
0xa4: {  	s0 =	simm.s32 @!p0 $0x1  }
0xa5: {  	_ =	swait.ge @!p0 [sflag:s0], s1  }
0xa6: {  	s1 =	ssub.s32 @!p0 $0x0, s1;
	[sflag:s0] =	ssyncset.done @!p0 $0x0  }
0xa7: {  	[sflag:s0] =	ssyncadd.s32 @!p0 s1  }
0xa8: {  	[bflag:$0x3] =	sbarrier.arrive $0xFFFF  }
0xa9: {  	_ =	shalt  }

</sc_bundles>
